<compile_context>
chip_gen: v7x
topology: tpu7x:2x2x1
jax: 0.10.2.dev20260603
libtpu: 0.0.44.dev20260713+nightly
codegen_flags: <defaults>
</compile_context>

<pallas_src>
import dataclasses
import functools

import jax
import jax.numpy as jnp
from jax import lax
from jax.experimental import pallas as pl
from jax.experimental.pallas import tpu as pltpu
from jax.experimental.pallas import tpu_sc as plsc

N = 10000
E = 160000
F = 256
H = 512
FH = 128
NC, NS = 2, 16
NPAD = 10112
HALF = NPAD // 2
ACCR = 5248
ZPT = ACCR // NS
RPT = NPAD // NS
EPT = E // NS
CH = (EPT + 127) // 128
EPTD = E // (NC * NS)
DCH = (EPTD + 127) // 128
BN = 1000

_mesh = plsc.VectorSubcoreMesh(core_axis_name="c", subcore_axis_name="s")

_cp = pltpu.CompilerParams()
if "needs_layout_passes" in pltpu.CompilerParams.__dataclass_fields__:
    _cp = dataclasses.replace(_cp, needs_layout_passes=False)


@functools.partial(
    pl.kernel,
    out_type=jax.ShapeDtypeStruct((NC, NPAD, 8), jnp.float32),
    mesh=_mesh,
    scratch_types=[
        pltpu.VMEM((DCH, 128), jnp.int32),
        pltpu.VMEM((128, 8), jnp.float32),
        pltpu.VMEM_SHARED((NPAD, 8), jnp.float32),
    ],
)
def _deg_kernel(dsti_hbm, ones_hbm, zeros_hbm, out_hbm, idx_v, ones_v, acc_sh):
    c = lax.axis_index("c")
    s = lax.axis_index("s")
    r0 = s * RPT
    pltpu.sync_copy(zeros_hbm.at[pl.ds(r0, RPT)], acc_sh.at[pl.ds(r0, RPT)])
    pltpu.sync_copy(ones_hbm, ones_v)
    pltpu.sync_copy(dsti_hbm.at[c, s], idx_v)
    plsc.subcore_barrier()

    @pl.loop(0, DCH)
    def _(j):
        pltpu.sync_copy(ones_v, acc_sh.at[idx_v.at[j]], add=True)

    plsc.subcore_barrier()
    pltpu.sync_copy(acc_sh.at[pl.ds(r0, RPT)], out_hbm.at[c, pl.ds(r0, RPT)])


CHE = CH * 128


@functools.partial(
    pl.kernel,
    out_type=jax.ShapeDtypeStruct((NC, NPAD, FH), jnp.float32),
    mesh=_mesh,
    scratch_types=[
        pltpu.VMEM((CHE + 128,), jnp.int32),
        pltpu.VMEM((CHE + 128,), jnp.int32),
        pltpu.VMEM((CHE + 128,), jnp.int32),
        pltpu.VMEM((CHE + 128,), jnp.int32),
        pltpu.VMEM((128, FH), jnp.float32),
        pltpu.VMEM((128, FH), jnp.float32),
        pltpu.VMEM_SHARED((ACCR, FH), jnp.float32),
        pltpu.SemaphoreType.DMA,
        pltpu.SemaphoreType.DMA,
    ],
    compiler_params=_cp,
)
def _agg_kernel(y_hbm, srcf_hbm, dstf_hbm, zeros_hbm,
                out_hbm, sa_v, da_v, sb_v, db_v, ra_v, rb_v,
                acc_sh, sem_a, sem_b):
    c = lax.axis_index("c")
    s = lax.axis_index("s")
    coff = c * N

    pltpu.sync_copy(srcf_hbm.at[s], sa_v.at[pl.ds(0, CHE)])
    pltpu.sync_copy(dstf_hbm.at[s], da_v.at[pl.ds(0, CHE)])

    def part_body(i, off):
        off_a, off_b = off
        sv = sa_v[pl.ds(i * 16, 16)] + coff
        dv = da_v[pl.ds(i * 16, 16)]
        m_a = dv < HALF
        m_b = jnp.logical_and(dv >= HALF, dv < N)
        plsc.store_compressed(sa_v.at[pl.ds(off_a, 16)], sv, mask=m_a)
        plsc.store_compressed(da_v.at[pl.ds(off_a, 16)], dv, mask=m_a)
        plsc.store_compressed(sb_v.at[pl.ds(off_b, 16)], sv, mask=m_b)
        plsc.store_compressed(db_v.at[pl.ds(off_b, 16)], dv - HALF, mask=m_b)
        n_a = jnp.max(plsc.all_reduce_population_count(m_a))
        n_b = jnp.max(plsc.all_reduce_population_count(m_b))
        return off_a + n_a, off_b + n_b

    off_a, off_b = lax.fori_loop(0, CHE // 16, part_body,
                                 (jnp.int32(0), jnp.int32(0)))
    zpad = jnp.zeros((16,), jnp.int32)
    lane = lax.iota(jnp.int32, 16)
    for q in range(8):
        dpad = HALF + ((q * 16 + lane) % (ACCR - HALF))
        sa_v[pl.ds(off_a + q * 16, 16)] = zpad
        da_v[pl.ds(off_a + q * 16, 16)] = dpad
        sb_v[pl.ds(off_b + q * 16, 16)] = zpad
        db_v[pl.ds(off_b + q * 16, 16)] = dpad

    for p, sl_v, dl_v, cnt in ((0, sa_v, da_v, off_a), (1, sb_v, db_v, off_b)):
        z0 = s * ZPT
        pltpu.sync_copy(zeros_hbm.at[pl.ds(z0, ZPT)],
                        acc_sh.at[pl.ds(z0, ZPT)])
        plsc.subcore_barrier()
        n = (cnt + 127) // 128

        def gath(j, buf, sem):
            pltpu.async_copy(y_hbm.at[sl_v.at[pl.ds(j * 128, 128)]], buf, sem)

        def gwait(j, buf, sem):
            pltpu.make_async_copy(y_hbm.at[sl_v.at[pl.ds(j * 128, 128)]],
                                  buf, sem).wait()

        def scat(j, buf):
            pltpu.sync_copy(buf, acc_sh.at[dl_v.at[pl.ds(j * 128, 128)]],
                            add=True)

        @pl.when(n > 0)
        def _():
            gath(0, ra_v, sem_a)

            def pair(k, carry):
                j = 2 * k
                gath(j + 1, rb_v, sem_b)
                gwait(j, ra_v, sem_a)
                scat(j, ra_v)
                gath(j + 2, ra_v, sem_a)
                gwait(j + 1, rb_v, sem_b)
                scat(j + 1, rb_v)
                return carry

            lax.fori_loop(0, (n - 1) // 2, pair, jnp.int32(0))

            @pl.when(n % 2 == 1)
            def _():
                gwait(n - 1, ra_v, sem_a)
                scat(n - 1, ra_v)

            @pl.when(n % 2 == 0)
            def _():
                gath(n - 1, rb_v, sem_b)
                gwait(n - 2, ra_v, sem_a)
                scat(n - 2, ra_v)
                gwait(n - 1, rb_v, sem_b)
                scat(n - 1, rb_v)

        plsc.subcore_barrier()

        @pl.when(s < 15)
        def _():
            pltpu.sync_copy(
                acc_sh.at[pl.ds(s * 320, 320)],
                out_hbm.at[c, pl.ds(p * HALF + s * 320, 320)])

        @pl.when(s == 15)
        def _():
            pltpu.sync_copy(
                acc_sh.at[pl.ds(4800, 256)],
                out_hbm.at[c, pl.ds(p * HALF + 4800, 256)])

        plsc.subcore_barrier()


def _dinv_of(dp_ref):
    deg = dp_ref[0, :, 0:1] + dp_ref[1, :, 0:1]
    return lax.rsqrt(deg)


def _scale_body(dp_ref, x_ref, y_ref):
    dinv = _dinv_of(dp_ref)
    y_ref[0] = x_ref[:, :FH] * dinv
    y_ref[1] = x_ref[:, FH:] * dinv


def _mid_body(dp_ref, s_ref, y_ref, w1_ref, b1_ref, w2_ref, y2_ref):
    dinv = _dinv_of(dp_ref)
    agg = jnp.concatenate(
        [(s_ref[0] + y_ref[0]) * dinv, (s_ref[1] + y_ref[1]) * dinv], axis=1)
    h = jnp.dot(agg, w1_ref[...], preferred_element_type=jnp.float32)
    h = jnp.maximum(h + b1_ref[...], 0.0)
    t = jnp.dot(h, w2_ref[...], preferred_element_type=jnp.float32)
    y2_ref[0] = t[:, :FH] * dinv
    y2_ref[1] = t[:, FH:] * dinv


def _out_body(dp_ref, s_ref, y2_ref, b2_ref, o_ref):
    dinv = _dinv_of(dp_ref)
    o_ref[:, :FH] = (s_ref[0] + y2_ref[0]) * dinv + b2_ref[:, :FH]
    o_ref[:, FH:] = (s_ref[1] + y2_ref[1]) * dinv + b2_ref[:, FH:]


_dp_spec = pl.BlockSpec((NC, BN, 8), lambda i: (0, i, 0))
_half_spec = pl.BlockSpec((NC, BN, FH), lambda i: (0, i, 0))


def _scale(degp, x):
    return pl.pallas_call(
        _scale_body,
        grid=(N // BN,),
        in_specs=[_dp_spec, pl.BlockSpec((BN, F), lambda i: (i, 0))],
        out_specs=pl.BlockSpec((NC, BN, FH), lambda i: (0, i, 0)),
        out_shape=jax.ShapeDtypeStruct((NC, N, FH), jnp.float32),
    )(degp, x)


def _mid(degp, s1, y1, W1, b1, W2):
    return pl.pallas_call(
        _mid_body,
        grid=(N // BN,),
        in_specs=[
            _dp_spec,
            _half_spec,
            _half_spec,
            pl.BlockSpec((F, H), lambda i: (0, 0)),
            pl.BlockSpec((1, H), lambda i: (0, 0)),
            pl.BlockSpec((H, F), lambda i: (0, 0)),
        ],
        out_specs=pl.BlockSpec((NC, BN, FH), lambda i: (0, i, 0)),
        out_shape=jax.ShapeDtypeStruct((NC, N, FH), jnp.float32),
    )(degp, s1, y1, W1, b1, W2)


def _outk(degp, s2, y2, b2):
    return pl.pallas_call(
        _out_body,
        grid=(N // BN,),
        in_specs=[
            _dp_spec,
            _half_spec,
            _half_spec,
            pl.BlockSpec((1, F), lambda i: (0, 0)),
        ],
        out_specs=pl.BlockSpec((BN, F), lambda i: (i, 0)),
        out_shape=jax.ShapeDtypeStruct((N, F), jnp.float32),
    )(degp, s2, y2, b2)


def _prep(edge_index):
    ei = edge_index.astype(jnp.int32)
    src, dst = ei[0], ei[1]
    srcf = jnp.pad(src.reshape(NS, EPT), ((0, 0), (0, CHE - EPT)))
    dstf = jnp.pad(dst.reshape(NS, EPT), ((0, 0), (0, CHE - EPT)),
                   constant_values=1 << 28)
    dd = jnp.pad(dst.reshape(NC, NS, EPTD),
                 ((0, 0), (0, 0), (0, DCH * 128 - EPTD)), constant_values=N)
    dstd = dd.reshape(NC, NS, DCH, 128)
    return srcf, dstf, dstd


def kernel(x, edge_index, W1, b1, W2, b2):
    srcf, dstf, dstd = _prep(edge_index)
    ones8 = jnp.ones((128, 8), jnp.float32)
    zeros8 = jnp.zeros((NPAD, 8), jnp.float32)
    zerosh = jnp.zeros((ACCR, FH), jnp.float32)
    degp = _deg_kernel(dstd, ones8, zeros8)
    y1 = _scale(degp, x)
    s1 = _agg_kernel(y1.reshape(NC * N, FH), srcf, dstf, zerosh)
    y2 = _mid(degp, s1, y1, W1, b1.reshape(1, H), W2)
    s2 = _agg_kernel(y2.reshape(NC * N, FH), srcf, dstf, zerosh)
    return _outk(degp, s2, y2, b2.reshape(1, F))

# --- scband reference (transcript-rebuilt; emitter-appended) ---
"""Pipeline reference for scband-gcn-23106924053068 (READ-ONLY COPY).

The authoritative reference and input builder live on the scoring server;
editing this copy changes nothing except your own understanding.
"""

import jax, jax.numpy as jnp
import numpy as np

N_NODES = 10000


def gcn_conv(x, edge_index, W, b):
    # x @ W first (PyG GCNConv applies linear transform then propagates)
    h = x @ W
    src = edge_index[0]
    dst = edge_index[1]
    # add self loops
    loop = jnp.arange(N_NODES, dtype=src.dtype)
    src = jnp.concatenate([src, loop])
    dst = jnp.concatenate([dst, loop])
    # symmetric normalization: deg^-1/2[src] * deg^-1/2[dst]
    deg = jnp.zeros((N_NODES,), dtype=h.dtype).at[dst].add(1.0)
    dinv = jnp.where(deg > 0, jax.lax.rsqrt(deg), 0.0)
    norm = dinv[src] * dinv[dst]
    msg = h[src] * norm[:, None]
    out = jnp.zeros((N_NODES, W.shape[1]), dtype=h.dtype).at[dst].add(msg)
    return out + b


def setup_inputs(seed: int = 0) -> dict:
    key = jax.random.key(seed)
    k1, k2, k3, k4, k5, k6 = jax.random.split(key, 6)
    x = jax.random.normal(k1, (N_NODES, 256), dtype=jnp.float32)
    edge_index = jax.random.randint(k2, (2, 160000), 0, N_NODES, dtype=jnp.int64)
    W1 = jax.random.normal(k3, (256, 512), dtype=jnp.float32) * (1.0 / np.sqrt(256))
    b1 = jnp.zeros((512,), dtype=jnp.float32)
    W2 = jax.random.normal(k4, (512, 256), dtype=jnp.float32) * (1.0 / np.sqrt(512))
    b2 = jnp.zeros((256,), dtype=jnp.float32)
    return {"x": x, "edge_index": edge_index, "W1": W1, "b1": b1, "W2": W2, "b2": b2}


def reference(x, edge_index, W1, b1, W2, b2):
    # eval mode: dropout is identity
    h = jax.nn.relu(gcn_conv(x, edge_index, W1, b1))
    out = gcn_conv(h, edge_index, W2, b2)
    return out

if __name__ == "__main__":
    import jax
    _d = setup_inputs()
    print(jax.jit(kernel)(*tuple(_d.values())))

</pallas_src>

<mosaic_0001>
#map = affine_map<(d0, d1) -> (0, 0)>
#map1 = affine_map<(d0, d1) -> (0, 0, 0)>
module attributes {stable_mosaic.version = 14 : i64} {
  func.func @_agg_kernel(%arg0: i32, %arg1: i32, %arg2: memref<20000x128xf32, #tpu.memory_space<hbm>>, %arg3: memref<16x10112xi32, #tpu.memory_space<hbm>>, %arg4: memref<16x10112xi32, #tpu.memory_space<hbm>>, %arg5: memref<5248x128xf32, #tpu.memory_space<hbm>>, %arg6: memref<2x10112x128xf32, #tpu.memory_space<hbm>>, %arg7: memref<10240xi32, #tpu.memory_space<vmem>>, %arg8: memref<10240xi32, #tpu.memory_space<vmem>>, %arg9: memref<10240xi32, #tpu.memory_space<vmem>>, %arg10: memref<10240xi32, #tpu.memory_space<vmem>>, %arg11: memref<128x128xf32, #tpu.memory_space<vmem>>, %arg12: memref<128x128xf32, #tpu.memory_space<vmem>>, %arg13: memref<5248x128xf32, #tpu.memory_space<vmem_shared>>, %arg14: memref<!tpu.dma_semaphore, #tpu.memory_space<semaphore_mem>>, %arg15: memref<!tpu.dma_semaphore, #tpu.memory_space<semaphore_mem>>) attributes {dimension_semantics = [#tpu.dimension_semantics<core_parallel>, #tpu.dimension_semantics<subcore_parallel>], iteration_bounds = array<i64: 2, 16>, scalar_prefetch = 0 : i64, scratch_operands = 9 : i64, tpu.core_type = #tpu.core_type<sc_vector_subcore>, window_params = [{transform_indices = #map}, {transform_indices = #map}, {transform_indices = #map}, {transform_indices = #map}, {transform_indices = #map1}]} {
    %mul3A = arith.constant 10000 : i32
    %mul3A_0 = arith.muli %arg0, %mul3A : i32
    "tpu.region"() ({
      %run_scoped3A = tpu.sem_alloc : memref<!tpu.dma_semaphore, #tpu.memory_space<semaphore_mem>>
      %dma_start3A = arith.constant 0 : i32
      %dma_start3A_437 = tpu.memref_slice %arg7[%dma_start3A] : memref<10240xi32, #tpu.memory_space<vmem>> -> memref<10112xi32, #tpu.memory_space<vmem>>
      %dma_start3A_438 = arith.constant 0 : i32
      %dma_start3A_439 = tpu.memref_slice %arg3[%arg1, %dma_start3A_438] : memref<16x10112xi32, #tpu.memory_space<hbm>> -> memref<1x10112xi32, #tpu.memory_space<hbm>>
      %dma_start3A_440 = tpu.memref_squeeze %dma_start3A_439 : memref<1x10112xi32, #tpu.memory_space<hbm>> -> memref<10112xi32, #tpu.memory_space<hbm>>
      %dma_start3A_441 = arith.constant 0 : i32
      %dma_start3A_442 = tpu.memref_slice %arg7[%dma_start3A_441] : memref<10240xi32, #tpu.memory_space<vmem>> -> memref<10112xi32, #tpu.memory_space<vmem>>
      %dma_start3A_443 = arith.constant 0 : i32
      %dma_start3A_444 = tpu.memref_slice %arg3[%arg1, %dma_start3A_443] : memref<16x10112xi32, #tpu.memory_space<hbm>> -> memref<1x10112xi32, #tpu.memory_space<hbm>>
      %dma_start3A_445 = tpu.memref_squeeze %dma_start3A_444 : memref<1x10112xi32, #tpu.memory_space<hbm>> -> memref<10112xi32, #tpu.memory_space<hbm>>
      tpu.enqueue_dma source(%dma_start3A_445 : memref<10112xi32, #tpu.memory_space<hbm>>) target(%dma_start3A_442 : memref<10112xi32, #tpu.memory_space<vmem>>) target_semaphore(%run_scoped3A : memref<!tpu.dma_semaphore, #tpu.memory_space<semaphore_mem>>)
      %dma_wait3A = arith.constant 0 : i32
      %dma_wait3A_446 = tpu.memref_slice %arg7[%dma_wait3A] : memref<10240xi32, #tpu.memory_space<vmem>> -> memref<10112xi32, #tpu.memory_space<vmem>>
      %dma_wait3A_447 = arith.constant 0 : i32
      %dma_wait3A_448 = tpu.memref_slice %arg3[%arg1, %dma_wait3A_447] : memref<16x10112xi32, #tpu.memory_space<hbm>> -> memref<1x10112xi32, #tpu.memory_space<hbm>>
      %dma_wait3A_449 = tpu.memref_squeeze %dma_wait3A_448 : memref<1x10112xi32, #tpu.memory_space<hbm>> -> memref<10112xi32, #tpu.memory_space<hbm>>
      %dma_wait3A_450 = arith.constant 0 : i32
      %dma_wait3A_451 = tpu.memref_slice %arg7[%dma_wait3A_450] : memref<10240xi32, #tpu.memory_space<vmem>> -> memref<10112xi32, #tpu.memory_space<vmem>>
      %dma_wait3A_452 = arith.constant 0 : i32
      %dma_wait3A_453 = tpu.memref_slice %arg3[%arg1, %dma_wait3A_452] : memref<16x10112xi32, #tpu.memory_space<hbm>> -> memref<1x10112xi32, #tpu.memory_space<hbm>>
      %dma_wait3A_454 = tpu.memref_squeeze %dma_wait3A_453 : memref<1x10112xi32, #tpu.memory_space<hbm>> -> memref<10112xi32, #tpu.memory_space<hbm>>
      tpu.wait_dma2 semaphore(%run_scoped3A : memref<!tpu.dma_semaphore, #tpu.memory_space<semaphore_mem>>) src(%dma_wait3A_454 : memref<10112xi32, #tpu.memory_space<hbm>>) dst(%dma_wait3A_451 : memref<10112xi32, #tpu.memory_space<vmem>>)
      tpu.yield
    }) : () -> ()
    "tpu.region"() ({
      %run_scoped3A = tpu.sem_alloc : memref<!tpu.dma_semaphore, #tpu.memory_space<semaphore_mem>>
      %dma_start3A = arith.constant 0 : i32
      %dma_start3A_437 = tpu.memref_slice %arg8[%dma_start3A] : memref<10240xi32, #tpu.memory_space<vmem>> -> memref<10112xi32, #tpu.memory_space<vmem>>
      %dma_start3A_438 = arith.constant 0 : i32
      %dma_start3A_439 = tpu.memref_slice %arg4[%arg1, %dma_start3A_438] : memref<16x10112xi32, #tpu.memory_space<hbm>> -> memref<1x10112xi32, #tpu.memory_space<hbm>>
      %dma_start3A_440 = tpu.memref_squeeze %dma_start3A_439 : memref<1x10112xi32, #tpu.memory_space<hbm>> -> memref<10112xi32, #tpu.memory_space<hbm>>
      %dma_start3A_441 = arith.constant 0 : i32
      %dma_start3A_442 = tpu.memref_slice %arg8[%dma_start3A_441] : memref<10240xi32, #tpu.memory_space<vmem>> -> memref<10112xi32, #tpu.memory_space<vmem>>
      %dma_start3A_443 = arith.constant 0 : i32
      %dma_start3A_444 = tpu.memref_slice %arg4[%arg1, %dma_start3A_443] : memref<16x10112xi32, #tpu.memory_space<hbm>> -> memref<1x10112xi32, #tpu.memory_space<hbm>>
      %dma_start3A_445 = tpu.memref_squeeze %dma_start3A_444 : memref<1x10112xi32, #tpu.memory_space<hbm>> -> memref<10112xi32, #tpu.memory_space<hbm>>
      tpu.enqueue_dma source(%dma_start3A_445 : memref<10112xi32, #tpu.memory_space<hbm>>) target(%dma_start3A_442 : memref<10112xi32, #tpu.memory_space<vmem>>) target_semaphore(%run_scoped3A : memref<!tpu.dma_semaphore, #tpu.memory_space<semaphore_mem>>)
      %dma_wait3A = arith.constant 0 : i32
      %dma_wait3A_446 = tpu.memref_slice %arg8[%dma_wait3A] : memref<10240xi32, #tpu.memory_space<vmem>> -> memref<10112xi32, #tpu.memory_space<vmem>>
      %dma_wait3A_447 = arith.constant 0 : i32
      %dma_wait3A_448 = tpu.memref_slice %arg4[%arg1, %dma_wait3A_447] : memref<16x10112xi32, #tpu.memory_space<hbm>> -> memref<1x10112xi32, #tpu.memory_space<hbm>>
      %dma_wait3A_449 = tpu.memref_squeeze %dma_wait3A_448 : memref<1x10112xi32, #tpu.memory_space<hbm>> -> memref<10112xi32, #tpu.memory_space<hbm>>
      %dma_wait3A_450 = arith.constant 0 : i32
      %dma_wait3A_451 = tpu.memref_slice %arg8[%dma_wait3A_450] : memref<10240xi32, #tpu.memory_space<vmem>> -> memref<10112xi32, #tpu.memory_space<vmem>>
      %dma_wait3A_452 = arith.constant 0 : i32
      %dma_wait3A_453 = tpu.memref_slice %arg4[%arg1, %dma_wait3A_452] : memref<16x10112xi32, #tpu.memory_space<hbm>> -> memref<1x10112xi32, #tpu.memory_space<hbm>>
      %dma_wait3A_454 = tpu.memref_squeeze %dma_wait3A_453 : memref<1x10112xi32, #tpu.memory_space<hbm>> -> memref<10112xi32, #tpu.memory_space<hbm>>
      tpu.wait_dma2 semaphore(%run_scoped3A : memref<!tpu.dma_semaphore, #tpu.memory_space<semaphore_mem>>) src(%dma_wait3A_454 : memref<10112xi32, #tpu.memory_space<hbm>>) dst(%dma_wait3A_451 : memref<10112xi32, #tpu.memory_space<vmem>>)
      tpu.yield
    }) : () -> ()
    %scan3A = arith.constant 0 : i32
    %scan3A_1 = arith.constant 0 : i32
    %scan3A_2 = arith.constant 0 : i32
    %scan3A_3 = arith.constant 632 : i32
    %scan3A_4 = arith.addi %scan3A_2, %scan3A_3 : i32
    %scan3A_5 = arith.constant 1 : i32
    %scan3A_6:2 = scf.for %scan3A_437 = %scan3A_2 to %scan3A_4 step %scan3A_5 iter_args(%scan3A_438 = %scan3A, %scan3A_439 = %scan3A_1) -> (i32, i32)  : i32 {
      %mul3A_440 = arith.constant 16 : i32
      %mul3A_441 = arith.muli %scan3A_437, %mul3A_440 : i32
      %get3A = arith.index_cast %mul3A_441 : i32 to index
      %get3A_442 = tpu.vector_load %arg7[%get3A] {strides = array<i32>} : memref<10240xi32, #tpu.memory_space<vmem>>, vector<16xi32>,
      %add3A_443 = vector.broadcast %mul3A_0 : i32 to vector<16xi32>
      %add3A_444 = arith.addi %get3A_442, %add3A_443 : vector<16xi32>
      %mul3A_445 = arith.constant 16 : i32
      %mul3A_446 = arith.muli %scan3A_437, %mul3A_445 : i32
      %get3A_447 = arith.index_cast %mul3A_446 : i32 to index
      %get3A_448 = tpu.vector_load %arg8[%get3A_447] {strides = array<i32>} : memref<10240xi32, #tpu.memory_space<vmem>>, vector<16xi32>,
      %lt3A_449 = arith.constant 5056 : i32
      %lt3A_450 = vector.broadcast %lt3A_449 : i32 to vector<16xi32>
      %lt3A_451 = arith.cmpi slt, %get3A_448, %lt3A_450 : vector<16xi32>
      %ge3A = arith.constant 5056 : i32
      %ge3A_452 = vector.broadcast %ge3A : i32 to vector<16xi32>
      %ge3A_453 = arith.cmpi sge, %get3A_448, %ge3A_452 : vector<16xi32>
      %lt3A_454 = arith.constant 10000 : i32
      %lt3A_455 = vector.broadcast %lt3A_454 : i32 to vector<16xi32>
      %lt3A_456 = arith.cmpi slt, %get3A_448, %lt3A_455 : vector<16xi32>
      %and3A_457 = arith.andi %ge3A_453, %lt3A_456 : vector<16xi1>
      %swap3A_458 = arith.index_cast %scan3A_438 : i32 to index
      %swap3A_459 = tpu.vector_load %arg7[%swap3A_458] masked %lt3A_451 {strides = array<i32>} : memref<10240xi32, #tpu.memory_space<vmem>>, vector<16xi32>, vector<16xi1>
      tpu.vector_store %arg7[%swap3A_458], %add3A_444 masked %lt3A_451 {strides = array<i32>} : memref<10240xi32, #tpu.memory_space<vmem>>, vector<16xi32>, vector<16xi1>
      %swap3A_460 = arith.index_cast %scan3A_438 : i32 to index
      %swap3A_461 = tpu.vector_load %arg8[%swap3A_460] masked %lt3A_451 {strides = array<i32>} : memref<10240xi32, #tpu.memory_space<vmem>>, vector<16xi32>, vector<16xi1>
      tpu.vector_store %arg8[%swap3A_460], %get3A_448 masked %lt3A_451 {strides = array<i32>} : memref<10240xi32, #tpu.memory_space<vmem>>, vector<16xi32>, vector<16xi1>
      %swap3A_462 = arith.index_cast %scan3A_439 : i32 to index
      %swap3A_463 = tpu.vector_load %arg9[%swap3A_462] masked %and3A_457 {strides = array<i32>} : memref<10240xi32, #tpu.memory_space<vmem>>, vector<16xi32>, vector<16xi1>
      tpu.vector_store %arg9[%swap3A_462], %add3A_444 masked %and3A_457 {strides = array<i32>} : memref<10240xi32, #tpu.memory_space<vmem>>, vector<16xi32>, vector<16xi1>
      %sub3A_464 = arith.constant 5056 : i32
      %sub3A_465 = vector.broadcast %sub3A_464 : i32 to vector<16xi32>
      %sub3A_466 = arith.subi %get3A_448, %sub3A_465 : vector<16xi32>
      %swap3A_467 = arith.index_cast %scan3A_439 : i32 to index
      %swap3A_468 = tpu.vector_load %arg10[%swap3A_467] masked %and3A_457 {strides = array<i32>} : memref<10240xi32, #tpu.memory_space<vmem>>, vector<16xi32>, vector<16xi1>
      tpu.vector_store %arg10[%swap3A_467], %sub3A_466 masked %and3A_457 {strides = array<i32>} : memref<10240xi32, #tpu.memory_space<vmem>>, vector<16xi32>, vector<16xi1>
      %all_reduce_population_count3A = tpu.all_reduce %lt3A_451 {dim = 0 : i64, kind = #tpu.reduction_kind<sum>} : vector<16xi1> -> vector<16xi32>
      %reduce_max3A = arith.constant true
      %reduce_max3A_469 = vector.broadcast %reduce_max3A : i1 to vector<16xi1>
      %reduce_max3A_470 = arith.constant -2147483648 : i32
      %reduce_max3A_471 = vector.broadcast %reduce_max3A_470 : i32 to vector<16xi32>
      %reduce_max3A_472 = arith.xori %all_reduce_population_count3A, %reduce_max3A_471 : vector<16xi32>
      %reduce_max3A_473 = tpu.scan <max>, %reduce_max3A_472 masked %reduce_max3A_469 : vector<16xi32>, vector<16xi1> -> vector<16xi32>
      %reduce_max3A_474 = arith.xori %reduce_max3A_473, %reduce_max3A_471 : vector<16xi32>
      %reduce_max3A_475 = vector.extract %reduce_max3A_474[15] : i32 from vector<16xi32>
      %all_reduce_population_count3A_476 = tpu.all_reduce %and3A_457 {dim = 0 : i64, kind = #tpu.reduction_kind<sum>} : vector<16xi1> -> vector<16xi32>
      %reduce_max3A_477 = arith.constant true
      %reduce_max3A_478 = vector.broadcast %reduce_max3A_477 : i1 to vector<16xi1>
      %reduce_max3A_479 = arith.constant -2147483648 : i32
      %reduce_max3A_480 = vector.broadcast %reduce_max3A_479 : i32 to vector<16xi32>
      %reduce_max3A_481 = arith.xori %all_reduce_population_count3A_476, %reduce_max3A_480 : vector<16xi32>
      %reduce_max3A_482 = tpu.scan <max>, %reduce_max3A_481 masked %reduce_max3A_478 : vector<16xi32>, vector<16xi1> -> vector<16xi32>
      %reduce_max3A_483 = arith.xori %reduce_max3A_482, %reduce_max3A_480 : vector<16xi32>
      %reduce_max3A_484 = vector.extract %reduce_max3A_483[15] : i32 from vector<16xi32>
      %add3A_485 = arith.addi %scan3A_438, %reduce_max3A_475 : i32
      %add3A_486 = arith.addi %scan3A_439, %reduce_max3A_484 : i32
      scf.yield %add3A_485, %add3A_486 : i32, i32
    }
    %scan3A_7 = arith.constant 632 : i32
    %broadcast_in_dim3A = arith.constant 0 : i32
    %broadcast_in_dim3A_8 = vector.broadcast %broadcast_in_dim3A : i32 to vector<16xi32>
    %iota3A = tpu.iota {dimensions = array<i32: 0>} : vector<16xi32>
    %add3A = arith.constant 0 : i32
    %add3A_9 = vector.broadcast %add3A : i32 to vector<16xi32>
    %add3A_10 = arith.addi %add3A_9, %iota3A : vector<16xi32>
    %jit3A = arith.constant 192 : i32
    %eq3A = arith.constant 0 : i32
    %eq3A_11 = arith.cmpi eq, %jit3A, %eq3A : i32
    %jit3A_12 = arith.constant 1 : i32
    %select_n3A = arith.select %eq3A_11, %jit3A_12, %jit3A : i32
    %rem3A = vector.broadcast %select_n3A : i32 to vector<16xi32>
    %rem3A_13 = arith.remsi %add3A_10, %rem3A : vector<16xi32>
    %ne3A = arith.constant 0 : i32
    %ne3A_14 = vector.broadcast %ne3A : i32 to vector<16xi32>
    %ne3A_15 = arith.cmpi ne, %rem3A_13, %ne3A_14 : vector<16xi32>
    %lt3A = arith.constant 0 : i32
    %lt3A_16 = vector.broadcast %lt3A : i32 to vector<16xi32>
    %lt3A_17 = arith.cmpi slt, %rem3A_13, %lt3A_16 : vector<16xi32>
    %lt3A_18 = arith.constant 0 : i32
    %lt3A_19 = arith.cmpi slt, %select_n3A, %lt3A_18 : i32
    %ne3A_20 = vector.broadcast %lt3A_19 : i1 to vector<16xi1>
    %ne3A_21 = vector.broadcast %ne3A_20 : vector<16xi1> to vector<16xi1>
    %ne3A_22 = arith.xori %lt3A_17, %ne3A_21 : vector<16xi1>
    %and3A = arith.andi %ne3A_22, %ne3A_15 : vector<16xi1>
    %add3A_23 = vector.broadcast %select_n3A : i32 to vector<16xi32>
    %add3A_24 = arith.addi %rem3A_13, %add3A_23 : vector<16xi32>
    %select_n3A_25 = arith.select %and3A, %add3A_24, %rem3A_13 : vector<16xi1>, vector<16xi32>
    %add3A_26 = arith.constant 5056 : i32
    %add3A_27 = vector.broadcast %add3A_26 : i32 to vector<16xi32>
    %add3A_28 = arith.addi %add3A_27, %select_n3A_25 : vector<16xi32>
    %add3A_29 = arith.constant 0 : i32
    %add3A_30 = arith.addi %scan3A_6#0, %add3A_29 : i32
    %swap3A = arith.index_cast %add3A_30 : i32 to index
    %swap3A_31 = tpu.vector_load %arg7[%swap3A] {strides = array<i32>} : memref<10240xi32, #tpu.memory_space<vmem>>, vector<16xi32>,
    tpu.vector_store %arg7[%swap3A], %broadcast_in_dim3A_8 {strides = array<i32>} : memref<10240xi32, #tpu.memory_space<vmem>>, vector<16xi32>,
    %add3A_32 = arith.constant 0 : i32
    %add3A_33 = arith.addi %scan3A_6#0, %add3A_32 : i32
    %swap3A_34 = arith.index_cast %add3A_33 : i32 to index
    %swap3A_35 = tpu.vector_load %arg8[%swap3A_34] {strides = array<i32>} : memref<10240xi32, #tpu.memory_space<vmem>>, vector<16xi32>,
    tpu.vector_store %arg8[%swap3A_34], %add3A_28 {strides = array<i32>} : memref<10240xi32, #tpu.memory_space<vmem>>, vector<16xi32>,
    %add3A_36 = arith.constant 0 : i32
    %add3A_37 = arith.addi %scan3A_6#1, %add3A_36 : i32
    %swap3A_38 = arith.index_cast %add3A_37 : i32 to index
    %swap3A_39 = tpu.vector_load %arg9[%swap3A_38] {strides = array<i32>} : memref<10240xi32, #tpu.memory_space<vmem>>, vector<16xi32>,
    tpu.vector_store %arg9[%swap3A_38], %broadcast_in_dim3A_8 {strides = array<i32>} : memref<10240xi32, #tpu.memory_space<vmem>>, vector<16xi32>,
    %add3A_40 = arith.constant 0 : i32
    %add3A_41 = arith.addi %scan3A_6#1, %add3A_40 : i32
    %swap3A_42 = arith.index_cast %add3A_41 : i32 to index
    %swap3A_43 = tpu.vector_load %arg10[%swap3A_42] {strides = array<i32>} : memref<10240xi32, #tpu.memory_space<vmem>>, vector<16xi32>,
    tpu.vector_store %arg10[%swap3A_42], %add3A_28 {strides = array<i32>} : memref<10240xi32, #tpu.memory_space<vmem>>, vector<16xi32>,
    %add3A_44 = arith.constant 16 : i32
    %add3A_45 = vector.broadcast %add3A_44 : i32 to vector<16xi32>
    %add3A_46 = arith.addi %add3A_45, %iota3A : vector<16xi32>
    %jit3A_47 = arith.constant 192 : i32
    %eq3A_48 = arith.constant 0 : i32
    %eq3A_49 = arith.cmpi eq, %jit3A_47, %eq3A_48 : i32
    %jit3A_50 = arith.constant 1 : i32
    %select_n3A_51 = arith.select %eq3A_49, %jit3A_50, %jit3A_47 : i32
    %rem3A_52 = vector.broadcast %select_n3A_51 : i32 to vector<16xi32>
    %rem3A_53 = arith.remsi %add3A_46, %rem3A_52 : vector<16xi32>
    %ne3A_54 = arith.constant 0 : i32
    %ne3A_55 = vector.broadcast %ne3A_54 : i32 to vector<16xi32>
    %ne3A_56 = arith.cmpi ne, %rem3A_53, %ne3A_55 : vector<16xi32>
    %lt3A_57 = arith.constant 0 : i32
    %lt3A_58 = vector.broadcast %lt3A_57 : i32 to vector<16xi32>
    %lt3A_59 = arith.cmpi slt, %rem3A_53, %lt3A_58 : vector<16xi32>
    %lt3A_60 = arith.constant 0 : i32
    %lt3A_61 = arith.cmpi slt, %select_n3A_51, %lt3A_60 : i32
    %ne3A_62 = vector.broadcast %lt3A_61 : i1 to vector<16xi1>
    %ne3A_63 = vector.broadcast %ne3A_62 : vector<16xi1> to vector<16xi1>
    %ne3A_64 = arith.xori %lt3A_59, %ne3A_63 : vector<16xi1>
    %and3A_65 = arith.andi %ne3A_64, %ne3A_56 : vector<16xi1>
    %add3A_66 = vector.broadcast %select_n3A_51 : i32 to vector<16xi32>
    %add3A_67 = arith.addi %rem3A_53, %add3A_66 : vector<16xi32>
    %select_n3A_68 = arith.select %and3A_65, %add3A_67, %rem3A_53 : vector<16xi1>, vector<16xi32>
    %add3A_69 = arith.constant 5056 : i32
    %add3A_70 = vector.broadcast %add3A_69 : i32 to vector<16xi32>
    %add3A_71 = arith.addi %add3A_70, %select_n3A_68 : vector<16xi32>
    %add3A_72 = arith.constant 16 : i32
    %add3A_73 = arith.addi %scan3A_6#0, %add3A_72 : i32
    %swap3A_74 = arith.index_cast %add3A_73 : i32 to index
    %swap3A_75 = tpu.vector_load %arg7[%swap3A_74] {strides = array<i32>} : memref<10240xi32, #tpu.memory_space<vmem>>, vector<16xi32>,
    tpu.vector_store %arg7[%swap3A_74], %broadcast_in_dim3A_8 {strides = array<i32>} : memref<10240xi32, #tpu.memory_space<vmem>>, vector<16xi32>,
    %add3A_76 = arith.constant 16 : i32
    %add3A_77 = arith.addi %scan3A_6#0, %add3A_76 : i32
    %swap3A_78 = arith.index_cast %add3A_77 : i32 to index
    %swap3A_79 = tpu.vector_load %arg8[%swap3A_78] {strides = array<i32>} : memref<10240xi32, #tpu.memory_space<vmem>>, vector<16xi32>,
    tpu.vector_store %arg8[%swap3A_78], %add3A_71 {strides = array<i32>} : memref<10240xi32, #tpu.memory_space<vmem>>, vector<16xi32>,
    %add3A_80 = arith.constant 16 : i32
    %add3A_81 = arith.addi %scan3A_6#1, %add3A_80 : i32
    %swap3A_82 = arith.index_cast %add3A_81 : i32 to index
    %swap3A_83 = tpu.vector_load %arg9[%swap3A_82] {strides = array<i32>} : memref<10240xi32, #tpu.memory_space<vmem>>, vector<16xi32>,
    tpu.vector_store %arg9[%swap3A_82], %broadcast_in_dim3A_8 {strides = array<i32>} : memref<10240xi32, #tpu.memory_space<vmem>>, vector<16xi32>,
    %add3A_84 = arith.constant 16 : i32
    %add3A_85 = arith.addi %scan3A_6#1, %add3A_84 : i32
    %swap3A_86 = arith.index_cast %add3A_85 : i32 to index
    %swap3A_87 = tpu.vector_load %arg10[%swap3A_86] {strides = array<i32>} : memref<10240xi32, #tpu.memory_space<vmem>>, vector<16xi32>,
    tpu.vector_store %arg10[%swap3A_86], %add3A_71 {strides = array<i32>} : memref<10240xi32, #tpu.memory_space<vmem>>, vector<16xi32>,
    %add3A_88 = arith.constant 32 : i32
    %add3A_89 = vector.broadcast %add3A_88 : i32 to vector<16xi32>
    %add3A_90 = arith.addi %add3A_89, %iota3A : vector<16xi32>
    %jit3A_91 = arith.constant 192 : i32
    %eq3A_92 = arith.constant 0 : i32
    %eq3A_93 = arith.cmpi eq, %jit3A_91, %eq3A_92 : i32
    %jit3A_94 = arith.constant 1 : i32
    %select_n3A_95 = arith.select %eq3A_93, %jit3A_94, %jit3A_91 : i32
    %rem3A_96 = vector.broadcast %select_n3A_95 : i32 to vector<16xi32>
    %rem3A_97 = arith.remsi %add3A_90, %rem3A_96 : vector<16xi32>
    %ne3A_98 = arith.constant 0 : i32
    %ne3A_99 = vector.broadcast %ne3A_98 : i32 to vector<16xi32>
    %ne3A_100 = arith.cmpi ne, %rem3A_97, %ne3A_99 : vector<16xi32>
    %lt3A_101 = arith.constant 0 : i32
    %lt3A_102 = vector.broadcast %lt3A_101 : i32 to vector<16xi32>
    %lt3A_103 = arith.cmpi slt, %rem3A_97, %lt3A_102 : vector<16xi32>
    %lt3A_104 = arith.constant 0 : i32
    %lt3A_105 = arith.cmpi slt, %select_n3A_95, %lt3A_104 : i32
    %ne3A_106 = vector.broadcast %lt3A_105 : i1 to vector<16xi1>
    %ne3A_107 = vector.broadcast %ne3A_106 : vector<16xi1> to vector<16xi1>
    %ne3A_108 = arith.xori %lt3A_103, %ne3A_107 : vector<16xi1>
    %and3A_109 = arith.andi %ne3A_108, %ne3A_100 : vector<16xi1>
    %add3A_110 = vector.broadcast %select_n3A_95 : i32 to vector<16xi32>
    %add3A_111 = arith.addi %rem3A_97, %add3A_110 : vector<16xi32>
    %select_n3A_112 = arith.select %and3A_109, %add3A_111, %rem3A_97 : vector<16xi1>, vector<16xi32>
    %add3A_113 = arith.constant 5056 : i32
    %add3A_114 = vector.broadcast %add3A_113 : i32 to vector<16xi32>
    %add3A_115 = arith.addi %add3A_114, %select_n3A_112 : vector<16xi32>
    %add3A_116 = arith.constant 32 : i32
    %add3A_117 = arith.addi %scan3A_6#0, %add3A_116 : i32
    %swap3A_118 = arith.index_cast %add3A_117 : i32 to index
    %swap3A_119 = tpu.vector_load %arg7[%swap3A_118] {strides = array<i32>} : memref<10240xi32, #tpu.memory_space<vmem>>, vector<16xi32>,
    tpu.vector_store %arg7[%swap3A_118], %broadcast_in_dim3A_8 {strides = array<i32>} : memref<10240xi32, #tpu.memory_space<vmem>>, vector<16xi32>,
    %add3A_120 = arith.constant 32 : i32
    %add3A_121 = arith.addi %scan3A_6#0, %add3A_120 : i32
    %swap3A_122 = arith.index_cast %add3A_121 : i32 to index
    %swap3A_123 = tpu.vector_load %arg8[%swap3A_122] {strides = array<i32>} : memref<10240xi32, #tpu.memory_space<vmem>>, vector<16xi32>,
    tpu.vector_store %arg8[%swap3A_122], %add3A_115 {strides = array<i32>} : memref<10240xi32, #tpu.memory_space<vmem>>, vector<16xi32>,
    %add3A_124 = arith.constant 32 : i32
    %add3A_125 = arith.addi %scan3A_6#1, %add3A_124 : i32
    %swap3A_126 = arith.index_cast %add3A_125 : i32 to index
    %swap3A_127 = tpu.vector_load %arg9[%swap3A_126] {strides = array<i32>} : memref<10240xi32, #tpu.memory_space<vmem>>, vector<16xi32>,
    tpu.vector_store %arg9[%swap3A_126], %broadcast_in_dim3A_8 {strides = array<i32>} : memref<10240xi32, #tpu.memory_space<vmem>>, vector<16xi32>,
    %add3A_128 = arith.constant 32 : i32
    %add3A_129 = arith.addi %scan3A_6#1, %add3A_128 : i32
    %swap3A_130 = arith.index_cast %add3A_129 : i32 to index
    %swap3A_131 = tpu.vector_load %arg10[%swap3A_130] {strides = array<i32>} : memref<10240xi32, #tpu.memory_space<vmem>>, vector<16xi32>,
    tpu.vector_store %arg10[%swap3A_130], %add3A_115 {strides = array<i32>} : memref<10240xi32, #tpu.memory_space<vmem>>, vector<16xi32>,
    %add3A_132 = arith.constant 48 : i32
    %add3A_133 = vector.broadcast %add3A_132 : i32 to vector<16xi32>
    %add3A_134 = arith.addi %add3A_133, %iota3A : vector<16xi32>
    %jit3A_135 = arith.constant 192 : i32
    %eq3A_136 = arith.constant 0 : i32
    %eq3A_137 = arith.cmpi eq, %jit3A_135, %eq3A_136 : i32
    %jit3A_138 = arith.constant 1 : i32
    %select_n3A_139 = arith.select %eq3A_137, %jit3A_138, %jit3A_135 : i32
    %rem3A_140 = vector.broadcast %select_n3A_139 : i32 to vector<16xi32>
    %rem3A_141 = arith.remsi %add3A_134, %rem3A_140 : vector<16xi32>
    %ne3A_142 = arith.constant 0 : i32
    %ne3A_143 = vector.broadcast %ne3A_142 : i32 to vector<16xi32>
    %ne3A_144 = arith.cmpi ne, %rem3A_141, %ne3A_143 : vector<16xi32>
    %lt3A_145 = arith.constant 0 : i32
    %lt3A_146 = vector.broadcast %lt3A_145 : i32 to vector<16xi32>
    %lt3A_147 = arith.cmpi slt, %rem3A_141, %lt3A_146 : vector<16xi32>
    %lt3A_148 = arith.constant 0 : i32
    %lt3A_149 = arith.cmpi slt, %select_n3A_139, %lt3A_148 : i32
    %ne3A_150 = vector.broadcast %lt3A_149 : i1 to vector<16xi1>
    %ne3A_151 = vector.broadcast %ne3A_150 : vector<16xi1> to vector<16xi1>
    %ne3A_152 = arith.xori %lt3A_147, %ne3A_151 : vector<16xi1>
    %and3A_153 = arith.andi %ne3A_152, %ne3A_144 : vector<16xi1>
    %add3A_154 = vector.broadcast %select_n3A_139 : i32 to vector<16xi32>
    %add3A_155 = arith.addi %rem3A_141, %add3A_154 : vector<16xi32>
    %select_n3A_156 = arith.select %and3A_153, %add3A_155, %rem3A_141 : vector<16xi1>, vector<16xi32>
    %add3A_157 = arith.constant 5056 : i32
    %add3A_158 = vector.broadcast %add3A_157 : i32 to vector<16xi32>
    %add3A_159 = arith.addi %add3A_158, %select_n3A_156 : vector<16xi32>
    %add3A_160 = arith.constant 48 : i32
    %add3A_161 = arith.addi %scan3A_6#0, %add3A_160 : i32
    %swap3A_162 = arith.index_cast %add3A_161 : i32 to index
    %swap3A_163 = tpu.vector_load %arg7[%swap3A_162] {strides = array<i32>} : memref<10240xi32, #tpu.memory_space<vmem>>, vector<16xi32>,
    tpu.vector_store %arg7[%swap3A_162], %broadcast_in_dim3A_8 {strides = array<i32>} : memref<10240xi32, #tpu.memory_space<vmem>>, vector<16xi32>,
    %add3A_164 = arith.constant 48 : i32
    %add3A_165 = arith.addi %scan3A_6#0, %add3A_164 : i32
    %swap3A_166 = arith.index_cast %add3A_165 : i32 to index
    %swap3A_167 = tpu.vector_load %arg8[%swap3A_166] {strides = array<i32>} : memref<10240xi32, #tpu.memory_space<vmem>>, vector<16xi32>,
    tpu.vector_store %arg8[%swap3A_166], %add3A_159 {strides = array<i32>} : memref<10240xi32, #tpu.memory_space<vmem>>, vector<16xi32>,
    %add3A_168 = arith.constant 48 : i32
    %add3A_169 = arith.addi %scan3A_6#1, %add3A_168 : i32
    %swap3A_170 = arith.index_cast %add3A_169 : i32 to index
    %swap3A_171 = tpu.vector_load %arg9[%swap3A_170] {strides = array<i32>} : memref<10240xi32, #tpu.memory_space<vmem>>, vector<16xi32>,
    tpu.vector_store %arg9[%swap3A_170], %broadcast_in_dim3A_8 {strides = array<i32>} : memref<10240xi32, #tpu.memory_space<vmem>>, vector<16xi32>,
    %add3A_172 = arith.constant 48 : i32
    %add3A_173 = arith.addi %scan3A_6#1, %add3A_172 : i32
    %swap3A_174 = arith.index_cast %add3A_173 : i32 to index
    %swap3A_175 = tpu.vector_load %arg10[%swap3A_174] {strides = array<i32>} : memref<10240xi32, #tpu.memory_space<vmem>>, vector<16xi32>,
    tpu.vector_store %arg10[%swap3A_174], %add3A_159 {strides = array<i32>} : memref<10240xi32, #tpu.memory_space<vmem>>, vector<16xi32>,
    %add3A_176 = arith.constant 64 : i32
    %add3A_177 = vector.broadcast %add3A_176 : i32 to vector<16xi32>
    %add3A_178 = arith.addi %add3A_177, %iota3A : vector<16xi32>
    %jit3A_179 = arith.constant 192 : i32
    %eq3A_180 = arith.constant 0 : i32
    %eq3A_181 = arith.cmpi eq, %jit3A_179, %eq3A_180 : i32
    %jit3A_182 = arith.constant 1 : i32
    %select_n3A_183 = arith.select %eq3A_181, %jit3A_182, %jit3A_179 : i32
    %rem3A_184 = vector.broadcast %select_n3A_183 : i32 to vector<16xi32>
    %rem3A_185 = arith.remsi %add3A_178, %rem3A_184 : vector<16xi32>
    %ne3A_186 = arith.constant 0 : i32
    %ne3A_187 = vector.broadcast %ne3A_186 : i32 to vector<16xi32>
    %ne3A_188 = arith.cmpi ne, %rem3A_185, %ne3A_187 : vector<16xi32>
    %lt3A_189 = arith.constant 0 : i32
    %lt3A_190 = vector.broadcast %lt3A_189 : i32 to vector<16xi32>
    %lt3A_191 = arith.cmpi slt, %rem3A_185, %lt3A_190 : vector<16xi32>
    %lt3A_192 = arith.constant 0 : i32
    %lt3A_193 = arith.cmpi slt, %select_n3A_183, %lt3A_192 : i32
    %ne3A_194 = vector.broadcast %lt3A_193 : i1 to vector<16xi1>
    %ne3A_195 = vector.broadcast %ne3A_194 : vector<16xi1> to vector<16xi1>
    %ne3A_196 = arith.xori %lt3A_191, %ne3A_195 : vector<16xi1>
    %and3A_197 = arith.andi %ne3A_196, %ne3A_188 : vector<16xi1>
    %add3A_198 = vector.broadcast %select_n3A_183 : i32 to vector<16xi32>
    %add3A_199 = arith.addi %rem3A_185, %add3A_198 : vector<16xi32>
    %select_n3A_200 = arith.select %and3A_197, %add3A_199, %rem3A_185 : vector<16xi1>, vector<16xi32>
    %add3A_201 = arith.constant 5056 : i32
    %add3A_202 = vector.broadcast %add3A_201 : i32 to vector<16xi32>
    %add3A_203 = arith.addi %add3A_202, %select_n3A_200 : vector<16xi32>
    %add3A_204 = arith.constant 64 : i32
    %add3A_205 = arith.addi %scan3A_6#0, %add3A_204 : i32
    %swap3A_206 = arith.index_cast %add3A_205 : i32 to index
    %swap3A_207 = tpu.vector_load %arg7[%swap3A_206] {strides = array<i32>} : memref<10240xi32, #tpu.memory_space<vmem>>, vector<16xi32>,
    tpu.vector_store %arg7[%swap3A_206], %broadcast_in_dim3A_8 {strides = array<i32>} : memref<10240xi32, #tpu.memory_space<vmem>>, vector<16xi32>,
    %add3A_208 = arith.constant 64 : i32
    %add3A_209 = arith.addi %scan3A_6#0, %add3A_208 : i32
    %swap3A_210 = arith.index_cast %add3A_209 : i32 to index
    %swap3A_211 = tpu.vector_load %arg8[%swap3A_210] {strides = array<i32>} : memref<10240xi32, #tpu.memory_space<vmem>>, vector<16xi32>,
    tpu.vector_store %arg8[%swap3A_210], %add3A_203 {strides = array<i32>} : memref<10240xi32, #tpu.memory_space<vmem>>, vector<16xi32>,
    %add3A_212 = arith.constant 64 : i32
    %add3A_213 = arith.addi %scan3A_6#1, %add3A_212 : i32
    %swap3A_214 = arith.index_cast %add3A_213 : i32 to index
    %swap3A_215 = tpu.vector_load %arg9[%swap3A_214] {strides = array<i32>} : memref<10240xi32, #tpu.memory_space<vmem>>, vector<16xi32>,
    tpu.vector_store %arg9[%swap3A_214], %broadcast_in_dim3A_8 {strides = array<i32>} : memref<10240xi32, #tpu.memory_space<vmem>>, vector<16xi32>,
    %add3A_216 = arith.constant 64 : i32
    %add3A_217 = arith.addi %scan3A_6#1, %add3A_216 : i32
    %swap3A_218 = arith.index_cast %add3A_217 : i32 to index
    %swap3A_219 = tpu.vector_load %arg10[%swap3A_218] {strides = array<i32>} : memref<10240xi32, #tpu.memory_space<vmem>>, vector<16xi32>,
    tpu.vector_store %arg10[%swap3A_218], %add3A_203 {strides = array<i32>} : memref<10240xi32, #tpu.memory_space<vmem>>, vector<16xi32>,
    %add3A_220 = arith.constant 80 : i32
    %add3A_221 = vector.broadcast %add3A_220 : i32 to vector<16xi32>
    %add3A_222 = arith.addi %add3A_221, %iota3A : vector<16xi32>
    %jit3A_223 = arith.constant 192 : i32
    %eq3A_224 = arith.constant 0 : i32
    %eq3A_225 = arith.cmpi eq, %jit3A_223, %eq3A_224 : i32
    %jit3A_226 = arith.constant 1 : i32
    %select_n3A_227 = arith.select %eq3A_225, %jit3A_226, %jit3A_223 : i32
    %rem3A_228 = vector.broadcast %select_n3A_227 : i32 to vector<16xi32>
    %rem3A_229 = arith.remsi %add3A_222, %rem3A_228 : vector<16xi32>
    %ne3A_230 = arith.constant 0 : i32
    %ne3A_231 = vector.broadcast %ne3A_230 : i32 to vector<16xi32>
    %ne3A_232 = arith.cmpi ne, %rem3A_229, %ne3A_231 : vector<16xi32>
    %lt3A_233 = arith.constant 0 : i32
    %lt3A_234 = vector.broadcast %lt3A_233 : i32 to vector<16xi32>
    %lt3A_235 = arith.cmpi slt, %rem3A_229, %lt3A_234 : vector<16xi32>
    %lt3A_236 = arith.constant 0 : i32
    %lt3A_237 = arith.cmpi slt, %select_n3A_227, %lt3A_236 : i32
    %ne3A_238 = vector.broadcast %lt3A_237 : i1 to vector<16xi1>
    %ne3A_239 = vector.broadcast %ne3A_238 : vector<16xi1> to vector<16xi1>
    %ne3A_240 = arith.xori %lt3A_235, %ne3A_239 : vector<16xi1>
    %and3A_241 = arith.andi %ne3A_240, %ne3A_232 : vector<16xi1>
    %add3A_242 = vector.broadcast %select_n3A_227 : i32 to vector<16xi32>
    %add3A_243 = arith.addi %rem3A_229, %add3A_242 : vector<16xi32>
    %select_n3A_244 = arith.select %and3A_241, %add3A_243, %rem3A_229 : vector<16xi1>, vector<16xi32>
    %add3A_245 = arith.constant 5056 : i32
    %add3A_246 = vector.broadcast %add3A_245 : i32 to vector<16xi32>
    %add3A_247 = arith.addi %add3A_246, %select_n3A_244 : vector<16xi32>
    %add3A_248 = arith.constant 80 : i32
    %add3A_249 = arith.addi %scan3A_6#0, %add3A_248 : i32
    %swap3A_250 = arith.index_cast %add3A_249 : i32 to index
    %swap3A_251 = tpu.vector_load %arg7[%swap3A_250] {strides = array<i32>} : memref<10240xi32, #tpu.memory_space<vmem>>, vector<16xi32>,
    tpu.vector_store %arg7[%swap3A_250], %broadcast_in_dim3A_8 {strides = array<i32>} : memref<10240xi32, #tpu.memory_space<vmem>>, vector<16xi32>,
    %add3A_252 = arith.constant 80 : i32
    %add3A_253 = arith.addi %scan3A_6#0, %add3A_252 : i32
    %swap3A_254 = arith.index_cast %add3A_253 : i32 to index
    %swap3A_255 = tpu.vector_load %arg8[%swap3A_254] {strides = array<i32>} : memref<10240xi32, #tpu.memory_space<vmem>>, vector<16xi32>,
    tpu.vector_store %arg8[%swap3A_254], %add3A_247 {strides = array<i32>} : memref<10240xi32, #tpu.memory_space<vmem>>, vector<16xi32>,
    %add3A_256 = arith.constant 80 : i32
    %add3A_257 = arith.addi %scan3A_6#1, %add3A_256 : i32
    %swap3A_258 = arith.index_cast %add3A_257 : i32 to index
    %swap3A_259 = tpu.vector_load %arg9[%swap3A_258] {strides = array<i32>} : memref<10240xi32, #tpu.memory_space<vmem>>, vector<16xi32>,
    tpu.vector_store %arg9[%swap3A_258], %broadcast_in_dim3A_8 {strides = array<i32>} : memref<10240xi32, #tpu.memory_space<vmem>>, vector<16xi32>,
    %add3A_260 = arith.constant 80 : i32
    %add3A_261 = arith.addi %scan3A_6#1, %add3A_260 : i32
    %swap3A_262 = arith.index_cast %add3A_261 : i32 to index
    %swap3A_263 = tpu.vector_load %arg10[%swap3A_262] {strides = array<i32>} : memref<10240xi32, #tpu.memory_space<vmem>>, vector<16xi32>,
    tpu.vector_store %arg10[%swap3A_262], %add3A_247 {strides = array<i32>} : memref<10240xi32, #tpu.memory_space<vmem>>, vector<16xi32>,
    %add3A_264 = arith.constant 96 : i32
    %add3A_265 = vector.broadcast %add3A_264 : i32 to vector<16xi32>
    %add3A_266 = arith.addi %add3A_265, %iota3A : vector<16xi32>
    %jit3A_267 = arith.constant 192 : i32
    %eq3A_268 = arith.constant 0 : i32
    %eq3A_269 = arith.cmpi eq, %jit3A_267, %eq3A_268 : i32
    %jit3A_270 = arith.constant 1 : i32
    %select_n3A_271 = arith.select %eq3A_269, %jit3A_270, %jit3A_267 : i32
    %rem3A_272 = vector.broadcast %select_n3A_271 : i32 to vector<16xi32>
    %rem3A_273 = arith.remsi %add3A_266, %rem3A_272 : vector<16xi32>
    %ne3A_274 = arith.constant 0 : i32
    %ne3A_275 = vector.broadcast %ne3A_274 : i32 to vector<16xi32>
    %ne3A_276 = arith.cmpi ne, %rem3A_273, %ne3A_275 : vector<16xi32>
    %lt3A_277 = arith.constant 0 : i32
    %lt3A_278 = vector.broadcast %lt3A_277 : i32 to vector<16xi32>
    %lt3A_279 = arith.cmpi slt, %rem3A_273, %lt3A_278 : vector<16xi32>
    %lt3A_280 = arith.constant 0 : i32
    %lt3A_281 = arith.cmpi slt, %select_n3A_271, %lt3A_280 : i32
    %ne3A_282 = vector.broadcast %lt3A_281 : i1 to vector<16xi1>
    %ne3A_283 = vector.broadcast %ne3A_282 : vector<16xi1> to vector<16xi1>
    %ne3A_284 = arith.xori %lt3A_279, %ne3A_283 : vector<16xi1>
    %and3A_285 = arith.andi %ne3A_284, %ne3A_276 : vector<16xi1>
    %add3A_286 = vector.broadcast %select_n3A_271 : i32 to vector<16xi32>
    %add3A_287 = arith.addi %rem3A_273, %add3A_286 : vector<16xi32>
    %select_n3A_288 = arith.select %and3A_285, %add3A_287, %rem3A_273 : vector<16xi1>, vector<16xi32>
    %add3A_289 = arith.constant 5056 : i32
    %add3A_290 = vector.broadcast %add3A_289 : i32 to vector<16xi32>
    %add3A_291 = arith.addi %add3A_290, %select_n3A_288 : vector<16xi32>
    %add3A_292 = arith.constant 96 : i32
    %add3A_293 = arith.addi %scan3A_6#0, %add3A_292 : i32
    %swap3A_294 = arith.index_cast %add3A_293 : i32 to index
    %swap3A_295 = tpu.vector_load %arg7[%swap3A_294] {strides = array<i32>} : memref<10240xi32, #tpu.memory_space<vmem>>, vector<16xi32>,
    tpu.vector_store %arg7[%swap3A_294], %broadcast_in_dim3A_8 {strides = array<i32>} : memref<10240xi32, #tpu.memory_space<vmem>>, vector<16xi32>,
    %add3A_296 = arith.constant 96 : i32
    %add3A_297 = arith.addi %scan3A_6#0, %add3A_296 : i32
    %swap3A_298 = arith.index_cast %add3A_297 : i32 to index
    %swap3A_299 = tpu.vector_load %arg8[%swap3A_298] {strides = array<i32>} : memref<10240xi32, #tpu.memory_space<vmem>>, vector<16xi32>,
    tpu.vector_store %arg8[%swap3A_298], %add3A_291 {strides = array<i32>} : memref<10240xi32, #tpu.memory_space<vmem>>, vector<16xi32>,
    %add3A_300 = arith.constant 96 : i32
    %add3A_301 = arith.addi %scan3A_6#1, %add3A_300 : i32
    %swap3A_302 = arith.index_cast %add3A_301 : i32 to index
    %swap3A_303 = tpu.vector_load %arg9[%swap3A_302] {strides = array<i32>} : memref<10240xi32, #tpu.memory_space<vmem>>, vector<16xi32>,
    tpu.vector_store %arg9[%swap3A_302], %broadcast_in_dim3A_8 {strides = array<i32>} : memref<10240xi32, #tpu.memory_space<vmem>>, vector<16xi32>,
    %add3A_304 = arith.constant 96 : i32
    %add3A_305 = arith.addi %scan3A_6#1, %add3A_304 : i32
    %swap3A_306 = arith.index_cast %add3A_305 : i32 to index
    %swap3A_307 = tpu.vector_load %arg10[%swap3A_306] {strides = array<i32>} : memref<10240xi32, #tpu.memory_space<vmem>>, vector<16xi32>,
    tpu.vector_store %arg10[%swap3A_306], %add3A_291 {strides = array<i32>} : memref<10240xi32, #tpu.memory_space<vmem>>, vector<16xi32>,
    %add3A_308 = arith.constant 112 : i32
    %add3A_309 = vector.broadcast %add3A_308 : i32 to vector<16xi32>
    %add3A_310 = arith.addi %add3A_309, %iota3A : vector<16xi32>
    %jit3A_311 = arith.constant 192 : i32
    %eq3A_312 = arith.constant 0 : i32
    %eq3A_313 = arith.cmpi eq, %jit3A_311, %eq3A_312 : i32
    %jit3A_314 = arith.constant 1 : i32
    %select_n3A_315 = arith.select %eq3A_313, %jit3A_314, %jit3A_311 : i32
    %rem3A_316 = vector.broadcast %select_n3A_315 : i32 to vector<16xi32>
    %rem3A_317 = arith.remsi %add3A_310, %rem3A_316 : vector<16xi32>
    %ne3A_318 = arith.constant 0 : i32
    %ne3A_319 = vector.broadcast %ne3A_318 : i32 to vector<16xi32>
    %ne3A_320 = arith.cmpi ne, %rem3A_317, %ne3A_319 : vector<16xi32>
    %lt3A_321 = arith.constant 0 : i32
    %lt3A_322 = vector.broadcast %lt3A_321 : i32 to vector<16xi32>
    %lt3A_323 = arith.cmpi slt, %rem3A_317, %lt3A_322 : vector<16xi32>
    %lt3A_324 = arith.constant 0 : i32
    %lt3A_325 = arith.cmpi slt, %select_n3A_315, %lt3A_324 : i32
    %ne3A_326 = vector.broadcast %lt3A_325 : i1 to vector<16xi1>
    %ne3A_327 = vector.broadcast %ne3A_326 : vector<16xi1> to vector<16xi1>
    %ne3A_328 = arith.xori %lt3A_323, %ne3A_327 : vector<16xi1>
    %and3A_329 = arith.andi %ne3A_328, %ne3A_320 : vector<16xi1>
    %add3A_330 = vector.broadcast %select_n3A_315 : i32 to vector<16xi32>
    %add3A_331 = arith.addi %rem3A_317, %add3A_330 : vector<16xi32>
    %select_n3A_332 = arith.select %and3A_329, %add3A_331, %rem3A_317 : vector<16xi1>, vector<16xi32>
    %add3A_333 = arith.constant 5056 : i32
    %add3A_334 = vector.broadcast %add3A_333 : i32 to vector<16xi32>
    %add3A_335 = arith.addi %add3A_334, %select_n3A_332 : vector<16xi32>
    %add3A_336 = arith.constant 112 : i32
    %add3A_337 = arith.addi %scan3A_6#0, %add3A_336 : i32
    %swap3A_338 = arith.index_cast %add3A_337 : i32 to index
    %swap3A_339 = tpu.vector_load %arg7[%swap3A_338] {strides = array<i32>} : memref<10240xi32, #tpu.memory_space<vmem>>, vector<16xi32>,
    tpu.vector_store %arg7[%swap3A_338], %broadcast_in_dim3A_8 {strides = array<i32>} : memref<10240xi32, #tpu.memory_space<vmem>>, vector<16xi32>,
    %add3A_340 = arith.constant 112 : i32
    %add3A_341 = arith.addi %scan3A_6#0, %add3A_340 : i32
    %swap3A_342 = arith.index_cast %add3A_341 : i32 to index
    %swap3A_343 = tpu.vector_load %arg8[%swap3A_342] {strides = array<i32>} : memref<10240xi32, #tpu.memory_space<vmem>>, vector<16xi32>,
    tpu.vector_store %arg8[%swap3A_342], %add3A_335 {strides = array<i32>} : memref<10240xi32, #tpu.memory_space<vmem>>, vector<16xi32>,
    %add3A_344 = arith.constant 112 : i32
    %add3A_345 = arith.addi %scan3A_6#1, %add3A_344 : i32
    %swap3A_346 = arith.index_cast %add3A_345 : i32 to index
    %swap3A_347 = tpu.vector_load %arg9[%swap3A_346] {strides = array<i32>} : memref<10240xi32, #tpu.memory_space<vmem>>, vector<16xi32>,
    tpu.vector_store %arg9[%swap3A_346], %broadcast_in_dim3A_8 {strides = array<i32>} : memref<10240xi32, #tpu.memory_space<vmem>>, vector<16xi32>,
    %add3A_348 = arith.constant 112 : i32
    %add3A_349 = arith.addi %scan3A_6#1, %add3A_348 : i32
    %swap3A_350 = arith.index_cast %add3A_349 : i32 to index
    %swap3A_351 = tpu.vector_load %arg10[%swap3A_350] {strides = array<i32>} : memref<10240xi32, #tpu.memory_space<vmem>>, vector<16xi32>,
    tpu.vector_store %arg10[%swap3A_350], %add3A_335 {strides = array<i32>} : memref<10240xi32, #tpu.memory_space<vmem>>, vector<16xi32>,
    %mul3A_352 = arith.constant 328 : i32
    %mul3A_353 = arith.muli %arg1, %mul3A_352 : i32
    "tpu.region"() ({
      %run_scoped3A = tpu.sem_alloc : memref<!tpu.dma_semaphore, #tpu.memory_space<semaphore_mem>>
      %dma_start3A = arith.constant 0 : i32
      %dma_start3A_437 = tpu.memref_slice %arg13[%mul3A_353, %dma_start3A] : memref<5248x128xf32, #tpu.memory_space<vmem_shared>> -> memref<328x128xf32, #tpu.memory_space<vmem_shared>>
      %dma_start3A_438 = arith.constant 0 : i32
      %dma_start3A_439 = tpu.memref_slice %arg5[%mul3A_353, %dma_start3A_438] : memref<5248x128xf32, #tpu.memory_space<hbm>> -> memref<328x128xf32, #tpu.memory_space<hbm>>
      tpu.enqueue_dma source(%dma_start3A_439 : memref<328x128xf32, #tpu.memory_space<hbm>>) target(%dma_start3A_437 : memref<328x128xf32, #tpu.memory_space<vmem_shared>>) target_semaphore(%run_scoped3A : memref<!tpu.dma_semaphore, #tpu.memory_space<semaphore_mem>>)
      %dma_wait3A = arith.constant 0 : i32
      %dma_wait3A_440 = tpu.memref_slice %arg13[%mul3A_353, %dma_wait3A] : memref<5248x128xf32, #tpu.memory_space<vmem_shared>> -> memref<328x128xf32, #tpu.memory_space<vmem_shared>>
      %dma_wait3A_441 = arith.constant 0 : i32
      %dma_wait3A_442 = tpu.memref_slice %arg5[%mul3A_353, %dma_wait3A_441] : memref<5248x128xf32, #tpu.memory_space<hbm>> -> memref<328x128xf32, #tpu.memory_space<hbm>>
      tpu.wait_dma2 semaphore(%run_scoped3A : memref<!tpu.dma_semaphore, #tpu.memory_space<semaphore_mem>>) src(%dma_wait3A_442 : memref<328x128xf32, #tpu.memory_space<hbm>>) dst(%dma_wait3A_440 : memref<328x128xf32, #tpu.memory_space<vmem_shared>>)
      tpu.yield
    }) : () -> ()
    %barrier3A = arith.constant 0 : index
    tpu.barrier barrier_id(%barrier3A)
    %add3A_354 = arith.constant 127 : i32
    %add3A_355 = arith.addi %scan3A_6#0, %add3A_354 : i32
    %jit3A_356 = arith.constant 128 : i32
    %div3A = arith.divsi %add3A_355, %jit3A_356 : i32
    %sign3A = arith.constant 0 : i32
    %sign3A_357 = arith.cmpi sgt, %add3A_355, %sign3A : i32
    %sign3A_358 = arith.extui %sign3A_357 : i1 to i32
    %sign3A_359 = arith.constant 0 : i32
    %sign3A_360 = arith.cmpi slt, %add3A_355, %sign3A_359 : i32
    %sign3A_361 = arith.extui %sign3A_360 : i1 to i32
    %sign3A_362 = arith.subi %sign3A_358, %sign3A_361 : i32
    %sign3A_363 = arith.constant 0 : i32
    %sign3A_364 = arith.cmpi sgt, %jit3A_356, %sign3A_363 : i32
    %sign3A_365 = arith.extui %sign3A_364 : i1 to i32
    %sign3A_366 = arith.constant 0 : i32
    %sign3A_367 = arith.cmpi slt, %jit3A_356, %sign3A_366 : i32
    %sign3A_368 = arith.extui %sign3A_367 : i1 to i32
    %sign3A_369 = arith.subi %sign3A_365, %sign3A_368 : i32
    %ne3A_370 = arith.cmpi ne, %sign3A_362, %sign3A_369 : i32
    %rem3A_371 = arith.remsi %add3A_355, %jit3A_356 : i32
    %ne3A_372 = arith.constant 0 : i32
    %ne3A_373 = arith.cmpi ne, %rem3A_371, %ne3A_372 : i32
    %and3A_374 = arith.andi %ne3A_370, %ne3A_373 : i1
    %sub3A = arith.constant 1 : i32
    %sub3A_375 = arith.subi %div3A, %sub3A : i32
    %select_n3A_376 = arith.select %and3A_374, %sub3A_375, %div3A : i32
    %gt3A = arith.constant 0 : i32
    %gt3A_377 = arith.cmpi sgt, %select_n3A_376, %gt3A : i32
    %convert_element_type3A = arith.extui %gt3A_377 : i1 to i32
    %cond3A = arith.constant 0 : i32
    %cond3A_378 = arith.cmpi ne, %convert_element_type3A, %cond3A : i32
    scf.if %cond3A_378 {
      %dma_start3A = arith.constant 0 : i32
      %dma_start3A_437 = tpu.memref_slice %arg7[%dma_start3A] : memref<10240xi32, #tpu.memory_space<vmem>> -> memref<128xi32, #tpu.memory_space<vmem>>
      %dma_start3A_438 = arith.constant 0 : i32
      %dma_start3A_439 = arith.constant 0 : i32
      %dma_start3A_440 = tpu.memref_slice %arg2[%dma_start3A_438, %dma_start3A_439] : memref<20000x128xf32, #tpu.memory_space<hbm>> -> memref<20000x128xf32, #tpu.memory_space<hbm>>
      tpu.enqueue_indirect_dma source(%dma_start3A_440 : memref<20000x128xf32, #tpu.memory_space<hbm>>) target(%arg11 : memref<128x128xf32, #tpu.memory_space<vmem>>) offsets(%dma_start3A_437 : memref<128xi32, #tpu.memory_space<vmem>>) semaphore(%arg14 : memref<!tpu.dma_semaphore, #tpu.memory_space<semaphore_mem>>)
      %sub3A_441 = arith.constant 1 : i32
      %sub3A_442 = arith.subi %select_n3A_376, %sub3A_441 : i32
      %jit3A_443 = arith.constant 2 : i32
      %div3A_444 = arith.divsi %sub3A_442, %jit3A_443 : i32
      %sign3A_445 = arith.constant 0 : i32
      %sign3A_446 = arith.cmpi sgt, %sub3A_442, %sign3A_445 : i32
      %sign3A_447 = arith.extui %sign3A_446 : i1 to i32
      %sign3A_448 = arith.constant 0 : i32
      %sign3A_449 = arith.cmpi slt, %sub3A_442, %sign3A_448 : i32
      %sign3A_450 = arith.extui %sign3A_449 : i1 to i32
      %sign3A_451 = arith.subi %sign3A_447, %sign3A_450 : i32
      %sign3A_452 = arith.constant 0 : i32
      %sign3A_453 = arith.cmpi sgt, %jit3A_443, %sign3A_452 : i32
      %sign3A_454 = arith.extui %sign3A_453 : i1 to i32
      %sign3A_455 = arith.constant 0 : i32
      %sign3A_456 = arith.cmpi slt, %jit3A_443, %sign3A_455 : i32
      %sign3A_457 = arith.extui %sign3A_456 : i1 to i32
      %sign3A_458 = arith.subi %sign3A_454, %sign3A_457 : i32
      %ne3A_459 = arith.cmpi ne, %sign3A_451, %sign3A_458 : i32
      %rem3A_460 = arith.remsi %sub3A_442, %jit3A_443 : i32
      %ne3A_461 = arith.constant 0 : i32
      %ne3A_462 = arith.cmpi ne, %rem3A_460, %ne3A_461 : i32
      %and3A_463 = arith.andi %ne3A_459, %ne3A_462 : i1
      %sub3A_464 = arith.constant 1 : i32
      %sub3A_465 = arith.subi %div3A_444, %sub3A_464 : i32
      %select_n3A_466 = arith.select %and3A_463, %sub3A_465, %div3A_444 : i32
      %while3A = arith.constant 0 : i32
      %while3A_467 = arith.constant 0 : i32
      %while3A_468 = arith.subi %select_n3A_466, %while3A_467 : i32
      %while3A_469 = arith.addi %while3A_467, %while3A_468 : i32
      %while3A_470 = arith.constant 1 : i32
      %while3A_471 = arith.divsi %while3A_468, %while3A_470 : i32
      %while3A_472 = arith.muli %while3A_471, %while3A_470 : i32
      %while3A_473 = arith.addi %while3A_467, %while3A_472 : i32
      %while3A_474 = arith.constant 1 : i32
      scf.for %while3A_518 = %while3A_467 to %while3A_473 step %while3A_474  : i32 {
        %mul3A_519 = arith.constant 2 : i32
        %mul3A_520 = arith.muli %mul3A_519, %while3A_518 : i32
        %add3A_521 = arith.constant 1 : i32
        %add3A_522 = arith.addi %mul3A_520, %add3A_521 : i32
        %mul3A_523 = arith.constant 128 : i32
        %mul3A_524 = arith.muli %add3A_522, %mul3A_523 : i32
        %dma_start3A_525 = tpu.memref_slice %arg7[%mul3A_524] : memref<10240xi32, #tpu.memory_space<vmem>> -> memref<128xi32, #tpu.memory_space<vmem>>
        %dma_start3A_526 = arith.constant 0 : i32
        %dma_start3A_527 = arith.constant 0 : i32
        %dma_start3A_528 = tpu.memref_slice %arg2[%dma_start3A_526, %dma_start3A_527] : memref<20000x128xf32, #tpu.memory_space<hbm>> -> memref<20000x128xf32, #tpu.memory_space<hbm>>
        tpu.enqueue_indirect_dma source(%dma_start3A_528 : memref<20000x128xf32, #tpu.memory_space<hbm>>) target(%arg12 : memref<128x128xf32, #tpu.memory_space<vmem>>) offsets(%dma_start3A_525 : memref<128xi32, #tpu.memory_space<vmem>>) semaphore(%arg15 : memref<!tpu.dma_semaphore, #tpu.memory_space<semaphore_mem>>)
        %mul3A_529 = arith.constant 128 : i32
        %mul3A_530 = arith.muli %mul3A_520, %mul3A_529 : i32
        %dma_wait3A = tpu.memref_slice %arg7[%mul3A_530] : memref<10240xi32, #tpu.memory_space<vmem>> -> memref<128xi32, #tpu.memory_space<vmem>>
        %dma_wait3A_531 = arith.constant 0 : i32
        %dma_wait3A_532 = arith.constant 0 : i32
        %dma_wait3A_533 = tpu.memref_slice %arg2[%dma_wait3A_531, %dma_wait3A_532] : memref<20000x128xf32, #tpu.memory_space<hbm>> -> memref<20000x128xf32, #tpu.memory_space<hbm>>
        tpu.wait_indirect_dma semaphore(%arg14 : memref<!tpu.dma_semaphore, #tpu.memory_space<semaphore_mem>>) src(%dma_wait3A_533 : memref<20000x128xf32, #tpu.memory_space<hbm>>) dst(%arg11 : memref<128x128xf32, #tpu.memory_space<vmem>>)
        %mul3A_534 = arith.constant 128 : i32
        %mul3A_535 = arith.muli %mul3A_520, %mul3A_534 : i32
        "tpu.region"() ({
          %run_scoped3A = tpu.sem_alloc : memref<!tpu.dma_semaphore, #tpu.memory_space<semaphore_mem>>
          %dma_start3A_556 = tpu.memref_slice %arg8[%mul3A_535] : memref<10240xi32, #tpu.memory_space<vmem>> -> memref<128xi32, #tpu.memory_space<vmem>>
          %dma_start3A_557 = arith.constant 0 : i32
          %dma_start3A_558 = arith.constant 0 : i32
          %dma_start3A_559 = tpu.memref_slice %arg13[%dma_start3A_557, %dma_start3A_558] : memref<5248x128xf32, #tpu.memory_space<vmem_shared>> -> memref<5248x128xf32, #tpu.memory_space<vmem_shared>>
          tpu.enqueue_indirect_dma source(%arg11 : memref<128x128xf32, #tpu.memory_space<vmem>>) target(%dma_start3A_559 : memref<5248x128xf32, #tpu.memory_space<vmem_shared>>) offsets(%dma_start3A_556 : memref<128xi32, #tpu.memory_space<vmem>>) semaphore(%run_scoped3A : memref<!tpu.dma_semaphore, #tpu.memory_space<semaphore_mem>>) {add = true}
          %dma_wait3A_560 = tpu.memref_slice %arg8[%mul3A_535] : memref<10240xi32, #tpu.memory_space<vmem>> -> memref<128xi32, #tpu.memory_space<vmem>>
          %dma_wait3A_561 = arith.constant 0 : i32
          %dma_wait3A_562 = arith.constant 0 : i32
          %dma_wait3A_563 = tpu.memref_slice %arg13[%dma_wait3A_561, %dma_wait3A_562] : memref<5248x128xf32, #tpu.memory_space<vmem_shared>> -> memref<5248x128xf32, #tpu.memory_space<vmem_shared>>
          tpu.wait_indirect_dma semaphore(%run_scoped3A : memref<!tpu.dma_semaphore, #tpu.memory_space<semaphore_mem>>) src(%arg11 : memref<128x128xf32, #tpu.memory_space<vmem>>) dst(%dma_wait3A_563 : memref<5248x128xf32, #tpu.memory_space<vmem_shared>>)
          tpu.yield
        }) : () -> ()
        %add3A_536 = arith.constant 2 : i32
        %add3A_537 = arith.addi %mul3A_520, %add3A_536 : i32
        %mul3A_538 = arith.constant 128 : i32
        %mul3A_539 = arith.muli %add3A_537, %mul3A_538 : i32
        %dma_start3A_540 = tpu.memref_slice %arg7[%mul3A_539] : memref<10240xi32, #tpu.memory_space<vmem>> -> memref<128xi32, #tpu.memory_space<vmem>>
        %dma_start3A_541 = arith.constant 0 : i32
        %dma_start3A_542 = arith.constant 0 : i32
        %dma_start3A_543 = tpu.memref_slice %arg2[%dma_start3A_541, %dma_start3A_542] : memref<20000x128xf32, #tpu.memory_space<hbm>> -> memref<20000x128xf32, #tpu.memory_space<hbm>>
        tpu.enqueue_indirect_dma source(%dma_start3A_543 : memref<20000x128xf32, #tpu.memory_space<hbm>>) target(%arg11 : memref<128x128xf32, #tpu.memory_space<vmem>>) offsets(%dma_start3A_540 : memref<128xi32, #tpu.memory_space<vmem>>) semaphore(%arg14 : memref<!tpu.dma_semaphore, #tpu.memory_space<semaphore_mem>>)
        %add3A_544 = arith.constant 1 : i32
        %add3A_545 = arith.addi %mul3A_520, %add3A_544 : i32
        %mul3A_546 = arith.constant 128 : i32
        %mul3A_547 = arith.muli %add3A_545, %mul3A_546 : i32
        %dma_wait3A_548 = tpu.memref_slice %arg7[%mul3A_547] : memref<10240xi32, #tpu.memory_space<vmem>> -> memref<128xi32, #tpu.memory_space<vmem>>
        %dma_wait3A_549 = arith.constant 0 : i32
        %dma_wait3A_550 = arith.constant 0 : i32
        %dma_wait3A_551 = tpu.memref_slice %arg2[%dma_wait3A_549, %dma_wait3A_550] : memref<20000x128xf32, #tpu.memory_space<hbm>> -> memref<20000x128xf32, #tpu.memory_space<hbm>>
        tpu.wait_indirect_dma semaphore(%arg15 : memref<!tpu.dma_semaphore, #tpu.memory_space<semaphore_mem>>) src(%dma_wait3A_551 : memref<20000x128xf32, #tpu.memory_space<hbm>>) dst(%arg12 : memref<128x128xf32, #tpu.memory_space<vmem>>)
        %add3A_552 = arith.constant 1 : i32
        %add3A_553 = arith.addi %mul3A_520, %add3A_552 : i32
        %mul3A_554 = arith.constant 128 : i32
        %mul3A_555 = arith.muli %add3A_553, %mul3A_554 : i32
        "tpu.region"() ({
          %run_scoped3A = tpu.sem_alloc : memref<!tpu.dma_semaphore, #tpu.memory_space<semaphore_mem>>
          %dma_start3A_556 = tpu.memref_slice %arg8[%mul3A_555] : memref<10240xi32, #tpu.memory_space<vmem>> -> memref<128xi32, #tpu.memory_space<vmem>>
          %dma_start3A_557 = arith.constant 0 : i32
          %dma_start3A_558 = arith.constant 0 : i32
          %dma_start3A_559 = tpu.memref_slice %arg13[%dma_start3A_557, %dma_start3A_558] : memref<5248x128xf32, #tpu.memory_space<vmem_shared>> -> memref<5248x128xf32, #tpu.memory_space<vmem_shared>>
          tpu.enqueue_indirect_dma source(%arg12 : memref<128x128xf32, #tpu.memory_space<vmem>>) target(%dma_start3A_559 : memref<5248x128xf32, #tpu.memory_space<vmem_shared>>) offsets(%dma_start3A_556 : memref<128xi32, #tpu.memory_space<vmem>>) semaphore(%run_scoped3A : memref<!tpu.dma_semaphore, #tpu.memory_space<semaphore_mem>>) {add = true}
          %dma_wait3A_560 = tpu.memref_slice %arg8[%mul3A_555] : memref<10240xi32, #tpu.memory_space<vmem>> -> memref<128xi32, #tpu.memory_space<vmem>>
          %dma_wait3A_561 = arith.constant 0 : i32
          %dma_wait3A_562 = arith.constant 0 : i32
          %dma_wait3A_563 = tpu.memref_slice %arg13[%dma_wait3A_561, %dma_wait3A_562] : memref<5248x128xf32, #tpu.memory_space<vmem_shared>> -> memref<5248x128xf32, #tpu.memory_space<vmem_shared>>
          tpu.wait_indirect_dma semaphore(%run_scoped3A : memref<!tpu.dma_semaphore, #tpu.memory_space<semaphore_mem>>) src(%arg12 : memref<128x128xf32, #tpu.memory_space<vmem>>) dst(%dma_wait3A_563 : memref<5248x128xf32, #tpu.memory_space<vmem_shared>>)
          tpu.yield
        }) : () -> ()
      }
      %while3A_475 = arith.constant 1 : i32
      scf.for %while3A_518 = %while3A_473 to %while3A_469 step %while3A_475  : i32 {
        %mul3A_519 = arith.constant 2 : i32
        %mul3A_520 = arith.muli %mul3A_519, %while3A_518 : i32
        %add3A_521 = arith.constant 1 : i32
        %add3A_522 = arith.addi %mul3A_520, %add3A_521 : i32
        %mul3A_523 = arith.constant 128 : i32
        %mul3A_524 = arith.muli %add3A_522, %mul3A_523 : i32
        %dma_start3A_525 = tpu.memref_slice %arg7[%mul3A_524] : memref<10240xi32, #tpu.memory_space<vmem>> -> memref<128xi32, #tpu.memory_space<vmem>>
        %dma_start3A_526 = arith.constant 0 : i32
        %dma_start3A_527 = arith.constant 0 : i32
        %dma_start3A_528 = tpu.memref_slice %arg2[%dma_start3A_526, %dma_start3A_527] : memref<20000x128xf32, #tpu.memory_space<hbm>> -> memref<20000x128xf32, #tpu.memory_space<hbm>>
        tpu.enqueue_indirect_dma source(%dma_start3A_528 : memref<20000x128xf32, #tpu.memory_space<hbm>>) target(%arg12 : memref<128x128xf32, #tpu.memory_space<vmem>>) offsets(%dma_start3A_525 : memref<128xi32, #tpu.memory_space<vmem>>) semaphore(%arg15 : memref<!tpu.dma_semaphore, #tpu.memory_space<semaphore_mem>>)
        %mul3A_529 = arith.constant 128 : i32
        %mul3A_530 = arith.muli %mul3A_520, %mul3A_529 : i32
        %dma_wait3A = tpu.memref_slice %arg7[%mul3A_530] : memref<10240xi32, #tpu.memory_space<vmem>> -> memref<128xi32, #tpu.memory_space<vmem>>
        %dma_wait3A_531 = arith.constant 0 : i32
        %dma_wait3A_532 = arith.constant 0 : i32
        %dma_wait3A_533 = tpu.memref_slice %arg2[%dma_wait3A_531, %dma_wait3A_532] : memref<20000x128xf32, #tpu.memory_space<hbm>> -> memref<20000x128xf32, #tpu.memory_space<hbm>>
        tpu.wait_indirect_dma semaphore(%arg14 : memref<!tpu.dma_semaphore, #tpu.memory_space<semaphore_mem>>) src(%dma_wait3A_533 : memref<20000x128xf32, #tpu.memory_space<hbm>>) dst(%arg11 : memref<128x128xf32, #tpu.memory_space<vmem>>)
        %mul3A_534 = arith.constant 128 : i32
        %mul3A_535 = arith.muli %mul3A_520, %mul3A_534 : i32
        "tpu.region"() ({
          %run_scoped3A = tpu.sem_alloc : memref<!tpu.dma_semaphore, #tpu.memory_space<semaphore_mem>>
          %dma_start3A_556 = tpu.memref_slice %arg8[%mul3A_535] : memref<10240xi32, #tpu.memory_space<vmem>> -> memref<128xi32, #tpu.memory_space<vmem>>
          %dma_start3A_557 = arith.constant 0 : i32
          %dma_start3A_558 = arith.constant 0 : i32
          %dma_start3A_559 = tpu.memref_slice %arg13[%dma_start3A_557, %dma_start3A_558] : memref<5248x128xf32, #tpu.memory_space<vmem_shared>> -> memref<5248x128xf32, #tpu.memory_space<vmem_shared>>
          tpu.enqueue_indirect_dma source(%arg11 : memref<128x128xf32, #tpu.memory_space<vmem>>) target(%dma_start3A_559 : memref<5248x128xf32, #tpu.memory_space<vmem_shared>>) offsets(%dma_start3A_556 : memref<128xi32, #tpu.memory_space<vmem>>) semaphore(%run_scoped3A : memref<!tpu.dma_semaphore, #tpu.memory_space<semaphore_mem>>) {add = true}
          %dma_wait3A_560 = tpu.memref_slice %arg8[%mul3A_535] : memref<10240xi32, #tpu.memory_space<vmem>> -> memref<128xi32, #tpu.memory_space<vmem>>
          %dma_wait3A_561 = arith.constant 0 : i32
          %dma_wait3A_562 = arith.constant 0 : i32
          %dma_wait3A_563 = tpu.memref_slice %arg13[%dma_wait3A_561, %dma_wait3A_562] : memref<5248x128xf32, #tpu.memory_space<vmem_shared>> -> memref<5248x128xf32, #tpu.memory_space<vmem_shared>>
          tpu.wait_indirect_dma semaphore(%run_scoped3A : memref<!tpu.dma_semaphore, #tpu.memory_space<semaphore_mem>>) src(%arg11 : memref<128x128xf32, #tpu.memory_space<vmem>>) dst(%dma_wait3A_563 : memref<5248x128xf32, #tpu.memory_space<vmem_shared>>)
          tpu.yield
        }) : () -> ()
        %add3A_536 = arith.constant 2 : i32
        %add3A_537 = arith.addi %mul3A_520, %add3A_536 : i32
        %mul3A_538 = arith.constant 128 : i32
        %mul3A_539 = arith.muli %add3A_537, %mul3A_538 : i32
        %dma_start3A_540 = tpu.memref_slice %arg7[%mul3A_539] : memref<10240xi32, #tpu.memory_space<vmem>> -> memref<128xi32, #tpu.memory_space<vmem>>
        %dma_start3A_541 = arith.constant 0 : i32
        %dma_start3A_542 = arith.constant 0 : i32
        %dma_start3A_543 = tpu.memref_slice %arg2[%dma_start3A_541, %dma_start3A_542] : memref<20000x128xf32, #tpu.memory_space<hbm>> -> memref<20000x128xf32, #tpu.memory_space<hbm>>
        tpu.enqueue_indirect_dma source(%dma_start3A_543 : memref<20000x128xf32, #tpu.memory_space<hbm>>) target(%arg11 : memref<128x128xf32, #tpu.memory_space<vmem>>) offsets(%dma_start3A_540 : memref<128xi32, #tpu.memory_space<vmem>>) semaphore(%arg14 : memref<!tpu.dma_semaphore, #tpu.memory_space<semaphore_mem>>)
        %add3A_544 = arith.constant 1 : i32
        %add3A_545 = arith.addi %mul3A_520, %add3A_544 : i32
        %mul3A_546 = arith.constant 128 : i32
        %mul3A_547 = arith.muli %add3A_545, %mul3A_546 : i32
        %dma_wait3A_548 = tpu.memref_slice %arg7[%mul3A_547] : memref<10240xi32, #tpu.memory_space<vmem>> -> memref<128xi32, #tpu.memory_space<vmem>>
        %dma_wait3A_549 = arith.constant 0 : i32
        %dma_wait3A_550 = arith.constant 0 : i32
        %dma_wait3A_551 = tpu.memref_slice %arg2[%dma_wait3A_549, %dma_wait3A_550] : memref<20000x128xf32, #tpu.memory_space<hbm>> -> memref<20000x128xf32, #tpu.memory_space<hbm>>
        tpu.wait_indirect_dma semaphore(%arg15 : memref<!tpu.dma_semaphore, #tpu.memory_space<semaphore_mem>>) src(%dma_wait3A_551 : memref<20000x128xf32, #tpu.memory_space<hbm>>) dst(%arg12 : memref<128x128xf32, #tpu.memory_space<vmem>>)
        %add3A_552 = arith.constant 1 : i32
        %add3A_553 = arith.addi %mul3A_520, %add3A_552 : i32
        %mul3A_554 = arith.constant 128 : i32
        %mul3A_555 = arith.muli %add3A_553, %mul3A_554 : i32
        "tpu.region"() ({
          %run_scoped3A = tpu.sem_alloc : memref<!tpu.dma_semaphore, #tpu.memory_space<semaphore_mem>>
          %dma_start3A_556 = tpu.memref_slice %arg8[%mul3A_555] : memref<10240xi32, #tpu.memory_space<vmem>> -> memref<128xi32, #tpu.memory_space<vmem>>
          %dma_start3A_557 = arith.constant 0 : i32
          %dma_start3A_558 = arith.constant 0 : i32
          %dma_start3A_559 = tpu.memref_slice %arg13[%dma_start3A_557, %dma_start3A_558] : memref<5248x128xf32, #tpu.memory_space<vmem_shared>> -> memref<5248x128xf32, #tpu.memory_space<vmem_shared>>
          tpu.enqueue_indirect_dma source(%arg12 : memref<128x128xf32, #tpu.memory_space<vmem>>) target(%dma_start3A_559 : memref<5248x128xf32, #tpu.memory_space<vmem_shared>>) offsets(%dma_start3A_556 : memref<128xi32, #tpu.memory_space<vmem>>) semaphore(%run_scoped3A : memref<!tpu.dma_semaphore, #tpu.memory_space<semaphore_mem>>) {add = true}
          %dma_wait3A_560 = tpu.memref_slice %arg8[%mul3A_555] : memref<10240xi32, #tpu.memory_space<vmem>> -> memref<128xi32, #tpu.memory_space<vmem>>
          %dma_wait3A_561 = arith.constant 0 : i32
          %dma_wait3A_562 = arith.constant 0 : i32
          %dma_wait3A_563 = tpu.memref_slice %arg13[%dma_wait3A_561, %dma_wait3A_562] : memref<5248x128xf32, #tpu.memory_space<vmem_shared>> -> memref<5248x128xf32, #tpu.memory_space<vmem_shared>>
          tpu.wait_indirect_dma semaphore(%run_scoped3A : memref<!tpu.dma_semaphore, #tpu.memory_space<semaphore_mem>>) src(%arg12 : memref<128x128xf32, #tpu.memory_space<vmem>>) dst(%dma_wait3A_563 : memref<5248x128xf32, #tpu.memory_space<vmem_shared>>)
          tpu.yield
        }) : () -> ()
      }
      %jit3A_476 = arith.constant 2 : i32
      %eq3A_477 = arith.constant 0 : i32
      %eq3A_478 = arith.cmpi eq, %jit3A_476, %eq3A_477 : i32
      %jit3A_479 = arith.constant 1 : i32
      %select_n3A_480 = arith.select %eq3A_478, %jit3A_479, %jit3A_476 : i32
      %rem3A_481 = arith.remsi %select_n3A_376, %select_n3A_480 : i32
      %ne3A_482 = arith.constant 0 : i32
      %ne3A_483 = arith.cmpi ne, %rem3A_481, %ne3A_482 : i32
      %lt3A_484 = arith.constant 0 : i32
      %lt3A_485 = arith.cmpi slt, %rem3A_481, %lt3A_484 : i32
      %lt3A_486 = arith.constant 0 : i32
      %lt3A_487 = arith.cmpi slt, %select_n3A_480, %lt3A_486 : i32
      %ne3A_488 = arith.xori %lt3A_485, %lt3A_487 : i1
      %and3A_489 = arith.andi %ne3A_488, %ne3A_483 : i1
      %add3A_490 = arith.addi %rem3A_481, %select_n3A_480 : i32
      %select_n3A_491 = arith.select %and3A_489, %add3A_490, %rem3A_481 : i32
      %eq3A_492 = arith.constant 1 : i32
      %eq3A_493 = arith.cmpi eq, %select_n3A_491, %eq3A_492 : i32
      %convert_element_type3A_494 = arith.extui %eq3A_493 : i1 to i32
      %cond3A_495 = arith.constant 0 : i32
      %cond3A_496 = arith.cmpi ne, %convert_element_type3A_494, %cond3A_495 : i32
      scf.if %cond3A_496 {
        %sub3A_518 = arith.constant 1 : i32
        %sub3A_519 = arith.subi %select_n3A_376, %sub3A_518 : i32
        %mul3A_520 = arith.constant 128 : i32
        %mul3A_521 = arith.muli %sub3A_519, %mul3A_520 : i32
        %dma_wait3A = tpu.memref_slice %arg7[%mul3A_521] : memref<10240xi32, #tpu.memory_space<vmem>> -> memref<128xi32, #tpu.memory_space<vmem>>
        %dma_wait3A_522 = arith.constant 0 : i32
        %dma_wait3A_523 = arith.constant 0 : i32
        %dma_wait3A_524 = tpu.memref_slice %arg2[%dma_wait3A_522, %dma_wait3A_523] : memref<20000x128xf32, #tpu.memory_space<hbm>> -> memref<20000x128xf32, #tpu.memory_space<hbm>>
        tpu.wait_indirect_dma semaphore(%arg14 : memref<!tpu.dma_semaphore, #tpu.memory_space<semaphore_mem>>) src(%dma_wait3A_524 : memref<20000x128xf32, #tpu.memory_space<hbm>>) dst(%arg11 : memref<128x128xf32, #tpu.memory_space<vmem>>)
        %sub3A_525 = arith.constant 1 : i32
        %sub3A_526 = arith.subi %select_n3A_376, %sub3A_525 : i32
        %mul3A_527 = arith.constant 128 : i32
        %mul3A_528 = arith.muli %sub3A_526, %mul3A_527 : i32
        "tpu.region"() ({
          %run_scoped3A = tpu.sem_alloc : memref<!tpu.dma_semaphore, #tpu.memory_space<semaphore_mem>>
          %dma_start3A_529 = tpu.memref_slice %arg8[%mul3A_528] : memref<10240xi32, #tpu.memory_space<vmem>> -> memref<128xi32, #tpu.memory_space<vmem>>
          %dma_start3A_530 = arith.constant 0 : i32
          %dma_start3A_531 = arith.constant 0 : i32
          %dma_start3A_532 = tpu.memref_slice %arg13[%dma_start3A_530, %dma_start3A_531] : memref<5248x128xf32, #tpu.memory_space<vmem_shared>> -> memref<5248x128xf32, #tpu.memory_space<vmem_shared>>
          tpu.enqueue_indirect_dma source(%arg11 : memref<128x128xf32, #tpu.memory_space<vmem>>) target(%dma_start3A_532 : memref<5248x128xf32, #tpu.memory_space<vmem_shared>>) offsets(%dma_start3A_529 : memref<128xi32, #tpu.memory_space<vmem>>) semaphore(%run_scoped3A : memref<!tpu.dma_semaphore, #tpu.memory_space<semaphore_mem>>) {add = true}
          %dma_wait3A_533 = tpu.memref_slice %arg8[%mul3A_528] : memref<10240xi32, #tpu.memory_space<vmem>> -> memref<128xi32, #tpu.memory_space<vmem>>
          %dma_wait3A_534 = arith.constant 0 : i32
          %dma_wait3A_535 = arith.constant 0 : i32
          %dma_wait3A_536 = tpu.memref_slice %arg13[%dma_wait3A_534, %dma_wait3A_535] : memref<5248x128xf32, #tpu.memory_space<vmem_shared>> -> memref<5248x128xf32, #tpu.memory_space<vmem_shared>>
          tpu.wait_indirect_dma semaphore(%run_scoped3A : memref<!tpu.dma_semaphore, #tpu.memory_space<semaphore_mem>>) src(%arg11 : memref<128x128xf32, #tpu.memory_space<vmem>>) dst(%dma_wait3A_536 : memref<5248x128xf32, #tpu.memory_space<vmem_shared>>)
          tpu.yield
        }) : () -> ()
      } else {
      }
      %jit3A_497 = arith.constant 2 : i32
      %eq3A_498 = arith.constant 0 : i32
      %eq3A_499 = arith.cmpi eq, %jit3A_497, %eq3A_498 : i32
      %jit3A_500 = arith.constant 1 : i32
      %select_n3A_501 = arith.select %eq3A_499, %jit3A_500, %jit3A_497 : i32
      %rem3A_502 = arith.remsi %select_n3A_376, %select_n3A_501 : i32
      %ne3A_503 = arith.constant 0 : i32
      %ne3A_504 = arith.cmpi ne, %rem3A_502, %ne3A_503 : i32
      %lt3A_505 = arith.constant 0 : i32
      %lt3A_506 = arith.cmpi slt, %rem3A_502, %lt3A_505 : i32
      %lt3A_507 = arith.constant 0 : i32
      %lt3A_508 = arith.cmpi slt, %select_n3A_501, %lt3A_507 : i32
      %ne3A_509 = arith.xori %lt3A_506, %lt3A_508 : i1
      %and3A_510 = arith.andi %ne3A_509, %ne3A_504 : i1
      %add3A_511 = arith.addi %rem3A_502, %select_n3A_501 : i32
      %select_n3A_512 = arith.select %and3A_510, %add3A_511, %rem3A_502 : i32
      %eq3A_513 = arith.constant 0 : i32
      %eq3A_514 = arith.cmpi eq, %select_n3A_512, %eq3A_513 : i32
      %convert_element_type3A_515 = arith.extui %eq3A_514 : i1 to i32
      %cond3A_516 = arith.constant 0 : i32
      %cond3A_517 = arith.cmpi ne, %convert_element_type3A_515, %cond3A_516 : i32
      scf.if %cond3A_517 {
        %sub3A_518 = arith.constant 1 : i32
        %sub3A_519 = arith.subi %select_n3A_376, %sub3A_518 : i32
        %mul3A_520 = arith.constant 128 : i32
        %mul3A_521 = arith.muli %sub3A_519, %mul3A_520 : i32
        %dma_start3A_522 = tpu.memref_slice %arg7[%mul3A_521] : memref<10240xi32, #tpu.memory_space<vmem>> -> memref<128xi32, #tpu.memory_space<vmem>>
        %dma_start3A_523 = arith.constant 0 : i32
        %dma_start3A_524 = arith.constant 0 : i32
        %dma_start3A_525 = tpu.memref_slice %arg2[%dma_start3A_523, %dma_start3A_524] : memref<20000x128xf32, #tpu.memory_space<hbm>> -> memref<20000x128xf32, #tpu.memory_space<hbm>>
        tpu.enqueue_indirect_dma source(%dma_start3A_525 : memref<20000x128xf32, #tpu.memory_space<hbm>>) target(%arg12 : memref<128x128xf32, #tpu.memory_space<vmem>>) offsets(%dma_start3A_522 : memref<128xi32, #tpu.memory_space<vmem>>) semaphore(%arg15 : memref<!tpu.dma_semaphore, #tpu.memory_space<semaphore_mem>>)
        %sub3A_526 = arith.constant 2 : i32
        %sub3A_527 = arith.subi %select_n3A_376, %sub3A_526 : i32
        %mul3A_528 = arith.constant 128 : i32
        %mul3A_529 = arith.muli %sub3A_527, %mul3A_528 : i32
        %dma_wait3A = tpu.memref_slice %arg7[%mul3A_529] : memref<10240xi32, #tpu.memory_space<vmem>> -> memref<128xi32, #tpu.memory_space<vmem>>
        %dma_wait3A_530 = arith.constant 0 : i32
        %dma_wait3A_531 = arith.constant 0 : i32
        %dma_wait3A_532 = tpu.memref_slice %arg2[%dma_wait3A_530, %dma_wait3A_531] : memref<20000x128xf32, #tpu.memory_space<hbm>> -> memref<20000x128xf32, #tpu.memory_space<hbm>>
        tpu.wait_indirect_dma semaphore(%arg14 : memref<!tpu.dma_semaphore, #tpu.memory_space<semaphore_mem>>) src(%dma_wait3A_532 : memref<20000x128xf32, #tpu.memory_space<hbm>>) dst(%arg11 : memref<128x128xf32, #tpu.memory_space<vmem>>)
        %sub3A_533 = arith.constant 2 : i32
        %sub3A_534 = arith.subi %select_n3A_376, %sub3A_533 : i32
        %mul3A_535 = arith.constant 128 : i32
        %mul3A_536 = arith.muli %sub3A_534, %mul3A_535 : i32
        "tpu.region"() ({
          %run_scoped3A = tpu.sem_alloc : memref<!tpu.dma_semaphore, #tpu.memory_space<semaphore_mem>>
          %dma_start3A_549 = tpu.memref_slice %arg8[%mul3A_536] : memref<10240xi32, #tpu.memory_space<vmem>> -> memref<128xi32, #tpu.memory_space<vmem>>
          %dma_start3A_550 = arith.constant 0 : i32
          %dma_start3A_551 = arith.constant 0 : i32
          %dma_start3A_552 = tpu.memref_slice %arg13[%dma_start3A_550, %dma_start3A_551] : memref<5248x128xf32, #tpu.memory_space<vmem_shared>> -> memref<5248x128xf32, #tpu.memory_space<vmem_shared>>
          tpu.enqueue_indirect_dma source(%arg11 : memref<128x128xf32, #tpu.memory_space<vmem>>) target(%dma_start3A_552 : memref<5248x128xf32, #tpu.memory_space<vmem_shared>>) offsets(%dma_start3A_549 : memref<128xi32, #tpu.memory_space<vmem>>) semaphore(%run_scoped3A : memref<!tpu.dma_semaphore, #tpu.memory_space<semaphore_mem>>) {add = true}
          %dma_wait3A_553 = tpu.memref_slice %arg8[%mul3A_536] : memref<10240xi32, #tpu.memory_space<vmem>> -> memref<128xi32, #tpu.memory_space<vmem>>
          %dma_wait3A_554 = arith.constant 0 : i32
          %dma_wait3A_555 = arith.constant 0 : i32
          %dma_wait3A_556 = tpu.memref_slice %arg13[%dma_wait3A_554, %dma_wait3A_555] : memref<5248x128xf32, #tpu.memory_space<vmem_shared>> -> memref<5248x128xf32, #tpu.memory_space<vmem_shared>>
          tpu.wait_indirect_dma semaphore(%run_scoped3A : memref<!tpu.dma_semaphore, #tpu.memory_space<semaphore_mem>>) src(%arg11 : memref<128x128xf32, #tpu.memory_space<vmem>>) dst(%dma_wait3A_556 : memref<5248x128xf32, #tpu.memory_space<vmem_shared>>)
          tpu.yield
        }) : () -> ()
        %sub3A_537 = arith.constant 1 : i32
        %sub3A_538 = arith.subi %select_n3A_376, %sub3A_537 : i32
        %mul3A_539 = arith.constant 128 : i32
        %mul3A_540 = arith.muli %sub3A_538, %mul3A_539 : i32
        %dma_wait3A_541 = tpu.memref_slice %arg7[%mul3A_540] : memref<10240xi32, #tpu.memory_space<vmem>> -> memref<128xi32, #tpu.memory_space<vmem>>
        %dma_wait3A_542 = arith.constant 0 : i32
        %dma_wait3A_543 = arith.constant 0 : i32
        %dma_wait3A_544 = tpu.memref_slice %arg2[%dma_wait3A_542, %dma_wait3A_543] : memref<20000x128xf32, #tpu.memory_space<hbm>> -> memref<20000x128xf32, #tpu.memory_space<hbm>>
        tpu.wait_indirect_dma semaphore(%arg15 : memref<!tpu.dma_semaphore, #tpu.memory_space<semaphore_mem>>) src(%dma_wait3A_544 : memref<20000x128xf32, #tpu.memory_space<hbm>>) dst(%arg12 : memref<128x128xf32, #tpu.memory_space<vmem>>)
        %sub3A_545 = arith.constant 1 : i32
        %sub3A_546 = arith.subi %select_n3A_376, %sub3A_545 : i32
        %mul3A_547 = arith.constant 128 : i32
        %mul3A_548 = arith.muli %sub3A_546, %mul3A_547 : i32
        "tpu.region"() ({
          %run_scoped3A = tpu.sem_alloc : memref<!tpu.dma_semaphore, #tpu.memory_space<semaphore_mem>>
          %dma_start3A_549 = tpu.memref_slice %arg8[%mul3A_548] : memref<10240xi32, #tpu.memory_space<vmem>> -> memref<128xi32, #tpu.memory_space<vmem>>
          %dma_start3A_550 = arith.constant 0 : i32
          %dma_start3A_551 = arith.constant 0 : i32
          %dma_start3A_552 = tpu.memref_slice %arg13[%dma_start3A_550, %dma_start3A_551] : memref<5248x128xf32, #tpu.memory_space<vmem_shared>> -> memref<5248x128xf32, #tpu.memory_space<vmem_shared>>
          tpu.enqueue_indirect_dma source(%arg12 : memref<128x128xf32, #tpu.memory_space<vmem>>) target(%dma_start3A_552 : memref<5248x128xf32, #tpu.memory_space<vmem_shared>>) offsets(%dma_start3A_549 : memref<128xi32, #tpu.memory_space<vmem>>) semaphore(%run_scoped3A : memref<!tpu.dma_semaphore, #tpu.memory_space<semaphore_mem>>) {add = true}
          %dma_wait3A_553 = tpu.memref_slice %arg8[%mul3A_548] : memref<10240xi32, #tpu.memory_space<vmem>> -> memref<128xi32, #tpu.memory_space<vmem>>
          %dma_wait3A_554 = arith.constant 0 : i32
          %dma_wait3A_555 = arith.constant 0 : i32
          %dma_wait3A_556 = tpu.memref_slice %arg13[%dma_wait3A_554, %dma_wait3A_555] : memref<5248x128xf32, #tpu.memory_space<vmem_shared>> -> memref<5248x128xf32, #tpu.memory_space<vmem_shared>>
          tpu.wait_indirect_dma semaphore(%run_scoped3A : memref<!tpu.dma_semaphore, #tpu.memory_space<semaphore_mem>>) src(%arg12 : memref<128x128xf32, #tpu.memory_space<vmem>>) dst(%dma_wait3A_556 : memref<5248x128xf32, #tpu.memory_space<vmem_shared>>)
          tpu.yield
        }) : () -> ()
      } else {
      }
    } else {
    }
    %barrier3A_379 = arith.constant 0 : index
    tpu.barrier barrier_id(%barrier3A_379)
    %lt3A_380 = arith.constant 15 : i32
    %lt3A_381 = arith.cmpi slt, %arg1, %lt3A_380 : i32
    %convert_element_type3A_382 = arith.extui %lt3A_381 : i1 to i32
    %cond3A_383 = arith.constant 0 : i32
    %cond3A_384 = arith.cmpi ne, %convert_element_type3A_382, %cond3A_383 : i32
    scf.if %cond3A_384 {
      %mul3A_437 = arith.constant 320 : i32
      %mul3A_438 = arith.muli %arg1, %mul3A_437 : i32
      %mul3A_439 = arith.constant 320 : i32
      %mul3A_440 = arith.muli %arg1, %mul3A_439 : i32
      %add3A_441 = arith.constant 0 : i32
      %add3A_442 = arith.addi %add3A_441, %mul3A_440 : i32
      "tpu.region"() ({
        %run_scoped3A = tpu.sem_alloc : memref<!tpu.dma_semaphore, #tpu.memory_space<semaphore_mem>>
        %dma_start3A = arith.constant 0 : i32
        %dma_start3A_443 = tpu.memref_slice %arg6[%arg0, %add3A_442, %dma_start3A] : memref<2x10112x128xf32, #tpu.memory_space<hbm>> -> memref<1x320x128xf32, #tpu.memory_space<hbm>>
        %dma_start3A_444 = tpu.memref_squeeze %dma_start3A_443 : memref<1x320x128xf32, #tpu.memory_space<hbm>> -> memref<320x128xf32, #tpu.memory_space<hbm>>
        %dma_start3A_445 = arith.constant 0 : i32
        %dma_start3A_446 = tpu.memref_slice %arg13[%mul3A_438, %dma_start3A_445] : memref<5248x128xf32, #tpu.memory_space<vmem_shared>> -> memref<320x128xf32, #tpu.memory_space<vmem_shared>>
        tpu.enqueue_dma source(%dma_start3A_446 : memref<320x128xf32, #tpu.memory_space<vmem_shared>>) target(%dma_start3A_444 : memref<320x128xf32, #tpu.memory_space<hbm>>) target_semaphore(%run_scoped3A : memref<!tpu.dma_semaphore, #tpu.memory_space<semaphore_mem>>)
        %dma_wait3A = arith.constant 0 : i32
        %dma_wait3A_447 = tpu.memref_slice %arg6[%arg0, %add3A_442, %dma_wait3A] : memref<2x10112x128xf32, #tpu.memory_space<hbm>> -> memref<1x320x128xf32, #tpu.memory_space<hbm>>
        %dma_wait3A_448 = tpu.memref_squeeze %dma_wait3A_447 : memref<1x320x128xf32, #tpu.memory_space<hbm>> -> memref<320x128xf32, #tpu.memory_space<hbm>>
        %dma_wait3A_449 = arith.constant 0 : i32
        %dma_wait3A_450 = tpu.memref_slice %arg13[%mul3A_438, %dma_wait3A_449] : memref<5248x128xf32, #tpu.memory_space<vmem_shared>> -> memref<320x128xf32, #tpu.memory_space<vmem_shared>>
        tpu.wait_dma2 semaphore(%run_scoped3A : memref<!tpu.dma_semaphore, #tpu.memory_space<semaphore_mem>>) src(%dma_wait3A_450 : memref<320x128xf32, #tpu.memory_space<vmem_shared>>) dst(%dma_wait3A_448 : memref<320x128xf32, #tpu.memory_space<hbm>>)
        tpu.yield
      }) : () -> ()
    } else {
    }
    %eq3A_385 = arith.constant 15 : i32
    %eq3A_386 = arith.cmpi eq, %arg1, %eq3A_385 : i32
    %convert_element_type3A_387 = arith.extui %eq3A_386 : i1 to i32
    %cond3A_388 = arith.constant 0 : i32
    %cond3A_389 = arith.cmpi ne, %convert_element_type3A_387, %cond3A_388 : i32
    scf.if %cond3A_389 {
      "tpu.region"() ({
        %run_scoped3A = tpu.sem_alloc : memref<!tpu.dma_semaphore, #tpu.memory_space<semaphore_mem>>
        %dma_start3A = arith.constant 4800 : i32
        %dma_start3A_437 = arith.constant 0 : i32
        %dma_start3A_438 = tpu.memref_slice %arg6[%arg0, %dma_start3A, %dma_start3A_437] : memref<2x10112x128xf32, #tpu.memory_space<hbm>> -> memref<1x256x128xf32, #tpu.memory_space<hbm>>
        %dma_start3A_439 = tpu.memref_squeeze %dma_start3A_438 : memref<1x256x128xf32, #tpu.memory_space<hbm>> -> memref<256x128xf32, #tpu.memory_space<hbm>>
        %dma_start3A_440 = arith.constant 4800 : i32
        %dma_start3A_441 = arith.constant 0 : i32
        %dma_start3A_442 = tpu.memref_slice %arg13[%dma_start3A_440, %dma_start3A_441] : memref<5248x128xf32, #tpu.memory_space<vmem_shared>> -> memref<256x128xf32, #tpu.memory_space<vmem_shared>>
        tpu.enqueue_dma source(%dma_start3A_442 : memref<256x128xf32, #tpu.memory_space<vmem_shared>>) target(%dma_start3A_439 : memref<256x128xf32, #tpu.memory_space<hbm>>) target_semaphore(%run_scoped3A : memref<!tpu.dma_semaphore, #tpu.memory_space<semaphore_mem>>)
        %dma_wait3A = arith.constant 4800 : i32
        %dma_wait3A_443 = arith.constant 0 : i32
        %dma_wait3A_444 = tpu.memref_slice %arg6[%arg0, %dma_wait3A, %dma_wait3A_443] : memref<2x10112x128xf32, #tpu.memory_space<hbm>> -> memref<1x256x128xf32, #tpu.memory_space<hbm>>
        %dma_wait3A_445 = tpu.memref_squeeze %dma_wait3A_444 : memref<1x256x128xf32, #tpu.memory_space<hbm>> -> memref<256x128xf32, #tpu.memory_space<hbm>>
        %dma_wait3A_446 = arith.constant 4800 : i32
        %dma_wait3A_447 = arith.constant 0 : i32
        %dma_wait3A_448 = tpu.memref_slice %arg13[%dma_wait3A_446, %dma_wait3A_447] : memref<5248x128xf32, #tpu.memory_space<vmem_shared>> -> memref<256x128xf32, #tpu.memory_space<vmem_shared>>
        tpu.wait_dma2 semaphore(%run_scoped3A : memref<!tpu.dma_semaphore, #tpu.memory_space<semaphore_mem>>) src(%dma_wait3A_448 : memref<256x128xf32, #tpu.memory_space<vmem_shared>>) dst(%dma_wait3A_445 : memref<256x128xf32, #tpu.memory_space<hbm>>)
        tpu.yield
      }) : () -> ()
    } else {
    }
    %barrier3A_390 = arith.constant 0 : index
    tpu.barrier barrier_id(%barrier3A_390)
    %mul3A_391 = arith.constant 328 : i32
    %mul3A_392 = arith.muli %arg1, %mul3A_391 : i32
    "tpu.region"() ({
      %run_scoped3A = tpu.sem_alloc : memref<!tpu.dma_semaphore, #tpu.memory_space<semaphore_mem>>
      %dma_start3A = arith.constant 0 : i32
      %dma_start3A_437 = tpu.memref_slice %arg13[%mul3A_392, %dma_start3A] : memref<5248x128xf32, #tpu.memory_space<vmem_shared>> -> memref<328x128xf32, #tpu.memory_space<vmem_shared>>
      %dma_start3A_438 = arith.constant 0 : i32
      %dma_start3A_439 = tpu.memref_slice %arg5[%mul3A_392, %dma_start3A_438] : memref<5248x128xf32, #tpu.memory_space<hbm>> -> memref<328x128xf32, #tpu.memory_space<hbm>>
      tpu.enqueue_dma source(%dma_start3A_439 : memref<328x128xf32, #tpu.memory_space<hbm>>) target(%dma_start3A_437 : memref<328x128xf32, #tpu.memory_space<vmem_shared>>) target_semaphore(%run_scoped3A : memref<!tpu.dma_semaphore, #tpu.memory_space<semaphore_mem>>)
      %dma_wait3A = arith.constant 0 : i32
      %dma_wait3A_440 = tpu.memref_slice %arg13[%mul3A_392, %dma_wait3A] : memref<5248x128xf32, #tpu.memory_space<vmem_shared>> -> memref<328x128xf32, #tpu.memory_space<vmem_shared>>
      %dma_wait3A_441 = arith.constant 0 : i32
      %dma_wait3A_442 = tpu.memref_slice %arg5[%mul3A_392, %dma_wait3A_441] : memref<5248x128xf32, #tpu.memory_space<hbm>> -> memref<328x128xf32, #tpu.memory_space<hbm>>
      tpu.wait_dma2 semaphore(%run_scoped3A : memref<!tpu.dma_semaphore, #tpu.memory_space<semaphore_mem>>) src(%dma_wait3A_442 : memref<328x128xf32, #tpu.memory_space<hbm>>) dst(%dma_wait3A_440 : memref<328x128xf32, #tpu.memory_space<vmem_shared>>)
      tpu.yield
    }) : () -> ()
    %barrier3A_393 = arith.constant 0 : index
    tpu.barrier barrier_id(%barrier3A_393)
    %add3A_394 = arith.constant 127 : i32
    %add3A_395 = arith.addi %scan3A_6#1, %add3A_394 : i32
    %jit3A_396 = arith.constant 128 : i32
    %div3A_397 = arith.divsi %add3A_395, %jit3A_396 : i32
    %sign3A_398 = arith.constant 0 : i32
    %sign3A_399 = arith.cmpi sgt, %add3A_395, %sign3A_398 : i32
    %sign3A_400 = arith.extui %sign3A_399 : i1 to i32
    %sign3A_401 = arith.constant 0 : i32
    %sign3A_402 = arith.cmpi slt, %add3A_395, %sign3A_401 : i32
    %sign3A_403 = arith.extui %sign3A_402 : i1 to i32
    %sign3A_404 = arith.subi %sign3A_400, %sign3A_403 : i32
    %sign3A_405 = arith.constant 0 : i32
    %sign3A_406 = arith.cmpi sgt, %jit3A_396, %sign3A_405 : i32
    %sign3A_407 = arith.extui %sign3A_406 : i1 to i32
    %sign3A_408 = arith.constant 0 : i32
    %sign3A_409 = arith.cmpi slt, %jit3A_396, %sign3A_408 : i32
    %sign3A_410 = arith.extui %sign3A_409 : i1 to i32
    %sign3A_411 = arith.subi %sign3A_407, %sign3A_410 : i32
    %ne3A_412 = arith.cmpi ne, %sign3A_404, %sign3A_411 : i32
    %rem3A_413 = arith.remsi %add3A_395, %jit3A_396 : i32
    %ne3A_414 = arith.constant 0 : i32
    %ne3A_415 = arith.cmpi ne, %rem3A_413, %ne3A_414 : i32
    %and3A_416 = arith.andi %ne3A_412, %ne3A_415 : i1
    %sub3A_417 = arith.constant 1 : i32
    %sub3A_418 = arith.subi %div3A_397, %sub3A_417 : i32
    %select_n3A_419 = arith.select %and3A_416, %sub3A_418, %div3A_397 : i32
    %gt3A_420 = arith.constant 0 : i32
    %gt3A_421 = arith.cmpi sgt, %select_n3A_419, %gt3A_420 : i32
    %convert_element_type3A_422 = arith.extui %gt3A_421 : i1 to i32
    %cond3A_423 = arith.constant 0 : i32
    %cond3A_424 = arith.cmpi ne, %convert_element_type3A_422, %cond3A_423 : i32
    scf.if %cond3A_424 {
      %dma_start3A = arith.constant 0 : i32
      %dma_start3A_437 = tpu.memref_slice %arg9[%dma_start3A] : memref<10240xi32, #tpu.memory_space<vmem>> -> memref<128xi32, #tpu.memory_space<vmem>>
      %dma_start3A_438 = arith.constant 0 : i32
      %dma_start3A_439 = arith.constant 0 : i32
      %dma_start3A_440 = tpu.memref_slice %arg2[%dma_start3A_438, %dma_start3A_439] : memref<20000x128xf32, #tpu.memory_space<hbm>> -> memref<20000x128xf32, #tpu.memory_space<hbm>>
      tpu.enqueue_indirect_dma source(%dma_start3A_440 : memref<20000x128xf32, #tpu.memory_space<hbm>>) target(%arg11 : memref<128x128xf32, #tpu.memory_space<vmem>>) offsets(%dma_start3A_437 : memref<128xi32, #tpu.memory_space<vmem>>) semaphore(%arg14 : memref<!tpu.dma_semaphore, #tpu.memory_space<semaphore_mem>>)
      %sub3A_441 = arith.constant 1 : i32
      %sub3A_442 = arith.subi %select_n3A_419, %sub3A_441 : i32
      %jit3A_443 = arith.constant 2 : i32
      %div3A_444 = arith.divsi %sub3A_442, %jit3A_443 : i32
      %sign3A_445 = arith.constant 0 : i32
      %sign3A_446 = arith.cmpi sgt, %sub3A_442, %sign3A_445 : i32
      %sign3A_447 = arith.extui %sign3A_446 : i1 to i32
      %sign3A_448 = arith.constant 0 : i32
      %sign3A_449 = arith.cmpi slt, %sub3A_442, %sign3A_448 : i32
      %sign3A_450 = arith.extui %sign3A_449 : i1 to i32
      %sign3A_451 = arith.subi %sign3A_447, %sign3A_450 : i32
      %sign3A_452 = arith.constant 0 : i32
      %sign3A_453 = arith.cmpi sgt, %jit3A_443, %sign3A_452 : i32
      %sign3A_454 = arith.extui %sign3A_453 : i1 to i32
      %sign3A_455 = arith.constant 0 : i32
      %sign3A_456 = arith.cmpi slt, %jit3A_443, %sign3A_455 : i32
      %sign3A_457 = arith.extui %sign3A_456 : i1 to i32
      %sign3A_458 = arith.subi %sign3A_454, %sign3A_457 : i32
      %ne3A_459 = arith.cmpi ne, %sign3A_451, %sign3A_458 : i32
      %rem3A_460 = arith.remsi %sub3A_442, %jit3A_443 : i32
      %ne3A_461 = arith.constant 0 : i32
      %ne3A_462 = arith.cmpi ne, %rem3A_460, %ne3A_461 : i32
      %and3A_463 = arith.andi %ne3A_459, %ne3A_462 : i1
      %sub3A_464 = arith.constant 1 : i32
      %sub3A_465 = arith.subi %div3A_444, %sub3A_464 : i32
      %select_n3A_466 = arith.select %and3A_463, %sub3A_465, %div3A_444 : i32
      %while3A = arith.constant 0 : i32
      %while3A_467 = arith.constant 0 : i32
      %while3A_468 = arith.subi %select_n3A_466, %while3A_467 : i32
      %while3A_469 = arith.addi %while3A_467, %while3A_468 : i32
      %while3A_470 = arith.constant 1 : i32
      %while3A_471 = arith.divsi %while3A_468, %while3A_470 : i32
      %while3A_472 = arith.muli %while3A_471, %while3A_470 : i32
      %while3A_473 = arith.addi %while3A_467, %while3A_472 : i32
      %while3A_474 = arith.constant 1 : i32
      scf.for %while3A_518 = %while3A_467 to %while3A_473 step %while3A_474  : i32 {
        %mul3A_519 = arith.constant 2 : i32
        %mul3A_520 = arith.muli %mul3A_519, %while3A_518 : i32
        %add3A_521 = arith.constant 1 : i32
        %add3A_522 = arith.addi %mul3A_520, %add3A_521 : i32
        %mul3A_523 = arith.constant 128 : i32
        %mul3A_524 = arith.muli %add3A_522, %mul3A_523 : i32
        %dma_start3A_525 = tpu.memref_slice %arg9[%mul3A_524] : memref<10240xi32, #tpu.memory_space<vmem>> -> memref<128xi32, #tpu.memory_space<vmem>>
        %dma_start3A_526 = arith.constant 0 : i32
        %dma_start3A_527 = arith.constant 0 : i32
        %dma_start3A_528 = tpu.memref_slice %arg2[%dma_start3A_526, %dma_start3A_527] : memref<20000x128xf32, #tpu.memory_space<hbm>> -> memref<20000x128xf32, #tpu.memory_space<hbm>>
        tpu.enqueue_indirect_dma source(%dma_start3A_528 : memref<20000x128xf32, #tpu.memory_space<hbm>>) target(%arg12 : memref<128x128xf32, #tpu.memory_space<vmem>>) offsets(%dma_start3A_525 : memref<128xi32, #tpu.memory_space<vmem>>) semaphore(%arg15 : memref<!tpu.dma_semaphore, #tpu.memory_space<semaphore_mem>>)
        %mul3A_529 = arith.constant 128 : i32
        %mul3A_530 = arith.muli %mul3A_520, %mul3A_529 : i32
        %dma_wait3A = tpu.memref_slice %arg9[%mul3A_530] : memref<10240xi32, #tpu.memory_space<vmem>> -> memref<128xi32, #tpu.memory_space<vmem>>
        %dma_wait3A_531 = arith.constant 0 : i32
        %dma_wait3A_532 = arith.constant 0 : i32
        %dma_wait3A_533 = tpu.memref_slice %arg2[%dma_wait3A_531, %dma_wait3A_532] : memref<20000x128xf32, #tpu.memory_space<hbm>> -> memref<20000x128xf32, #tpu.memory_space<hbm>>
        tpu.wait_indirect_dma semaphore(%arg14 : memref<!tpu.dma_semaphore, #tpu.memory_space<semaphore_mem>>) src(%dma_wait3A_533 : memref<20000x128xf32, #tpu.memory_space<hbm>>) dst(%arg11 : memref<128x128xf32, #tpu.memory_space<vmem>>)
        %mul3A_534 = arith.constant 128 : i32
        %mul3A_535 = arith.muli %mul3A_520, %mul3A_534 : i32
        "tpu.region"() ({
          %run_scoped3A = tpu.sem_alloc : memref<!tpu.dma_semaphore, #tpu.memory_space<semaphore_mem>>
          %dma_start3A_556 = tpu.memref_slice %arg10[%mul3A_535] : memref<10240xi32, #tpu.memory_space<vmem>> -> memref<128xi32, #tpu.memory_space<vmem>>
          %dma_start3A_557 = arith.constant 0 : i32
          %dma_start3A_558 = arith.constant 0 : i32
          %dma_start3A_559 = tpu.memref_slice %arg13[%dma_start3A_557, %dma_start3A_558] : memref<5248x128xf32, #tpu.memory_space<vmem_shared>> -> memref<5248x128xf32, #tpu.memory_space<vmem_shared>>
          tpu.enqueue_indirect_dma source(%arg11 : memref<128x128xf32, #tpu.memory_space<vmem>>) target(%dma_start3A_559 : memref<5248x128xf32, #tpu.memory_space<vmem_shared>>) offsets(%dma_start3A_556 : memref<128xi32, #tpu.memory_space<vmem>>) semaphore(%run_scoped3A : memref<!tpu.dma_semaphore, #tpu.memory_space<semaphore_mem>>) {add = true}
          %dma_wait3A_560 = tpu.memref_slice %arg10[%mul3A_535] : memref<10240xi32, #tpu.memory_space<vmem>> -> memref<128xi32, #tpu.memory_space<vmem>>
          %dma_wait3A_561 = arith.constant 0 : i32
          %dma_wait3A_562 = arith.constant 0 : i32
          %dma_wait3A_563 = tpu.memref_slice %arg13[%dma_wait3A_561, %dma_wait3A_562] : memref<5248x128xf32, #tpu.memory_space<vmem_shared>> -> memref<5248x128xf32, #tpu.memory_space<vmem_shared>>
          tpu.wait_indirect_dma semaphore(%run_scoped3A : memref<!tpu.dma_semaphore, #tpu.memory_space<semaphore_mem>>) src(%arg11 : memref<128x128xf32, #tpu.memory_space<vmem>>) dst(%dma_wait3A_563 : memref<5248x128xf32, #tpu.memory_space<vmem_shared>>)
          tpu.yield
        }) : () -> ()
        %add3A_536 = arith.constant 2 : i32
        %add3A_537 = arith.addi %mul3A_520, %add3A_536 : i32
        %mul3A_538 = arith.constant 128 : i32
        %mul3A_539 = arith.muli %add3A_537, %mul3A_538 : i32
        %dma_start3A_540 = tpu.memref_slice %arg9[%mul3A_539] : memref<10240xi32, #tpu.memory_space<vmem>> -> memref<128xi32, #tpu.memory_space<vmem>>
        %dma_start3A_541 = arith.constant 0 : i32
        %dma_start3A_542 = arith.constant 0 : i32
        %dma_start3A_543 = tpu.memref_slice %arg2[%dma_start3A_541, %dma_start3A_542] : memref<20000x128xf32, #tpu.memory_space<hbm>> -> memref<20000x128xf32, #tpu.memory_space<hbm>>
        tpu.enqueue_indirect_dma source(%dma_start3A_543 : memref<20000x128xf32, #tpu.memory_space<hbm>>) target(%arg11 : memref<128x128xf32, #tpu.memory_space<vmem>>) offsets(%dma_start3A_540 : memref<128xi32, #tpu.memory_space<vmem>>) semaphore(%arg14 : memref<!tpu.dma_semaphore, #tpu.memory_space<semaphore_mem>>)
        %add3A_544 = arith.constant 1 : i32
        %add3A_545 = arith.addi %mul3A_520, %add3A_544 : i32
        %mul3A_546 = arith.constant 128 : i32
        %mul3A_547 = arith.muli %add3A_545, %mul3A_546 : i32
        %dma_wait3A_548 = tpu.memref_slice %arg9[%mul3A_547] : memref<10240xi32, #tpu.memory_space<vmem>> -> memref<128xi32, #tpu.memory_space<vmem>>
        %dma_wait3A_549 = arith.constant 0 : i32
        %dma_wait3A_550 = arith.constant 0 : i32
        %dma_wait3A_551 = tpu.memref_slice %arg2[%dma_wait3A_549, %dma_wait3A_550] : memref<20000x128xf32, #tpu.memory_space<hbm>> -> memref<20000x128xf32, #tpu.memory_space<hbm>>
        tpu.wait_indirect_dma semaphore(%arg15 : memref<!tpu.dma_semaphore, #tpu.memory_space<semaphore_mem>>) src(%dma_wait3A_551 : memref<20000x128xf32, #tpu.memory_space<hbm>>) dst(%arg12 : memref<128x128xf32, #tpu.memory_space<vmem>>)
        %add3A_552 = arith.constant 1 : i32
        %add3A_553 = arith.addi %mul3A_520, %add3A_552 : i32
        %mul3A_554 = arith.constant 128 : i32
        %mul3A_555 = arith.muli %add3A_553, %mul3A_554 : i32
        "tpu.region"() ({
          %run_scoped3A = tpu.sem_alloc : memref<!tpu.dma_semaphore, #tpu.memory_space<semaphore_mem>>
          %dma_start3A_556 = tpu.memref_slice %arg10[%mul3A_555] : memref<10240xi32, #tpu.memory_space<vmem>> -> memref<128xi32, #tpu.memory_space<vmem>>
          %dma_start3A_557 = arith.constant 0 : i32
          %dma_start3A_558 = arith.constant 0 : i32
          %dma_start3A_559 = tpu.memref_slice %arg13[%dma_start3A_557, %dma_start3A_558] : memref<5248x128xf32, #tpu.memory_space<vmem_shared>> -> memref<5248x128xf32, #tpu.memory_space<vmem_shared>>
          tpu.enqueue_indirect_dma source(%arg12 : memref<128x128xf32, #tpu.memory_space<vmem>>) target(%dma_start3A_559 : memref<5248x128xf32, #tpu.memory_space<vmem_shared>>) offsets(%dma_start3A_556 : memref<128xi32, #tpu.memory_space<vmem>>) semaphore(%run_scoped3A : memref<!tpu.dma_semaphore, #tpu.memory_space<semaphore_mem>>) {add = true}
          %dma_wait3A_560 = tpu.memref_slice %arg10[%mul3A_555] : memref<10240xi32, #tpu.memory_space<vmem>> -> memref<128xi32, #tpu.memory_space<vmem>>
          %dma_wait3A_561 = arith.constant 0 : i32
          %dma_wait3A_562 = arith.constant 0 : i32
          %dma_wait3A_563 = tpu.memref_slice %arg13[%dma_wait3A_561, %dma_wait3A_562] : memref<5248x128xf32, #tpu.memory_space<vmem_shared>> -> memref<5248x128xf32, #tpu.memory_space<vmem_shared>>
          tpu.wait_indirect_dma semaphore(%run_scoped3A : memref<!tpu.dma_semaphore, #tpu.memory_space<semaphore_mem>>) src(%arg12 : memref<128x128xf32, #tpu.memory_space<vmem>>) dst(%dma_wait3A_563 : memref<5248x128xf32, #tpu.memory_space<vmem_shared>>)
          tpu.yield
        }) : () -> ()
      }
      %while3A_475 = arith.constant 1 : i32
      scf.for %while3A_518 = %while3A_473 to %while3A_469 step %while3A_475  : i32 {
        %mul3A_519 = arith.constant 2 : i32
        %mul3A_520 = arith.muli %mul3A_519, %while3A_518 : i32
        %add3A_521 = arith.constant 1 : i32
        %add3A_522 = arith.addi %mul3A_520, %add3A_521 : i32
        %mul3A_523 = arith.constant 128 : i32
        %mul3A_524 = arith.muli %add3A_522, %mul3A_523 : i32
        %dma_start3A_525 = tpu.memref_slice %arg9[%mul3A_524] : memref<10240xi32, #tpu.memory_space<vmem>> -> memref<128xi32, #tpu.memory_space<vmem>>
        %dma_start3A_526 = arith.constant 0 : i32
        %dma_start3A_527 = arith.constant 0 : i32
        %dma_start3A_528 = tpu.memref_slice %arg2[%dma_start3A_526, %dma_start3A_527] : memref<20000x128xf32, #tpu.memory_space<hbm>> -> memref<20000x128xf32, #tpu.memory_space<hbm>>
        tpu.enqueue_indirect_dma source(%dma_start3A_528 : memref<20000x128xf32, #tpu.memory_space<hbm>>) target(%arg12 : memref<128x128xf32, #tpu.memory_space<vmem>>) offsets(%dma_start3A_525 : memref<128xi32, #tpu.memory_space<vmem>>) semaphore(%arg15 : memref<!tpu.dma_semaphore, #tpu.memory_space<semaphore_mem>>)
        %mul3A_529 = arith.constant 128 : i32
        %mul3A_530 = arith.muli %mul3A_520, %mul3A_529 : i32
        %dma_wait3A = tpu.memref_slice %arg9[%mul3A_530] : memref<10240xi32, #tpu.memory_space<vmem>> -> memref<128xi32, #tpu.memory_space<vmem>>
        %dma_wait3A_531 = arith.constant 0 : i32
        %dma_wait3A_532 = arith.constant 0 : i32
        %dma_wait3A_533 = tpu.memref_slice %arg2[%dma_wait3A_531, %dma_wait3A_532] : memref<20000x128xf32, #tpu.memory_space<hbm>> -> memref<20000x128xf32, #tpu.memory_space<hbm>>
        tpu.wait_indirect_dma semaphore(%arg14 : memref<!tpu.dma_semaphore, #tpu.memory_space<semaphore_mem>>) src(%dma_wait3A_533 : memref<20000x128xf32, #tpu.memory_space<hbm>>) dst(%arg11 : memref<128x128xf32, #tpu.memory_space<vmem>>)
        %mul3A_534 = arith.constant 128 : i32
        %mul3A_535 = arith.muli %mul3A_520, %mul3A_534 : i32
        "tpu.region"() ({
          %run_scoped3A = tpu.sem_alloc : memref<!tpu.dma_semaphore, #tpu.memory_space<semaphore_mem>>
          %dma_start3A_556 = tpu.memref_slice %arg10[%mul3A_535] : memref<10240xi32, #tpu.memory_space<vmem>> -> memref<128xi32, #tpu.memory_space<vmem>>
          %dma_start3A_557 = arith.constant 0 : i32
          %dma_start3A_558 = arith.constant 0 : i32
          %dma_start3A_559 = tpu.memref_slice %arg13[%dma_start3A_557, %dma_start3A_558] : memref<5248x128xf32, #tpu.memory_space<vmem_shared>> -> memref<5248x128xf32, #tpu.memory_space<vmem_shared>>
          tpu.enqueue_indirect_dma source(%arg11 : memref<128x128xf32, #tpu.memory_space<vmem>>) target(%dma_start3A_559 : memref<5248x128xf32, #tpu.memory_space<vmem_shared>>) offsets(%dma_start3A_556 : memref<128xi32, #tpu.memory_space<vmem>>) semaphore(%run_scoped3A : memref<!tpu.dma_semaphore, #tpu.memory_space<semaphore_mem>>) {add = true}
          %dma_wait3A_560 = tpu.memref_slice %arg10[%mul3A_535] : memref<10240xi32, #tpu.memory_space<vmem>> -> memref<128xi32, #tpu.memory_space<vmem>>
          %dma_wait3A_561 = arith.constant 0 : i32
          %dma_wait3A_562 = arith.constant 0 : i32
          %dma_wait3A_563 = tpu.memref_slice %arg13[%dma_wait3A_561, %dma_wait3A_562] : memref<5248x128xf32, #tpu.memory_space<vmem_shared>> -> memref<5248x128xf32, #tpu.memory_space<vmem_shared>>
          tpu.wait_indirect_dma semaphore(%run_scoped3A : memref<!tpu.dma_semaphore, #tpu.memory_space<semaphore_mem>>) src(%arg11 : memref<128x128xf32, #tpu.memory_space<vmem>>) dst(%dma_wait3A_563 : memref<5248x128xf32, #tpu.memory_space<vmem_shared>>)
          tpu.yield
        }) : () -> ()
        %add3A_536 = arith.constant 2 : i32
        %add3A_537 = arith.addi %mul3A_520, %add3A_536 : i32
        %mul3A_538 = arith.constant 128 : i32
        %mul3A_539 = arith.muli %add3A_537, %mul3A_538 : i32
        %dma_start3A_540 = tpu.memref_slice %arg9[%mul3A_539] : memref<10240xi32, #tpu.memory_space<vmem>> -> memref<128xi32, #tpu.memory_space<vmem>>
        %dma_start3A_541 = arith.constant 0 : i32
        %dma_start3A_542 = arith.constant 0 : i32
        %dma_start3A_543 = tpu.memref_slice %arg2[%dma_start3A_541, %dma_start3A_542] : memref<20000x128xf32, #tpu.memory_space<hbm>> -> memref<20000x128xf32, #tpu.memory_space<hbm>>
        tpu.enqueue_indirect_dma source(%dma_start3A_543 : memref<20000x128xf32, #tpu.memory_space<hbm>>) target(%arg11 : memref<128x128xf32, #tpu.memory_space<vmem>>) offsets(%dma_start3A_540 : memref<128xi32, #tpu.memory_space<vmem>>) semaphore(%arg14 : memref<!tpu.dma_semaphore, #tpu.memory_space<semaphore_mem>>)
        %add3A_544 = arith.constant 1 : i32
        %add3A_545 = arith.addi %mul3A_520, %add3A_544 : i32
        %mul3A_546 = arith.constant 128 : i32
        %mul3A_547 = arith.muli %add3A_545, %mul3A_546 : i32
        %dma_wait3A_548 = tpu.memref_slice %arg9[%mul3A_547] : memref<10240xi32, #tpu.memory_space<vmem>> -> memref<128xi32, #tpu.memory_space<vmem>>
        %dma_wait3A_549 = arith.constant 0 : i32
        %dma_wait3A_550 = arith.constant 0 : i32
        %dma_wait3A_551 = tpu.memref_slice %arg2[%dma_wait3A_549, %dma_wait3A_550] : memref<20000x128xf32, #tpu.memory_space<hbm>> -> memref<20000x128xf32, #tpu.memory_space<hbm>>
        tpu.wait_indirect_dma semaphore(%arg15 : memref<!tpu.dma_semaphore, #tpu.memory_space<semaphore_mem>>) src(%dma_wait3A_551 : memref<20000x128xf32, #tpu.memory_space<hbm>>) dst(%arg12 : memref<128x128xf32, #tpu.memory_space<vmem>>)
        %add3A_552 = arith.constant 1 : i32
        %add3A_553 = arith.addi %mul3A_520, %add3A_552 : i32
        %mul3A_554 = arith.constant 128 : i32
        %mul3A_555 = arith.muli %add3A_553, %mul3A_554 : i32
        "tpu.region"() ({
          %run_scoped3A = tpu.sem_alloc : memref<!tpu.dma_semaphore, #tpu.memory_space<semaphore_mem>>
          %dma_start3A_556 = tpu.memref_slice %arg10[%mul3A_555] : memref<10240xi32, #tpu.memory_space<vmem>> -> memref<128xi32, #tpu.memory_space<vmem>>
          %dma_start3A_557 = arith.constant 0 : i32
          %dma_start3A_558 = arith.constant 0 : i32
          %dma_start3A_559 = tpu.memref_slice %arg13[%dma_start3A_557, %dma_start3A_558] : memref<5248x128xf32, #tpu.memory_space<vmem_shared>> -> memref<5248x128xf32, #tpu.memory_space<vmem_shared>>
          tpu.enqueue_indirect_dma source(%arg12 : memref<128x128xf32, #tpu.memory_space<vmem>>) target(%dma_start3A_559 : memref<5248x128xf32, #tpu.memory_space<vmem_shared>>) offsets(%dma_start3A_556 : memref<128xi32, #tpu.memory_space<vmem>>) semaphore(%run_scoped3A : memref<!tpu.dma_semaphore, #tpu.memory_space<semaphore_mem>>) {add = true}
          %dma_wait3A_560 = tpu.memref_slice %arg10[%mul3A_555] : memref<10240xi32, #tpu.memory_space<vmem>> -> memref<128xi32, #tpu.memory_space<vmem>>
          %dma_wait3A_561 = arith.constant 0 : i32
          %dma_wait3A_562 = arith.constant 0 : i32
          %dma_wait3A_563 = tpu.memref_slice %arg13[%dma_wait3A_561, %dma_wait3A_562] : memref<5248x128xf32, #tpu.memory_space<vmem_shared>> -> memref<5248x128xf32, #tpu.memory_space<vmem_shared>>
          tpu.wait_indirect_dma semaphore(%run_scoped3A : memref<!tpu.dma_semaphore, #tpu.memory_space<semaphore_mem>>) src(%arg12 : memref<128x128xf32, #tpu.memory_space<vmem>>) dst(%dma_wait3A_563 : memref<5248x128xf32, #tpu.memory_space<vmem_shared>>)
          tpu.yield
        }) : () -> ()
      }
      %jit3A_476 = arith.constant 2 : i32
      %eq3A_477 = arith.constant 0 : i32
      %eq3A_478 = arith.cmpi eq, %jit3A_476, %eq3A_477 : i32
      %jit3A_479 = arith.constant 1 : i32
      %select_n3A_480 = arith.select %eq3A_478, %jit3A_479, %jit3A_476 : i32
      %rem3A_481 = arith.remsi %select_n3A_419, %select_n3A_480 : i32
      %ne3A_482 = arith.constant 0 : i32
      %ne3A_483 = arith.cmpi ne, %rem3A_481, %ne3A_482 : i32
      %lt3A_484 = arith.constant 0 : i32
      %lt3A_485 = arith.cmpi slt, %rem3A_481, %lt3A_484 : i32
      %lt3A_486 = arith.constant 0 : i32
      %lt3A_487 = arith.cmpi slt, %select_n3A_480, %lt3A_486 : i32
      %ne3A_488 = arith.xori %lt3A_485, %lt3A_487 : i1
      %and3A_489 = arith.andi %ne3A_488, %ne3A_483 : i1
      %add3A_490 = arith.addi %rem3A_481, %select_n3A_480 : i32
      %select_n3A_491 = arith.select %and3A_489, %add3A_490, %rem3A_481 : i32
      %eq3A_492 = arith.constant 1 : i32
      %eq3A_493 = arith.cmpi eq, %select_n3A_491, %eq3A_492 : i32
      %convert_element_type3A_494 = arith.extui %eq3A_493 : i1 to i32
      %cond3A_495 = arith.constant 0 : i32
      %cond3A_496 = arith.cmpi ne, %convert_element_type3A_494, %cond3A_495 : i32
      scf.if %cond3A_496 {
        %sub3A_518 = arith.constant 1 : i32
        %sub3A_519 = arith.subi %select_n3A_419, %sub3A_518 : i32
        %mul3A_520 = arith.constant 128 : i32
        %mul3A_521 = arith.muli %sub3A_519, %mul3A_520 : i32
        %dma_wait3A = tpu.memref_slice %arg9[%mul3A_521] : memref<10240xi32, #tpu.memory_space<vmem>> -> memref<128xi32, #tpu.memory_space<vmem>>
        %dma_wait3A_522 = arith.constant 0 : i32
        %dma_wait3A_523 = arith.constant 0 : i32
        %dma_wait3A_524 = tpu.memref_slice %arg2[%dma_wait3A_522, %dma_wait3A_523] : memref<20000x128xf32, #tpu.memory_space<hbm>> -> memref<20000x128xf32, #tpu.memory_space<hbm>>
        tpu.wait_indirect_dma semaphore(%arg14 : memref<!tpu.dma_semaphore, #tpu.memory_space<semaphore_mem>>) src(%dma_wait3A_524 : memref<20000x128xf32, #tpu.memory_space<hbm>>) dst(%arg11 : memref<128x128xf32, #tpu.memory_space<vmem>>)
        %sub3A_525 = arith.constant 1 : i32
        %sub3A_526 = arith.subi %select_n3A_419, %sub3A_525 : i32
        %mul3A_527 = arith.constant 128 : i32
        %mul3A_528 = arith.muli %sub3A_526, %mul3A_527 : i32
        "tpu.region"() ({
          %run_scoped3A = tpu.sem_alloc : memref<!tpu.dma_semaphore, #tpu.memory_space<semaphore_mem>>
          %dma_start3A_529 = tpu.memref_slice %arg10[%mul3A_528] : memref<10240xi32, #tpu.memory_space<vmem>> -> memref<128xi32, #tpu.memory_space<vmem>>
          %dma_start3A_530 = arith.constant 0 : i32
          %dma_start3A_531 = arith.constant 0 : i32
          %dma_start3A_532 = tpu.memref_slice %arg13[%dma_start3A_530, %dma_start3A_531] : memref<5248x128xf32, #tpu.memory_space<vmem_shared>> -> memref<5248x128xf32, #tpu.memory_space<vmem_shared>>
          tpu.enqueue_indirect_dma source(%arg11 : memref<128x128xf32, #tpu.memory_space<vmem>>) target(%dma_start3A_532 : memref<5248x128xf32, #tpu.memory_space<vmem_shared>>) offsets(%dma_start3A_529 : memref<128xi32, #tpu.memory_space<vmem>>) semaphore(%run_scoped3A : memref<!tpu.dma_semaphore, #tpu.memory_space<semaphore_mem>>) {add = true}
          %dma_wait3A_533 = tpu.memref_slice %arg10[%mul3A_528] : memref<10240xi32, #tpu.memory_space<vmem>> -> memref<128xi32, #tpu.memory_space<vmem>>
          %dma_wait3A_534 = arith.constant 0 : i32
          %dma_wait3A_535 = arith.constant 0 : i32
          %dma_wait3A_536 = tpu.memref_slice %arg13[%dma_wait3A_534, %dma_wait3A_535] : memref<5248x128xf32, #tpu.memory_space<vmem_shared>> -> memref<5248x128xf32, #tpu.memory_space<vmem_shared>>
          tpu.wait_indirect_dma semaphore(%run_scoped3A : memref<!tpu.dma_semaphore, #tpu.memory_space<semaphore_mem>>) src(%arg11 : memref<128x128xf32, #tpu.memory_space<vmem>>) dst(%dma_wait3A_536 : memref<5248x128xf32, #tpu.memory_space<vmem_shared>>)
          tpu.yield
        }) : () -> ()
      } else {
      }
      %jit3A_497 = arith.constant 2 : i32
      %eq3A_498 = arith.constant 0 : i32
      %eq3A_499 = arith.cmpi eq, %jit3A_497, %eq3A_498 : i32
      %jit3A_500 = arith.constant 1 : i32
      %select_n3A_501 = arith.select %eq3A_499, %jit3A_500, %jit3A_497 : i32
      %rem3A_502 = arith.remsi %select_n3A_419, %select_n3A_501 : i32
      %ne3A_503 = arith.constant 0 : i32
      %ne3A_504 = arith.cmpi ne, %rem3A_502, %ne3A_503 : i32
      %lt3A_505 = arith.constant 0 : i32
      %lt3A_506 = arith.cmpi slt, %rem3A_502, %lt3A_505 : i32
      %lt3A_507 = arith.constant 0 : i32
      %lt3A_508 = arith.cmpi slt, %select_n3A_501, %lt3A_507 : i32
      %ne3A_509 = arith.xori %lt3A_506, %lt3A_508 : i1
      %and3A_510 = arith.andi %ne3A_509, %ne3A_504 : i1
      %add3A_511 = arith.addi %rem3A_502, %select_n3A_501 : i32
      %select_n3A_512 = arith.select %and3A_510, %add3A_511, %rem3A_502 : i32
      %eq3A_513 = arith.constant 0 : i32
      %eq3A_514 = arith.cmpi eq, %select_n3A_512, %eq3A_513 : i32
      %convert_element_type3A_515 = arith.extui %eq3A_514 : i1 to i32
      %cond3A_516 = arith.constant 0 : i32
      %cond3A_517 = arith.cmpi ne, %convert_element_type3A_515, %cond3A_516 : i32
      scf.if %cond3A_517 {
        %sub3A_518 = arith.constant 1 : i32
        %sub3A_519 = arith.subi %select_n3A_419, %sub3A_518 : i32
        %mul3A_520 = arith.constant 128 : i32
        %mul3A_521 = arith.muli %sub3A_519, %mul3A_520 : i32
        %dma_start3A_522 = tpu.memref_slice %arg9[%mul3A_521] : memref<10240xi32, #tpu.memory_space<vmem>> -> memref<128xi32, #tpu.memory_space<vmem>>
        %dma_start3A_523 = arith.constant 0 : i32
        %dma_start3A_524 = arith.constant 0 : i32
        %dma_start3A_525 = tpu.memref_slice %arg2[%dma_start3A_523, %dma_start3A_524] : memref<20000x128xf32, #tpu.memory_space<hbm>> -> memref<20000x128xf32, #tpu.memory_space<hbm>>
        tpu.enqueue_indirect_dma source(%dma_start3A_525 : memref<20000x128xf32, #tpu.memory_space<hbm>>) target(%arg12 : memref<128x128xf32, #tpu.memory_space<vmem>>) offsets(%dma_start3A_522 : memref<128xi32, #tpu.memory_space<vmem>>) semaphore(%arg15 : memref<!tpu.dma_semaphore, #tpu.memory_space<semaphore_mem>>)
        %sub3A_526 = arith.constant 2 : i32
        %sub3A_527 = arith.subi %select_n3A_419, %sub3A_526 : i32
        %mul3A_528 = arith.constant 128 : i32
        %mul3A_529 = arith.muli %sub3A_527, %mul3A_528 : i32
        %dma_wait3A = tpu.memref_slice %arg9[%mul3A_529] : memref<10240xi32, #tpu.memory_space<vmem>> -> memref<128xi32, #tpu.memory_space<vmem>>
        %dma_wait3A_530 = arith.constant 0 : i32
        %dma_wait3A_531 = arith.constant 0 : i32
        %dma_wait3A_532 = tpu.memref_slice %arg2[%dma_wait3A_530, %dma_wait3A_531] : memref<20000x128xf32, #tpu.memory_space<hbm>> -> memref<20000x128xf32, #tpu.memory_space<hbm>>
        tpu.wait_indirect_dma semaphore(%arg14 : memref<!tpu.dma_semaphore, #tpu.memory_space<semaphore_mem>>) src(%dma_wait3A_532 : memref<20000x128xf32, #tpu.memory_space<hbm>>) dst(%arg11 : memref<128x128xf32, #tpu.memory_space<vmem>>)
        %sub3A_533 = arith.constant 2 : i32
        %sub3A_534 = arith.subi %select_n3A_419, %sub3A_533 : i32
        %mul3A_535 = arith.constant 128 : i32
        %mul3A_536 = arith.muli %sub3A_534, %mul3A_535 : i32
        "tpu.region"() ({
          %run_scoped3A = tpu.sem_alloc : memref<!tpu.dma_semaphore, #tpu.memory_space<semaphore_mem>>
          %dma_start3A_549 = tpu.memref_slice %arg10[%mul3A_536] : memref<10240xi32, #tpu.memory_space<vmem>> -> memref<128xi32, #tpu.memory_space<vmem>>
          %dma_start3A_550 = arith.constant 0 : i32
          %dma_start3A_551 = arith.constant 0 : i32
          %dma_start3A_552 = tpu.memref_slice %arg13[%dma_start3A_550, %dma_start3A_551] : memref<5248x128xf32, #tpu.memory_space<vmem_shared>> -> memref<5248x128xf32, #tpu.memory_space<vmem_shared>>
          tpu.enqueue_indirect_dma source(%arg11 : memref<128x128xf32, #tpu.memory_space<vmem>>) target(%dma_start3A_552 : memref<5248x128xf32, #tpu.memory_space<vmem_shared>>) offsets(%dma_start3A_549 : memref<128xi32, #tpu.memory_space<vmem>>) semaphore(%run_scoped3A : memref<!tpu.dma_semaphore, #tpu.memory_space<semaphore_mem>>) {add = true}
          %dma_wait3A_553 = tpu.memref_slice %arg10[%mul3A_536] : memref<10240xi32, #tpu.memory_space<vmem>> -> memref<128xi32, #tpu.memory_space<vmem>>
          %dma_wait3A_554 = arith.constant 0 : i32
          %dma_wait3A_555 = arith.constant 0 : i32
          %dma_wait3A_556 = tpu.memref_slice %arg13[%dma_wait3A_554, %dma_wait3A_555] : memref<5248x128xf32, #tpu.memory_space<vmem_shared>> -> memref<5248x128xf32, #tpu.memory_space<vmem_shared>>
          tpu.wait_indirect_dma semaphore(%run_scoped3A : memref<!tpu.dma_semaphore, #tpu.memory_space<semaphore_mem>>) src(%arg11 : memref<128x128xf32, #tpu.memory_space<vmem>>) dst(%dma_wait3A_556 : memref<5248x128xf32, #tpu.memory_space<vmem_shared>>)
          tpu.yield
        }) : () -> ()
        %sub3A_537 = arith.constant 1 : i32
        %sub3A_538 = arith.subi %select_n3A_419, %sub3A_537 : i32
        %mul3A_539 = arith.constant 128 : i32
        %mul3A_540 = arith.muli %sub3A_538, %mul3A_539 : i32
        %dma_wait3A_541 = tpu.memref_slice %arg9[%mul3A_540] : memref<10240xi32, #tpu.memory_space<vmem>> -> memref<128xi32, #tpu.memory_space<vmem>>
        %dma_wait3A_542 = arith.constant 0 : i32
        %dma_wait3A_543 = arith.constant 0 : i32
        %dma_wait3A_544 = tpu.memref_slice %arg2[%dma_wait3A_542, %dma_wait3A_543] : memref<20000x128xf32, #tpu.memory_space<hbm>> -> memref<20000x128xf32, #tpu.memory_space<hbm>>
        tpu.wait_indirect_dma semaphore(%arg15 : memref<!tpu.dma_semaphore, #tpu.memory_space<semaphore_mem>>) src(%dma_wait3A_544 : memref<20000x128xf32, #tpu.memory_space<hbm>>) dst(%arg12 : memref<128x128xf32, #tpu.memory_space<vmem>>)
        %sub3A_545 = arith.constant 1 : i32
        %sub3A_546 = arith.subi %select_n3A_419, %sub3A_545 : i32
        %mul3A_547 = arith.constant 128 : i32
        %mul3A_548 = arith.muli %sub3A_546, %mul3A_547 : i32
        "tpu.region"() ({
          %run_scoped3A = tpu.sem_alloc : memref<!tpu.dma_semaphore, #tpu.memory_space<semaphore_mem>>
          %dma_start3A_549 = tpu.memref_slice %arg10[%mul3A_548] : memref<10240xi32, #tpu.memory_space<vmem>> -> memref<128xi32, #tpu.memory_space<vmem>>
          %dma_start3A_550 = arith.constant 0 : i32
          %dma_start3A_551 = arith.constant 0 : i32
          %dma_start3A_552 = tpu.memref_slice %arg13[%dma_start3A_550, %dma_start3A_551] : memref<5248x128xf32, #tpu.memory_space<vmem_shared>> -> memref<5248x128xf32, #tpu.memory_space<vmem_shared>>
          tpu.enqueue_indirect_dma source(%arg12 : memref<128x128xf32, #tpu.memory_space<vmem>>) target(%dma_start3A_552 : memref<5248x128xf32, #tpu.memory_space<vmem_shared>>) offsets(%dma_start3A_549 : memref<128xi32, #tpu.memory_space<vmem>>) semaphore(%run_scoped3A : memref<!tpu.dma_semaphore, #tpu.memory_space<semaphore_mem>>) {add = true}
          %dma_wait3A_553 = tpu.memref_slice %arg10[%mul3A_548] : memref<10240xi32, #tpu.memory_space<vmem>> -> memref<128xi32, #tpu.memory_space<vmem>>
          %dma_wait3A_554 = arith.constant 0 : i32
          %dma_wait3A_555 = arith.constant 0 : i32
          %dma_wait3A_556 = tpu.memref_slice %arg13[%dma_wait3A_554, %dma_wait3A_555] : memref<5248x128xf32, #tpu.memory_space<vmem_shared>> -> memref<5248x128xf32, #tpu.memory_space<vmem_shared>>
          tpu.wait_indirect_dma semaphore(%run_scoped3A : memref<!tpu.dma_semaphore, #tpu.memory_space<semaphore_mem>>) src(%arg12 : memref<128x128xf32, #tpu.memory_space<vmem>>) dst(%dma_wait3A_556 : memref<5248x128xf32, #tpu.memory_space<vmem_shared>>)
          tpu.yield
        }) : () -> ()
      } else {
      }
    } else {
    }
    %barrier3A_425 = arith.constant 0 : index
    tpu.barrier barrier_id(%barrier3A_425)
    %lt3A_426 = arith.constant 15 : i32
    %lt3A_427 = arith.cmpi slt, %arg1, %lt3A_426 : i32
    %convert_element_type3A_428 = arith.extui %lt3A_427 : i1 to i32
    %cond3A_429 = arith.constant 0 : i32
    %cond3A_430 = arith.cmpi ne, %convert_element_type3A_428, %cond3A_429 : i32
    scf.if %cond3A_430 {
      %mul3A_437 = arith.constant 320 : i32
      %mul3A_438 = arith.muli %arg1, %mul3A_437 : i32
      %mul3A_439 = arith.constant 320 : i32
      %mul3A_440 = arith.muli %arg1, %mul3A_439 : i32
      %add3A_441 = arith.constant 5056 : i32
      %add3A_442 = arith.addi %add3A_441, %mul3A_440 : i32
      "tpu.region"() ({
        %run_scoped3A = tpu.sem_alloc : memref<!tpu.dma_semaphore, #tpu.memory_space<semaphore_mem>>
        %dma_start3A = arith.constant 0 : i32
        %dma_start3A_443 = tpu.memref_slice %arg6[%arg0, %add3A_442, %dma_start3A] : memref<2x10112x128xf32, #tpu.memory_space<hbm>> -> memref<1x320x128xf32, #tpu.memory_space<hbm>>
        %dma_start3A_444 = tpu.memref_squeeze %dma_start3A_443 : memref<1x320x128xf32, #tpu.memory_space<hbm>> -> memref<320x128xf32, #tpu.memory_space<hbm>>
        %dma_start3A_445 = arith.constant 0 : i32
        %dma_start3A_446 = tpu.memref_slice %arg13[%mul3A_438, %dma_start3A_445] : memref<5248x128xf32, #tpu.memory_space<vmem_shared>> -> memref<320x128xf32, #tpu.memory_space<vmem_shared>>
        tpu.enqueue_dma source(%dma_start3A_446 : memref<320x128xf32, #tpu.memory_space<vmem_shared>>) target(%dma_start3A_444 : memref<320x128xf32, #tpu.memory_space<hbm>>) target_semaphore(%run_scoped3A : memref<!tpu.dma_semaphore, #tpu.memory_space<semaphore_mem>>)
        %dma_wait3A = arith.constant 0 : i32
        %dma_wait3A_447 = tpu.memref_slice %arg6[%arg0, %add3A_442, %dma_wait3A] : memref<2x10112x128xf32, #tpu.memory_space<hbm>> -> memref<1x320x128xf32, #tpu.memory_space<hbm>>
        %dma_wait3A_448 = tpu.memref_squeeze %dma_wait3A_447 : memref<1x320x128xf32, #tpu.memory_space<hbm>> -> memref<320x128xf32, #tpu.memory_space<hbm>>
        %dma_wait3A_449 = arith.constant 0 : i32
        %dma_wait3A_450 = tpu.memref_slice %arg13[%mul3A_438, %dma_wait3A_449] : memref<5248x128xf32, #tpu.memory_space<vmem_shared>> -> memref<320x128xf32, #tpu.memory_space<vmem_shared>>
        tpu.wait_dma2 semaphore(%run_scoped3A : memref<!tpu.dma_semaphore, #tpu.memory_space<semaphore_mem>>) src(%dma_wait3A_450 : memref<320x128xf32, #tpu.memory_space<vmem_shared>>) dst(%dma_wait3A_448 : memref<320x128xf32, #tpu.memory_space<hbm>>)
        tpu.yield
      }) : () -> ()
    } else {
    }
    %eq3A_431 = arith.constant 15 : i32
    %eq3A_432 = arith.cmpi eq, %arg1, %eq3A_431 : i32
    %convert_element_type3A_433 = arith.extui %eq3A_432 : i1 to i32
    %cond3A_434 = arith.constant 0 : i32
    %cond3A_435 = arith.cmpi ne, %convert_element_type3A_433, %cond3A_434 : i32
    scf.if %cond3A_435 {
      "tpu.region"() ({
        %run_scoped3A = tpu.sem_alloc : memref<!tpu.dma_semaphore, #tpu.memory_space<semaphore_mem>>
        %dma_start3A = arith.constant 9856 : i32
        %dma_start3A_437 = arith.constant 0 : i32
        %dma_start3A_438 = tpu.memref_slice %arg6[%arg0, %dma_start3A, %dma_start3A_437] : memref<2x10112x128xf32, #tpu.memory_space<hbm>> -> memref<1x256x128xf32, #tpu.memory_space<hbm>>
        %dma_start3A_439 = tpu.memref_squeeze %dma_start3A_438 : memref<1x256x128xf32, #tpu.memory_space<hbm>> -> memref<256x128xf32, #tpu.memory_space<hbm>>
        %dma_start3A_440 = arith.constant 4800 : i32
        %dma_start3A_441 = arith.constant 0 : i32
        %dma_start3A_442 = tpu.memref_slice %arg13[%dma_start3A_440, %dma_start3A_441] : memref<5248x128xf32, #tpu.memory_space<vmem_shared>> -> memref<256x128xf32, #tpu.memory_space<vmem_shared>>
        tpu.enqueue_dma source(%dma_start3A_442 : memref<256x128xf32, #tpu.memory_space<vmem_shared>>) target(%dma_start3A_439 : memref<256x128xf32, #tpu.memory_space<hbm>>) target_semaphore(%run_scoped3A : memref<!tpu.dma_semaphore, #tpu.memory_space<semaphore_mem>>)
        %dma_wait3A = arith.constant 9856 : i32
        %dma_wait3A_443 = arith.constant 0 : i32
        %dma_wait3A_444 = tpu.memref_slice %arg6[%arg0, %dma_wait3A, %dma_wait3A_443] : memref<2x10112x128xf32, #tpu.memory_space<hbm>> -> memref<1x256x128xf32, #tpu.memory_space<hbm>>
        %dma_wait3A_445 = tpu.memref_squeeze %dma_wait3A_444 : memref<1x256x128xf32, #tpu.memory_space<hbm>> -> memref<256x128xf32, #tpu.memory_space<hbm>>
        %dma_wait3A_446 = arith.constant 4800 : i32
        %dma_wait3A_447 = arith.constant 0 : i32
        %dma_wait3A_448 = tpu.memref_slice %arg13[%dma_wait3A_446, %dma_wait3A_447] : memref<5248x128xf32, #tpu.memory_space<vmem_shared>> -> memref<256x128xf32, #tpu.memory_space<vmem_shared>>
        tpu.wait_dma2 semaphore(%run_scoped3A : memref<!tpu.dma_semaphore, #tpu.memory_space<semaphore_mem>>) src(%dma_wait3A_448 : memref<256x128xf32, #tpu.memory_space<vmem_shared>>) dst(%dma_wait3A_445 : memref<256x128xf32, #tpu.memory_space<hbm>>)
        tpu.yield
      }) : () -> ()
    } else {
    }
    %barrier3A_436 = arith.constant 0 : index
    tpu.barrier barrier_id(%barrier3A_436)
    return
  }
}

#map = affine_map<(d0, d1) -> (0, 0, 0, 0)>
#map1 = affine_map<(d0, d1) -> (0, 0)>
#map2 = affine_map<(d0, d1) -> (0, 0, 0)>
module attributes {stable_mosaic.version = 14 : i64} {
  func.func @_deg_kernel(%arg0: i32, %arg1: i32, %arg2: memref<2x16x40x128xi32, #tpu.memory_space<hbm>>, %arg3: memref<128x8xf32, #tpu.memory_space<hbm>>, %arg4: memref<10112x8xf32, #tpu.memory_space<hbm>>, %arg5: memref<2x10112x8xf32, #tpu.memory_space<hbm>>, %arg6: memref<40x128xi32, #tpu.memory_space<vmem>>, %arg7: memref<128x8xf32, #tpu.memory_space<vmem>>, %arg8: memref<10112x8xf32, #tpu.memory_space<vmem_shared>>) attributes {dimension_semantics = [#tpu.dimension_semantics<core_parallel>, #tpu.dimension_semantics<subcore_parallel>], iteration_bounds = array<i64: 2, 16>, scalar_prefetch = 0 : i64, scratch_operands = 3 : i64, tpu.core_type = #tpu.core_type<sc_vector_subcore>, window_params = [{transform_indices = #map}, {transform_indices = #map1}, {transform_indices = #map1}, {transform_indices = #map2}]} {
    %mul3A = arith.constant 632 : i32
    %mul3A_0 = arith.muli %arg1, %mul3A : i32
    "tpu.region"() ({
      %run_scoped3A = tpu.sem_alloc : memref<!tpu.dma_semaphore, #tpu.memory_space<semaphore_mem>>
      %dma_start3A = arith.constant 0 : i32
      %dma_start3A_6 = tpu.memref_slice %arg8[%mul3A_0, %dma_start3A] : memref<10112x8xf32, #tpu.memory_space<vmem_shared>> -> memref<632x8xf32, #tpu.memory_space<vmem_shared>>
      %dma_start3A_7 = arith.constant 0 : i32
      %dma_start3A_8 = tpu.memref_slice %arg4[%mul3A_0, %dma_start3A_7] : memref<10112x8xf32, #tpu.memory_space<hbm>> -> memref<632x8xf32, #tpu.memory_space<hbm>>
      tpu.enqueue_dma source(%dma_start3A_8 : memref<632x8xf32, #tpu.memory_space<hbm>>) target(%dma_start3A_6 : memref<632x8xf32, #tpu.memory_space<vmem_shared>>) target_semaphore(%run_scoped3A : memref<!tpu.dma_semaphore, #tpu.memory_space<semaphore_mem>>)
      %dma_wait3A = arith.constant 0 : i32
      %dma_wait3A_9 = tpu.memref_slice %arg8[%mul3A_0, %dma_wait3A] : memref<10112x8xf32, #tpu.memory_space<vmem_shared>> -> memref<632x8xf32, #tpu.memory_space<vmem_shared>>
      %dma_wait3A_10 = arith.constant 0 : i32
      %dma_wait3A_11 = tpu.memref_slice %arg4[%mul3A_0, %dma_wait3A_10] : memref<10112x8xf32, #tpu.memory_space<hbm>> -> memref<632x8xf32, #tpu.memory_space<hbm>>
      tpu.wait_dma2 semaphore(%run_scoped3A : memref<!tpu.dma_semaphore, #tpu.memory_space<semaphore_mem>>) src(%dma_wait3A_11 : memref<632x8xf32, #tpu.memory_space<hbm>>) dst(%dma_wait3A_9 : memref<632x8xf32, #tpu.memory_space<vmem_shared>>)
      tpu.yield
    }) : () -> ()
    "tpu.region"() ({
      %run_scoped3A = tpu.sem_alloc : memref<!tpu.dma_semaphore, #tpu.memory_space<semaphore_mem>>
      tpu.enqueue_dma source(%arg3 : memref<128x8xf32, #tpu.memory_space<hbm>>) target(%arg7 : memref<128x8xf32, #tpu.memory_space<vmem>>) target_semaphore(%run_scoped3A : memref<!tpu.dma_semaphore, #tpu.memory_space<semaphore_mem>>)
      tpu.wait_dma2 semaphore(%run_scoped3A : memref<!tpu.dma_semaphore, #tpu.memory_space<semaphore_mem>>) src(%arg3 : memref<128x8xf32, #tpu.memory_space<hbm>>) dst(%arg7 : memref<128x8xf32, #tpu.memory_space<vmem>>)
      tpu.yield
    }) : () -> ()
    "tpu.region"() ({
      %run_scoped3A = tpu.sem_alloc : memref<!tpu.dma_semaphore, #tpu.memory_space<semaphore_mem>>
      %dma_start3A = arith.constant 0 : i32
      %dma_start3A_6 = arith.constant 0 : i32
      %dma_start3A_7 = tpu.memref_slice %arg2[%arg0, %arg1, %dma_start3A, %dma_start3A_6] : memref<2x16x40x128xi32, #tpu.memory_space<hbm>> -> memref<1x1x40x128xi32, #tpu.memory_space<hbm>>
      %dma_start3A_8 = tpu.memref_squeeze %dma_start3A_7 : memref<1x1x40x128xi32, #tpu.memory_space<hbm>> -> memref<40x128xi32, #tpu.memory_space<hbm>>
      %dma_start3A_9 = arith.constant 0 : i32
      %dma_start3A_10 = arith.constant 0 : i32
      %dma_start3A_11 = tpu.memref_slice %arg2[%arg0, %arg1, %dma_start3A_9, %dma_start3A_10] : memref<2x16x40x128xi32, #tpu.memory_space<hbm>> -> memref<1x1x40x128xi32, #tpu.memory_space<hbm>>
      %dma_start3A_12 = tpu.memref_squeeze %dma_start3A_11 : memref<1x1x40x128xi32, #tpu.memory_space<hbm>> -> memref<40x128xi32, #tpu.memory_space<hbm>>
      tpu.enqueue_dma source(%dma_start3A_12 : memref<40x128xi32, #tpu.memory_space<hbm>>) target(%arg6 : memref<40x128xi32, #tpu.memory_space<vmem>>) target_semaphore(%run_scoped3A : memref<!tpu.dma_semaphore, #tpu.memory_space<semaphore_mem>>)
      %dma_wait3A = arith.constant 0 : i32
      %dma_wait3A_13 = arith.constant 0 : i32
      %dma_wait3A_14 = tpu.memref_slice %arg2[%arg0, %arg1, %dma_wait3A, %dma_wait3A_13] : memref<2x16x40x128xi32, #tpu.memory_space<hbm>> -> memref<1x1x40x128xi32, #tpu.memory_space<hbm>>
      %dma_wait3A_15 = tpu.memref_squeeze %dma_wait3A_14 : memref<1x1x40x128xi32, #tpu.memory_space<hbm>> -> memref<40x128xi32, #tpu.memory_space<hbm>>
      %dma_wait3A_16 = arith.constant 0 : i32
      %dma_wait3A_17 = arith.constant 0 : i32
      %dma_wait3A_18 = tpu.memref_slice %arg2[%arg0, %arg1, %dma_wait3A_16, %dma_wait3A_17] : memref<2x16x40x128xi32, #tpu.memory_space<hbm>> -> memref<1x1x40x128xi32, #tpu.memory_space<hbm>>
      %dma_wait3A_19 = tpu.memref_squeeze %dma_wait3A_18 : memref<1x1x40x128xi32, #tpu.memory_space<hbm>> -> memref<40x128xi32, #tpu.memory_space<hbm>>
      tpu.wait_dma2 semaphore(%run_scoped3A : memref<!tpu.dma_semaphore, #tpu.memory_space<semaphore_mem>>) src(%dma_wait3A_19 : memref<40x128xi32, #tpu.memory_space<hbm>>) dst(%arg6 : memref<40x128xi32, #tpu.memory_space<vmem>>)
      tpu.yield
    }) : () -> ()
    %barrier3A = arith.constant 0 : index
    tpu.barrier barrier_id(%barrier3A)
    %scan3A = arith.constant 0 : i32
    %scan3A_1 = arith.constant 40 : i32
    %scan3A_2 = arith.addi %scan3A, %scan3A_1 : i32
    %scan3A_3 = arith.constant 1 : i32
    scf.for %scan3A_6 = %scan3A to %scan3A_2 step %scan3A_3  : i32 {
      %mul3A_7 = arith.constant 1 : i32
      %mul3A_8 = arith.muli %scan3A_6, %mul3A_7 : i32
      %add3A = arith.constant 0 : i32
      %add3A_9 = arith.addi %add3A, %mul3A_8 : i32
      "tpu.region"() ({
        %run_scoped3A = tpu.sem_alloc : memref<!tpu.dma_semaphore, #tpu.memory_space<semaphore_mem>>
        %dma_start3A = arith.constant 0 : i32
        %dma_start3A_10 = tpu.memref_slice %arg6[%add3A_9, %dma_start3A] : memref<40x128xi32, #tpu.memory_space<vmem>> -> memref<1x128xi32, #tpu.memory_space<vmem>>
        %dma_start3A_11 = tpu.memref_squeeze %dma_start3A_10 : memref<1x128xi32, #tpu.memory_space<vmem>> -> memref<128xi32, #tpu.memory_space<vmem>>
        %dma_start3A_12 = arith.constant 0 : i32
        %dma_start3A_13 = arith.constant 0 : i32
        %dma_start3A_14 = tpu.memref_slice %arg8[%dma_start3A_12, %dma_start3A_13] : memref<10112x8xf32, #tpu.memory_space<vmem_shared>> -> memref<10112x8xf32, #tpu.memory_space<vmem_shared>>
        tpu.enqueue_indirect_dma source(%arg7 : memref<128x8xf32, #tpu.memory_space<vmem>>) target(%dma_start3A_14 : memref<10112x8xf32, #tpu.memory_space<vmem_shared>>) offsets(%dma_start3A_11 : memref<128xi32, #tpu.memory_space<vmem>>) semaphore(%run_scoped3A : memref<!tpu.dma_semaphore, #tpu.memory_space<semaphore_mem>>) {add = true}
        %dma_wait3A = arith.constant 0 : i32
        %dma_wait3A_15 = tpu.memref_slice %arg6[%add3A_9, %dma_wait3A] : memref<40x128xi32, #tpu.memory_space<vmem>> -> memref<1x128xi32, #tpu.memory_space<vmem>>
        %dma_wait3A_16 = tpu.memref_squeeze %dma_wait3A_15 : memref<1x128xi32, #tpu.memory_space<vmem>> -> memref<128xi32, #tpu.memory_space<vmem>>
        %dma_wait3A_17 = arith.constant 0 : i32
        %dma_wait3A_18 = arith.constant 0 : i32
        %dma_wait3A_19 = tpu.memref_slice %arg8[%dma_wait3A_17, %dma_wait3A_18] : memref<10112x8xf32, #tpu.memory_space<vmem_shared>> -> memref<10112x8xf32, #tpu.memory_space<vmem_shared>>
        tpu.wait_indirect_dma semaphore(%run_scoped3A : memref<!tpu.dma_semaphore, #tpu.memory_space<semaphore_mem>>) src(%arg7 : memref<128x8xf32, #tpu.memory_space<vmem>>) dst(%dma_wait3A_19 : memref<10112x8xf32, #tpu.memory_space<vmem_shared>>)
        tpu.yield
      }) : () -> ()
    }
    %scan3A_4 = arith.constant 40 : i32
    %barrier3A_5 = arith.constant 0 : index
    tpu.barrier barrier_id(%barrier3A_5)
    "tpu.region"() ({
      %run_scoped3A = tpu.sem_alloc : memref<!tpu.dma_semaphore, #tpu.memory_space<semaphore_mem>>
      %dma_start3A = arith.constant 0 : i32
      %dma_start3A_6 = tpu.memref_slice %arg5[%arg0, %mul3A_0, %dma_start3A] : memref<2x10112x8xf32, #tpu.memory_space<hbm>> -> memref<1x632x8xf32, #tpu.memory_space<hbm>>
      %dma_start3A_7 = tpu.memref_squeeze %dma_start3A_6 : memref<1x632x8xf32, #tpu.memory_space<hbm>> -> memref<632x8xf32, #tpu.memory_space<hbm>>
      %dma_start3A_8 = arith.constant 0 : i32
      %dma_start3A_9 = tpu.memref_slice %arg8[%mul3A_0, %dma_start3A_8] : memref<10112x8xf32, #tpu.memory_space<vmem_shared>> -> memref<632x8xf32, #tpu.memory_space<vmem_shared>>
      tpu.enqueue_dma source(%dma_start3A_9 : memref<632x8xf32, #tpu.memory_space<vmem_shared>>) target(%dma_start3A_7 : memref<632x8xf32, #tpu.memory_space<hbm>>) target_semaphore(%run_scoped3A : memref<!tpu.dma_semaphore, #tpu.memory_space<semaphore_mem>>)
      %dma_wait3A = arith.constant 0 : i32
      %dma_wait3A_10 = tpu.memref_slice %arg5[%arg0, %mul3A_0, %dma_wait3A] : memref<2x10112x8xf32, #tpu.memory_space<hbm>> -> memref<1x632x8xf32, #tpu.memory_space<hbm>>
      %dma_wait3A_11 = tpu.memref_squeeze %dma_wait3A_10 : memref<1x632x8xf32, #tpu.memory_space<hbm>> -> memref<632x8xf32, #tpu.memory_space<hbm>>
      %dma_wait3A_12 = arith.constant 0 : i32
      %dma_wait3A_13 = tpu.memref_slice %arg8[%mul3A_0, %dma_wait3A_12] : memref<10112x8xf32, #tpu.memory_space<vmem_shared>> -> memref<632x8xf32, #tpu.memory_space<vmem_shared>>
      tpu.wait_dma2 semaphore(%run_scoped3A : memref<!tpu.dma_semaphore, #tpu.memory_space<semaphore_mem>>) src(%dma_wait3A_13 : memref<632x8xf32, #tpu.memory_space<vmem_shared>>) dst(%dma_wait3A_11 : memref<632x8xf32, #tpu.memory_space<hbm>>)
      tpu.yield
    }) : () -> ()
    return
  }
}

#map = affine_map<(d0, d1) -> (0, 0)>
#map1 = affine_map<(d0, d1) -> (0, 0, 0)>
module attributes {stable_mosaic.version = 14 : i64} {
  func.func @_agg_kernel(%arg0: i32, %arg1: i32, %arg2: memref<20000x128xf32, #tpu.memory_space<hbm>>, %arg3: memref<16x10112xi32, #tpu.memory_space<hbm>>, %arg4: memref<16x10112xi32, #tpu.memory_space<hbm>>, %arg5: memref<5248x128xf32, #tpu.memory_space<hbm>>, %arg6: memref<2x10112x128xf32, #tpu.memory_space<hbm>>, %arg7: memref<10240xi32, #tpu.memory_space<vmem>>, %arg8: memref<10240xi32, #tpu.memory_space<vmem>>, %arg9: memref<10240xi32, #tpu.memory_space<vmem>>, %arg10: memref<10240xi32, #tpu.memory_space<vmem>>, %arg11: memref<128x128xf32, #tpu.memory_space<vmem>>, %arg12: memref<128x128xf32, #tpu.memory_space<vmem>>, %arg13: memref<5248x128xf32, #tpu.memory_space<vmem_shared>>, %arg14: memref<!tpu.dma_semaphore, #tpu.memory_space<semaphore_mem>>, %arg15: memref<!tpu.dma_semaphore, #tpu.memory_space<semaphore_mem>>) attributes {dimension_semantics = [#tpu.dimension_semantics<core_parallel>, #tpu.dimension_semantics<subcore_parallel>], iteration_bounds = array<i64: 2, 16>, scalar_prefetch = 0 : i64, scratch_operands = 9 : i64, tpu.core_type = #tpu.core_type<sc_vector_subcore>, window_params = [{transform_indices = #map}, {transform_indices = #map}, {transform_indices = #map}, {transform_indices = #map}, {transform_indices = #map1}]} {
    %mul3A = arith.constant 10000 : i32
    %mul3A_0 = arith.muli %arg0, %mul3A : i32
    "tpu.region"() ({
      %run_scoped3A = tpu.sem_alloc : memref<!tpu.dma_semaphore, #tpu.memory_space<semaphore_mem>>
      %dma_start3A = arith.constant 0 : i32
      %dma_start3A_437 = tpu.memref_slice %arg7[%dma_start3A] : memref<10240xi32, #tpu.memory_space<vmem>> -> memref<10112xi32, #tpu.memory_space<vmem>>
      %dma_start3A_438 = arith.constant 0 : i32
      %dma_start3A_439 = tpu.memref_slice %arg3[%arg1, %dma_start3A_438] : memref<16x10112xi32, #tpu.memory_space<hbm>> -> memref<1x10112xi32, #tpu.memory_space<hbm>>
      %dma_start3A_440 = tpu.memref_squeeze %dma_start3A_439 : memref<1x10112xi32, #tpu.memory_space<hbm>> -> memref<10112xi32, #tpu.memory_space<hbm>>
      %dma_start3A_441 = arith.constant 0 : i32
      %dma_start3A_442 = tpu.memref_slice %arg7[%dma_start3A_441] : memref<10240xi32, #tpu.memory_space<vmem>> -> memref<10112xi32, #tpu.memory_space<vmem>>
      %dma_start3A_443 = arith.constant 0 : i32
      %dma_start3A_444 = tpu.memref_slice %arg3[%arg1, %dma_start3A_443] : memref<16x10112xi32, #tpu.memory_space<hbm>> -> memref<1x10112xi32, #tpu.memory_space<hbm>>
      %dma_start3A_445 = tpu.memref_squeeze %dma_start3A_444 : memref<1x10112xi32, #tpu.memory_space<hbm>> -> memref<10112xi32, #tpu.memory_space<hbm>>
      tpu.enqueue_dma source(%dma_start3A_445 : memref<10112xi32, #tpu.memory_space<hbm>>) target(%dma_start3A_442 : memref<10112xi32, #tpu.memory_space<vmem>>) target_semaphore(%run_scoped3A : memref<!tpu.dma_semaphore, #tpu.memory_space<semaphore_mem>>)
      %dma_wait3A = arith.constant 0 : i32
      %dma_wait3A_446 = tpu.memref_slice %arg7[%dma_wait3A] : memref<10240xi32, #tpu.memory_space<vmem>> -> memref<10112xi32, #tpu.memory_space<vmem>>
      %dma_wait3A_447 = arith.constant 0 : i32
      %dma_wait3A_448 = tpu.memref_slice %arg3[%arg1, %dma_wait3A_447] : memref<16x10112xi32, #tpu.memory_space<hbm>> -> memref<1x10112xi32, #tpu.memory_space<hbm>>
      %dma_wait3A_449 = tpu.memref_squeeze %dma_wait3A_448 : memref<1x10112xi32, #tpu.memory_space<hbm>> -> memref<10112xi32, #tpu.memory_space<hbm>>
      %dma_wait3A_450 = arith.constant 0 : i32
      %dma_wait3A_451 = tpu.memref_slice %arg7[%dma_wait3A_450] : memref<10240xi32, #tpu.memory_space<vmem>> -> memref<10112xi32, #tpu.memory_space<vmem>>
      %dma_wait3A_452 = arith.constant 0 : i32
      %dma_wait3A_453 = tpu.memref_slice %arg3[%arg1, %dma_wait3A_452] : memref<16x10112xi32, #tpu.memory_space<hbm>> -> memref<1x10112xi32, #tpu.memory_space<hbm>>
      %dma_wait3A_454 = tpu.memref_squeeze %dma_wait3A_453 : memref<1x10112xi32, #tpu.memory_space<hbm>> -> memref<10112xi32, #tpu.memory_space<hbm>>
      tpu.wait_dma2 semaphore(%run_scoped3A : memref<!tpu.dma_semaphore, #tpu.memory_space<semaphore_mem>>) src(%dma_wait3A_454 : memref<10112xi32, #tpu.memory_space<hbm>>) dst(%dma_wait3A_451 : memref<10112xi32, #tpu.memory_space<vmem>>)
      tpu.yield
    }) : () -> ()
    "tpu.region"() ({
      %run_scoped3A = tpu.sem_alloc : memref<!tpu.dma_semaphore, #tpu.memory_space<semaphore_mem>>
      %dma_start3A = arith.constant 0 : i32
      %dma_start3A_437 = tpu.memref_slice %arg8[%dma_start3A] : memref<10240xi32, #tpu.memory_space<vmem>> -> memref<10112xi32, #tpu.memory_space<vmem>>
      %dma_start3A_438 = arith.constant 0 : i32
      %dma_start3A_439 = tpu.memref_slice %arg4[%arg1, %dma_start3A_438] : memref<16x10112xi32, #tpu.memory_space<hbm>> -> memref<1x10112xi32, #tpu.memory_space<hbm>>
      %dma_start3A_440 = tpu.memref_squeeze %dma_start3A_439 : memref<1x10112xi32, #tpu.memory_space<hbm>> -> memref<10112xi32, #tpu.memory_space<hbm>>
      %dma_start3A_441 = arith.constant 0 : i32
      %dma_start3A_442 = tpu.memref_slice %arg8[%dma_start3A_441] : memref<10240xi32, #tpu.memory_space<vmem>> -> memref<10112xi32, #tpu.memory_space<vmem>>
      %dma_start3A_443 = arith.constant 0 : i32
      %dma_start3A_444 = tpu.memref_slice %arg4[%arg1, %dma_start3A_443] : memref<16x10112xi32, #tpu.memory_space<hbm>> -> memref<1x10112xi32, #tpu.memory_space<hbm>>
      %dma_start3A_445 = tpu.memref_squeeze %dma_start3A_444 : memref<1x10112xi32, #tpu.memory_space<hbm>> -> memref<10112xi32, #tpu.memory_space<hbm>>
      tpu.enqueue_dma source(%dma_start3A_445 : memref<10112xi32, #tpu.memory_space<hbm>>) target(%dma_start3A_442 : memref<10112xi32, #tpu.memory_space<vmem>>) target_semaphore(%run_scoped3A : memref<!tpu.dma_semaphore, #tpu.memory_space<semaphore_mem>>)
      %dma_wait3A = arith.constant 0 : i32
      %dma_wait3A_446 = tpu.memref_slice %arg8[%dma_wait3A] : memref<10240xi32, #tpu.memory_space<vmem>> -> memref<10112xi32, #tpu.memory_space<vmem>>
      %dma_wait3A_447 = arith.constant 0 : i32
      %dma_wait3A_448 = tpu.memref_slice %arg4[%arg1, %dma_wait3A_447] : memref<16x10112xi32, #tpu.memory_space<hbm>> -> memref<1x10112xi32, #tpu.memory_space<hbm>>
      %dma_wait3A_449 = tpu.memref_squeeze %dma_wait3A_448 : memref<1x10112xi32, #tpu.memory_space<hbm>> -> memref<10112xi32, #tpu.memory_space<hbm>>
      %dma_wait3A_450 = arith.constant 0 : i32
      %dma_wait3A_451 = tpu.memref_slice %arg8[%dma_wait3A_450] : memref<10240xi32, #tpu.memory_space<vmem>> -> memref<10112xi32, #tpu.memory_space<vmem>>
      %dma_wait3A_452 = arith.constant 0 : i32
      %dma_wait3A_453 = tpu.memref_slice %arg4[%arg1, %dma_wait3A_452] : memref<16x10112xi32, #tpu.memory_space<hbm>> -> memref<1x10112xi32, #tpu.memory_space<hbm>>
      %dma_wait3A_454 = tpu.memref_squeeze %dma_wait3A_453 : memref<1x10112xi32, #tpu.memory_space<hbm>> -> memref<10112xi32, #tpu.memory_space<hbm>>
      tpu.wait_dma2 semaphore(%run_scoped3A : memref<!tpu.dma_semaphore, #tpu.memory_space<semaphore_mem>>) src(%dma_wait3A_454 : memref<10112xi32, #tpu.memory_space<hbm>>) dst(%dma_wait3A_451 : memref<10112xi32, #tpu.memory_space<vmem>>)
      tpu.yield
    }) : () -> ()
    %scan3A = arith.constant 0 : i32
    %scan3A_1 = arith.constant 0 : i32
    %scan3A_2 = arith.constant 0 : i32
    %scan3A_3 = arith.constant 632 : i32
    %scan3A_4 = arith.addi %scan3A_2, %scan3A_3 : i32
    %scan3A_5 = arith.constant 1 : i32
    %scan3A_6:2 = scf.for %scan3A_437 = %scan3A_2 to %scan3A_4 step %scan3A_5 iter_args(%scan3A_438 = %scan3A, %scan3A_439 = %scan3A_1) -> (i32, i32)  : i32 {
      %mul3A_440 = arith.constant 16 : i32
      %mul3A_441 = arith.muli %scan3A_437, %mul3A_440 : i32
      %get3A = arith.index_cast %mul3A_441 : i32 to index
      %get3A_442 = tpu.vector_load %arg7[%get3A] {strides = array<i32>} : memref<10240xi32, #tpu.memory_space<vmem>>, vector<16xi32>,
      %add3A_443 = vector.broadcast %mul3A_0 : i32 to vector<16xi32>
      %add3A_444 = arith.addi %get3A_442, %add3A_443 : vector<16xi32>
      %mul3A_445 = arith.constant 16 : i32
      %mul3A_446 = arith.muli %scan3A_437, %mul3A_445 : i32
      %get3A_447 = arith.index_cast %mul3A_446 : i32 to index
      %get3A_448 = tpu.vector_load %arg8[%get3A_447] {strides = array<i32>} : memref<10240xi32, #tpu.memory_space<vmem>>, vector<16xi32>,
      %lt3A_449 = arith.constant 5056 : i32
      %lt3A_450 = vector.broadcast %lt3A_449 : i32 to vector<16xi32>
      %lt3A_451 = arith.cmpi slt, %get3A_448, %lt3A_450 : vector<16xi32>
      %ge3A = arith.constant 5056 : i32
      %ge3A_452 = vector.broadcast %ge3A : i32 to vector<16xi32>
      %ge3A_453 = arith.cmpi sge, %get3A_448, %ge3A_452 : vector<16xi32>
      %lt3A_454 = arith.constant 10000 : i32
      %lt3A_455 = vector.broadcast %lt3A_454 : i32 to vector<16xi32>
      %lt3A_456 = arith.cmpi slt, %get3A_448, %lt3A_455 : vector<16xi32>
      %and3A_457 = arith.andi %ge3A_453, %lt3A_456 : vector<16xi1>
      %swap3A_458 = arith.index_cast %scan3A_438 : i32 to index
      %swap3A_459 = tpu.vector_load %arg7[%swap3A_458] masked %lt3A_451 {strides = array<i32>} : memref<10240xi32, #tpu.memory_space<vmem>>, vector<16xi32>, vector<16xi1>
      tpu.vector_store %arg7[%swap3A_458], %add3A_444 masked %lt3A_451 {strides = array<i32>} : memref<10240xi32, #tpu.memory_space<vmem>>, vector<16xi32>, vector<16xi1>
      %swap3A_460 = arith.index_cast %scan3A_438 : i32 to index
      %swap3A_461 = tpu.vector_load %arg8[%swap3A_460] masked %lt3A_451 {strides = array<i32>} : memref<10240xi32, #tpu.memory_space<vmem>>, vector<16xi32>, vector<16xi1>
      tpu.vector_store %arg8[%swap3A_460], %get3A_448 masked %lt3A_451 {strides = array<i32>} : memref<10240xi32, #tpu.memory_space<vmem>>, vector<16xi32>, vector<16xi1>
      %swap3A_462 = arith.index_cast %scan3A_439 : i32 to index
      %swap3A_463 = tpu.vector_load %arg9[%swap3A_462] masked %and3A_457 {strides = array<i32>} : memref<10240xi32, #tpu.memory_space<vmem>>, vector<16xi32>, vector<16xi1>
      tpu.vector_store %arg9[%swap3A_462], %add3A_444 masked %and3A_457 {strides = array<i32>} : memref<10240xi32, #tpu.memory_space<vmem>>, vector<16xi32>, vector<16xi1>
      %sub3A_464 = arith.constant 5056 : i32
      %sub3A_465 = vector.broadcast %sub3A_464 : i32 to vector<16xi32>
      %sub3A_466 = arith.subi %get3A_448, %sub3A_465 : vector<16xi32>
      %swap3A_467 = arith.index_cast %scan3A_439 : i32 to index
      %swap3A_468 = tpu.vector_load %arg10[%swap3A_467] masked %and3A_457 {strides = array<i32>} : memref<10240xi32, #tpu.memory_space<vmem>>, vector<16xi32>, vector<16xi1>
      tpu.vector_store %arg10[%swap3A_467], %sub3A_466 masked %and3A_457 {strides = array<i32>} : memref<10240xi32, #tpu.memory_space<vmem>>, vector<16xi32>, vector<16xi1>
      %all_reduce_population_count3A = tpu.all_reduce %lt3A_451 {dim = 0 : i64, kind = #tpu.reduction_kind<sum>} : vector<16xi1> -> vector<16xi32>
      %reduce_max3A = arith.constant true
      %reduce_max3A_469 = vector.broadcast %reduce_max3A : i1 to vector<16xi1>
      %reduce_max3A_470 = arith.constant -2147483648 : i32
      %reduce_max3A_471 = vector.broadcast %reduce_max3A_470 : i32 to vector<16xi32>
      %reduce_max3A_472 = arith.xori %all_reduce_population_count3A, %reduce_max3A_471 : vector<16xi32>
      %reduce_max3A_473 = tpu.scan <max>, %reduce_max3A_472 masked %reduce_max3A_469 : vector<16xi32>, vector<16xi1> -> vector<16xi32>
      %reduce_max3A_474 = arith.xori %reduce_max3A_473, %reduce_max3A_471 : vector<16xi32>
      %reduce_max3A_475 = vector.extract %reduce_max3A_474[15] : i32 from vector<16xi32>
      %all_reduce_population_count3A_476 = tpu.all_reduce %and3A_457 {dim = 0 : i64, kind = #tpu.reduction_kind<sum>} : vector<16xi1> -> vector<16xi32>
      %reduce_max3A_477 = arith.constant true
      %reduce_max3A_478 = vector.broadcast %reduce_max3A_477 : i1 to vector<16xi1>
      %reduce_max3A_479 = arith.constant -2147483648 : i32
      %reduce_max3A_480 = vector.broadcast %reduce_max3A_479 : i32 to vector<16xi32>
      %reduce_max3A_481 = arith.xori %all_reduce_population_count3A_476, %reduce_max3A_480 : vector<16xi32>
      %reduce_max3A_482 = tpu.scan <max>, %reduce_max3A_481 masked %reduce_max3A_478 : vector<16xi32>, vector<16xi1> -> vector<16xi32>
      %reduce_max3A_483 = arith.xori %reduce_max3A_482, %reduce_max3A_480 : vector<16xi32>
      %reduce_max3A_484 = vector.extract %reduce_max3A_483[15] : i32 from vector<16xi32>
      %add3A_485 = arith.addi %scan3A_438, %reduce_max3A_475 : i32
      %add3A_486 = arith.addi %scan3A_439, %reduce_max3A_484 : i32
      scf.yield %add3A_485, %add3A_486 : i32, i32
    }
    %scan3A_7 = arith.constant 632 : i32
    %broadcast_in_dim3A = arith.constant 0 : i32
    %broadcast_in_dim3A_8 = vector.broadcast %broadcast_in_dim3A : i32 to vector<16xi32>
    %iota3A = tpu.iota {dimensions = array<i32: 0>} : vector<16xi32>
    %add3A = arith.constant 0 : i32
    %add3A_9 = vector.broadcast %add3A : i32 to vector<16xi32>
    %add3A_10 = arith.addi %add3A_9, %iota3A : vector<16xi32>
    %jit3A = arith.constant 192 : i32
    %eq3A = arith.constant 0 : i32
    %eq3A_11 = arith.cmpi eq, %jit3A, %eq3A : i32
    %jit3A_12 = arith.constant 1 : i32
    %select_n3A = arith.select %eq3A_11, %jit3A_12, %jit3A : i32
    %rem3A = vector.broadcast %select_n3A : i32 to vector<16xi32>
    %rem3A_13 = arith.remsi %add3A_10, %rem3A : vector<16xi32>
    %ne3A = arith.constant 0 : i32
    %ne3A_14 = vector.broadcast %ne3A : i32 to vector<16xi32>
    %ne3A_15 = arith.cmpi ne, %rem3A_13, %ne3A_14 : vector<16xi32>
    %lt3A = arith.constant 0 : i32
    %lt3A_16 = vector.broadcast %lt3A : i32 to vector<16xi32>
    %lt3A_17 = arith.cmpi slt, %rem3A_13, %lt3A_16 : vector<16xi32>
    %lt3A_18 = arith.constant 0 : i32
    %lt3A_19 = arith.cmpi slt, %select_n3A, %lt3A_18 : i32
    %ne3A_20 = vector.broadcast %lt3A_19 : i1 to vector<16xi1>
    %ne3A_21 = vector.broadcast %ne3A_20 : vector<16xi1> to vector<16xi1>
    %ne3A_22 = arith.xori %lt3A_17, %ne3A_21 : vector<16xi1>
    %and3A = arith.andi %ne3A_22, %ne3A_15 : vector<16xi1>
    %add3A_23 = vector.broadcast %select_n3A : i32 to vector<16xi32>
    %add3A_24 = arith.addi %rem3A_13, %add3A_23 : vector<16xi32>
    %select_n3A_25 = arith.select %and3A, %add3A_24, %rem3A_13 : vector<16xi1>, vector<16xi32>
    %add3A_26 = arith.constant 5056 : i32
    %add3A_27 = vector.broadcast %add3A_26 : i32 to vector<16xi32>
    %add3A_28 = arith.addi %add3A_27, %select_n3A_25 : vector<16xi32>
    %add3A_29 = arith.constant 0 : i32
    %add3A_30 = arith.addi %scan3A_6#0, %add3A_29 : i32
    %swap3A = arith.index_cast %add3A_30 : i32 to index
    %swap3A_31 = tpu.vector_load %arg7[%swap3A] {strides = array<i32>} : memref<10240xi32, #tpu.memory_space<vmem>>, vector<16xi32>,
    tpu.vector_store %arg7[%swap3A], %broadcast_in_dim3A_8 {strides = array<i32>} : memref<10240xi32, #tpu.memory_space<vmem>>, vector<16xi32>,
    %add3A_32 = arith.constant 0 : i32
    %add3A_33 = arith.addi %scan3A_6#0, %add3A_32 : i32
    %swap3A_34 = arith.index_cast %add3A_33 : i32 to index
    %swap3A_35 = tpu.vector_load %arg8[%swap3A_34] {strides = array<i32>} : memref<10240xi32, #tpu.memory_space<vmem>>, vector<16xi32>,
    tpu.vector_store %arg8[%swap3A_34], %add3A_28 {strides = array<i32>} : memref<10240xi32, #tpu.memory_space<vmem>>, vector<16xi32>,
    %add3A_36 = arith.constant 0 : i32
    %add3A_37 = arith.addi %scan3A_6#1, %add3A_36 : i32
    %swap3A_38 = arith.index_cast %add3A_37 : i32 to index
    %swap3A_39 = tpu.vector_load %arg9[%swap3A_38] {strides = array<i32>} : memref<10240xi32, #tpu.memory_space<vmem>>, vector<16xi32>,
    tpu.vector_store %arg9[%swap3A_38], %broadcast_in_dim3A_8 {strides = array<i32>} : memref<10240xi32, #tpu.memory_space<vmem>>, vector<16xi32>,
    %add3A_40 = arith.constant 0 : i32
    %add3A_41 = arith.addi %scan3A_6#1, %add3A_40 : i32
    %swap3A_42 = arith.index_cast %add3A_41 : i32 to index
    %swap3A_43 = tpu.vector_load %arg10[%swap3A_42] {strides = array<i32>} : memref<10240xi32, #tpu.memory_space<vmem>>, vector<16xi32>,
    tpu.vector_store %arg10[%swap3A_42], %add3A_28 {strides = array<i32>} : memref<10240xi32, #tpu.memory_space<vmem>>, vector<16xi32>,
    %add3A_44 = arith.constant 16 : i32
    %add3A_45 = vector.broadcast %add3A_44 : i32 to vector<16xi32>
    %add3A_46 = arith.addi %add3A_45, %iota3A : vector<16xi32>
    %jit3A_47 = arith.constant 192 : i32
    %eq3A_48 = arith.constant 0 : i32
    %eq3A_49 = arith.cmpi eq, %jit3A_47, %eq3A_48 : i32
    %jit3A_50 = arith.constant 1 : i32
    %select_n3A_51 = arith.select %eq3A_49, %jit3A_50, %jit3A_47 : i32
    %rem3A_52 = vector.broadcast %select_n3A_51 : i32 to vector<16xi32>
    %rem3A_53 = arith.remsi %add3A_46, %rem3A_52 : vector<16xi32>
    %ne3A_54 = arith.constant 0 : i32
    %ne3A_55 = vector.broadcast %ne3A_54 : i32 to vector<16xi32>
    %ne3A_56 = arith.cmpi ne, %rem3A_53, %ne3A_55 : vector<16xi32>
    %lt3A_57 = arith.constant 0 : i32
    %lt3A_58 = vector.broadcast %lt3A_57 : i32 to vector<16xi32>
    %lt3A_59 = arith.cmpi slt, %rem3A_53, %lt3A_58 : vector<16xi32>
    %lt3A_60 = arith.constant 0 : i32
    %lt3A_61 = arith.cmpi slt, %select_n3A_51, %lt3A_60 : i32
    %ne3A_62 = vector.broadcast %lt3A_61 : i1 to vector<16xi1>
    %ne3A_63 = vector.broadcast %ne3A_62 : vector<16xi1> to vector<16xi1>
    %ne3A_64 = arith.xori %lt3A_59, %ne3A_63 : vector<16xi1>
    %and3A_65 = arith.andi %ne3A_64, %ne3A_56 : vector<16xi1>
    %add3A_66 = vector.broadcast %select_n3A_51 : i32 to vector<16xi32>
    %add3A_67 = arith.addi %rem3A_53, %add3A_66 : vector<16xi32>
    %select_n3A_68 = arith.select %and3A_65, %add3A_67, %rem3A_53 : vector<16xi1>, vector<16xi32>
    %add3A_69 = arith.constant 5056 : i32
    %add3A_70 = vector.broadcast %add3A_69 : i32 to vector<16xi32>
    %add3A_71 = arith.addi %add3A_70, %select_n3A_68 : vector<16xi32>
    %add3A_72 = arith.constant 16 : i32
    %add3A_73 = arith.addi %scan3A_6#0, %add3A_72 : i32
    %swap3A_74 = arith.index_cast %add3A_73 : i32 to index
    %swap3A_75 = tpu.vector_load %arg7[%swap3A_74] {strides = array<i32>} : memref<10240xi32, #tpu.memory_space<vmem>>, vector<16xi32>,
    tpu.vector_store %arg7[%swap3A_74], %broadcast_in_dim3A_8 {strides = array<i32>} : memref<10240xi32, #tpu.memory_space<vmem>>, vector<16xi32>,
    %add3A_76 = arith.constant 16 : i32
    %add3A_77 = arith.addi %scan3A_6#0, %add3A_76 : i32
    %swap3A_78 = arith.index_cast %add3A_77 : i32 to index
    %swap3A_79 = tpu.vector_load %arg8[%swap3A_78] {strides = array<i32>} : memref<10240xi32, #tpu.memory_space<vmem>>, vector<16xi32>,
    tpu.vector_store %arg8[%swap3A_78], %add3A_71 {strides = array<i32>} : memref<10240xi32, #tpu.memory_space<vmem>>, vector<16xi32>,
    %add3A_80 = arith.constant 16 : i32
    %add3A_81 = arith.addi %scan3A_6#1, %add3A_80 : i32
    %swap3A_82 = arith.index_cast %add3A_81 : i32 to index
    %swap3A_83 = tpu.vector_load %arg9[%swap3A_82] {strides = array<i32>} : memref<10240xi32, #tpu.memory_space<vmem>>, vector<16xi32>,
    tpu.vector_store %arg9[%swap3A_82], %broadcast_in_dim3A_8 {strides = array<i32>} : memref<10240xi32, #tpu.memory_space<vmem>>, vector<16xi32>,
    %add3A_84 = arith.constant 16 : i32
    %add3A_85 = arith.addi %scan3A_6#1, %add3A_84 : i32
    %swap3A_86 = arith.index_cast %add3A_85 : i32 to index
    %swap3A_87 = tpu.vector_load %arg10[%swap3A_86] {strides = array<i32>} : memref<10240xi32, #tpu.memory_space<vmem>>, vector<16xi32>,
    tpu.vector_store %arg10[%swap3A_86], %add3A_71 {strides = array<i32>} : memref<10240xi32, #tpu.memory_space<vmem>>, vector<16xi32>,
    %add3A_88 = arith.constant 32 : i32
    %add3A_89 = vector.broadcast %add3A_88 : i32 to vector<16xi32>
    %add3A_90 = arith.addi %add3A_89, %iota3A : vector<16xi32>
    %jit3A_91 = arith.constant 192 : i32
    %eq3A_92 = arith.constant 0 : i32
    %eq3A_93 = arith.cmpi eq, %jit3A_91, %eq3A_92 : i32
    %jit3A_94 = arith.constant 1 : i32
    %select_n3A_95 = arith.select %eq3A_93, %jit3A_94, %jit3A_91 : i32
    %rem3A_96 = vector.broadcast %select_n3A_95 : i32 to vector<16xi32>
    %rem3A_97 = arith.remsi %add3A_90, %rem3A_96 : vector<16xi32>
    %ne3A_98 = arith.constant 0 : i32
    %ne3A_99 = vector.broadcast %ne3A_98 : i32 to vector<16xi32>
    %ne3A_100 = arith.cmpi ne, %rem3A_97, %ne3A_99 : vector<16xi32>
    %lt3A_101 = arith.constant 0 : i32
    %lt3A_102 = vector.broadcast %lt3A_101 : i32 to vector<16xi32>
    %lt3A_103 = arith.cmpi slt, %rem3A_97, %lt3A_102 : vector<16xi32>
    %lt3A_104 = arith.constant 0 : i32
    %lt3A_105 = arith.cmpi slt, %select_n3A_95, %lt3A_104 : i32
    %ne3A_106 = vector.broadcast %lt3A_105 : i1 to vector<16xi1>
    %ne3A_107 = vector.broadcast %ne3A_106 : vector<16xi1> to vector<16xi1>
    %ne3A_108 = arith.xori %lt3A_103, %ne3A_107 : vector<16xi1>
    %and3A_109 = arith.andi %ne3A_108, %ne3A_100 : vector<16xi1>
    %add3A_110 = vector.broadcast %select_n3A_95 : i32 to vector<16xi32>
    %add3A_111 = arith.addi %rem3A_97, %add3A_110 : vector<16xi32>
    %select_n3A_112 = arith.select %and3A_109, %add3A_111, %rem3A_97 : vector<16xi1>, vector<16xi32>
    %add3A_113 = arith.constant 5056 : i32
    %add3A_114 = vector.broadcast %add3A_113 : i32 to vector<16xi32>
    %add3A_115 = arith.addi %add3A_114, %select_n3A_112 : vector<16xi32>
    %add3A_116 = arith.constant 32 : i32
    %add3A_117 = arith.addi %scan3A_6#0, %add3A_116 : i32
    %swap3A_118 = arith.index_cast %add3A_117 : i32 to index
    %swap3A_119 = tpu.vector_load %arg7[%swap3A_118] {strides = array<i32>} : memref<10240xi32, #tpu.memory_space<vmem>>, vector<16xi32>,
    tpu.vector_store %arg7[%swap3A_118], %broadcast_in_dim3A_8 {strides = array<i32>} : memref<10240xi32, #tpu.memory_space<vmem>>, vector<16xi32>,
    %add3A_120 = arith.constant 32 : i32
    %add3A_121 = arith.addi %scan3A_6#0, %add3A_120 : i32
    %swap3A_122 = arith.index_cast %add3A_121 : i32 to index
    %swap3A_123 = tpu.vector_load %arg8[%swap3A_122] {strides = array<i32>} : memref<10240xi32, #tpu.memory_space<vmem>>, vector<16xi32>,
    tpu.vector_store %arg8[%swap3A_122], %add3A_115 {strides = array<i32>} : memref<10240xi32, #tpu.memory_space<vmem>>, vector<16xi32>,
    %add3A_124 = arith.constant 32 : i32
    %add3A_125 = arith.addi %scan3A_6#1, %add3A_124 : i32
    %swap3A_126 = arith.index_cast %add3A_125 : i32 to index
    %swap3A_127 = tpu.vector_load %arg9[%swap3A_126] {strides = array<i32>} : memref<10240xi32, #tpu.memory_space<vmem>>, vector<16xi32>,
    tpu.vector_store %arg9[%swap3A_126], %broadcast_in_dim3A_8 {strides = array<i32>} : memref<10240xi32, #tpu.memory_space<vmem>>, vector<16xi32>,
    %add3A_128 = arith.constant 32 : i32
    %add3A_129 = arith.addi %scan3A_6#1, %add3A_128 : i32
    %swap3A_130 = arith.index_cast %add3A_129 : i32 to index
    %swap3A_131 = tpu.vector_load %arg10[%swap3A_130] {strides = array<i32>} : memref<10240xi32, #tpu.memory_space<vmem>>, vector<16xi32>,
    tpu.vector_store %arg10[%swap3A_130], %add3A_115 {strides = array<i32>} : memref<10240xi32, #tpu.memory_space<vmem>>, vector<16xi32>,
    %add3A_132 = arith.constant 48 : i32
    %add3A_133 = vector.broadcast %add3A_132 : i32 to vector<16xi32>
    %add3A_134 = arith.addi %add3A_133, %iota3A : vector<16xi32>
    %jit3A_135 = arith.constant 192 : i32
    %eq3A_136 = arith.constant 0 : i32
    %eq3A_137 = arith.cmpi eq, %jit3A_135, %eq3A_136 : i32
    %jit3A_138 = arith.constant 1 : i32
    %select_n3A_139 = arith.select %eq3A_137, %jit3A_138, %jit3A_135 : i32
    %rem3A_140 = vector.broadcast %select_n3A_139 : i32 to vector<16xi32>
    %rem3A_141 = arith.remsi %add3A_134, %rem3A_140 : vector<16xi32>
    %ne3A_142 = arith.constant 0 : i32
    %ne3A_143 = vector.broadcast %ne3A_142 : i32 to vector<16xi32>
    %ne3A_144 = arith.cmpi ne, %rem3A_141, %ne3A_143 : vector<16xi32>
    %lt3A_145 = arith.constant 0 : i32
    %lt3A_146 = vector.broadcast %lt3A_145 : i32 to vector<16xi32>
    %lt3A_147 = arith.cmpi slt, %rem3A_141, %lt3A_146 : vector<16xi32>
    %lt3A_148 = arith.constant 0 : i32
    %lt3A_149 = arith.cmpi slt, %select_n3A_139, %lt3A_148 : i32
    %ne3A_150 = vector.broadcast %lt3A_149 : i1 to vector<16xi1>
    %ne3A_151 = vector.broadcast %ne3A_150 : vector<16xi1> to vector<16xi1>
    %ne3A_152 = arith.xori %lt3A_147, %ne3A_151 : vector<16xi1>
    %and3A_153 = arith.andi %ne3A_152, %ne3A_144 : vector<16xi1>
    %add3A_154 = vector.broadcast %select_n3A_139 : i32 to vector<16xi32>
    %add3A_155 = arith.addi %rem3A_141, %add3A_154 : vector<16xi32>
    %select_n3A_156 = arith.select %and3A_153, %add3A_155, %rem3A_141 : vector<16xi1>, vector<16xi32>
    %add3A_157 = arith.constant 5056 : i32
    %add3A_158 = vector.broadcast %add3A_157 : i32 to vector<16xi32>
    %add3A_159 = arith.addi %add3A_158, %select_n3A_156 : vector<16xi32>
    %add3A_160 = arith.constant 48 : i32
    %add3A_161 = arith.addi %scan3A_6#0, %add3A_160 : i32
    %swap3A_162 = arith.index_cast %add3A_161 : i32 to index
    %swap3A_163 = tpu.vector_load %arg7[%swap3A_162] {strides = array<i32>} : memref<10240xi32, #tpu.memory_space<vmem>>, vector<16xi32>,
    tpu.vector_store %arg7[%swap3A_162], %broadcast_in_dim3A_8 {strides = array<i32>} : memref<10240xi32, #tpu.memory_space<vmem>>, vector<16xi32>,
    %add3A_164 = arith.constant 48 : i32
    %add3A_165 = arith.addi %scan3A_6#0, %add3A_164 : i32
    %swap3A_166 = arith.index_cast %add3A_165 : i32 to index
    %swap3A_167 = tpu.vector_load %arg8[%swap3A_166] {strides = array<i32>} : memref<10240xi32, #tpu.memory_space<vmem>>, vector<16xi32>,
    tpu.vector_store %arg8[%swap3A_166], %add3A_159 {strides = array<i32>} : memref<10240xi32, #tpu.memory_space<vmem>>, vector<16xi32>,
    %add3A_168 = arith.constant 48 : i32
    %add3A_169 = arith.addi %scan3A_6#1, %add3A_168 : i32
    %swap3A_170 = arith.index_cast %add3A_169 : i32 to index
    %swap3A_171 = tpu.vector_load %arg9[%swap3A_170] {strides = array<i32>} : memref<10240xi32, #tpu.memory_space<vmem>>, vector<16xi32>,
    tpu.vector_store %arg9[%swap3A_170], %broadcast_in_dim3A_8 {strides = array<i32>} : memref<10240xi32, #tpu.memory_space<vmem>>, vector<16xi32>,
    %add3A_172 = arith.constant 48 : i32
    %add3A_173 = arith.addi %scan3A_6#1, %add3A_172 : i32
    %swap3A_174 = arith.index_cast %add3A_173 : i32 to index
    %swap3A_175 = tpu.vector_load %arg10[%swap3A_174] {strides = array<i32>} : memref<10240xi32, #tpu.memory_space<vmem>>, vector<16xi32>,
    tpu.vector_store %arg10[%swap3A_174], %add3A_159 {strides = array<i32>} : memref<10240xi32, #tpu.memory_space<vmem>>, vector<16xi32>,
    %add3A_176 = arith.constant 64 : i32
    %add3A_177 = vector.broadcast %add3A_176 : i32 to vector<16xi32>
    %add3A_178 = arith.addi %add3A_177, %iota3A : vector<16xi32>
    %jit3A_179 = arith.constant 192 : i32
    %eq3A_180 = arith.constant 0 : i32
    %eq3A_181 = arith.cmpi eq, %jit3A_179, %eq3A_180 : i32
    %jit3A_182 = arith.constant 1 : i32
    %select_n3A_183 = arith.select %eq3A_181, %jit3A_182, %jit3A_179 : i32
    %rem3A_184 = vector.broadcast %select_n3A_183 : i32 to vector<16xi32>
    %rem3A_185 = arith.remsi %add3A_178, %rem3A_184 : vector<16xi32>
    %ne3A_186 = arith.constant 0 : i32
    %ne3A_187 = vector.broadcast %ne3A_186 : i32 to vector<16xi32>
    %ne3A_188 = arith.cmpi ne, %rem3A_185, %ne3A_187 : vector<16xi32>
    %lt3A_189 = arith.constant 0 : i32
    %lt3A_190 = vector.broadcast %lt3A_189 : i32 to vector<16xi32>
    %lt3A_191 = arith.cmpi slt, %rem3A_185, %lt3A_190 : vector<16xi32>
    %lt3A_192 = arith.constant 0 : i32
    %lt3A_193 = arith.cmpi slt, %select_n3A_183, %lt3A_192 : i32
    %ne3A_194 = vector.broadcast %lt3A_193 : i1 to vector<16xi1>
    %ne3A_195 = vector.broadcast %ne3A_194 : vector<16xi1> to vector<16xi1>
    %ne3A_196 = arith.xori %lt3A_191, %ne3A_195 : vector<16xi1>
    %and3A_197 = arith.andi %ne3A_196, %ne3A_188 : vector<16xi1>
    %add3A_198 = vector.broadcast %select_n3A_183 : i32 to vector<16xi32>
    %add3A_199 = arith.addi %rem3A_185, %add3A_198 : vector<16xi32>
    %select_n3A_200 = arith.select %and3A_197, %add3A_199, %rem3A_185 : vector<16xi1>, vector<16xi32>
    %add3A_201 = arith.constant 5056 : i32
    %add3A_202 = vector.broadcast %add3A_201 : i32 to vector<16xi32>
    %add3A_203 = arith.addi %add3A_202, %select_n3A_200 : vector<16xi32>
    %add3A_204 = arith.constant 64 : i32
    %add3A_205 = arith.addi %scan3A_6#0, %add3A_204 : i32
    %swap3A_206 = arith.index_cast %add3A_205 : i32 to index
    %swap3A_207 = tpu.vector_load %arg7[%swap3A_206] {strides = array<i32>} : memref<10240xi32, #tpu.memory_space<vmem>>, vector<16xi32>,
    tpu.vector_store %arg7[%swap3A_206], %broadcast_in_dim3A_8 {strides = array<i32>} : memref<10240xi32, #tpu.memory_space<vmem>>, vector<16xi32>,
    %add3A_208 = arith.constant 64 : i32
    %add3A_209 = arith.addi %scan3A_6#0, %add3A_208 : i32
    %swap3A_210 = arith.index_cast %add3A_209 : i32 to index
    %swap3A_211 = tpu.vector_load %arg8[%swap3A_210] {strides = array<i32>} : memref<10240xi32, #tpu.memory_space<vmem>>, vector<16xi32>,
    tpu.vector_store %arg8[%swap3A_210], %add3A_203 {strides = array<i32>} : memref<10240xi32, #tpu.memory_space<vmem>>, vector<16xi32>,
    %add3A_212 = arith.constant 64 : i32
    %add3A_213 = arith.addi %scan3A_6#1, %add3A_212 : i32
    %swap3A_214 = arith.index_cast %add3A_213 : i32 to index
    %swap3A_215 = tpu.vector_load %arg9[%swap3A_214] {strides = array<i32>} : memref<10240xi32, #tpu.memory_space<vmem>>, vector<16xi32>,
    tpu.vector_store %arg9[%swap3A_214], %broadcast_in_dim3A_8 {strides = array<i32>} : memref<10240xi32, #tpu.memory_space<vmem>>, vector<16xi32>,
    %add3A_216 = arith.constant 64 : i32
    %add3A_217 = arith.addi %scan3A_6#1, %add3A_216 : i32
    %swap3A_218 = arith.index_cast %add3A_217 : i32 to index
    %swap3A_219 = tpu.vector_load %arg10[%swap3A_218] {strides = array<i32>} : memref<10240xi32, #tpu.memory_space<vmem>>, vector<16xi32>,
    tpu.vector_store %arg10[%swap3A_218], %add3A_203 {strides = array<i32>} : memref<10240xi32, #tpu.memory_space<vmem>>, vector<16xi32>,
    %add3A_220 = arith.constant 80 : i32
    %add3A_221 = vector.broadcast %add3A_220 : i32 to vector<16xi32>
    %add3A_222 = arith.addi %add3A_221, %iota3A : vector<16xi32>
    %jit3A_223 = arith.constant 192 : i32
    %eq3A_224 = arith.constant 0 : i32
    %eq3A_225 = arith.cmpi eq, %jit3A_223, %eq3A_224 : i32
    %jit3A_226 = arith.constant 1 : i32
    %select_n3A_227 = arith.select %eq3A_225, %jit3A_226, %jit3A_223 : i32
    %rem3A_228 = vector.broadcast %select_n3A_227 : i32 to vector<16xi32>
    %rem3A_229 = arith.remsi %add3A_222, %rem3A_228 : vector<16xi32>
    %ne3A_230 = arith.constant 0 : i32
    %ne3A_231 = vector.broadcast %ne3A_230 : i32 to vector<16xi32>
    %ne3A_232 = arith.cmpi ne, %rem3A_229, %ne3A_231 : vector<16xi32>
    %lt3A_233 = arith.constant 0 : i32
    %lt3A_234 = vector.broadcast %lt3A_233 : i32 to vector<16xi32>
    %lt3A_235 = arith.cmpi slt, %rem3A_229, %lt3A_234 : vector<16xi32>
    %lt3A_236 = arith.constant 0 : i32
    %lt3A_237 = arith.cmpi slt, %select_n3A_227, %lt3A_236 : i32
    %ne3A_238 = vector.broadcast %lt3A_237 : i1 to vector<16xi1>
    %ne3A_239 = vector.broadcast %ne3A_238 : vector<16xi1> to vector<16xi1>
    %ne3A_240 = arith.xori %lt3A_235, %ne3A_239 : vector<16xi1>
    %and3A_241 = arith.andi %ne3A_240, %ne3A_232 : vector<16xi1>
    %add3A_242 = vector.broadcast %select_n3A_227 : i32 to vector<16xi32>
    %add3A_243 = arith.addi %rem3A_229, %add3A_242 : vector<16xi32>
    %select_n3A_244 = arith.select %and3A_241, %add3A_243, %rem3A_229 : vector<16xi1>, vector<16xi32>
    %add3A_245 = arith.constant 5056 : i32
    %add3A_246 = vector.broadcast %add3A_245 : i32 to vector<16xi32>
    %add3A_247 = arith.addi %add3A_246, %select_n3A_244 : vector<16xi32>
    %add3A_248 = arith.constant 80 : i32
    %add3A_249 = arith.addi %scan3A_6#0, %add3A_248 : i32
    %swap3A_250 = arith.index_cast %add3A_249 : i32 to index
    %swap3A_251 = tpu.vector_load %arg7[%swap3A_250] {strides = array<i32>} : memref<10240xi32, #tpu.memory_space<vmem>>, vector<16xi32>,
    tpu.vector_store %arg7[%swap3A_250], %broadcast_in_dim3A_8 {strides = array<i32>} : memref<10240xi32, #tpu.memory_space<vmem>>, vector<16xi32>,
    %add3A_252 = arith.constant 80 : i32
    %add3A_253 = arith.addi %scan3A_6#0, %add3A_252 : i32
    %swap3A_254 = arith.index_cast %add3A_253 : i32 to index
    %swap3A_255 = tpu.vector_load %arg8[%swap3A_254] {strides = array<i32>} : memref<10240xi32, #tpu.memory_space<vmem>>, vector<16xi32>,
    tpu.vector_store %arg8[%swap3A_254], %add3A_247 {strides = array<i32>} : memref<10240xi32, #tpu.memory_space<vmem>>, vector<16xi32>,
    %add3A_256 = arith.constant 80 : i32
    %add3A_257 = arith.addi %scan3A_6#1, %add3A_256 : i32
    %swap3A_258 = arith.index_cast %add3A_257 : i32 to index
    %swap3A_259 = tpu.vector_load %arg9[%swap3A_258] {strides = array<i32>} : memref<10240xi32, #tpu.memory_space<vmem>>, vector<16xi32>,
    tpu.vector_store %arg9[%swap3A_258], %broadcast_in_dim3A_8 {strides = array<i32>} : memref<10240xi32, #tpu.memory_space<vmem>>, vector<16xi32>,
    %add3A_260 = arith.constant 80 : i32
    %add3A_261 = arith.addi %scan3A_6#1, %add3A_260 : i32
    %swap3A_262 = arith.index_cast %add3A_261 : i32 to index
    %swap3A_263 = tpu.vector_load %arg10[%swap3A_262] {strides = array<i32>} : memref<10240xi32, #tpu.memory_space<vmem>>, vector<16xi32>,
    tpu.vector_store %arg10[%swap3A_262], %add3A_247 {strides = array<i32>} : memref<10240xi32, #tpu.memory_space<vmem>>, vector<16xi32>,
    %add3A_264 = arith.constant 96 : i32
    %add3A_265 = vector.broadcast %add3A_264 : i32 to vector<16xi32>
    %add3A_266 = arith.addi %add3A_265, %iota3A : vector<16xi32>
    %jit3A_267 = arith.constant 192 : i32
    %eq3A_268 = arith.constant 0 : i32
    %eq3A_269 = arith.cmpi eq, %jit3A_267, %eq3A_268 : i32
    %jit3A_270 = arith.constant 1 : i32
    %select_n3A_271 = arith.select %eq3A_269, %jit3A_270, %jit3A_267 : i32
    %rem3A_272 = vector.broadcast %select_n3A_271 : i32 to vector<16xi32>
    %rem3A_273 = arith.remsi %add3A_266, %rem3A_272 : vector<16xi32>
    %ne3A_274 = arith.constant 0 : i32
    %ne3A_275 = vector.broadcast %ne3A_274 : i32 to vector<16xi32>
    %ne3A_276 = arith.cmpi ne, %rem3A_273, %ne3A_275 : vector<16xi32>
    %lt3A_277 = arith.constant 0 : i32
    %lt3A_278 = vector.broadcast %lt3A_277 : i32 to vector<16xi32>
    %lt3A_279 = arith.cmpi slt, %rem3A_273, %lt3A_278 : vector<16xi32>
    %lt3A_280 = arith.constant 0 : i32
    %lt3A_281 = arith.cmpi slt, %select_n3A_271, %lt3A_280 : i32
    %ne3A_282 = vector.broadcast %lt3A_281 : i1 to vector<16xi1>
    %ne3A_283 = vector.broadcast %ne3A_282 : vector<16xi1> to vector<16xi1>
    %ne3A_284 = arith.xori %lt3A_279, %ne3A_283 : vector<16xi1>
    %and3A_285 = arith.andi %ne3A_284, %ne3A_276 : vector<16xi1>
    %add3A_286 = vector.broadcast %select_n3A_271 : i32 to vector<16xi32>
    %add3A_287 = arith.addi %rem3A_273, %add3A_286 : vector<16xi32>
    %select_n3A_288 = arith.select %and3A_285, %add3A_287, %rem3A_273 : vector<16xi1>, vector<16xi32>
    %add3A_289 = arith.constant 5056 : i32
    %add3A_290 = vector.broadcast %add3A_289 : i32 to vector<16xi32>
    %add3A_291 = arith.addi %add3A_290, %select_n3A_288 : vector<16xi32>
    %add3A_292 = arith.constant 96 : i32
    %add3A_293 = arith.addi %scan3A_6#0, %add3A_292 : i32
    %swap3A_294 = arith.index_cast %add3A_293 : i32 to index
    %swap3A_295 = tpu.vector_load %arg7[%swap3A_294] {strides = array<i32>} : memref<10240xi32, #tpu.memory_space<vmem>>, vector<16xi32>,
    tpu.vector_store %arg7[%swap3A_294], %broadcast_in_dim3A_8 {strides = array<i32>} : memref<10240xi32, #tpu.memory_space<vmem>>, vector<16xi32>,
    %add3A_296 = arith.constant 96 : i32
    %add3A_297 = arith.addi %scan3A_6#0, %add3A_296 : i32
    %swap3A_298 = arith.index_cast %add3A_297 : i32 to index
    %swap3A_299 = tpu.vector_load %arg8[%swap3A_298] {strides = array<i32>} : memref<10240xi32, #tpu.memory_space<vmem>>, vector<16xi32>,
    tpu.vector_store %arg8[%swap3A_298], %add3A_291 {strides = array<i32>} : memref<10240xi32, #tpu.memory_space<vmem>>, vector<16xi32>,
    %add3A_300 = arith.constant 96 : i32
    %add3A_301 = arith.addi %scan3A_6#1, %add3A_300 : i32
    %swap3A_302 = arith.index_cast %add3A_301 : i32 to index
    %swap3A_303 = tpu.vector_load %arg9[%swap3A_302] {strides = array<i32>} : memref<10240xi32, #tpu.memory_space<vmem>>, vector<16xi32>,
    tpu.vector_store %arg9[%swap3A_302], %broadcast_in_dim3A_8 {strides = array<i32>} : memref<10240xi32, #tpu.memory_space<vmem>>, vector<16xi32>,
    %add3A_304 = arith.constant 96 : i32
    %add3A_305 = arith.addi %scan3A_6#1, %add3A_304 : i32
    %swap3A_306 = arith.index_cast %add3A_305 : i32 to index
    %swap3A_307 = tpu.vector_load %arg10[%swap3A_306] {strides = array<i32>} : memref<10240xi32, #tpu.memory_space<vmem>>, vector<16xi32>,
    tpu.vector_store %arg10[%swap3A_306], %add3A_291 {strides = array<i32>} : memref<10240xi32, #tpu.memory_space<vmem>>, vector<16xi32>,
    %add3A_308 = arith.constant 112 : i32
    %add3A_309 = vector.broadcast %add3A_308 : i32 to vector<16xi32>
    %add3A_310 = arith.addi %add3A_309, %iota3A : vector<16xi32>
    %jit3A_311 = arith.constant 192 : i32
    %eq3A_312 = arith.constant 0 : i32
    %eq3A_313 = arith.cmpi eq, %jit3A_311, %eq3A_312 : i32
    %jit3A_314 = arith.constant 1 : i32
    %select_n3A_315 = arith.select %eq3A_313, %jit3A_314, %jit3A_311 : i32
    %rem3A_316 = vector.broadcast %select_n3A_315 : i32 to vector<16xi32>
    %rem3A_317 = arith.remsi %add3A_310, %rem3A_316 : vector<16xi32>
    %ne3A_318 = arith.constant 0 : i32
    %ne3A_319 = vector.broadcast %ne3A_318 : i32 to vector<16xi32>
    %ne3A_320 = arith.cmpi ne, %rem3A_317, %ne3A_319 : vector<16xi32>
    %lt3A_321 = arith.constant 0 : i32
    %lt3A_322 = vector.broadcast %lt3A_321 : i32 to vector<16xi32>
    %lt3A_323 = arith.cmpi slt, %rem3A_317, %lt3A_322 : vector<16xi32>
    %lt3A_324 = arith.constant 0 : i32
    %lt3A_325 = arith.cmpi slt, %select_n3A_315, %lt3A_324 : i32
    %ne3A_326 = vector.broadcast %lt3A_325 : i1 to vector<16xi1>
    %ne3A_327 = vector.broadcast %ne3A_326 : vector<16xi1> to vector<16xi1>
    %ne3A_328 = arith.xori %lt3A_323, %ne3A_327 : vector<16xi1>
    %and3A_329 = arith.andi %ne3A_328, %ne3A_320 : vector<16xi1>
    %add3A_330 = vector.broadcast %select_n3A_315 : i32 to vector<16xi32>
    %add3A_331 = arith.addi %rem3A_317, %add3A_330 : vector<16xi32>
    %select_n3A_332 = arith.select %and3A_329, %add3A_331, %rem3A_317 : vector<16xi1>, vector<16xi32>
    %add3A_333 = arith.constant 5056 : i32
    %add3A_334 = vector.broadcast %add3A_333 : i32 to vector<16xi32>
    %add3A_335 = arith.addi %add3A_334, %select_n3A_332 : vector<16xi32>
    %add3A_336 = arith.constant 112 : i32
    %add3A_337 = arith.addi %scan3A_6#0, %add3A_336 : i32
    %swap3A_338 = arith.index_cast %add3A_337 : i32 to index
    %swap3A_339 = tpu.vector_load %arg7[%swap3A_338] {strides = array<i32>} : memref<10240xi32, #tpu.memory_space<vmem>>, vector<16xi32>,
    tpu.vector_store %arg7[%swap3A_338], %broadcast_in_dim3A_8 {strides = array<i32>} : memref<10240xi32, #tpu.memory_space<vmem>>, vector<16xi32>,
    %add3A_340 = arith.constant 112 : i32
    %add3A_341 = arith.addi %scan3A_6#0, %add3A_340 : i32
    %swap3A_342 = arith.index_cast %add3A_341 : i32 to index
    %swap3A_343 = tpu.vector_load %arg8[%swap3A_342] {strides = array<i32>} : memref<10240xi32, #tpu.memory_space<vmem>>, vector<16xi32>,
    tpu.vector_store %arg8[%swap3A_342], %add3A_335 {strides = array<i32>} : memref<10240xi32, #tpu.memory_space<vmem>>, vector<16xi32>,
    %add3A_344 = arith.constant 112 : i32
    %add3A_345 = arith.addi %scan3A_6#1, %add3A_344 : i32
    %swap3A_346 = arith.index_cast %add3A_345 : i32 to index
    %swap3A_347 = tpu.vector_load %arg9[%swap3A_346] {strides = array<i32>} : memref<10240xi32, #tpu.memory_space<vmem>>, vector<16xi32>,
    tpu.vector_store %arg9[%swap3A_346], %broadcast_in_dim3A_8 {strides = array<i32>} : memref<10240xi32, #tpu.memory_space<vmem>>, vector<16xi32>,
    %add3A_348 = arith.constant 112 : i32
    %add3A_349 = arith.addi %scan3A_6#1, %add3A_348 : i32
    %swap3A_350 = arith.index_cast %add3A_349 : i32 to index
    %swap3A_351 = tpu.vector_load %arg10[%swap3A_350] {strides = array<i32>} : memref<10240xi32, #tpu.memory_space<vmem>>, vector<16xi32>,
    tpu.vector_store %arg10[%swap3A_350], %add3A_335 {strides = array<i32>} : memref<10240xi32, #tpu.memory_space<vmem>>, vector<16xi32>,
    %mul3A_352 = arith.constant 328 : i32
    %mul3A_353 = arith.muli %arg1, %mul3A_352 : i32
    "tpu.region"() ({
      %run_scoped3A = tpu.sem_alloc : memref<!tpu.dma_semaphore, #tpu.memory_space<semaphore_mem>>
      %dma_start3A = arith.constant 0 : i32
      %dma_start3A_437 = tpu.memref_slice %arg13[%mul3A_353, %dma_start3A] : memref<5248x128xf32, #tpu.memory_space<vmem_shared>> -> memref<328x128xf32, #tpu.memory_space<vmem_shared>>
      %dma_start3A_438 = arith.constant 0 : i32
      %dma_start3A_439 = tpu.memref_slice %arg5[%mul3A_353, %dma_start3A_438] : memref<5248x128xf32, #tpu.memory_space<hbm>> -> memref<328x128xf32, #tpu.memory_space<hbm>>
      tpu.enqueue_dma source(%dma_start3A_439 : memref<328x128xf32, #tpu.memory_space<hbm>>) target(%dma_start3A_437 : memref<328x128xf32, #tpu.memory_space<vmem_shared>>) target_semaphore(%run_scoped3A : memref<!tpu.dma_semaphore, #tpu.memory_space<semaphore_mem>>)
      %dma_wait3A = arith.constant 0 : i32
      %dma_wait3A_440 = tpu.memref_slice %arg13[%mul3A_353, %dma_wait3A] : memref<5248x128xf32, #tpu.memory_space<vmem_shared>> -> memref<328x128xf32, #tpu.memory_space<vmem_shared>>
      %dma_wait3A_441 = arith.constant 0 : i32
      %dma_wait3A_442 = tpu.memref_slice %arg5[%mul3A_353, %dma_wait3A_441] : memref<5248x128xf32, #tpu.memory_space<hbm>> -> memref<328x128xf32, #tpu.memory_space<hbm>>
      tpu.wait_dma2 semaphore(%run_scoped3A : memref<!tpu.dma_semaphore, #tpu.memory_space<semaphore_mem>>) src(%dma_wait3A_442 : memref<328x128xf32, #tpu.memory_space<hbm>>) dst(%dma_wait3A_440 : memref<328x128xf32, #tpu.memory_space<vmem_shared>>)
      tpu.yield
    }) : () -> ()
    %barrier3A = arith.constant 0 : index
    tpu.barrier barrier_id(%barrier3A)
    %add3A_354 = arith.constant 127 : i32
    %add3A_355 = arith.addi %scan3A_6#0, %add3A_354 : i32
    %jit3A_356 = arith.constant 128 : i32
    %div3A = arith.divsi %add3A_355, %jit3A_356 : i32
    %sign3A = arith.constant 0 : i32
    %sign3A_357 = arith.cmpi sgt, %add3A_355, %sign3A : i32
    %sign3A_358 = arith.extui %sign3A_357 : i1 to i32
    %sign3A_359 = arith.constant 0 : i32
    %sign3A_360 = arith.cmpi slt, %add3A_355, %sign3A_359 : i32
    %sign3A_361 = arith.extui %sign3A_360 : i1 to i32
    %sign3A_362 = arith.subi %sign3A_358, %sign3A_361 : i32
    %sign3A_363 = arith.constant 0 : i32
    %sign3A_364 = arith.cmpi sgt, %jit3A_356, %sign3A_363 : i32
    %sign3A_365 = arith.extui %sign3A_364 : i1 to i32
    %sign3A_366 = arith.constant 0 : i32
    %sign3A_367 = arith.cmpi slt, %jit3A_356, %sign3A_366 : i32
    %sign3A_368 = arith.extui %sign3A_367 : i1 to i32
    %sign3A_369 = arith.subi %sign3A_365, %sign3A_368 : i32
    %ne3A_370 = arith.cmpi ne, %sign3A_362, %sign3A_369 : i32
    %rem3A_371 = arith.remsi %add3A_355, %jit3A_356 : i32
    %ne3A_372 = arith.constant 0 : i32
    %ne3A_373 = arith.cmpi ne, %rem3A_371, %ne3A_372 : i32
    %and3A_374 = arith.andi %ne3A_370, %ne3A_373 : i1
    %sub3A = arith.constant 1 : i32
    %sub3A_375 = arith.subi %div3A, %sub3A : i32
    %select_n3A_376 = arith.select %and3A_374, %sub3A_375, %div3A : i32
    %gt3A = arith.constant 0 : i32
    %gt3A_377 = arith.cmpi sgt, %select_n3A_376, %gt3A : i32
    %convert_element_type3A = arith.extui %gt3A_377 : i1 to i32
    %cond3A = arith.constant 0 : i32
    %cond3A_378 = arith.cmpi ne, %convert_element_type3A, %cond3A : i32
    scf.if %cond3A_378 {
      %dma_start3A = arith.constant 0 : i32
      %dma_start3A_437 = tpu.memref_slice %arg7[%dma_start3A] : memref<10240xi32, #tpu.memory_space<vmem>> -> memref<128xi32, #tpu.memory_space<vmem>>
      %dma_start3A_438 = arith.constant 0 : i32
      %dma_start3A_439 = arith.constant 0 : i32
      %dma_start3A_440 = tpu.memref_slice %arg2[%dma_start3A_438, %dma_start3A_439] : memref<20000x128xf32, #tpu.memory_space<hbm>> -> memref<20000x128xf32, #tpu.memory_space<hbm>>
      tpu.enqueue_indirect_dma source(%dma_start3A_440 : memref<20000x128xf32, #tpu.memory_space<hbm>>) target(%arg11 : memref<128x128xf32, #tpu.memory_space<vmem>>) offsets(%dma_start3A_437 : memref<128xi32, #tpu.memory_space<vmem>>) semaphore(%arg14 : memref<!tpu.dma_semaphore, #tpu.memory_space<semaphore_mem>>)
      %sub3A_441 = arith.constant 1 : i32
      %sub3A_442 = arith.subi %select_n3A_376, %sub3A_441 : i32
      %jit3A_443 = arith.constant 2 : i32
      %div3A_444 = arith.divsi %sub3A_442, %jit3A_443 : i32
      %sign3A_445 = arith.constant 0 : i32
      %sign3A_446 = arith.cmpi sgt, %sub3A_442, %sign3A_445 : i32
      %sign3A_447 = arith.extui %sign3A_446 : i1 to i32
      %sign3A_448 = arith.constant 0 : i32
      %sign3A_449 = arith.cmpi slt, %sub3A_442, %sign3A_448 : i32
      %sign3A_450 = arith.extui %sign3A_449 : i1 to i32
      %sign3A_451 = arith.subi %sign3A_447, %sign3A_450 : i32
      %sign3A_452 = arith.constant 0 : i32
      %sign3A_453 = arith.cmpi sgt, %jit3A_443, %sign3A_452 : i32
      %sign3A_454 = arith.extui %sign3A_453 : i1 to i32
      %sign3A_455 = arith.constant 0 : i32
      %sign3A_456 = arith.cmpi slt, %jit3A_443, %sign3A_455 : i32
      %sign3A_457 = arith.extui %sign3A_456 : i1 to i32
      %sign3A_458 = arith.subi %sign3A_454, %sign3A_457 : i32
      %ne3A_459 = arith.cmpi ne, %sign3A_451, %sign3A_458 : i32
      %rem3A_460 = arith.remsi %sub3A_442, %jit3A_443 : i32
      %ne3A_461 = arith.constant 0 : i32
      %ne3A_462 = arith.cmpi ne, %rem3A_460, %ne3A_461 : i32
      %and3A_463 = arith.andi %ne3A_459, %ne3A_462 : i1
      %sub3A_464 = arith.constant 1 : i32
      %sub3A_465 = arith.subi %div3A_444, %sub3A_464 : i32
      %select_n3A_466 = arith.select %and3A_463, %sub3A_465, %div3A_444 : i32
      %while3A = arith.constant 0 : i32
      %while3A_467 = arith.constant 0 : i32
      %while3A_468 = arith.subi %select_n3A_466, %while3A_467 : i32
      %while3A_469 = arith.addi %while3A_467, %while3A_468 : i32
      %while3A_470 = arith.constant 1 : i32
      %while3A_471 = arith.divsi %while3A_468, %while3A_470 : i32
      %while3A_472 = arith.muli %while3A_471, %while3A_470 : i32
      %while3A_473 = arith.addi %while3A_467, %while3A_472 : i32
      %while3A_474 = arith.constant 1 : i32
      scf.for %while3A_518 = %while3A_467 to %while3A_473 step %while3A_474  : i32 {
        %mul3A_519 = arith.constant 2 : i32
        %mul3A_520 = arith.muli %mul3A_519, %while3A_518 : i32
        %add3A_521 = arith.constant 1 : i32
        %add3A_522 = arith.addi %mul3A_520, %add3A_521 : i32
        %mul3A_523 = arith.constant 128 : i32
        %mul3A_524 = arith.muli %add3A_522, %mul3A_523 : i32
        %dma_start3A_525 = tpu.memref_slice %arg7[%mul3A_524] : memref<10240xi32, #tpu.memory_space<vmem>> -> memref<128xi32, #tpu.memory_space<vmem>>
        %dma_start3A_526 = arith.constant 0 : i32
        %dma_start3A_527 = arith.constant 0 : i32
        %dma_start3A_528 = tpu.memref_slice %arg2[%dma_start3A_526, %dma_start3A_527] : memref<20000x128xf32, #tpu.memory_space<hbm>> -> memref<20000x128xf32, #tpu.memory_space<hbm>>
        tpu.enqueue_indirect_dma source(%dma_start3A_528 : memref<20000x128xf32, #tpu.memory_space<hbm>>) target(%arg12 : memref<128x128xf32, #tpu.memory_space<vmem>>) offsets(%dma_start3A_525 : memref<128xi32, #tpu.memory_space<vmem>>) semaphore(%arg15 : memref<!tpu.dma_semaphore, #tpu.memory_space<semaphore_mem>>)
        %mul3A_529 = arith.constant 128 : i32
        %mul3A_530 = arith.muli %mul3A_520, %mul3A_529 : i32
        %dma_wait3A = tpu.memref_slice %arg7[%mul3A_530] : memref<10240xi32, #tpu.memory_space<vmem>> -> memref<128xi32, #tpu.memory_space<vmem>>
        %dma_wait3A_531 = arith.constant 0 : i32
        %dma_wait3A_532 = arith.constant 0 : i32
        %dma_wait3A_533 = tpu.memref_slice %arg2[%dma_wait3A_531, %dma_wait3A_532] : memref<20000x128xf32, #tpu.memory_space<hbm>> -> memref<20000x128xf32, #tpu.memory_space<hbm>>
        tpu.wait_indirect_dma semaphore(%arg14 : memref<!tpu.dma_semaphore, #tpu.memory_space<semaphore_mem>>) src(%dma_wait3A_533 : memref<20000x128xf32, #tpu.memory_space<hbm>>) dst(%arg11 : memref<128x128xf32, #tpu.memory_space<vmem>>)
        %mul3A_534 = arith.constant 128 : i32
        %mul3A_535 = arith.muli %mul3A_520, %mul3A_534 : i32
        "tpu.region"() ({
          %run_scoped3A = tpu.sem_alloc : memref<!tpu.dma_semaphore, #tpu.memory_space<semaphore_mem>>
          %dma_start3A_556 = tpu.memref_slice %arg8[%mul3A_535] : memref<10240xi32, #tpu.memory_space<vmem>> -> memref<128xi32, #tpu.memory_space<vmem>>
          %dma_start3A_557 = arith.constant 0 : i32
          %dma_start3A_558 = arith.constant 0 : i32
          %dma_start3A_559 = tpu.memref_slice %arg13[%dma_start3A_557, %dma_start3A_558] : memref<5248x128xf32, #tpu.memory_space<vmem_shared>> -> memref<5248x128xf32, #tpu.memory_space<vmem_shared>>
          tpu.enqueue_indirect_dma source(%arg11 : memref<128x128xf32, #tpu.memory_space<vmem>>) target(%dma_start3A_559 : memref<5248x128xf32, #tpu.memory_space<vmem_shared>>) offsets(%dma_start3A_556 : memref<128xi32, #tpu.memory_space<vmem>>) semaphore(%run_scoped3A : memref<!tpu.dma_semaphore, #tpu.memory_space<semaphore_mem>>) {add = true}
          %dma_wait3A_560 = tpu.memref_slice %arg8[%mul3A_535] : memref<10240xi32, #tpu.memory_space<vmem>> -> memref<128xi32, #tpu.memory_space<vmem>>
          %dma_wait3A_561 = arith.constant 0 : i32
          %dma_wait3A_562 = arith.constant 0 : i32
          %dma_wait3A_563 = tpu.memref_slice %arg13[%dma_wait3A_561, %dma_wait3A_562] : memref<5248x128xf32, #tpu.memory_space<vmem_shared>> -> memref<5248x128xf32, #tpu.memory_space<vmem_shared>>
          tpu.wait_indirect_dma semaphore(%run_scoped3A : memref<!tpu.dma_semaphore, #tpu.memory_space<semaphore_mem>>) src(%arg11 : memref<128x128xf32, #tpu.memory_space<vmem>>) dst(%dma_wait3A_563 : memref<5248x128xf32, #tpu.memory_space<vmem_shared>>)
          tpu.yield
        }) : () -> ()
        %add3A_536 = arith.constant 2 : i32
        %add3A_537 = arith.addi %mul3A_520, %add3A_536 : i32
        %mul3A_538 = arith.constant 128 : i32
        %mul3A_539 = arith.muli %add3A_537, %mul3A_538 : i32
        %dma_start3A_540 = tpu.memref_slice %arg7[%mul3A_539] : memref<10240xi32, #tpu.memory_space<vmem>> -> memref<128xi32, #tpu.memory_space<vmem>>
        %dma_start3A_541 = arith.constant 0 : i32
        %dma_start3A_542 = arith.constant 0 : i32
        %dma_start3A_543 = tpu.memref_slice %arg2[%dma_start3A_541, %dma_start3A_542] : memref<20000x128xf32, #tpu.memory_space<hbm>> -> memref<20000x128xf32, #tpu.memory_space<hbm>>
        tpu.enqueue_indirect_dma source(%dma_start3A_543 : memref<20000x128xf32, #tpu.memory_space<hbm>>) target(%arg11 : memref<128x128xf32, #tpu.memory_space<vmem>>) offsets(%dma_start3A_540 : memref<128xi32, #tpu.memory_space<vmem>>) semaphore(%arg14 : memref<!tpu.dma_semaphore, #tpu.memory_space<semaphore_mem>>)
        %add3A_544 = arith.constant 1 : i32
        %add3A_545 = arith.addi %mul3A_520, %add3A_544 : i32
        %mul3A_546 = arith.constant 128 : i32
        %mul3A_547 = arith.muli %add3A_545, %mul3A_546 : i32
        %dma_wait3A_548 = tpu.memref_slice %arg7[%mul3A_547] : memref<10240xi32, #tpu.memory_space<vmem>> -> memref<128xi32, #tpu.memory_space<vmem>>
        %dma_wait3A_549 = arith.constant 0 : i32
        %dma_wait3A_550 = arith.constant 0 : i32
        %dma_wait3A_551 = tpu.memref_slice %arg2[%dma_wait3A_549, %dma_wait3A_550] : memref<20000x128xf32, #tpu.memory_space<hbm>> -> memref<20000x128xf32, #tpu.memory_space<hbm>>
        tpu.wait_indirect_dma semaphore(%arg15 : memref<!tpu.dma_semaphore, #tpu.memory_space<semaphore_mem>>) src(%dma_wait3A_551 : memref<20000x128xf32, #tpu.memory_space<hbm>>) dst(%arg12 : memref<128x128xf32, #tpu.memory_space<vmem>>)
        %add3A_552 = arith.constant 1 : i32
        %add3A_553 = arith.addi %mul3A_520, %add3A_552 : i32
        %mul3A_554 = arith.constant 128 : i32
        %mul3A_555 = arith.muli %add3A_553, %mul3A_554 : i32
        "tpu.region"() ({
          %run_scoped3A = tpu.sem_alloc : memref<!tpu.dma_semaphore, #tpu.memory_space<semaphore_mem>>
          %dma_start3A_556 = tpu.memref_slice %arg8[%mul3A_555] : memref<10240xi32, #tpu.memory_space<vmem>> -> memref<128xi32, #tpu.memory_space<vmem>>
          %dma_start3A_557 = arith.constant 0 : i32
          %dma_start3A_558 = arith.constant 0 : i32
          %dma_start3A_559 = tpu.memref_slice %arg13[%dma_start3A_557, %dma_start3A_558] : memref<5248x128xf32, #tpu.memory_space<vmem_shared>> -> memref<5248x128xf32, #tpu.memory_space<vmem_shared>>
          tpu.enqueue_indirect_dma source(%arg12 : memref<128x128xf32, #tpu.memory_space<vmem>>) target(%dma_start3A_559 : memref<5248x128xf32, #tpu.memory_space<vmem_shared>>) offsets(%dma_start3A_556 : memref<128xi32, #tpu.memory_space<vmem>>) semaphore(%run_scoped3A : memref<!tpu.dma_semaphore, #tpu.memory_space<semaphore_mem>>) {add = true}
          %dma_wait3A_560 = tpu.memref_slice %arg8[%mul3A_555] : memref<10240xi32, #tpu.memory_space<vmem>> -> memref<128xi32, #tpu.memory_space<vmem>>
          %dma_wait3A_561 = arith.constant 0 : i32
          %dma_wait3A_562 = arith.constant 0 : i32
          %dma_wait3A_563 = tpu.memref_slice %arg13[%dma_wait3A_561, %dma_wait3A_562] : memref<5248x128xf32, #tpu.memory_space<vmem_shared>> -> memref<5248x128xf32, #tpu.memory_space<vmem_shared>>
          tpu.wait_indirect_dma semaphore(%run_scoped3A : memref<!tpu.dma_semaphore, #tpu.memory_space<semaphore_mem>>) src(%arg12 : memref<128x128xf32, #tpu.memory_space<vmem>>) dst(%dma_wait3A_563 : memref<5248x128xf32, #tpu.memory_space<vmem_shared>>)
          tpu.yield
        }) : () -> ()
      }
      %while3A_475 = arith.constant 1 : i32
      scf.for %while3A_518 = %while3A_473 to %while3A_469 step %while3A_475  : i32 {
        %mul3A_519 = arith.constant 2 : i32
        %mul3A_520 = arith.muli %mul3A_519, %while3A_518 : i32
        %add3A_521 = arith.constant 1 : i32
        %add3A_522 = arith.addi %mul3A_520, %add3A_521 : i32
        %mul3A_523 = arith.constant 128 : i32
        %mul3A_524 = arith.muli %add3A_522, %mul3A_523 : i32
        %dma_start3A_525 = tpu.memref_slice %arg7[%mul3A_524] : memref<10240xi32, #tpu.memory_space<vmem>> -> memref<128xi32, #tpu.memory_space<vmem>>
        %dma_start3A_526 = arith.constant 0 : i32
        %dma_start3A_527 = arith.constant 0 : i32
        %dma_start3A_528 = tpu.memref_slice %arg2[%dma_start3A_526, %dma_start3A_527] : memref<20000x128xf32, #tpu.memory_space<hbm>> -> memref<20000x128xf32, #tpu.memory_space<hbm>>
        tpu.enqueue_indirect_dma source(%dma_start3A_528 : memref<20000x128xf32, #tpu.memory_space<hbm>>) target(%arg12 : memref<128x128xf32, #tpu.memory_space<vmem>>) offsets(%dma_start3A_525 : memref<128xi32, #tpu.memory_space<vmem>>) semaphore(%arg15 : memref<!tpu.dma_semaphore, #tpu.memory_space<semaphore_mem>>)
        %mul3A_529 = arith.constant 128 : i32
        %mul3A_530 = arith.muli %mul3A_520, %mul3A_529 : i32
        %dma_wait3A = tpu.memref_slice %arg7[%mul3A_530] : memref<10240xi32, #tpu.memory_space<vmem>> -> memref<128xi32, #tpu.memory_space<vmem>>
        %dma_wait3A_531 = arith.constant 0 : i32
        %dma_wait3A_532 = arith.constant 0 : i32
        %dma_wait3A_533 = tpu.memref_slice %arg2[%dma_wait3A_531, %dma_wait3A_532] : memref<20000x128xf32, #tpu.memory_space<hbm>> -> memref<20000x128xf32, #tpu.memory_space<hbm>>
        tpu.wait_indirect_dma semaphore(%arg14 : memref<!tpu.dma_semaphore, #tpu.memory_space<semaphore_mem>>) src(%dma_wait3A_533 : memref<20000x128xf32, #tpu.memory_space<hbm>>) dst(%arg11 : memref<128x128xf32, #tpu.memory_space<vmem>>)
        %mul3A_534 = arith.constant 128 : i32
        %mul3A_535 = arith.muli %mul3A_520, %mul3A_534 : i32
        "tpu.region"() ({
          %run_scoped3A = tpu.sem_alloc : memref<!tpu.dma_semaphore, #tpu.memory_space<semaphore_mem>>
          %dma_start3A_556 = tpu.memref_slice %arg8[%mul3A_535] : memref<10240xi32, #tpu.memory_space<vmem>> -> memref<128xi32, #tpu.memory_space<vmem>>
          %dma_start3A_557 = arith.constant 0 : i32
          %dma_start3A_558 = arith.constant 0 : i32
          %dma_start3A_559 = tpu.memref_slice %arg13[%dma_start3A_557, %dma_start3A_558] : memref<5248x128xf32, #tpu.memory_space<vmem_shared>> -> memref<5248x128xf32, #tpu.memory_space<vmem_shared>>
          tpu.enqueue_indirect_dma source(%arg11 : memref<128x128xf32, #tpu.memory_space<vmem>>) target(%dma_start3A_559 : memref<5248x128xf32, #tpu.memory_space<vmem_shared>>) offsets(%dma_start3A_556 : memref<128xi32, #tpu.memory_space<vmem>>) semaphore(%run_scoped3A : memref<!tpu.dma_semaphore, #tpu.memory_space<semaphore_mem>>) {add = true}
          %dma_wait3A_560 = tpu.memref_slice %arg8[%mul3A_535] : memref<10240xi32, #tpu.memory_space<vmem>> -> memref<128xi32, #tpu.memory_space<vmem>>
          %dma_wait3A_561 = arith.constant 0 : i32
          %dma_wait3A_562 = arith.constant 0 : i32
          %dma_wait3A_563 = tpu.memref_slice %arg13[%dma_wait3A_561, %dma_wait3A_562] : memref<5248x128xf32, #tpu.memory_space<vmem_shared>> -> memref<5248x128xf32, #tpu.memory_space<vmem_shared>>
          tpu.wait_indirect_dma semaphore(%run_scoped3A : memref<!tpu.dma_semaphore, #tpu.memory_space<semaphore_mem>>) src(%arg11 : memref<128x128xf32, #tpu.memory_space<vmem>>) dst(%dma_wait3A_563 : memref<5248x128xf32, #tpu.memory_space<vmem_shared>>)
          tpu.yield
        }) : () -> ()
        %add3A_536 = arith.constant 2 : i32
        %add3A_537 = arith.addi %mul3A_520, %add3A_536 : i32
        %mul3A_538 = arith.constant 128 : i32
        %mul3A_539 = arith.muli %add3A_537, %mul3A_538 : i32
        %dma_start3A_540 = tpu.memref_slice %arg7[%mul3A_539] : memref<10240xi32, #tpu.memory_space<vmem>> -> memref<128xi32, #tpu.memory_space<vmem>>
        %dma_start3A_541 = arith.constant 0 : i32
        %dma_start3A_542 = arith.constant 0 : i32
        %dma_start3A_543 = tpu.memref_slice %arg2[%dma_start3A_541, %dma_start3A_542] : memref<20000x128xf32, #tpu.memory_space<hbm>> -> memref<20000x128xf32, #tpu.memory_space<hbm>>
        tpu.enqueue_indirect_dma source(%dma_start3A_543 : memref<20000x128xf32, #tpu.memory_space<hbm>>) target(%arg11 : memref<128x128xf32, #tpu.memory_space<vmem>>) offsets(%dma_start3A_540 : memref<128xi32, #tpu.memory_space<vmem>>) semaphore(%arg14 : memref<!tpu.dma_semaphore, #tpu.memory_space<semaphore_mem>>)
        %add3A_544 = arith.constant 1 : i32
        %add3A_545 = arith.addi %mul3A_520, %add3A_544 : i32
        %mul3A_546 = arith.constant 128 : i32
        %mul3A_547 = arith.muli %add3A_545, %mul3A_546 : i32
        %dma_wait3A_548 = tpu.memref_slice %arg7[%mul3A_547] : memref<10240xi32, #tpu.memory_space<vmem>> -> memref<128xi32, #tpu.memory_space<vmem>>
        %dma_wait3A_549 = arith.constant 0 : i32
        %dma_wait3A_550 = arith.constant 0 : i32
        %dma_wait3A_551 = tpu.memref_slice %arg2[%dma_wait3A_549, %dma_wait3A_550] : memref<20000x128xf32, #tpu.memory_space<hbm>> -> memref<20000x128xf32, #tpu.memory_space<hbm>>
        tpu.wait_indirect_dma semaphore(%arg15 : memref<!tpu.dma_semaphore, #tpu.memory_space<semaphore_mem>>) src(%dma_wait3A_551 : memref<20000x128xf32, #tpu.memory_space<hbm>>) dst(%arg12 : memref<128x128xf32, #tpu.memory_space<vmem>>)
        %add3A_552 = arith.constant 1 : i32
        %add3A_553 = arith.addi %mul3A_520, %add3A_552 : i32
        %mul3A_554 = arith.constant 128 : i32
        %mul3A_555 = arith.muli %add3A_553, %mul3A_554 : i32
        "tpu.region"() ({
          %run_scoped3A = tpu.sem_alloc : memref<!tpu.dma_semaphore, #tpu.memory_space<semaphore_mem>>
          %dma_start3A_556 = tpu.memref_slice %arg8[%mul3A_555] : memref<10240xi32, #tpu.memory_space<vmem>> -> memref<128xi32, #tpu.memory_space<vmem>>
          %dma_start3A_557 = arith.constant 0 : i32
          %dma_start3A_558 = arith.constant 0 : i32
          %dma_start3A_559 = tpu.memref_slice %arg13[%dma_start3A_557, %dma_start3A_558] : memref<5248x128xf32, #tpu.memory_space<vmem_shared>> -> memref<5248x128xf32, #tpu.memory_space<vmem_shared>>
          tpu.enqueue_indirect_dma source(%arg12 : memref<128x128xf32, #tpu.memory_space<vmem>>) target(%dma_start3A_559 : memref<5248x128xf32, #tpu.memory_space<vmem_shared>>) offsets(%dma_start3A_556 : memref<128xi32, #tpu.memory_space<vmem>>) semaphore(%run_scoped3A : memref<!tpu.dma_semaphore, #tpu.memory_space<semaphore_mem>>) {add = true}
          %dma_wait3A_560 = tpu.memref_slice %arg8[%mul3A_555] : memref<10240xi32, #tpu.memory_space<vmem>> -> memref<128xi32, #tpu.memory_space<vmem>>
          %dma_wait3A_561 = arith.constant 0 : i32
          %dma_wait3A_562 = arith.constant 0 : i32
          %dma_wait3A_563 = tpu.memref_slice %arg13[%dma_wait3A_561, %dma_wait3A_562] : memref<5248x128xf32, #tpu.memory_space<vmem_shared>> -> memref<5248x128xf32, #tpu.memory_space<vmem_shared>>
          tpu.wait_indirect_dma semaphore(%run_scoped3A : memref<!tpu.dma_semaphore, #tpu.memory_space<semaphore_mem>>) src(%arg12 : memref<128x128xf32, #tpu.memory_space<vmem>>) dst(%dma_wait3A_563 : memref<5248x128xf32, #tpu.memory_space<vmem_shared>>)
          tpu.yield
        }) : () -> ()
      }
      %jit3A_476 = arith.constant 2 : i32
      %eq3A_477 = arith.constant 0 : i32
      %eq3A_478 = arith.cmpi eq, %jit3A_476, %eq3A_477 : i32
      %jit3A_479 = arith.constant 1 : i32
      %select_n3A_480 = arith.select %eq3A_478, %jit3A_479, %jit3A_476 : i32
      %rem3A_481 = arith.remsi %select_n3A_376, %select_n3A_480 : i32
      %ne3A_482 = arith.constant 0 : i32
      %ne3A_483 = arith.cmpi ne, %rem3A_481, %ne3A_482 : i32
      %lt3A_484 = arith.constant 0 : i32
      %lt3A_485 = arith.cmpi slt, %rem3A_481, %lt3A_484 : i32
      %lt3A_486 = arith.constant 0 : i32
      %lt3A_487 = arith.cmpi slt, %select_n3A_480, %lt3A_486 : i32
      %ne3A_488 = arith.xori %lt3A_485, %lt3A_487 : i1
      %and3A_489 = arith.andi %ne3A_488, %ne3A_483 : i1
      %add3A_490 = arith.addi %rem3A_481, %select_n3A_480 : i32
      %select_n3A_491 = arith.select %and3A_489, %add3A_490, %rem3A_481 : i32
      %eq3A_492 = arith.constant 1 : i32
      %eq3A_493 = arith.cmpi eq, %select_n3A_491, %eq3A_492 : i32
      %convert_element_type3A_494 = arith.extui %eq3A_493 : i1 to i32
      %cond3A_495 = arith.constant 0 : i32
      %cond3A_496 = arith.cmpi ne, %convert_element_type3A_494, %cond3A_495 : i32
      scf.if %cond3A_496 {
        %sub3A_518 = arith.constant 1 : i32
        %sub3A_519 = arith.subi %select_n3A_376, %sub3A_518 : i32
        %mul3A_520 = arith.constant 128 : i32
        %mul3A_521 = arith.muli %sub3A_519, %mul3A_520 : i32
        %dma_wait3A = tpu.memref_slice %arg7[%mul3A_521] : memref<10240xi32, #tpu.memory_space<vmem>> -> memref<128xi32, #tpu.memory_space<vmem>>
        %dma_wait3A_522 = arith.constant 0 : i32
        %dma_wait3A_523 = arith.constant 0 : i32
        %dma_wait3A_524 = tpu.memref_slice %arg2[%dma_wait3A_522, %dma_wait3A_523] : memref<20000x128xf32, #tpu.memory_space<hbm>> -> memref<20000x128xf32, #tpu.memory_space<hbm>>
        tpu.wait_indirect_dma semaphore(%arg14 : memref<!tpu.dma_semaphore, #tpu.memory_space<semaphore_mem>>) src(%dma_wait3A_524 : memref<20000x128xf32, #tpu.memory_space<hbm>>) dst(%arg11 : memref<128x128xf32, #tpu.memory_space<vmem>>)
        %sub3A_525 = arith.constant 1 : i32
        %sub3A_526 = arith.subi %select_n3A_376, %sub3A_525 : i32
        %mul3A_527 = arith.constant 128 : i32
        %mul3A_528 = arith.muli %sub3A_526, %mul3A_527 : i32
        "tpu.region"() ({
          %run_scoped3A = tpu.sem_alloc : memref<!tpu.dma_semaphore, #tpu.memory_space<semaphore_mem>>
          %dma_start3A_529 = tpu.memref_slice %arg8[%mul3A_528] : memref<10240xi32, #tpu.memory_space<vmem>> -> memref<128xi32, #tpu.memory_space<vmem>>
          %dma_start3A_530 = arith.constant 0 : i32
          %dma_start3A_531 = arith.constant 0 : i32
          %dma_start3A_532 = tpu.memref_slice %arg13[%dma_start3A_530, %dma_start3A_531] : memref<5248x128xf32, #tpu.memory_space<vmem_shared>> -> memref<5248x128xf32, #tpu.memory_space<vmem_shared>>
          tpu.enqueue_indirect_dma source(%arg11 : memref<128x128xf32, #tpu.memory_space<vmem>>) target(%dma_start3A_532 : memref<5248x128xf32, #tpu.memory_space<vmem_shared>>) offsets(%dma_start3A_529 : memref<128xi32, #tpu.memory_space<vmem>>) semaphore(%run_scoped3A : memref<!tpu.dma_semaphore, #tpu.memory_space<semaphore_mem>>) {add = true}
          %dma_wait3A_533 = tpu.memref_slice %arg8[%mul3A_528] : memref<10240xi32, #tpu.memory_space<vmem>> -> memref<128xi32, #tpu.memory_space<vmem>>
          %dma_wait3A_534 = arith.constant 0 : i32
          %dma_wait3A_535 = arith.constant 0 : i32
          %dma_wait3A_536 = tpu.memref_slice %arg13[%dma_wait3A_534, %dma_wait3A_535] : memref<5248x128xf32, #tpu.memory_space<vmem_shared>> -> memref<5248x128xf32, #tpu.memory_space<vmem_shared>>
          tpu.wait_indirect_dma semaphore(%run_scoped3A : memref<!tpu.dma_semaphore, #tpu.memory_space<semaphore_mem>>) src(%arg11 : memref<128x128xf32, #tpu.memory_space<vmem>>) dst(%dma_wait3A_536 : memref<5248x128xf32, #tpu.memory_space<vmem_shared>>)
          tpu.yield
        }) : () -> ()
      } else {
      }
      %jit3A_497 = arith.constant 2 : i32
      %eq3A_498 = arith.constant 0 : i32
      %eq3A_499 = arith.cmpi eq, %jit3A_497, %eq3A_498 : i32
      %jit3A_500 = arith.constant 1 : i32
      %select_n3A_501 = arith.select %eq3A_499, %jit3A_500, %jit3A_497 : i32
      %rem3A_502 = arith.remsi %select_n3A_376, %select_n3A_501 : i32
      %ne3A_503 = arith.constant 0 : i32
      %ne3A_504 = arith.cmpi ne, %rem3A_502, %ne3A_503 : i32
      %lt3A_505 = arith.constant 0 : i32
      %lt3A_506 = arith.cmpi slt, %rem3A_502, %lt3A_505 : i32
      %lt3A_507 = arith.constant 0 : i32
      %lt3A_508 = arith.cmpi slt, %select_n3A_501, %lt3A_507 : i32
      %ne3A_509 = arith.xori %lt3A_506, %lt3A_508 : i1
      %and3A_510 = arith.andi %ne3A_509, %ne3A_504 : i1
      %add3A_511 = arith.addi %rem3A_502, %select_n3A_501 : i32
      %select_n3A_512 = arith.select %and3A_510, %add3A_511, %rem3A_502 : i32
      %eq3A_513 = arith.constant 0 : i32
      %eq3A_514 = arith.cmpi eq, %select_n3A_512, %eq3A_513 : i32
      %convert_element_type3A_515 = arith.extui %eq3A_514 : i1 to i32
      %cond3A_516 = arith.constant 0 : i32
      %cond3A_517 = arith.cmpi ne, %convert_element_type3A_515, %cond3A_516 : i32
      scf.if %cond3A_517 {
        %sub3A_518 = arith.constant 1 : i32
        %sub3A_519 = arith.subi %select_n3A_376, %sub3A_518 : i32
        %mul3A_520 = arith.constant 128 : i32
        %mul3A_521 = arith.muli %sub3A_519, %mul3A_520 : i32
        %dma_start3A_522 = tpu.memref_slice %arg7[%mul3A_521] : memref<10240xi32, #tpu.memory_space<vmem>> -> memref<128xi32, #tpu.memory_space<vmem>>
        %dma_start3A_523 = arith.constant 0 : i32
        %dma_start3A_524 = arith.constant 0 : i32
        %dma_start3A_525 = tpu.memref_slice %arg2[%dma_start3A_523, %dma_start3A_524] : memref<20000x128xf32, #tpu.memory_space<hbm>> -> memref<20000x128xf32, #tpu.memory_space<hbm>>
        tpu.enqueue_indirect_dma source(%dma_start3A_525 : memref<20000x128xf32, #tpu.memory_space<hbm>>) target(%arg12 : memref<128x128xf32, #tpu.memory_space<vmem>>) offsets(%dma_start3A_522 : memref<128xi32, #tpu.memory_space<vmem>>) semaphore(%arg15 : memref<!tpu.dma_semaphore, #tpu.memory_space<semaphore_mem>>)
        %sub3A_526 = arith.constant 2 : i32
        %sub3A_527 = arith.subi %select_n3A_376, %sub3A_526 : i32
        %mul3A_528 = arith.constant 128 : i32
        %mul3A_529 = arith.muli %sub3A_527, %mul3A_528 : i32
        %dma_wait3A = tpu.memref_slice %arg7[%mul3A_529] : memref<10240xi32, #tpu.memory_space<vmem>> -> memref<128xi32, #tpu.memory_space<vmem>>
        %dma_wait3A_530 = arith.constant 0 : i32
        %dma_wait3A_531 = arith.constant 0 : i32
        %dma_wait3A_532 = tpu.memref_slice %arg2[%dma_wait3A_530, %dma_wait3A_531] : memref<20000x128xf32, #tpu.memory_space<hbm>> -> memref<20000x128xf32, #tpu.memory_space<hbm>>
        tpu.wait_indirect_dma semaphore(%arg14 : memref<!tpu.dma_semaphore, #tpu.memory_space<semaphore_mem>>) src(%dma_wait3A_532 : memref<20000x128xf32, #tpu.memory_space<hbm>>) dst(%arg11 : memref<128x128xf32, #tpu.memory_space<vmem>>)
        %sub3A_533 = arith.constant 2 : i32
        %sub3A_534 = arith.subi %select_n3A_376, %sub3A_533 : i32
        %mul3A_535 = arith.constant 128 : i32
        %mul3A_536 = arith.muli %sub3A_534, %mul3A_535 : i32
        "tpu.region"() ({
          %run_scoped3A = tpu.sem_alloc : memref<!tpu.dma_semaphore, #tpu.memory_space<semaphore_mem>>
          %dma_start3A_549 = tpu.memref_slice %arg8[%mul3A_536] : memref<10240xi32, #tpu.memory_space<vmem>> -> memref<128xi32, #tpu.memory_space<vmem>>
          %dma_start3A_550 = arith.constant 0 : i32
          %dma_start3A_551 = arith.constant 0 : i32
          %dma_start3A_552 = tpu.memref_slice %arg13[%dma_start3A_550, %dma_start3A_551] : memref<5248x128xf32, #tpu.memory_space<vmem_shared>> -> memref<5248x128xf32, #tpu.memory_space<vmem_shared>>
          tpu.enqueue_indirect_dma source(%arg11 : memref<128x128xf32, #tpu.memory_space<vmem>>) target(%dma_start3A_552 : memref<5248x128xf32, #tpu.memory_space<vmem_shared>>) offsets(%dma_start3A_549 : memref<128xi32, #tpu.memory_space<vmem>>) semaphore(%run_scoped3A : memref<!tpu.dma_semaphore, #tpu.memory_space<semaphore_mem>>) {add = true}
          %dma_wait3A_553 = tpu.memref_slice %arg8[%mul3A_536] : memref<10240xi32, #tpu.memory_space<vmem>> -> memref<128xi32, #tpu.memory_space<vmem>>
          %dma_wait3A_554 = arith.constant 0 : i32
          %dma_wait3A_555 = arith.constant 0 : i32
          %dma_wait3A_556 = tpu.memref_slice %arg13[%dma_wait3A_554, %dma_wait3A_555] : memref<5248x128xf32, #tpu.memory_space<vmem_shared>> -> memref<5248x128xf32, #tpu.memory_space<vmem_shared>>
          tpu.wait_indirect_dma semaphore(%run_scoped3A : memref<!tpu.dma_semaphore, #tpu.memory_space<semaphore_mem>>) src(%arg11 : memref<128x128xf32, #tpu.memory_space<vmem>>) dst(%dma_wait3A_556 : memref<5248x128xf32, #tpu.memory_space<vmem_shared>>)
          tpu.yield
        }) : () -> ()
        %sub3A_537 = arith.constant 1 : i32
        %sub3A_538 = arith.subi %select_n3A_376, %sub3A_537 : i32
        %mul3A_539 = arith.constant 128 : i32
        %mul3A_540 = arith.muli %sub3A_538, %mul3A_539 : i32
        %dma_wait3A_541 = tpu.memref_slice %arg7[%mul3A_540] : memref<10240xi32, #tpu.memory_space<vmem>> -> memref<128xi32, #tpu.memory_space<vmem>>
        %dma_wait3A_542 = arith.constant 0 : i32
        %dma_wait3A_543 = arith.constant 0 : i32
        %dma_wait3A_544 = tpu.memref_slice %arg2[%dma_wait3A_542, %dma_wait3A_543] : memref<20000x128xf32, #tpu.memory_space<hbm>> -> memref<20000x128xf32, #tpu.memory_space<hbm>>
        tpu.wait_indirect_dma semaphore(%arg15 : memref<!tpu.dma_semaphore, #tpu.memory_space<semaphore_mem>>) src(%dma_wait3A_544 : memref<20000x128xf32, #tpu.memory_space<hbm>>) dst(%arg12 : memref<128x128xf32, #tpu.memory_space<vmem>>)
        %sub3A_545 = arith.constant 1 : i32
        %sub3A_546 = arith.subi %select_n3A_376, %sub3A_545 : i32
        %mul3A_547 = arith.constant 128 : i32
        %mul3A_548 = arith.muli %sub3A_546, %mul3A_547 : i32
        "tpu.region"() ({
          %run_scoped3A = tpu.sem_alloc : memref<!tpu.dma_semaphore, #tpu.memory_space<semaphore_mem>>
          %dma_start3A_549 = tpu.memref_slice %arg8[%mul3A_548] : memref<10240xi32, #tpu.memory_space<vmem>> -> memref<128xi32, #tpu.memory_space<vmem>>
          %dma_start3A_550 = arith.constant 0 : i32
          %dma_start3A_551 = arith.constant 0 : i32
          %dma_start3A_552 = tpu.memref_slice %arg13[%dma_start3A_550, %dma_start3A_551] : memref<5248x128xf32, #tpu.memory_space<vmem_shared>> -> memref<5248x128xf32, #tpu.memory_space<vmem_shared>>
          tpu.enqueue_indirect_dma source(%arg12 : memref<128x128xf32, #tpu.memory_space<vmem>>) target(%dma_start3A_552 : memref<5248x128xf32, #tpu.memory_space<vmem_shared>>) offsets(%dma_start3A_549 : memref<128xi32, #tpu.memory_space<vmem>>) semaphore(%run_scoped3A : memref<!tpu.dma_semaphore, #tpu.memory_space<semaphore_mem>>) {add = true}
          %dma_wait3A_553 = tpu.memref_slice %arg8[%mul3A_548] : memref<10240xi32, #tpu.memory_space<vmem>> -> memref<128xi32, #tpu.memory_space<vmem>>
          %dma_wait3A_554 = arith.constant 0 : i32
          %dma_wait3A_555 = arith.constant 0 : i32
          %dma_wait3A_556 = tpu.memref_slice %arg13[%dma_wait3A_554, %dma_wait3A_555] : memref<5248x128xf32, #tpu.memory_space<vmem_shared>> -> memref<5248x128xf32, #tpu.memory_space<vmem_shared>>
          tpu.wait_indirect_dma semaphore(%run_scoped3A : memref<!tpu.dma_semaphore, #tpu.memory_space<semaphore_mem>>) src(%arg12 : memref<128x128xf32, #tpu.memory_space<vmem>>) dst(%dma_wait3A_556 : memref<5248x128xf32, #tpu.memory_space<vmem_shared>>)
          tpu.yield
        }) : () -> ()
      } else {
      }
    } else {
    }
    %barrier3A_379 = arith.constant 0 : index
    tpu.barrier barrier_id(%barrier3A_379)
    %lt3A_380 = arith.constant 15 : i32
    %lt3A_381 = arith.cmpi slt, %arg1, %lt3A_380 : i32
    %convert_element_type3A_382 = arith.extui %lt3A_381 : i1 to i32
    %cond3A_383 = arith.constant 0 : i32
    %cond3A_384 = arith.cmpi ne, %convert_element_type3A_382, %cond3A_383 : i32
    scf.if %cond3A_384 {
      %mul3A_437 = arith.constant 320 : i32
      %mul3A_438 = arith.muli %arg1, %mul3A_437 : i32
      %mul3A_439 = arith.constant 320 : i32
      %mul3A_440 = arith.muli %arg1, %mul3A_439 : i32
      %add3A_441 = arith.constant 0 : i32
      %add3A_442 = arith.addi %add3A_441, %mul3A_440 : i32
      "tpu.region"() ({
        %run_scoped3A = tpu.sem_alloc : memref<!tpu.dma_semaphore, #tpu.memory_space<semaphore_mem>>
        %dma_start3A = arith.constant 0 : i32
        %dma_start3A_443 = tpu.memref_slice %arg6[%arg0, %add3A_442, %dma_start3A] : memref<2x10112x128xf32, #tpu.memory_space<hbm>> -> memref<1x320x128xf32, #tpu.memory_space<hbm>>
        %dma_start3A_444 = tpu.memref_squeeze %dma_start3A_443 : memref<1x320x128xf32, #tpu.memory_space<hbm>> -> memref<320x128xf32, #tpu.memory_space<hbm>>
        %dma_start3A_445 = arith.constant 0 : i32
        %dma_start3A_446 = tpu.memref_slice %arg13[%mul3A_438, %dma_start3A_445] : memref<5248x128xf32, #tpu.memory_space<vmem_shared>> -> memref<320x128xf32, #tpu.memory_space<vmem_shared>>
        tpu.enqueue_dma source(%dma_start3A_446 : memref<320x128xf32, #tpu.memory_space<vmem_shared>>) target(%dma_start3A_444 : memref<320x128xf32, #tpu.memory_space<hbm>>) target_semaphore(%run_scoped3A : memref<!tpu.dma_semaphore, #tpu.memory_space<semaphore_mem>>)
        %dma_wait3A = arith.constant 0 : i32
        %dma_wait3A_447 = tpu.memref_slice %arg6[%arg0, %add3A_442, %dma_wait3A] : memref<2x10112x128xf32, #tpu.memory_space<hbm>> -> memref<1x320x128xf32, #tpu.memory_space<hbm>>
        %dma_wait3A_448 = tpu.memref_squeeze %dma_wait3A_447 : memref<1x320x128xf32, #tpu.memory_space<hbm>> -> memref<320x128xf32, #tpu.memory_space<hbm>>
        %dma_wait3A_449 = arith.constant 0 : i32
        %dma_wait3A_450 = tpu.memref_slice %arg13[%mul3A_438, %dma_wait3A_449] : memref<5248x128xf32, #tpu.memory_space<vmem_shared>> -> memref<320x128xf32, #tpu.memory_space<vmem_shared>>
        tpu.wait_dma2 semaphore(%run_scoped3A : memref<!tpu.dma_semaphore, #tpu.memory_space<semaphore_mem>>) src(%dma_wait3A_450 : memref<320x128xf32, #tpu.memory_space<vmem_shared>>) dst(%dma_wait3A_448 : memref<320x128xf32, #tpu.memory_space<hbm>>)
        tpu.yield
      }) : () -> ()
    } else {
    }
    %eq3A_385 = arith.constant 15 : i32
    %eq3A_386 = arith.cmpi eq, %arg1, %eq3A_385 : i32
    %convert_element_type3A_387 = arith.extui %eq3A_386 : i1 to i32
    %cond3A_388 = arith.constant 0 : i32
    %cond3A_389 = arith.cmpi ne, %convert_element_type3A_387, %cond3A_388 : i32
    scf.if %cond3A_389 {
      "tpu.region"() ({
        %run_scoped3A = tpu.sem_alloc : memref<!tpu.dma_semaphore, #tpu.memory_space<semaphore_mem>>
        %dma_start3A = arith.constant 4800 : i32
        %dma_start3A_437 = arith.constant 0 : i32
        %dma_start3A_438 = tpu.memref_slice %arg6[%arg0, %dma_start3A, %dma_start3A_437] : memref<2x10112x128xf32, #tpu.memory_space<hbm>> -> memref<1x256x128xf32, #tpu.memory_space<hbm>>
        %dma_start3A_439 = tpu.memref_squeeze %dma_start3A_438 : memref<1x256x128xf32, #tpu.memory_space<hbm>> -> memref<256x128xf32, #tpu.memory_space<hbm>>
        %dma_start3A_440 = arith.constant 4800 : i32
        %dma_start3A_441 = arith.constant 0 : i32
        %dma_start3A_442 = tpu.memref_slice %arg13[%dma_start3A_440, %dma_start3A_441] : memref<5248x128xf32, #tpu.memory_space<vmem_shared>> -> memref<256x128xf32, #tpu.memory_space<vmem_shared>>
        tpu.enqueue_dma source(%dma_start3A_442 : memref<256x128xf32, #tpu.memory_space<vmem_shared>>) target(%dma_start3A_439 : memref<256x128xf32, #tpu.memory_space<hbm>>) target_semaphore(%run_scoped3A : memref<!tpu.dma_semaphore, #tpu.memory_space<semaphore_mem>>)
        %dma_wait3A = arith.constant 4800 : i32
        %dma_wait3A_443 = arith.constant 0 : i32
        %dma_wait3A_444 = tpu.memref_slice %arg6[%arg0, %dma_wait3A, %dma_wait3A_443] : memref<2x10112x128xf32, #tpu.memory_space<hbm>> -> memref<1x256x128xf32, #tpu.memory_space<hbm>>
        %dma_wait3A_445 = tpu.memref_squeeze %dma_wait3A_444 : memref<1x256x128xf32, #tpu.memory_space<hbm>> -> memref<256x128xf32, #tpu.memory_space<hbm>>
        %dma_wait3A_446 = arith.constant 4800 : i32
        %dma_wait3A_447 = arith.constant 0 : i32
        %dma_wait3A_448 = tpu.memref_slice %arg13[%dma_wait3A_446, %dma_wait3A_447] : memref<5248x128xf32, #tpu.memory_space<vmem_shared>> -> memref<256x128xf32, #tpu.memory_space<vmem_shared>>
        tpu.wait_dma2 semaphore(%run_scoped3A : memref<!tpu.dma_semaphore, #tpu.memory_space<semaphore_mem>>) src(%dma_wait3A_448 : memref<256x128xf32, #tpu.memory_space<vmem_shared>>) dst(%dma_wait3A_445 : memref<256x128xf32, #tpu.memory_space<hbm>>)
        tpu.yield
      }) : () -> ()
    } else {
    }
    %barrier3A_390 = arith.constant 0 : index
    tpu.barrier barrier_id(%barrier3A_390)
    %mul3A_391 = arith.constant 328 : i32
    %mul3A_392 = arith.muli %arg1, %mul3A_391 : i32
    "tpu.region"() ({
      %run_scoped3A = tpu.sem_alloc : memref<!tpu.dma_semaphore, #tpu.memory_space<semaphore_mem>>
      %dma_start3A = arith.constant 0 : i32
      %dma_start3A_437 = tpu.memref_slice %arg13[%mul3A_392, %dma_start3A] : memref<5248x128xf32, #tpu.memory_space<vmem_shared>> -> memref<328x128xf32, #tpu.memory_space<vmem_shared>>
      %dma_start3A_438 = arith.constant 0 : i32
      %dma_start3A_439 = tpu.memref_slice %arg5[%mul3A_392, %dma_start3A_438] : memref<5248x128xf32, #tpu.memory_space<hbm>> -> memref<328x128xf32, #tpu.memory_space<hbm>>
      tpu.enqueue_dma source(%dma_start3A_439 : memref<328x128xf32, #tpu.memory_space<hbm>>) target(%dma_start3A_437 : memref<328x128xf32, #tpu.memory_space<vmem_shared>>) target_semaphore(%run_scoped3A : memref<!tpu.dma_semaphore, #tpu.memory_space<semaphore_mem>>)
      %dma_wait3A = arith.constant 0 : i32
      %dma_wait3A_440 = tpu.memref_slice %arg13[%mul3A_392, %dma_wait3A] : memref<5248x128xf32, #tpu.memory_space<vmem_shared>> -> memref<328x128xf32, #tpu.memory_space<vmem_shared>>
      %dma_wait3A_441 = arith.constant 0 : i32
      %dma_wait3A_442 = tpu.memref_slice %arg5[%mul3A_392, %dma_wait3A_441] : memref<5248x128xf32, #tpu.memory_space<hbm>> -> memref<328x128xf32, #tpu.memory_space<hbm>>
      tpu.wait_dma2 semaphore(%run_scoped3A : memref<!tpu.dma_semaphore, #tpu.memory_space<semaphore_mem>>) src(%dma_wait3A_442 : memref<328x128xf32, #tpu.memory_space<hbm>>) dst(%dma_wait3A_440 : memref<328x128xf32, #tpu.memory_space<vmem_shared>>)
      tpu.yield
    }) : () -> ()
    %barrier3A_393 = arith.constant 0 : index
    tpu.barrier barrier_id(%barrier3A_393)
    %add3A_394 = arith.constant 127 : i32
    %add3A_395 = arith.addi %scan3A_6#1, %add3A_394 : i32
    %jit3A_396 = arith.constant 128 : i32
    %div3A_397 = arith.divsi %add3A_395, %jit3A_396 : i32
    %sign3A_398 = arith.constant 0 : i32
    %sign3A_399 = arith.cmpi sgt, %add3A_395, %sign3A_398 : i32
    %sign3A_400 = arith.extui %sign3A_399 : i1 to i32
    %sign3A_401 = arith.constant 0 : i32
    %sign3A_402 = arith.cmpi slt, %add3A_395, %sign3A_401 : i32
    %sign3A_403 = arith.extui %sign3A_402 : i1 to i32
    %sign3A_404 = arith.subi %sign3A_400, %sign3A_403 : i32
    %sign3A_405 = arith.constant 0 : i32
    %sign3A_406 = arith.cmpi sgt, %jit3A_396, %sign3A_405 : i32
    %sign3A_407 = arith.extui %sign3A_406 : i1 to i32
    %sign3A_408 = arith.constant 0 : i32
    %sign3A_409 = arith.cmpi slt, %jit3A_396, %sign3A_408 : i32
    %sign3A_410 = arith.extui %sign3A_409 : i1 to i32
    %sign3A_411 = arith.subi %sign3A_407, %sign3A_410 : i32
    %ne3A_412 = arith.cmpi ne, %sign3A_404, %sign3A_411 : i32
    %rem3A_413 = arith.remsi %add3A_395, %jit3A_396 : i32
    %ne3A_414 = arith.constant 0 : i32
    %ne3A_415 = arith.cmpi ne, %rem3A_413, %ne3A_414 : i32
    %and3A_416 = arith.andi %ne3A_412, %ne3A_415 : i1
    %sub3A_417 = arith.constant 1 : i32
    %sub3A_418 = arith.subi %div3A_397, %sub3A_417 : i32
    %select_n3A_419 = arith.select %and3A_416, %sub3A_418, %div3A_397 : i32
    %gt3A_420 = arith.constant 0 : i32
    %gt3A_421 = arith.cmpi sgt, %select_n3A_419, %gt3A_420 : i32
    %convert_element_type3A_422 = arith.extui %gt3A_421 : i1 to i32
    %cond3A_423 = arith.constant 0 : i32
    %cond3A_424 = arith.cmpi ne, %convert_element_type3A_422, %cond3A_423 : i32
    scf.if %cond3A_424 {
      %dma_start3A = arith.constant 0 : i32
      %dma_start3A_437 = tpu.memref_slice %arg9[%dma_start3A] : memref<10240xi32, #tpu.memory_space<vmem>> -> memref<128xi32, #tpu.memory_space<vmem>>
      %dma_start3A_438 = arith.constant 0 : i32
      %dma_start3A_439 = arith.constant 0 : i32
      %dma_start3A_440 = tpu.memref_slice %arg2[%dma_start3A_438, %dma_start3A_439] : memref<20000x128xf32, #tpu.memory_space<hbm>> -> memref<20000x128xf32, #tpu.memory_space<hbm>>
      tpu.enqueue_indirect_dma source(%dma_start3A_440 : memref<20000x128xf32, #tpu.memory_space<hbm>>) target(%arg11 : memref<128x128xf32, #tpu.memory_space<vmem>>) offsets(%dma_start3A_437 : memref<128xi32, #tpu.memory_space<vmem>>) semaphore(%arg14 : memref<!tpu.dma_semaphore, #tpu.memory_space<semaphore_mem>>)
      %sub3A_441 = arith.constant 1 : i32
      %sub3A_442 = arith.subi %select_n3A_419, %sub3A_441 : i32
      %jit3A_443 = arith.constant 2 : i32
      %div3A_444 = arith.divsi %sub3A_442, %jit3A_443 : i32
      %sign3A_445 = arith.constant 0 : i32
      %sign3A_446 = arith.cmpi sgt, %sub3A_442, %sign3A_445 : i32
      %sign3A_447 = arith.extui %sign3A_446 : i1 to i32
      %sign3A_448 = arith.constant 0 : i32
      %sign3A_449 = arith.cmpi slt, %sub3A_442, %sign3A_448 : i32
      %sign3A_450 = arith.extui %sign3A_449 : i1 to i32
      %sign3A_451 = arith.subi %sign3A_447, %sign3A_450 : i32
      %sign3A_452 = arith.constant 0 : i32
      %sign3A_453 = arith.cmpi sgt, %jit3A_443, %sign3A_452 : i32
      %sign3A_454 = arith.extui %sign3A_453 : i1 to i32
      %sign3A_455 = arith.constant 0 : i32
      %sign3A_456 = arith.cmpi slt, %jit3A_443, %sign3A_455 : i32
      %sign3A_457 = arith.extui %sign3A_456 : i1 to i32
      %sign3A_458 = arith.subi %sign3A_454, %sign3A_457 : i32
      %ne3A_459 = arith.cmpi ne, %sign3A_451, %sign3A_458 : i32
      %rem3A_460 = arith.remsi %sub3A_442, %jit3A_443 : i32
      %ne3A_461 = arith.constant 0 : i32
      %ne3A_462 = arith.cmpi ne, %rem3A_460, %ne3A_461 : i32
      %and3A_463 = arith.andi %ne3A_459, %ne3A_462 : i1
      %sub3A_464 = arith.constant 1 : i32
      %sub3A_465 = arith.subi %div3A_444, %sub3A_464 : i32
      %select_n3A_466 = arith.select %and3A_463, %sub3A_465, %div3A_444 : i32
      %while3A = arith.constant 0 : i32
      %while3A_467 = arith.constant 0 : i32
      %while3A_468 = arith.subi %select_n3A_466, %while3A_467 : i32
      %while3A_469 = arith.addi %while3A_467, %while3A_468 : i32
      %while3A_470 = arith.constant 1 : i32
      %while3A_471 = arith.divsi %while3A_468, %while3A_470 : i32
      %while3A_472 = arith.muli %while3A_471, %while3A_470 : i32
      %while3A_473 = arith.addi %while3A_467, %while3A_472 : i32
      %while3A_474 = arith.constant 1 : i32
      scf.for %while3A_518 = %while3A_467 to %while3A_473 step %while3A_474  : i32 {
        %mul3A_519 = arith.constant 2 : i32
        %mul3A_520 = arith.muli %mul3A_519, %while3A_518 : i32
        %add3A_521 = arith.constant 1 : i32
        %add3A_522 = arith.addi %mul3A_520, %add3A_521 : i32
        %mul3A_523 = arith.constant 128 : i32
        %mul3A_524 = arith.muli %add3A_522, %mul3A_523 : i32
        %dma_start3A_525 = tpu.memref_slice %arg9[%mul3A_524] : memref<10240xi32, #tpu.memory_space<vmem>> -> memref<128xi32, #tpu.memory_space<vmem>>
        %dma_start3A_526 = arith.constant 0 : i32
        %dma_start3A_527 = arith.constant 0 : i32
        %dma_start3A_528 = tpu.memref_slice %arg2[%dma_start3A_526, %dma_start3A_527] : memref<20000x128xf32, #tpu.memory_space<hbm>> -> memref<20000x128xf32, #tpu.memory_space<hbm>>
        tpu.enqueue_indirect_dma source(%dma_start3A_528 : memref<20000x128xf32, #tpu.memory_space<hbm>>) target(%arg12 : memref<128x128xf32, #tpu.memory_space<vmem>>) offsets(%dma_start3A_525 : memref<128xi32, #tpu.memory_space<vmem>>) semaphore(%arg15 : memref<!tpu.dma_semaphore, #tpu.memory_space<semaphore_mem>>)
        %mul3A_529 = arith.constant 128 : i32
        %mul3A_530 = arith.muli %mul3A_520, %mul3A_529 : i32
        %dma_wait3A = tpu.memref_slice %arg9[%mul3A_530] : memref<10240xi32, #tpu.memory_space<vmem>> -> memref<128xi32, #tpu.memory_space<vmem>>
        %dma_wait3A_531 = arith.constant 0 : i32
        %dma_wait3A_532 = arith.constant 0 : i32
        %dma_wait3A_533 = tpu.memref_slice %arg2[%dma_wait3A_531, %dma_wait3A_532] : memref<20000x128xf32, #tpu.memory_space<hbm>> -> memref<20000x128xf32, #tpu.memory_space<hbm>>
        tpu.wait_indirect_dma semaphore(%arg14 : memref<!tpu.dma_semaphore, #tpu.memory_space<semaphore_mem>>) src(%dma_wait3A_533 : memref<20000x128xf32, #tpu.memory_space<hbm>>) dst(%arg11 : memref<128x128xf32, #tpu.memory_space<vmem>>)
        %mul3A_534 = arith.constant 128 : i32
        %mul3A_535 = arith.muli %mul3A_520, %mul3A_534 : i32
        "tpu.region"() ({
          %run_scoped3A = tpu.sem_alloc : memref<!tpu.dma_semaphore, #tpu.memory_space<semaphore_mem>>
          %dma_start3A_556 = tpu.memref_slice %arg10[%mul3A_535] : memref<10240xi32, #tpu.memory_space<vmem>> -> memref<128xi32, #tpu.memory_space<vmem>>
          %dma_start3A_557 = arith.constant 0 : i32
          %dma_start3A_558 = arith.constant 0 : i32
          %dma_start3A_559 = tpu.memref_slice %arg13[%dma_start3A_557, %dma_start3A_558] : memref<5248x128xf32, #tpu.memory_space<vmem_shared>> -> memref<5248x128xf32, #tpu.memory_space<vmem_shared>>
          tpu.enqueue_indirect_dma source(%arg11 : memref<128x128xf32, #tpu.memory_space<vmem>>) target(%dma_start3A_559 : memref<5248x128xf32, #tpu.memory_space<vmem_shared>>) offsets(%dma_start3A_556 : memref<128xi32, #tpu.memory_space<vmem>>) semaphore(%run_scoped3A : memref<!tpu.dma_semaphore, #tpu.memory_space<semaphore_mem>>) {add = true}
          %dma_wait3A_560 = tpu.memref_slice %arg10[%mul3A_535] : memref<10240xi32, #tpu.memory_space<vmem>> -> memref<128xi32, #tpu.memory_space<vmem>>
          %dma_wait3A_561 = arith.constant 0 : i32
          %dma_wait3A_562 = arith.constant 0 : i32
          %dma_wait3A_563 = tpu.memref_slice %arg13[%dma_wait3A_561, %dma_wait3A_562] : memref<5248x128xf32, #tpu.memory_space<vmem_shared>> -> memref<5248x128xf32, #tpu.memory_space<vmem_shared>>
          tpu.wait_indirect_dma semaphore(%run_scoped3A : memref<!tpu.dma_semaphore, #tpu.memory_space<semaphore_mem>>) src(%arg11 : memref<128x128xf32, #tpu.memory_space<vmem>>) dst(%dma_wait3A_563 : memref<5248x128xf32, #tpu.memory_space<vmem_shared>>)
          tpu.yield
        }) : () -> ()
        %add3A_536 = arith.constant 2 : i32
        %add3A_537 = arith.addi %mul3A_520, %add3A_536 : i32
        %mul3A_538 = arith.constant 128 : i32
        %mul3A_539 = arith.muli %add3A_537, %mul3A_538 : i32
        %dma_start3A_540 = tpu.memref_slice %arg9[%mul3A_539] : memref<10240xi32, #tpu.memory_space<vmem>> -> memref<128xi32, #tpu.memory_space<vmem>>
        %dma_start3A_541 = arith.constant 0 : i32
        %dma_start3A_542 = arith.constant 0 : i32
        %dma_start3A_543 = tpu.memref_slice %arg2[%dma_start3A_541, %dma_start3A_542] : memref<20000x128xf32, #tpu.memory_space<hbm>> -> memref<20000x128xf32, #tpu.memory_space<hbm>>
        tpu.enqueue_indirect_dma source(%dma_start3A_543 : memref<20000x128xf32, #tpu.memory_space<hbm>>) target(%arg11 : memref<128x128xf32, #tpu.memory_space<vmem>>) offsets(%dma_start3A_540 : memref<128xi32, #tpu.memory_space<vmem>>) semaphore(%arg14 : memref<!tpu.dma_semaphore, #tpu.memory_space<semaphore_mem>>)
        %add3A_544 = arith.constant 1 : i32
        %add3A_545 = arith.addi %mul3A_520, %add3A_544 : i32
        %mul3A_546 = arith.constant 128 : i32
        %mul3A_547 = arith.muli %add3A_545, %mul3A_546 : i32
        %dma_wait3A_548 = tpu.memref_slice %arg9[%mul3A_547] : memref<10240xi32, #tpu.memory_space<vmem>> -> memref<128xi32, #tpu.memory_space<vmem>>
        %dma_wait3A_549 = arith.constant 0 : i32
        %dma_wait3A_550 = arith.constant 0 : i32
        %dma_wait3A_551 = tpu.memref_slice %arg2[%dma_wait3A_549, %dma_wait3A_550] : memref<20000x128xf32, #tpu.memory_space<hbm>> -> memref<20000x128xf32, #tpu.memory_space<hbm>>
        tpu.wait_indirect_dma semaphore(%arg15 : memref<!tpu.dma_semaphore, #tpu.memory_space<semaphore_mem>>) src(%dma_wait3A_551 : memref<20000x128xf32, #tpu.memory_space<hbm>>) dst(%arg12 : memref<128x128xf32, #tpu.memory_space<vmem>>)
        %add3A_552 = arith.constant 1 : i32
        %add3A_553 = arith.addi %mul3A_520, %add3A_552 : i32
        %mul3A_554 = arith.constant 128 : i32
        %mul3A_555 = arith.muli %add3A_553, %mul3A_554 : i32
        "tpu.region"() ({
          %run_scoped3A = tpu.sem_alloc : memref<!tpu.dma_semaphore, #tpu.memory_space<semaphore_mem>>
          %dma_start3A_556 = tpu.memref_slice %arg10[%mul3A_555] : memref<10240xi32, #tpu.memory_space<vmem>> -> memref<128xi32, #tpu.memory_space<vmem>>
          %dma_start3A_557 = arith.constant 0 : i32
          %dma_start3A_558 = arith.constant 0 : i32
          %dma_start3A_559 = tpu.memref_slice %arg13[%dma_start3A_557, %dma_start3A_558] : memref<5248x128xf32, #tpu.memory_space<vmem_shared>> -> memref<5248x128xf32, #tpu.memory_space<vmem_shared>>
          tpu.enqueue_indirect_dma source(%arg12 : memref<128x128xf32, #tpu.memory_space<vmem>>) target(%dma_start3A_559 : memref<5248x128xf32, #tpu.memory_space<vmem_shared>>) offsets(%dma_start3A_556 : memref<128xi32, #tpu.memory_space<vmem>>) semaphore(%run_scoped3A : memref<!tpu.dma_semaphore, #tpu.memory_space<semaphore_mem>>) {add = true}
          %dma_wait3A_560 = tpu.memref_slice %arg10[%mul3A_555] : memref<10240xi32, #tpu.memory_space<vmem>> -> memref<128xi32, #tpu.memory_space<vmem>>
          %dma_wait3A_561 = arith.constant 0 : i32
          %dma_wait3A_562 = arith.constant 0 : i32
          %dma_wait3A_563 = tpu.memref_slice %arg13[%dma_wait3A_561, %dma_wait3A_562] : memref<5248x128xf32, #tpu.memory_space<vmem_shared>> -> memref<5248x128xf32, #tpu.memory_space<vmem_shared>>
          tpu.wait_indirect_dma semaphore(%run_scoped3A : memref<!tpu.dma_semaphore, #tpu.memory_space<semaphore_mem>>) src(%arg12 : memref<128x128xf32, #tpu.memory_space<vmem>>) dst(%dma_wait3A_563 : memref<5248x128xf32, #tpu.memory_space<vmem_shared>>)
          tpu.yield
        }) : () -> ()
      }
      %while3A_475 = arith.constant 1 : i32
      scf.for %while3A_518 = %while3A_473 to %while3A_469 step %while3A_475  : i32 {
        %mul3A_519 = arith.constant 2 : i32
        %mul3A_520 = arith.muli %mul3A_519, %while3A_518 : i32
        %add3A_521 = arith.constant 1 : i32
        %add3A_522 = arith.addi %mul3A_520, %add3A_521 : i32
        %mul3A_523 = arith.constant 128 : i32
        %mul3A_524 = arith.muli %add3A_522, %mul3A_523 : i32
        %dma_start3A_525 = tpu.memref_slice %arg9[%mul3A_524] : memref<10240xi32, #tpu.memory_space<vmem>> -> memref<128xi32, #tpu.memory_space<vmem>>
        %dma_start3A_526 = arith.constant 0 : i32
        %dma_start3A_527 = arith.constant 0 : i32
        %dma_start3A_528 = tpu.memref_slice %arg2[%dma_start3A_526, %dma_start3A_527] : memref<20000x128xf32, #tpu.memory_space<hbm>> -> memref<20000x128xf32, #tpu.memory_space<hbm>>
        tpu.enqueue_indirect_dma source(%dma_start3A_528 : memref<20000x128xf32, #tpu.memory_space<hbm>>) target(%arg12 : memref<128x128xf32, #tpu.memory_space<vmem>>) offsets(%dma_start3A_525 : memref<128xi32, #tpu.memory_space<vmem>>) semaphore(%arg15 : memref<!tpu.dma_semaphore, #tpu.memory_space<semaphore_mem>>)
        %mul3A_529 = arith.constant 128 : i32
        %mul3A_530 = arith.muli %mul3A_520, %mul3A_529 : i32
        %dma_wait3A = tpu.memref_slice %arg9[%mul3A_530] : memref<10240xi32, #tpu.memory_space<vmem>> -> memref<128xi32, #tpu.memory_space<vmem>>
        %dma_wait3A_531 = arith.constant 0 : i32
        %dma_wait3A_532 = arith.constant 0 : i32
        %dma_wait3A_533 = tpu.memref_slice %arg2[%dma_wait3A_531, %dma_wait3A_532] : memref<20000x128xf32, #tpu.memory_space<hbm>> -> memref<20000x128xf32, #tpu.memory_space<hbm>>
        tpu.wait_indirect_dma semaphore(%arg14 : memref<!tpu.dma_semaphore, #tpu.memory_space<semaphore_mem>>) src(%dma_wait3A_533 : memref<20000x128xf32, #tpu.memory_space<hbm>>) dst(%arg11 : memref<128x128xf32, #tpu.memory_space<vmem>>)
        %mul3A_534 = arith.constant 128 : i32
        %mul3A_535 = arith.muli %mul3A_520, %mul3A_534 : i32
        "tpu.region"() ({
          %run_scoped3A = tpu.sem_alloc : memref<!tpu.dma_semaphore, #tpu.memory_space<semaphore_mem>>
          %dma_start3A_556 = tpu.memref_slice %arg10[%mul3A_535] : memref<10240xi32, #tpu.memory_space<vmem>> -> memref<128xi32, #tpu.memory_space<vmem>>
          %dma_start3A_557 = arith.constant 0 : i32
          %dma_start3A_558 = arith.constant 0 : i32
          %dma_start3A_559 = tpu.memref_slice %arg13[%dma_start3A_557, %dma_start3A_558] : memref<5248x128xf32, #tpu.memory_space<vmem_shared>> -> memref<5248x128xf32, #tpu.memory_space<vmem_shared>>
          tpu.enqueue_indirect_dma source(%arg11 : memref<128x128xf32, #tpu.memory_space<vmem>>) target(%dma_start3A_559 : memref<5248x128xf32, #tpu.memory_space<vmem_shared>>) offsets(%dma_start3A_556 : memref<128xi32, #tpu.memory_space<vmem>>) semaphore(%run_scoped3A : memref<!tpu.dma_semaphore, #tpu.memory_space<semaphore_mem>>) {add = true}
          %dma_wait3A_560 = tpu.memref_slice %arg10[%mul3A_535] : memref<10240xi32, #tpu.memory_space<vmem>> -> memref<128xi32, #tpu.memory_space<vmem>>
          %dma_wait3A_561 = arith.constant 0 : i32
          %dma_wait3A_562 = arith.constant 0 : i32
          %dma_wait3A_563 = tpu.memref_slice %arg13[%dma_wait3A_561, %dma_wait3A_562] : memref<5248x128xf32, #tpu.memory_space<vmem_shared>> -> memref<5248x128xf32, #tpu.memory_space<vmem_shared>>
          tpu.wait_indirect_dma semaphore(%run_scoped3A : memref<!tpu.dma_semaphore, #tpu.memory_space<semaphore_mem>>) src(%arg11 : memref<128x128xf32, #tpu.memory_space<vmem>>) dst(%dma_wait3A_563 : memref<5248x128xf32, #tpu.memory_space<vmem_shared>>)
          tpu.yield
        }) : () -> ()
        %add3A_536 = arith.constant 2 : i32
        %add3A_537 = arith.addi %mul3A_520, %add3A_536 : i32
        %mul3A_538 = arith.constant 128 : i32
        %mul3A_539 = arith.muli %add3A_537, %mul3A_538 : i32
        %dma_start3A_540 = tpu.memref_slice %arg9[%mul3A_539] : memref<10240xi32, #tpu.memory_space<vmem>> -> memref<128xi32, #tpu.memory_space<vmem>>
        %dma_start3A_541 = arith.constant 0 : i32
        %dma_start3A_542 = arith.constant 0 : i32
        %dma_start3A_543 = tpu.memref_slice %arg2[%dma_start3A_541, %dma_start3A_542] : memref<20000x128xf32, #tpu.memory_space<hbm>> -> memref<20000x128xf32, #tpu.memory_space<hbm>>
        tpu.enqueue_indirect_dma source(%dma_start3A_543 : memref<20000x128xf32, #tpu.memory_space<hbm>>) target(%arg11 : memref<128x128xf32, #tpu.memory_space<vmem>>) offsets(%dma_start3A_540 : memref<128xi32, #tpu.memory_space<vmem>>) semaphore(%arg14 : memref<!tpu.dma_semaphore, #tpu.memory_space<semaphore_mem>>)
        %add3A_544 = arith.constant 1 : i32
        %add3A_545 = arith.addi %mul3A_520, %add3A_544 : i32
        %mul3A_546 = arith.constant 128 : i32
        %mul3A_547 = arith.muli %add3A_545, %mul3A_546 : i32
        %dma_wait3A_548 = tpu.memref_slice %arg9[%mul3A_547] : memref<10240xi32, #tpu.memory_space<vmem>> -> memref<128xi32, #tpu.memory_space<vmem>>
        %dma_wait3A_549 = arith.constant 0 : i32
        %dma_wait3A_550 = arith.constant 0 : i32
        %dma_wait3A_551 = tpu.memref_slice %arg2[%dma_wait3A_549, %dma_wait3A_550] : memref<20000x128xf32, #tpu.memory_space<hbm>> -> memref<20000x128xf32, #tpu.memory_space<hbm>>
        tpu.wait_indirect_dma semaphore(%arg15 : memref<!tpu.dma_semaphore, #tpu.memory_space<semaphore_mem>>) src(%dma_wait3A_551 : memref<20000x128xf32, #tpu.memory_space<hbm>>) dst(%arg12 : memref<128x128xf32, #tpu.memory_space<vmem>>)
        %add3A_552 = arith.constant 1 : i32
        %add3A_553 = arith.addi %mul3A_520, %add3A_552 : i32
        %mul3A_554 = arith.constant 128 : i32
        %mul3A_555 = arith.muli %add3A_553, %mul3A_554 : i32
        "tpu.region"() ({
          %run_scoped3A = tpu.sem_alloc : memref<!tpu.dma_semaphore, #tpu.memory_space<semaphore_mem>>
          %dma_start3A_556 = tpu.memref_slice %arg10[%mul3A_555] : memref<10240xi32, #tpu.memory_space<vmem>> -> memref<128xi32, #tpu.memory_space<vmem>>
          %dma_start3A_557 = arith.constant 0 : i32
          %dma_start3A_558 = arith.constant 0 : i32
          %dma_start3A_559 = tpu.memref_slice %arg13[%dma_start3A_557, %dma_start3A_558] : memref<5248x128xf32, #tpu.memory_space<vmem_shared>> -> memref<5248x128xf32, #tpu.memory_space<vmem_shared>>
          tpu.enqueue_indirect_dma source(%arg12 : memref<128x128xf32, #tpu.memory_space<vmem>>) target(%dma_start3A_559 : memref<5248x128xf32, #tpu.memory_space<vmem_shared>>) offsets(%dma_start3A_556 : memref<128xi32, #tpu.memory_space<vmem>>) semaphore(%run_scoped3A : memref<!tpu.dma_semaphore, #tpu.memory_space<semaphore_mem>>) {add = true}
          %dma_wait3A_560 = tpu.memref_slice %arg10[%mul3A_555] : memref<10240xi32, #tpu.memory_space<vmem>> -> memref<128xi32, #tpu.memory_space<vmem>>
          %dma_wait3A_561 = arith.constant 0 : i32
          %dma_wait3A_562 = arith.constant 0 : i32
          %dma_wait3A_563 = tpu.memref_slice %arg13[%dma_wait3A_561, %dma_wait3A_562] : memref<5248x128xf32, #tpu.memory_space<vmem_shared>> -> memref<5248x128xf32, #tpu.memory_space<vmem_shared>>
          tpu.wait_indirect_dma semaphore(%run_scoped3A : memref<!tpu.dma_semaphore, #tpu.memory_space<semaphore_mem>>) src(%arg12 : memref<128x128xf32, #tpu.memory_space<vmem>>) dst(%dma_wait3A_563 : memref<5248x128xf32, #tpu.memory_space<vmem_shared>>)
          tpu.yield
        }) : () -> ()
      }
      %jit3A_476 = arith.constant 2 : i32
      %eq3A_477 = arith.constant 0 : i32
      %eq3A_478 = arith.cmpi eq, %jit3A_476, %eq3A_477 : i32
      %jit3A_479 = arith.constant 1 : i32
      %select_n3A_480 = arith.select %eq3A_478, %jit3A_479, %jit3A_476 : i32
      %rem3A_481 = arith.remsi %select_n3A_419, %select_n3A_480 : i32
      %ne3A_482 = arith.constant 0 : i32
      %ne3A_483 = arith.cmpi ne, %rem3A_481, %ne3A_482 : i32
      %lt3A_484 = arith.constant 0 : i32
      %lt3A_485 = arith.cmpi slt, %rem3A_481, %lt3A_484 : i32
      %lt3A_486 = arith.constant 0 : i32
      %lt3A_487 = arith.cmpi slt, %select_n3A_480, %lt3A_486 : i32
      %ne3A_488 = arith.xori %lt3A_485, %lt3A_487 : i1
      %and3A_489 = arith.andi %ne3A_488, %ne3A_483 : i1
      %add3A_490 = arith.addi %rem3A_481, %select_n3A_480 : i32
      %select_n3A_491 = arith.select %and3A_489, %add3A_490, %rem3A_481 : i32
      %eq3A_492 = arith.constant 1 : i32
      %eq3A_493 = arith.cmpi eq, %select_n3A_491, %eq3A_492 : i32
      %convert_element_type3A_494 = arith.extui %eq3A_493 : i1 to i32
      %cond3A_495 = arith.constant 0 : i32
      %cond3A_496 = arith.cmpi ne, %convert_element_type3A_494, %cond3A_495 : i32
      scf.if %cond3A_496 {
        %sub3A_518 = arith.constant 1 : i32
        %sub3A_519 = arith.subi %select_n3A_419, %sub3A_518 : i32
        %mul3A_520 = arith.constant 128 : i32
        %mul3A_521 = arith.muli %sub3A_519, %mul3A_520 : i32
        %dma_wait3A = tpu.memref_slice %arg9[%mul3A_521] : memref<10240xi32, #tpu.memory_space<vmem>> -> memref<128xi32, #tpu.memory_space<vmem>>
        %dma_wait3A_522 = arith.constant 0 : i32
        %dma_wait3A_523 = arith.constant 0 : i32
        %dma_wait3A_524 = tpu.memref_slice %arg2[%dma_wait3A_522, %dma_wait3A_523] : memref<20000x128xf32, #tpu.memory_space<hbm>> -> memref<20000x128xf32, #tpu.memory_space<hbm>>
        tpu.wait_indirect_dma semaphore(%arg14 : memref<!tpu.dma_semaphore, #tpu.memory_space<semaphore_mem>>) src(%dma_wait3A_524 : memref<20000x128xf32, #tpu.memory_space<hbm>>) dst(%arg11 : memref<128x128xf32, #tpu.memory_space<vmem>>)
        %sub3A_525 = arith.constant 1 : i32
        %sub3A_526 = arith.subi %select_n3A_419, %sub3A_525 : i32
        %mul3A_527 = arith.constant 128 : i32
        %mul3A_528 = arith.muli %sub3A_526, %mul3A_527 : i32
        "tpu.region"() ({
          %run_scoped3A = tpu.sem_alloc : memref<!tpu.dma_semaphore, #tpu.memory_space<semaphore_mem>>
          %dma_start3A_529 = tpu.memref_slice %arg10[%mul3A_528] : memref<10240xi32, #tpu.memory_space<vmem>> -> memref<128xi32, #tpu.memory_space<vmem>>
          %dma_start3A_530 = arith.constant 0 : i32
          %dma_start3A_531 = arith.constant 0 : i32
          %dma_start3A_532 = tpu.memref_slice %arg13[%dma_start3A_530, %dma_start3A_531] : memref<5248x128xf32, #tpu.memory_space<vmem_shared>> -> memref<5248x128xf32, #tpu.memory_space<vmem_shared>>
          tpu.enqueue_indirect_dma source(%arg11 : memref<128x128xf32, #tpu.memory_space<vmem>>) target(%dma_start3A_532 : memref<5248x128xf32, #tpu.memory_space<vmem_shared>>) offsets(%dma_start3A_529 : memref<128xi32, #tpu.memory_space<vmem>>) semaphore(%run_scoped3A : memref<!tpu.dma_semaphore, #tpu.memory_space<semaphore_mem>>) {add = true}
          %dma_wait3A_533 = tpu.memref_slice %arg10[%mul3A_528] : memref<10240xi32, #tpu.memory_space<vmem>> -> memref<128xi32, #tpu.memory_space<vmem>>
          %dma_wait3A_534 = arith.constant 0 : i32
          %dma_wait3A_535 = arith.constant 0 : i32
          %dma_wait3A_536 = tpu.memref_slice %arg13[%dma_wait3A_534, %dma_wait3A_535] : memref<5248x128xf32, #tpu.memory_space<vmem_shared>> -> memref<5248x128xf32, #tpu.memory_space<vmem_shared>>
          tpu.wait_indirect_dma semaphore(%run_scoped3A : memref<!tpu.dma_semaphore, #tpu.memory_space<semaphore_mem>>) src(%arg11 : memref<128x128xf32, #tpu.memory_space<vmem>>) dst(%dma_wait3A_536 : memref<5248x128xf32, #tpu.memory_space<vmem_shared>>)
          tpu.yield
        }) : () -> ()
      } else {
      }
      %jit3A_497 = arith.constant 2 : i32
      %eq3A_498 = arith.constant 0 : i32
      %eq3A_499 = arith.cmpi eq, %jit3A_497, %eq3A_498 : i32
      %jit3A_500 = arith.constant 1 : i32
      %select_n3A_501 = arith.select %eq3A_499, %jit3A_500, %jit3A_497 : i32
      %rem3A_502 = arith.remsi %select_n3A_419, %select_n3A_501 : i32
      %ne3A_503 = arith.constant 0 : i32
      %ne3A_504 = arith.cmpi ne, %rem3A_502, %ne3A_503 : i32
      %lt3A_505 = arith.constant 0 : i32
      %lt3A_506 = arith.cmpi slt, %rem3A_502, %lt3A_505 : i32
      %lt3A_507 = arith.constant 0 : i32
      %lt3A_508 = arith.cmpi slt, %select_n3A_501, %lt3A_507 : i32
      %ne3A_509 = arith.xori %lt3A_506, %lt3A_508 : i1
      %and3A_510 = arith.andi %ne3A_509, %ne3A_504 : i1
      %add3A_511 = arith.addi %rem3A_502, %select_n3A_501 : i32
      %select_n3A_512 = arith.select %and3A_510, %add3A_511, %rem3A_502 : i32
      %eq3A_513 = arith.constant 0 : i32
      %eq3A_514 = arith.cmpi eq, %select_n3A_512, %eq3A_513 : i32
      %convert_element_type3A_515 = arith.extui %eq3A_514 : i1 to i32
      %cond3A_516 = arith.constant 0 : i32
      %cond3A_517 = arith.cmpi ne, %convert_element_type3A_515, %cond3A_516 : i32
      scf.if %cond3A_517 {
        %sub3A_518 = arith.constant 1 : i32
        %sub3A_519 = arith.subi %select_n3A_419, %sub3A_518 : i32
        %mul3A_520 = arith.constant 128 : i32
        %mul3A_521 = arith.muli %sub3A_519, %mul3A_520 : i32
        %dma_start3A_522 = tpu.memref_slice %arg9[%mul3A_521] : memref<10240xi32, #tpu.memory_space<vmem>> -> memref<128xi32, #tpu.memory_space<vmem>>
        %dma_start3A_523 = arith.constant 0 : i32
        %dma_start3A_524 = arith.constant 0 : i32
        %dma_start3A_525 = tpu.memref_slice %arg2[%dma_start3A_523, %dma_start3A_524] : memref<20000x128xf32, #tpu.memory_space<hbm>> -> memref<20000x128xf32, #tpu.memory_space<hbm>>
        tpu.enqueue_indirect_dma source(%dma_start3A_525 : memref<20000x128xf32, #tpu.memory_space<hbm>>) target(%arg12 : memref<128x128xf32, #tpu.memory_space<vmem>>) offsets(%dma_start3A_522 : memref<128xi32, #tpu.memory_space<vmem>>) semaphore(%arg15 : memref<!tpu.dma_semaphore, #tpu.memory_space<semaphore_mem>>)
        %sub3A_526 = arith.constant 2 : i32
        %sub3A_527 = arith.subi %select_n3A_419, %sub3A_526 : i32
        %mul3A_528 = arith.constant 128 : i32
        %mul3A_529 = arith.muli %sub3A_527, %mul3A_528 : i32
        %dma_wait3A = tpu.memref_slice %arg9[%mul3A_529] : memref<10240xi32, #tpu.memory_space<vmem>> -> memref<128xi32, #tpu.memory_space<vmem>>
        %dma_wait3A_530 = arith.constant 0 : i32
        %dma_wait3A_531 = arith.constant 0 : i32
        %dma_wait3A_532 = tpu.memref_slice %arg2[%dma_wait3A_530, %dma_wait3A_531] : memref<20000x128xf32, #tpu.memory_space<hbm>> -> memref<20000x128xf32, #tpu.memory_space<hbm>>
        tpu.wait_indirect_dma semaphore(%arg14 : memref<!tpu.dma_semaphore, #tpu.memory_space<semaphore_mem>>) src(%dma_wait3A_532 : memref<20000x128xf32, #tpu.memory_space<hbm>>) dst(%arg11 : memref<128x128xf32, #tpu.memory_space<vmem>>)
        %sub3A_533 = arith.constant 2 : i32
        %sub3A_534 = arith.subi %select_n3A_419, %sub3A_533 : i32
        %mul3A_535 = arith.constant 128 : i32
        %mul3A_536 = arith.muli %sub3A_534, %mul3A_535 : i32
        "tpu.region"() ({
          %run_scoped3A = tpu.sem_alloc : memref<!tpu.dma_semaphore, #tpu.memory_space<semaphore_mem>>
          %dma_start3A_549 = tpu.memref_slice %arg10[%mul3A_536] : memref<10240xi32, #tpu.memory_space<vmem>> -> memref<128xi32, #tpu.memory_space<vmem>>
          %dma_start3A_550 = arith.constant 0 : i32
          %dma_start3A_551 = arith.constant 0 : i32
          %dma_start3A_552 = tpu.memref_slice %arg13[%dma_start3A_550, %dma_start3A_551] : memref<5248x128xf32, #tpu.memory_space<vmem_shared>> -> memref<5248x128xf32, #tpu.memory_space<vmem_shared>>
          tpu.enqueue_indirect_dma source(%arg11 : memref<128x128xf32, #tpu.memory_space<vmem>>) target(%dma_start3A_552 : memref<5248x128xf32, #tpu.memory_space<vmem_shared>>) offsets(%dma_start3A_549 : memref<128xi32, #tpu.memory_space<vmem>>) semaphore(%run_scoped3A : memref<!tpu.dma_semaphore, #tpu.memory_space<semaphore_mem>>) {add = true}
          %dma_wait3A_553 = tpu.memref_slice %arg10[%mul3A_536] : memref<10240xi32, #tpu.memory_space<vmem>> -> memref<128xi32, #tpu.memory_space<vmem>>
          %dma_wait3A_554 = arith.constant 0 : i32
          %dma_wait3A_555 = arith.constant 0 : i32
          %dma_wait3A_556 = tpu.memref_slice %arg13[%dma_wait3A_554, %dma_wait3A_555] : memref<5248x128xf32, #tpu.memory_space<vmem_shared>> -> memref<5248x128xf32, #tpu.memory_space<vmem_shared>>
          tpu.wait_indirect_dma semaphore(%run_scoped3A : memref<!tpu.dma_semaphore, #tpu.memory_space<semaphore_mem>>) src(%arg11 : memref<128x128xf32, #tpu.memory_space<vmem>>) dst(%dma_wait3A_556 : memref<5248x128xf32, #tpu.memory_space<vmem_shared>>)
          tpu.yield
        }) : () -> ()
        %sub3A_537 = arith.constant 1 : i32
        %sub3A_538 = arith.subi %select_n3A_419, %sub3A_537 : i32
        %mul3A_539 = arith.constant 128 : i32
        %mul3A_540 = arith.muli %sub3A_538, %mul3A_539 : i32
        %dma_wait3A_541 = tpu.memref_slice %arg9[%mul3A_540] : memref<10240xi32, #tpu.memory_space<vmem>> -> memref<128xi32, #tpu.memory_space<vmem>>
        %dma_wait3A_542 = arith.constant 0 : i32
        %dma_wait3A_543 = arith.constant 0 : i32
        %dma_wait3A_544 = tpu.memref_slice %arg2[%dma_wait3A_542, %dma_wait3A_543] : memref<20000x128xf32, #tpu.memory_space<hbm>> -> memref<20000x128xf32, #tpu.memory_space<hbm>>
        tpu.wait_indirect_dma semaphore(%arg15 : memref<!tpu.dma_semaphore, #tpu.memory_space<semaphore_mem>>) src(%dma_wait3A_544 : memref<20000x128xf32, #tpu.memory_space<hbm>>) dst(%arg12 : memref<128x128xf32, #tpu.memory_space<vmem>>)
        %sub3A_545 = arith.constant 1 : i32
        %sub3A_546 = arith.subi %select_n3A_419, %sub3A_545 : i32
        %mul3A_547 = arith.constant 128 : i32
        %mul3A_548 = arith.muli %sub3A_546, %mul3A_547 : i32
        "tpu.region"() ({
          %run_scoped3A = tpu.sem_alloc : memref<!tpu.dma_semaphore, #tpu.memory_space<semaphore_mem>>
          %dma_start3A_549 = tpu.memref_slice %arg10[%mul3A_548] : memref<10240xi32, #tpu.memory_space<vmem>> -> memref<128xi32, #tpu.memory_space<vmem>>
          %dma_start3A_550 = arith.constant 0 : i32
          %dma_start3A_551 = arith.constant 0 : i32
          %dma_start3A_552 = tpu.memref_slice %arg13[%dma_start3A_550, %dma_start3A_551] : memref<5248x128xf32, #tpu.memory_space<vmem_shared>> -> memref<5248x128xf32, #tpu.memory_space<vmem_shared>>
          tpu.enqueue_indirect_dma source(%arg12 : memref<128x128xf32, #tpu.memory_space<vmem>>) target(%dma_start3A_552 : memref<5248x128xf32, #tpu.memory_space<vmem_shared>>) offsets(%dma_start3A_549 : memref<128xi32, #tpu.memory_space<vmem>>) semaphore(%run_scoped3A : memref<!tpu.dma_semaphore, #tpu.memory_space<semaphore_mem>>) {add = true}
          %dma_wait3A_553 = tpu.memref_slice %arg10[%mul3A_548] : memref<10240xi32, #tpu.memory_space<vmem>> -> memref<128xi32, #tpu.memory_space<vmem>>
          %dma_wait3A_554 = arith.constant 0 : i32
          %dma_wait3A_555 = arith.constant 0 : i32
          %dma_wait3A_556 = tpu.memref_slice %arg13[%dma_wait3A_554, %dma_wait3A_555] : memref<5248x128xf32, #tpu.memory_space<vmem_shared>> -> memref<5248x128xf32, #tpu.memory_space<vmem_shared>>
          tpu.wait_indirect_dma semaphore(%run_scoped3A : memref<!tpu.dma_semaphore, #tpu.memory_space<semaphore_mem>>) src(%arg12 : memref<128x128xf32, #tpu.memory_space<vmem>>) dst(%dma_wait3A_556 : memref<5248x128xf32, #tpu.memory_space<vmem_shared>>)
          tpu.yield
        }) : () -> ()
      } else {
      }
    } else {
    }
    %barrier3A_425 = arith.constant 0 : index
    tpu.barrier barrier_id(%barrier3A_425)
    %lt3A_426 = arith.constant 15 : i32
    %lt3A_427 = arith.cmpi slt, %arg1, %lt3A_426 : i32
    %convert_element_type3A_428 = arith.extui %lt3A_427 : i1 to i32
    %cond3A_429 = arith.constant 0 : i32
    %cond3A_430 = arith.cmpi ne, %convert_element_type3A_428, %cond3A_429 : i32
    scf.if %cond3A_430 {
      %mul3A_437 = arith.constant 320 : i32
      %mul3A_438 = arith.muli %arg1, %mul3A_437 : i32
      %mul3A_439 = arith.constant 320 : i32
      %mul3A_440 = arith.muli %arg1, %mul3A_439 : i32
      %add3A_441 = arith.constant 5056 : i32
      %add3A_442 = arith.addi %add3A_441, %mul3A_440 : i32
      "tpu.region"() ({
        %run_scoped3A = tpu.sem_alloc : memref<!tpu.dma_semaphore, #tpu.memory_space<semaphore_mem>>
        %dma_start3A = arith.constant 0 : i32
        %dma_start3A_443 = tpu.memref_slice %arg6[%arg0, %add3A_442, %dma_start3A] : memref<2x10112x128xf32, #tpu.memory_space<hbm>> -> memref<1x320x128xf32, #tpu.memory_space<hbm>>
        %dma_start3A_444 = tpu.memref_squeeze %dma_start3A_443 : memref<1x320x128xf32, #tpu.memory_space<hbm>> -> memref<320x128xf32, #tpu.memory_space<hbm>>
        %dma_start3A_445 = arith.constant 0 : i32
        %dma_start3A_446 = tpu.memref_slice %arg13[%mul3A_438, %dma_start3A_445] : memref<5248x128xf32, #tpu.memory_space<vmem_shared>> -> memref<320x128xf32, #tpu.memory_space<vmem_shared>>
        tpu.enqueue_dma source(%dma_start3A_446 : memref<320x128xf32, #tpu.memory_space<vmem_shared>>) target(%dma_start3A_444 : memref<320x128xf32, #tpu.memory_space<hbm>>) target_semaphore(%run_scoped3A : memref<!tpu.dma_semaphore, #tpu.memory_space<semaphore_mem>>)
        %dma_wait3A = arith.constant 0 : i32
        %dma_wait3A_447 = tpu.memref_slice %arg6[%arg0, %add3A_442, %dma_wait3A] : memref<2x10112x128xf32, #tpu.memory_space<hbm>> -> memref<1x320x128xf32, #tpu.memory_space<hbm>>
        %dma_wait3A_448 = tpu.memref_squeeze %dma_wait3A_447 : memref<1x320x128xf32, #tpu.memory_space<hbm>> -> memref<320x128xf32, #tpu.memory_space<hbm>>
        %dma_wait3A_449 = arith.constant 0 : i32
        %dma_wait3A_450 = tpu.memref_slice %arg13[%mul3A_438, %dma_wait3A_449] : memref<5248x128xf32, #tpu.memory_space<vmem_shared>> -> memref<320x128xf32, #tpu.memory_space<vmem_shared>>
        tpu.wait_dma2 semaphore(%run_scoped3A : memref<!tpu.dma_semaphore, #tpu.memory_space<semaphore_mem>>) src(%dma_wait3A_450 : memref<320x128xf32, #tpu.memory_space<vmem_shared>>) dst(%dma_wait3A_448 : memref<320x128xf32, #tpu.memory_space<hbm>>)
        tpu.yield
      }) : () -> ()
    } else {
    }
    %eq3A_431 = arith.constant 15 : i32
    %eq3A_432 = arith.cmpi eq, %arg1, %eq3A_431 : i32
    %convert_element_type3A_433 = arith.extui %eq3A_432 : i1 to i32
    %cond3A_434 = arith.constant 0 : i32
    %cond3A_435 = arith.cmpi ne, %convert_element_type3A_433, %cond3A_434 : i32
    scf.if %cond3A_435 {
      "tpu.region"() ({
        %run_scoped3A = tpu.sem_alloc : memref<!tpu.dma_semaphore, #tpu.memory_space<semaphore_mem>>
        %dma_start3A = arith.constant 9856 : i32
        %dma_start3A_437 = arith.constant 0 : i32
        %dma_start3A_438 = tpu.memref_slice %arg6[%arg0, %dma_start3A, %dma_start3A_437] : memref<2x10112x128xf32, #tpu.memory_space<hbm>> -> memref<1x256x128xf32, #tpu.memory_space<hbm>>
        %dma_start3A_439 = tpu.memref_squeeze %dma_start3A_438 : memref<1x256x128xf32, #tpu.memory_space<hbm>> -> memref<256x128xf32, #tpu.memory_space<hbm>>
        %dma_start3A_440 = arith.constant 4800 : i32
        %dma_start3A_441 = arith.constant 0 : i32
        %dma_start3A_442 = tpu.memref_slice %arg13[%dma_start3A_440, %dma_start3A_441] : memref<5248x128xf32, #tpu.memory_space<vmem_shared>> -> memref<256x128xf32, #tpu.memory_space<vmem_shared>>
        tpu.enqueue_dma source(%dma_start3A_442 : memref<256x128xf32, #tpu.memory_space<vmem_shared>>) target(%dma_start3A_439 : memref<256x128xf32, #tpu.memory_space<hbm>>) target_semaphore(%run_scoped3A : memref<!tpu.dma_semaphore, #tpu.memory_space<semaphore_mem>>)
        %dma_wait3A = arith.constant 9856 : i32
        %dma_wait3A_443 = arith.constant 0 : i32
        %dma_wait3A_444 = tpu.memref_slice %arg6[%arg0, %dma_wait3A, %dma_wait3A_443] : memref<2x10112x128xf32, #tpu.memory_space<hbm>> -> memref<1x256x128xf32, #tpu.memory_space<hbm>>
        %dma_wait3A_445 = tpu.memref_squeeze %dma_wait3A_444 : memref<1x256x128xf32, #tpu.memory_space<hbm>> -> memref<256x128xf32, #tpu.memory_space<hbm>>
        %dma_wait3A_446 = arith.constant 4800 : i32
        %dma_wait3A_447 = arith.constant 0 : i32
        %dma_wait3A_448 = tpu.memref_slice %arg13[%dma_wait3A_446, %dma_wait3A_447] : memref<5248x128xf32, #tpu.memory_space<vmem_shared>> -> memref<256x128xf32, #tpu.memory_space<vmem_shared>>
        tpu.wait_dma2 semaphore(%run_scoped3A : memref<!tpu.dma_semaphore, #tpu.memory_space<semaphore_mem>>) src(%dma_wait3A_448 : memref<256x128xf32, #tpu.memory_space<vmem_shared>>) dst(%dma_wait3A_445 : memref<256x128xf32, #tpu.memory_space<hbm>>)
        tpu.yield
      }) : () -> ()
    } else {
    }
    %barrier3A_436 = arith.constant 0 : index
    tpu.barrier barrier_id(%barrier3A_436)
    return
  }
}

module attributes {stable_mosaic.version = 14 : i64} {
  func.func @_scale_body(%arg0: i32, %arg1: memref<2x1000x8xf32, #tpu.memory_space<vmem>>, %arg2: memref<1000x256xf32, #tpu.memory_space<vmem>>, %arg3: memref<2x1000x128xf32, #tpu.memory_space<vmem>>) attributes {dimension_semantics = [#tpu.dimension_semantics<arbitrary>], iteration_bounds = array<i64: 10>, scalar_prefetch = 0 : i64, scratch_operands = 0 : i64, tpu.core_type = #tpu.core_type<tc>, window_params = [{transform_indices = @transform_0, window_bounds = array<i64: 2, 1000, 8>}, {transform_indices = @transform_1, window_bounds = array<i64: 1000, 256>}, {transform_indices = @transform_2, window_bounds = array<i64: 2, 1000, 128>}]} {
    %get3A = arith.constant 0 : index
    %get3A_0 = arith.constant 0 : index
    %get3A_1 = arith.constant 0 : index
    %get3A_2 = vector.load %arg1[%get3A, %get3A_0, %get3A_1] : memref<2x1000x8xf32, #tpu.memory_space<vmem>>, vector<1x1000x1xf32>
    %get3A_3 = vector.shape_cast %get3A_2 : vector<1x1000x1xf32> to vector<1000x1xf32>
    %get3A_4 = arith.constant 1 : index
    %get3A_5 = arith.constant 0 : index
    %get3A_6 = arith.constant 0 : index
    %get3A_7 = vector.load %arg1[%get3A_4, %get3A_5, %get3A_6] : memref<2x1000x8xf32, #tpu.memory_space<vmem>>, vector<1x1000x1xf32>
    %get3A_8 = vector.shape_cast %get3A_7 : vector<1x1000x1xf32> to vector<1000x1xf32>
    %add3A = arith.addf %get3A_3, %get3A_8 : vector<1000x1xf32>
    %rsqrt3A = math.rsqrt %add3A : vector<1000x1xf32>
    %get3A_9 = arith.constant 0 : index
    %get3A_10 = arith.constant 0 : index
    %get3A_11 = vector.load %arg2[%get3A_9, %get3A_10] : memref<1000x256xf32, #tpu.memory_space<vmem>>, vector<1000x128xf32>
    %mul3A = vector.broadcast %rsqrt3A : vector<1000x1xf32> to vector<1000x128xf32>
    %mul3A_12 = arith.mulf %get3A_11, %mul3A : vector<1000x128xf32>
    %swap3A = arith.constant 0 : index
    %swap3A_13 = arith.constant 0 : index
    %swap3A_14 = arith.constant 0 : index
    %swap3A_15 = vector.load %arg3[%swap3A, %swap3A_13, %swap3A_14] : memref<2x1000x128xf32, #tpu.memory_space<vmem>>, vector<1x1000x128xf32>
    %swap3A_16 = vector.shape_cast %swap3A_15 : vector<1x1000x128xf32> to vector<1000x128xf32>
    %swap3A_17 = vector.shape_cast %mul3A_12 : vector<1000x128xf32> to vector<1x1000x128xf32>
    tpu.vector_store %arg3[%swap3A, %swap3A_13, %swap3A_14], %swap3A_17 {strides = array<i32>} : memref<2x1000x128xf32, #tpu.memory_space<vmem>>, vector<1x1000x128xf32>,
    %get3A_18 = arith.constant 0 : index
    %get3A_19 = arith.constant 128 : index
    %get3A_20 = vector.load %arg2[%get3A_18, %get3A_19] : memref<1000x256xf32, #tpu.memory_space<vmem>>, vector<1000x128xf32>
    %mul3A_21 = vector.broadcast %rsqrt3A : vector<1000x1xf32> to vector<1000x128xf32>
    %mul3A_22 = arith.mulf %get3A_20, %mul3A_21 : vector<1000x128xf32>
    %swap3A_23 = arith.constant 1 : index
    %swap3A_24 = arith.constant 0 : index
    %swap3A_25 = arith.constant 0 : index
    %swap3A_26 = vector.load %arg3[%swap3A_23, %swap3A_24, %swap3A_25] : memref<2x1000x128xf32, #tpu.memory_space<vmem>>, vector<1x1000x128xf32>
    %swap3A_27 = vector.shape_cast %swap3A_26 : vector<1x1000x128xf32> to vector<1000x128xf32>
    %swap3A_28 = vector.shape_cast %mul3A_22 : vector<1000x128xf32> to vector<1x1000x128xf32>
    tpu.vector_store %arg3[%swap3A_23, %swap3A_24, %swap3A_25], %swap3A_28 {strides = array<i32>} : memref<2x1000x128xf32, #tpu.memory_space<vmem>>, vector<1x1000x128xf32>,
    return
  }
  func.func @transform_0(%arg0: i32) -> (i32, i32, i32) {
    %c0_i32 = arith.constant 0 : i32
    %c0_i32_0 = arith.constant 0 : i32
    %c0_i32_1 = arith.constant 0 : i32
    return %c0_i32, %arg0, %c0_i32_0 : i32, i32, i32
  }
  func.func @transform_1(%arg0: i32) -> (i32, i32) {
    %c0_i32 = arith.constant 0 : i32
    %c0_i32_0 = arith.constant 0 : i32
    return %arg0, %c0_i32 : i32, i32
  }
  func.func @transform_2(%arg0: i32) -> (i32, i32, i32) {
    %c0_i32 = arith.constant 0 : i32
    %c0_i32_0 = arith.constant 0 : i32
    %c0_i32_1 = arith.constant 0 : i32
    return %c0_i32, %arg0, %c0_i32_0 : i32, i32, i32
  }
}

module attributes {stable_mosaic.version = 14 : i64} {
  func.func @_mid_body(%arg0: i32, %arg1: memref<2x1000x8xf32, #tpu.memory_space<vmem>>, %arg2: memref<2x1000x128xf32, #tpu.memory_space<vmem>>, %arg3: memref<2x1000x128xf32, #tpu.memory_space<vmem>>, %arg4: memref<256x512xf32, #tpu.memory_space<vmem>>, %arg5: memref<1x512xf32, #tpu.memory_space<vmem>>, %arg6: memref<512x256xf32, #tpu.memory_space<vmem>>, %arg7: memref<2x1000x128xf32, #tpu.memory_space<vmem>>) attributes {dimension_semantics = [#tpu.dimension_semantics<arbitrary>], iteration_bounds = array<i64: 10>, scalar_prefetch = 0 : i64, scratch_operands = 0 : i64, tpu.core_type = #tpu.core_type<tc>, window_params = [{transform_indices = @transform_0, window_bounds = array<i64: 2, 1000, 8>}, {transform_indices = @transform_1, window_bounds = array<i64: 2, 1000, 128>}, {transform_indices = @transform_2, window_bounds = array<i64: 2, 1000, 128>}, {pipeline_mode = #tpu.pipeline_mode<synchronous>, transform_indices = @transform_3, window_bounds = array<i64: 256, 512>}, {pipeline_mode = #tpu.pipeline_mode<synchronous>, transform_indices = @transform_4, window_bounds = array<i64: 1, 512>}, {pipeline_mode = #tpu.pipeline_mode<synchronous>, transform_indices = @transform_5, window_bounds = array<i64: 512, 256>}, {transform_indices = @transform_6, window_bounds = array<i64: 2, 1000, 128>}]} {
    %get3A = arith.constant 0 : index
    %get3A_0 = arith.constant 0 : index
    %get3A_1 = arith.constant 0 : index
    %get3A_2 = vector.load %arg1[%get3A, %get3A_0, %get3A_1] : memref<2x1000x8xf32, #tpu.memory_space<vmem>>, vector<1x1000x1xf32>
    %get3A_3 = vector.shape_cast %get3A_2 : vector<1x1000x1xf32> to vector<1000x1xf32>
    %get3A_4 = arith.constant 1 : index
    %get3A_5 = arith.constant 0 : index
    %get3A_6 = arith.constant 0 : index
    %get3A_7 = vector.load %arg1[%get3A_4, %get3A_5, %get3A_6] : memref<2x1000x8xf32, #tpu.memory_space<vmem>>, vector<1x1000x1xf32>
    %get3A_8 = vector.shape_cast %get3A_7 : vector<1x1000x1xf32> to vector<1000x1xf32>
    %add3A = arith.addf %get3A_3, %get3A_8 : vector<1000x1xf32>
    %rsqrt3A = math.rsqrt %add3A : vector<1000x1xf32>
    %get3A_9 = arith.constant 0 : index
    %get3A_10 = arith.constant 0 : index
    %get3A_11 = arith.constant 0 : index
    %get3A_12 = vector.load %arg2[%get3A_9, %get3A_10, %get3A_11] : memref<2x1000x128xf32, #tpu.memory_space<vmem>>, vector<1x1000x128xf32>
    %get3A_13 = vector.shape_cast %get3A_12 : vector<1x1000x128xf32> to vector<1000x128xf32>
    %get3A_14 = arith.constant 0 : index
    %get3A_15 = arith.constant 0 : index
    %get3A_16 = arith.constant 0 : index
    %get3A_17 = vector.load %arg3[%get3A_14, %get3A_15, %get3A_16] : memref<2x1000x128xf32, #tpu.memory_space<vmem>>, vector<1x1000x128xf32>
    %get3A_18 = vector.shape_cast %get3A_17 : vector<1x1000x128xf32> to vector<1000x128xf32>
    %add3A_19 = arith.addf %get3A_13, %get3A_18 : vector<1000x128xf32>
    %mul3A = vector.broadcast %rsqrt3A : vector<1000x1xf32> to vector<1000x128xf32>
    %mul3A_20 = arith.mulf %add3A_19, %mul3A : vector<1000x128xf32>
    %get3A_21 = arith.constant 1 : index
    %get3A_22 = arith.constant 0 : index
    %get3A_23 = arith.constant 0 : index
    %get3A_24 = vector.load %arg2[%get3A_21, %get3A_22, %get3A_23] : memref<2x1000x128xf32, #tpu.memory_space<vmem>>, vector<1x1000x128xf32>
    %get3A_25 = vector.shape_cast %get3A_24 : vector<1x1000x128xf32> to vector<1000x128xf32>
    %get3A_26 = arith.constant 1 : index
    %get3A_27 = arith.constant 0 : index
    %get3A_28 = arith.constant 0 : index
    %get3A_29 = vector.load %arg3[%get3A_26, %get3A_27, %get3A_28] : memref<2x1000x128xf32, #tpu.memory_space<vmem>>, vector<1x1000x128xf32>
    %get3A_30 = vector.shape_cast %get3A_29 : vector<1x1000x128xf32> to vector<1000x128xf32>
    %add3A_31 = arith.addf %get3A_25, %get3A_30 : vector<1000x128xf32>
    %mul3A_32 = vector.broadcast %rsqrt3A : vector<1000x1xf32> to vector<1000x128xf32>
    %mul3A_33 = arith.mulf %add3A_31, %mul3A_32 : vector<1000x128xf32>
    %concatenate3A = tpu.concatenate %mul3A_20, %mul3A_33 in 1 : vector<1000x128xf32>, vector<1000x128xf32> -> vector<1000x256xf32>
    %get3A_34 = arith.constant 0 : index
    %get3A_35 = arith.constant 0 : index
    %get3A_36 = vector.load %arg4[%get3A_34, %get3A_35] : memref<256x512xf32, #tpu.memory_space<vmem>>, vector<256x512xf32>
    %dot_general3A = arith.constant dense<0.000000e+00> : vector<1000x512xf32>
    %dot_general3A_37 = tpu.matmul %concatenate3A, %get3A_36, %dot_general3A {dimension_numbers = #tpu.dot_dimension_numbers<[1], [0], [0], [1], [0, 0, 1, 1], [], []>, transpose_lhs_hint = false} : vector<1000x256xf32>, vector<256x512xf32>, vector<1000x512xf32> -> vector<1000x512xf32>
    %get3A_38 = arith.constant 0 : index
    %get3A_39 = arith.constant 0 : index
    %get3A_40 = vector.load %arg5[%get3A_38, %get3A_39] : memref<1x512xf32, #tpu.memory_space<vmem>>, vector<1x512xf32>
    %add3A_41 = vector.broadcast %get3A_40 : vector<1x512xf32> to vector<1000x512xf32>
    %add3A_42 = arith.addf %dot_general3A_37, %add3A_41 : vector<1000x512xf32>
    %max3A = arith.constant 0.000000e+00 : f32
    %max3A_43 = vector.broadcast %max3A : f32 to vector<1000x512xf32>
    %max3A_44 = arith.maximumf %add3A_42, %max3A_43 : vector<1000x512xf32>
    %get3A_45 = arith.constant 0 : index
    %get3A_46 = arith.constant 0 : index
    %get3A_47 = vector.load %arg6[%get3A_45, %get3A_46] : memref<512x256xf32, #tpu.memory_space<vmem>>, vector<512x256xf32>
    %dot_general3A_48 = arith.constant dense<0.000000e+00> : vector<1000x256xf32>
    %dot_general3A_49 = tpu.matmul %max3A_44, %get3A_47, %dot_general3A_48 {dimension_numbers = #tpu.dot_dimension_numbers<[1], [0], [0], [1], [0, 0, 1, 1], [], []>, transpose_lhs_hint = false} : vector<1000x512xf32>, vector<512x256xf32>, vector<1000x256xf32> -> vector<1000x256xf32>
    %slice3A = vector.extract_strided_slice %dot_general3A_49 {offsets = [0, 0], sizes = [1000, 128], strides = [1, 1]} : vector<1000x256xf32> to vector<1000x128xf32>
    %mul3A_50 = vector.broadcast %rsqrt3A : vector<1000x1xf32> to vector<1000x128xf32>
    %mul3A_51 = arith.mulf %slice3A, %mul3A_50 : vector<1000x128xf32>
    %swap3A = arith.constant 0 : index
    %swap3A_52 = arith.constant 0 : index
    %swap3A_53 = arith.constant 0 : index
    %swap3A_54 = vector.load %arg7[%swap3A, %swap3A_52, %swap3A_53] : memref<2x1000x128xf32, #tpu.memory_space<vmem>>, vector<1x1000x128xf32>
    %swap3A_55 = vector.shape_cast %swap3A_54 : vector<1x1000x128xf32> to vector<1000x128xf32>
    %swap3A_56 = vector.shape_cast %mul3A_51 : vector<1000x128xf32> to vector<1x1000x128xf32>
    tpu.vector_store %arg7[%swap3A, %swap3A_52, %swap3A_53], %swap3A_56 {strides = array<i32>} : memref<2x1000x128xf32, #tpu.memory_space<vmem>>, vector<1x1000x128xf32>,
    %slice3A_57 = vector.extract_strided_slice %dot_general3A_49 {offsets = [0, 128], sizes = [1000, 128], strides = [1, 1]} : vector<1000x256xf32> to vector<1000x128xf32>
    %mul3A_58 = vector.broadcast %rsqrt3A : vector<1000x1xf32> to vector<1000x128xf32>
    %mul3A_59 = arith.mulf %slice3A_57, %mul3A_58 : vector<1000x128xf32>
    %swap3A_60 = arith.constant 1 : index
    %swap3A_61 = arith.constant 0 : index
    %swap3A_62 = arith.constant 0 : index
    %swap3A_63 = vector.load %arg7[%swap3A_60, %swap3A_61, %swap3A_62] : memref<2x1000x128xf32, #tpu.memory_space<vmem>>, vector<1x1000x128xf32>
    %swap3A_64 = vector.shape_cast %swap3A_63 : vector<1x1000x128xf32> to vector<1000x128xf32>
    %swap3A_65 = vector.shape_cast %mul3A_59 : vector<1000x128xf32> to vector<1x1000x128xf32>
    tpu.vector_store %arg7[%swap3A_60, %swap3A_61, %swap3A_62], %swap3A_65 {strides = array<i32>} : memref<2x1000x128xf32, #tpu.memory_space<vmem>>, vector<1x1000x128xf32>,
    return
  }
  func.func @transform_0(%arg0: i32) -> (i32, i32, i32) {
    %c0_i32 = arith.constant 0 : i32
    %c0_i32_0 = arith.constant 0 : i32
    %c0_i32_1 = arith.constant 0 : i32
    return %c0_i32, %arg0, %c0_i32_0 : i32, i32, i32
  }
  func.func @transform_1(%arg0: i32) -> (i32, i32, i32) {
    %c0_i32 = arith.constant 0 : i32
    %c0_i32_0 = arith.constant 0 : i32
    %c0_i32_1 = arith.constant 0 : i32
    return %c0_i32, %arg0, %c0_i32_0 : i32, i32, i32
  }
  func.func @transform_2(%arg0: i32) -> (i32, i32, i32) {
    %c0_i32 = arith.constant 0 : i32
    %c0_i32_0 = arith.constant 0 : i32
    %c0_i32_1 = arith.constant 0 : i32
    return %c0_i32, %arg0, %c0_i32_0 : i32, i32, i32
  }
  func.func @transform_3(%arg0: i32) -> (i32, i32) {
    %c0_i32 = arith.constant 0 : i32
    %c0_i32_0 = arith.constant 0 : i32
    %c0_i32_1 = arith.constant 0 : i32
    return %c0_i32, %c0_i32_0 : i32, i32
  }
  func.func @transform_4(%arg0: i32) -> (i32, i32) {
    %c0_i32 = arith.constant 0 : i32
    %c0_i32_0 = arith.constant 0 : i32
    %c0_i32_1 = arith.constant 0 : i32
    return %c0_i32, %c0_i32_0 : i32, i32
  }
  func.func @transform_5(%arg0: i32) -> (i32, i32) {
    %c0_i32 = arith.constant 0 : i32
    %c0_i32_0 = arith.constant 0 : i32
    %c0_i32_1 = arith.constant 0 : i32
    return %c0_i32, %c0_i32_0 : i32, i32
  }
  func.func @transform_6(%arg0: i32) -> (i32, i32, i32) {
    %c0_i32 = arith.constant 0 : i32
    %c0_i32_0 = arith.constant 0 : i32
    %c0_i32_1 = arith.constant 0 : i32
    return %c0_i32, %arg0, %c0_i32_0 : i32, i32, i32
  }
}

module attributes {stable_mosaic.version = 14 : i64} {
  func.func @_out_body(%arg0: i32, %arg1: memref<2x1000x8xf32, #tpu.memory_space<vmem>>, %arg2: memref<2x1000x128xf32, #tpu.memory_space<vmem>>, %arg3: memref<2x1000x128xf32, #tpu.memory_space<vmem>>, %arg4: memref<1x256xf32, #tpu.memory_space<vmem>>, %arg5: memref<1000x256xf32, #tpu.memory_space<vmem>>) attributes {dimension_semantics = [#tpu.dimension_semantics<arbitrary>], iteration_bounds = array<i64: 10>, scalar_prefetch = 0 : i64, scratch_operands = 0 : i64, tpu.core_type = #tpu.core_type<tc>, window_params = [{transform_indices = @transform_0, window_bounds = array<i64: 2, 1000, 8>}, {transform_indices = @transform_1, window_bounds = array<i64: 2, 1000, 128>}, {transform_indices = @transform_2, window_bounds = array<i64: 2, 1000, 128>}, {pipeline_mode = #tpu.pipeline_mode<synchronous>, transform_indices = @transform_3, window_bounds = array<i64: 1, 256>}, {transform_indices = @transform_4, window_bounds = array<i64: 1000, 256>}]} {
    %get3A = arith.constant 0 : index
    %get3A_0 = arith.constant 0 : index
    %get3A_1 = arith.constant 0 : index
    %get3A_2 = vector.load %arg1[%get3A, %get3A_0, %get3A_1] : memref<2x1000x8xf32, #tpu.memory_space<vmem>>, vector<1x1000x1xf32>
    %get3A_3 = vector.shape_cast %get3A_2 : vector<1x1000x1xf32> to vector<1000x1xf32>
    %get3A_4 = arith.constant 1 : index
    %get3A_5 = arith.constant 0 : index
    %get3A_6 = arith.constant 0 : index
    %get3A_7 = vector.load %arg1[%get3A_4, %get3A_5, %get3A_6] : memref<2x1000x8xf32, #tpu.memory_space<vmem>>, vector<1x1000x1xf32>
    %get3A_8 = vector.shape_cast %get3A_7 : vector<1x1000x1xf32> to vector<1000x1xf32>
    %add3A = arith.addf %get3A_3, %get3A_8 : vector<1000x1xf32>
    %rsqrt3A = math.rsqrt %add3A : vector<1000x1xf32>
    %get3A_9 = arith.constant 0 : index
    %get3A_10 = arith.constant 0 : index
    %get3A_11 = arith.constant 0 : index
    %get3A_12 = vector.load %arg2[%get3A_9, %get3A_10, %get3A_11] : memref<2x1000x128xf32, #tpu.memory_space<vmem>>, vector<1x1000x128xf32>
    %get3A_13 = vector.shape_cast %get3A_12 : vector<1x1000x128xf32> to vector<1000x128xf32>
    %get3A_14 = arith.constant 0 : index
    %get3A_15 = arith.constant 0 : index
    %get3A_16 = arith.constant 0 : index
    %get3A_17 = vector.load %arg3[%get3A_14, %get3A_15, %get3A_16] : memref<2x1000x128xf32, #tpu.memory_space<vmem>>, vector<1x1000x128xf32>
    %get3A_18 = vector.shape_cast %get3A_17 : vector<1x1000x128xf32> to vector<1000x128xf32>
    %add3A_19 = arith.addf %get3A_13, %get3A_18 : vector<1000x128xf32>
    %mul3A = vector.broadcast %rsqrt3A : vector<1000x1xf32> to vector<1000x128xf32>
    %mul3A_20 = arith.mulf %add3A_19, %mul3A : vector<1000x128xf32>
    %get3A_21 = arith.constant 0 : index
    %get3A_22 = arith.constant 0 : index
    %get3A_23 = vector.load %arg4[%get3A_21, %get3A_22] : memref<1x256xf32, #tpu.memory_space<vmem>>, vector<1x128xf32>
    %add3A_24 = vector.broadcast %get3A_23 : vector<1x128xf32> to vector<1000x128xf32>
    %add3A_25 = arith.addf %mul3A_20, %add3A_24 : vector<1000x128xf32>
    %swap3A = arith.constant 0 : index
    %swap3A_26 = arith.constant 0 : index
    %swap3A_27 = vector.load %arg5[%swap3A, %swap3A_26] : memref<1000x256xf32, #tpu.memory_space<vmem>>, vector<1000x128xf32>
    tpu.vector_store %arg5[%swap3A, %swap3A_26], %add3A_25 {strides = array<i32>} : memref<1000x256xf32, #tpu.memory_space<vmem>>, vector<1000x128xf32>,
    %get3A_28 = arith.constant 1 : index
    %get3A_29 = arith.constant 0 : index
    %get3A_30 = arith.constant 0 : index
    %get3A_31 = vector.load %arg2[%get3A_28, %get3A_29, %get3A_30] : memref<2x1000x128xf32, #tpu.memory_space<vmem>>, vector<1x1000x128xf32>
    %get3A_32 = vector.shape_cast %get3A_31 : vector<1x1000x128xf32> to vector<1000x128xf32>
    %get3A_33 = arith.constant 1 : index
    %get3A_34 = arith.constant 0 : index
    %get3A_35 = arith.constant 0 : index
    %get3A_36 = vector.load %arg3[%get3A_33, %get3A_34, %get3A_35] : memref<2x1000x128xf32, #tpu.memory_space<vmem>>, vector<1x1000x128xf32>
    %get3A_37 = vector.shape_cast %get3A_36 : vector<1x1000x128xf32> to vector<1000x128xf32>
    %add3A_38 = arith.addf %get3A_32, %get3A_37 : vector<1000x128xf32>
    %mul3A_39 = vector.broadcast %rsqrt3A : vector<1000x1xf32> to vector<1000x128xf32>
    %mul3A_40 = arith.mulf %add3A_38, %mul3A_39 : vector<1000x128xf32>
    %get3A_41 = arith.constant 0 : index
    %get3A_42 = arith.constant 128 : index
    %get3A_43 = vector.load %arg4[%get3A_41, %get3A_42] : memref<1x256xf32, #tpu.memory_space<vmem>>, vector<1x128xf32>
    %add3A_44 = vector.broadcast %get3A_43 : vector<1x128xf32> to vector<1000x128xf32>
    %add3A_45 = arith.addf %mul3A_40, %add3A_44 : vector<1000x128xf32>
    %swap3A_46 = arith.constant 0 : index
    %swap3A_47 = arith.constant 128 : index
    %swap3A_48 = vector.load %arg5[%swap3A_46, %swap3A_47] : memref<1000x256xf32, #tpu.memory_space<vmem>>, vector<1000x128xf32>
    tpu.vector_store %arg5[%swap3A_46, %swap3A_47], %add3A_45 {strides = array<i32>} : memref<1000x256xf32, #tpu.memory_space<vmem>>, vector<1000x128xf32>,
    return
  }
  func.func @transform_0(%arg0: i32) -> (i32, i32, i32) {
    %c0_i32 = arith.constant 0 : i32
    %c0_i32_0 = arith.constant 0 : i32
    %c0_i32_1 = arith.constant 0 : i32
    return %c0_i32, %arg0, %c0_i32_0 : i32, i32, i32
  }
  func.func @transform_1(%arg0: i32) -> (i32, i32, i32) {
    %c0_i32 = arith.constant 0 : i32
    %c0_i32_0 = arith.constant 0 : i32
    %c0_i32_1 = arith.constant 0 : i32
    return %c0_i32, %arg0, %c0_i32_0 : i32, i32, i32
  }
  func.func @transform_2(%arg0: i32) -> (i32, i32, i32) {
    %c0_i32 = arith.constant 0 : i32
    %c0_i32_0 = arith.constant 0 : i32
    %c0_i32_1 = arith.constant 0 : i32
    return %c0_i32, %arg0, %c0_i32_0 : i32, i32, i32
  }
  func.func @transform_3(%arg0: i32) -> (i32, i32) {
    %c0_i32 = arith.constant 0 : i32
    %c0_i32_0 = arith.constant 0 : i32
    %c0_i32_1 = arith.constant 0 : i32
    return %c0_i32, %c0_i32_0 : i32, i32
  }
  func.func @transform_4(%arg0: i32) -> (i32, i32) {
    %c0_i32 = arith.constant 0 : i32
    %c0_i32_0 = arith.constant 0 : i32
    return %arg0, %c0_i32 : i32, i32
  }
}

</mosaic_0001>

<sc_bundles>
// kernel: kernel.11.cloned.1.call-start
scs
__scs_entry_jumppad:
0x0: {  	(pc) =	sbr.rel $0x88, $3  }
0x1: {  	(tag) =	ssettag $0x0;
	lr =	simm.s32 $0x1  }
0x2: {  	[smem:$0x3F9B] =	sst lr;
	_ =	strace $0xD0000000  }
0x3: {  	_ = 	snop  }
0x4: {  	_ = 	snop  }
0x5: {  	_ = 	snop  }
0x6: {  	_ = 	snop  }
0x7: {  	_ = 	snop  }
__scs_overlays_trampoline_lowered:
0x8: {  	[smem:$0x3FAA] =	sst s0  }
0x9: {  	[smem:$0x3FAB] =	sst s1  }
0xa: {  	[smem:$0x3FAC] =	sst s2  }
0xb: {  	[smem:$0x3FAD] =	sst s3  }
0xc: {  	[smem:$0x3FAE] =	sst s4  }
0xd: {  	[smem:$0x3FAF] =	sst s5  }
0xe: {  	[smem:$0x3FB0] =	sst s6  }
0xf: {  	[smem:$0x3FB1] =	sst s7  }
0x10: {  	[smem:$0x3FB2] =	sst s8  }
0x11: {  	[smem:$0x3FB3] =	sst s9;
	s0 =	simm.s32 @!p0 $0x0  }
0x12: {  	s1 =	sld [smem:$0x3F99];
	s0 =	simm.s32 @p0 $0x1  }
0x13: {  	[smem:$0x3FB4] =	sst s0;
	s0 =	simm.s32 @!p1 $0x0  }
0x14: {  	s2 =	sld [smem:$0x3F98];
	s0 =	simm.s32 @p1 $0x1  }
0x15: {  	[smem:$0x3FB5] =	sst s0;
	s0 =	simm.s32 @!p2 $0x0  }
0x16: {  	s3 =	sld [smem:$0x3FDB];
	s0 =	simm.s32 @p2 $0x1  }
0x17: {  	s4 =	simm.s32 $0x1BF5;
	[smem:$0x3FB7] =	sst s0  }
0x18: {  	s0 =	sld [smem:$0x3F9A];
	_ =	swait.ge [sflag:s4], $0x0  }
0x19: {  	s7 =	sld [smem:$0x3F9B]  }
0x1a: {  	s8 =	sadd.s32 $0xFFFFE003, lr  }
0x1b: {  	s9 =	sadd.s32 $0xFFFFFEF7, lr;
	s5 =	simm.s32 $0xFFFFFFFF;
	p2 =	slt.u32 s8, $0xFFFFF086  }
0x1c: {  	p1 =	slt.u32 s9, $0xF7A;
	s5 =	simm.s32 @!p2 $0x0  }
0x1d: {  	s5 =	simm.s32 @p1 $0x1;
	p0 =	seq.s32 s7, s2  }
0x1e: {  	s7 =	smul.u32 @!p0 $0xF7A, s2;
	p2 =	seq.s32 @!p0 s5, $0x0  }
0x1f: {  	s9 =	smul.u32 $0xF7A, s1;
	s8 =	simm.s32 @!p0 $0x1BF5;
	p2 =	por !p2, p0  }
0x20: {  	[sflag:s8] =	ssyncset.s32 @!p0 $0xFFFFF086;
	s6 =	sadd.s32 @!p0 s3, s7;
	s7 =	simm.s32 @!p0 $0x108  }
0x21: {  	s3 =	sadd.s32 s3, s9;
	s6 =	sadd.s32 @!p0 $0x88, s6;
	s7 =	simm.s32 @p2 $0x1082  }
0x22: {  	[simem:s7], [sflag:s8] =	dma.local @!p0 [hbm:s6], $0xF7A  }
0x23: {  	s9 =	sor.u32 $0xD0000000, s2;
	s6 =	simm.s32 $0x108;
	_ =	swait.ge @!p0 [sflag:s8], $0x0  }
0x24: {  	s3 =	sadd.s32 $0x88, s3;
	s6 =	simm.s32 @!p1 $0x1082;
	[sflag:s4] =	ssyncset.s32 $0xFFFFF086  }
0x25: {  	[simem:s6], [sflag:s4] =	dma.local [hbm:s3], $0xF7A  }
0x26: {  	[smem:$0x3F9B] =	sst s1;
	(tag) =	ssettag s2;
	_ =	strace s9  }
0x27: {  	s1 =	sld [smem:$0x3FAB]  }
0x28: {  	s2 =	sld [smem:$0x3FAC]  }
0x29: {  	s4 =	sld [smem:$0x3FAE]  }
0x2a: {  	p0 =	seq.s32 s5, $0x0;
	s5 =	sld [smem:$0x3FAF]  }
0x2b: {  	s6 =	sld [smem:$0x3FB0]  }
0x2c: {  	s7 =	sld [smem:$0x3FB1]  }
0x2d: {  	s3 =	simm.s32 $0x108;
	s8 =	sld [smem:$0x3FB2]  }
0x2e: {  	s3 =	simm.s32 @!p0 $0x1082;
	s9 =	sld [smem:$0x3FB3]  }
0x2f: {  	lr =	sadd.s32 s0, s3;
	s0 =	sld [smem:$0x3FAA]  }
0x30: {  	s3 =	sld [smem:$0x3FAD]  }
0x31: {  	[smem:$0x3FB6] =	sst s10  }
0x32: {  	s10 =	sld [smem:$0x3FB4];
	_ =	sdelay $0x3  }
0x33: {  	p0 =	seq.s32 s10, $0x1;
	s10 =	sld [smem:$0x3FB6];
	_ =	sdelay $0x3  }
0x34: {  	[smem:$0x3FB6] =	sst s10  }
0x35: {  	s10 =	sld [smem:$0x3FB5];
	_ =	sdelay $0x3  }
0x36: {  	p1 =	seq.s32 s10, $0x1;
	s10 =	sld [smem:$0x3FB6];
	_ =	sdelay $0x3  }
0x37: {  	[smem:$0x3FB6] =	sst s10  }
0x38: {  	s10 =	sld [smem:$0x3FB7]  }
0x39: {  	_ = 	snop;
	(pc) =	sbr.ind lr, $3  }
0x3a: {  	_ = 	snop  }
0x3b: {  	_ = 	snop  }
0x3c: {  	p2 =	seq.s32 s10, $0x1;
	s10 =	sld [smem:$0x3FB6]  }
0x3d: {  	_ =	shalt  }
0x3e: {  	_ =	shalt  }
0x3f: {  	_ =	shalt  }
0x40: {  	_ =	shalt  }
0x41: {  	_ =	shalt  }
0x42: {  	_ =	shalt  }
0x43: {  	_ =	shalt  }
0x44: {  	_ =	shalt  }
0x45: {  	_ =	shalt  }
0x46: {  	_ =	shalt  }
0x47: {  	_ =	shalt  }
0x48: {  	_ =	shalt  }
0x49: {  	_ =	shalt  }
0x4a: {  	_ =	shalt  }
0x4b: {  	_ =	shalt  }
0x4c: {  	_ =	shalt  }
0x4d: {  	_ =	shalt  }
0x4e: {  	_ =	shalt  }
0x4f: {  	_ =	shalt  }
0x50: {  	_ =	shalt  }
0x51: {  	_ =	shalt  }
0x52: {  	_ =	shalt  }
0x53: {  	_ =	shalt  }
0x54: {  	_ =	shalt  }
0x55: {  	_ =	shalt  }
0x56: {  	_ =	shalt  }
0x57: {  	_ =	shalt  }
0x58: {  	_ =	shalt  }
0x59: {  	_ =	shalt  }
0x5a: {  	_ =	shalt  }
0x5b: {  	_ =	shalt  }
0x5c: {  	_ =	shalt  }
0x5d: {  	_ =	shalt  }
0x5e: {  	_ =	shalt  }
0x5f: {  	_ =	shalt  }
0x60: {  	_ =	shalt  }
0x61: {  	_ =	shalt  }
0x62: {  	_ =	shalt  }
0x63: {  	_ =	shalt  }
0x64: {  	_ =	shalt  }
0x65: {  	_ =	shalt  }
0x66: {  	_ =	shalt  }
0x67: {  	_ =	shalt  }
0x68: {  	_ =	shalt  }
0x69: {  	_ =	shalt  }
0x6a: {  	_ =	shalt  }
0x6b: {  	_ =	shalt  }
0x6c: {  	_ =	shalt  }
0x6d: {  	_ =	shalt  }
0x6e: {  	_ =	shalt  }
0x6f: {  	_ =	shalt  }
0x70: {  	_ =	shalt  }
0x71: {  	_ =	shalt  }
0x72: {  	_ =	shalt  }
0x73: {  	_ =	shalt  }
0x74: {  	_ =	shalt  }
0x75: {  	_ =	shalt  }
0x76: {  	_ =	shalt  }
0x77: {  	_ =	shalt  }
0x78: {  	_ =	shalt  }
0x79: {  	_ =	shalt  }
0x7a: {  	_ =	shalt  }
0x7b: {  	_ =	shalt  }
0x7c: {  	_ =	shalt  }
0x7d: {  	_ =	shalt  }
0x7e: {  	_ =	shalt  }
0x7f: {  	_ =	shalt  }
0x80: {  	_ =	shalt  }
0x81: {  	_ =	shalt  }
0x82: {  	_ =	shalt  }
0x83: {  	_ =	shalt  }
0x84: {  	_ =	shalt  }
0x85: {  	_ =	shalt  }
0x86: {  	_ =	shalt  }
0x87: {  	_ =	shalt  }
.Lfunc_end0:
.L_simem_size_0:
called_computation.1_lowered:
.L_overlay_start_0:
0x88: {  	s2 =	sld [smem:$0x3FD9]  }
0x89: {  	s3 =	sld [smem:$0x3FFE];
	_ =	sdelay $0x1  }
0x8a: {  	s1 =	srdreg.scid  }
0x8b: {  	s0 =	sand.u32 $0x1, s1  }
0x8c: {  	s17 =	sshll.u32 s0, $0xA;
	s2 =	sadd.s32 s3, s2  }
0x8d: {  	s2 =	sadd.s32 s2, s17  }
0x8e: {  	[smem:$0x3FC2] =	sst s2  }
0x8f: {  	_ = 	snop  }
0x90: {  	s2 =	sld [smem:$0x3FD0];
	(tm) =	ssettm $0x1  }
0x91: {  	s18 =	sld [smem:$0x3FFB];
	_ =	sdelay $0x3  }
0x92: {  	_ =	strace s18  }
0x93: {  	s3 =	sld [smem:$0x3FFC];
	_ =	sdelay $0x3  }
0x94: {  	_ =	strace s3  }
0x95: {  	s3 =	sld [smem:$0x3FFD];
	_ =	sdelay $0x3  }
0x96: {  	_ =	strace s3  }
0x97: {  	_ =	strace $0x8FFFFFFF  }
0x98: {  	s19 =	sld [smem:$0x3FDB];
	_ =	sdelay $0x1  }
0x99: {  	s4 =	simm.s32 $_scs_section_size  }
0x9a: {  	s5 =	simm.s32 $_size__tile_overlayer_lowered;
	s6 =	simm.s32 $_tile_overlayer_lowered  }
0x9b: {  	s22 =	simm.s32 $0x1BFF;
	s21 =	sshll.u32 s6, $0x1;
	s3 =	sadd.s32 s4, s19  }
0x9c: {  	s7 =	simm.s32 $0x0;
	s20 =	sshll.u32 s5, $0x1;
	s5 =	sadd.s32 s21, s3  }
0x9d: {  	[timem:s7], [sflag:s22] =	dma.local [hbm:s5], s20  }
0x9e: {  	_ =	swait.ge [sflag:s22], s20  }
0x9f: {  	s4 =	ssub.s32 $0x0, s20;
	[sflag:s22] =	ssyncset.done $0x0  }
0xa0: {  	[sflag:s22] =	ssyncadd.s32 s4;
	_ =	sdelay $0x1  }
0xa1: {  	s23 =	simm.s32 $0x1B8B  }
0xa2: {  	_ =	swait.ge [sflag:s23], $0x1  }
0xa3: {  	[sflag:s23] =	ssyncset.done $0x0  }
0xa4: {  	s25 =	simm.s32 $0x1B8E;
	s24 =	sld [smem:$0x3FFE];
	[sflag:s23] =	ssyncadd.s32 $0xFFFFFFFF  }
0xa5: {  	s26 =	simm.s32 $execute0_lowered;
	[smem:$0x3FD2] =	sst s25  }
0xa6: {  	s5 =	sshll.u32 s26, $0x1;
	_ =	strace $0x80000049;
	[dreg:$0x1] =	wrdreg $0xFFFFFFFF  }
0xa7: {  	s28 =	simm.s32 $_size_execute0_lowered;
	s3 =	sadd.s32 s3, s5;
	[dreg:$0x0] =	wrdreg $0x0  }
0xa8: {  	s5 =	sshll.u32 s28, $0x1;
	[dreg:$0x2] =	wrdreg s3  }
0xa9: {  	[dreg:$0x3] =	wrdreg s5  }
0xaa: {  	[dreg:$0x4] =	wrdreg $0xC0  }
0xab: {  	_ =	task [dreg:s7], $0x5FFFF  }
0xac: {  	[dreg:$0x1] =	wrdreg $0xFFFFFFFF  }
0xad: {  	[dreg:$0x0] =	wrdreg $0x60  }
0xae: {  	[dreg:$0x2] =	wrdreg s2  }
0xaf: {  	[dreg:$0x3] =	wrdreg s24  }
0xb0: {  	[dreg:$0x4] =	wrdreg $0x120000  }
0xb1: {  	[dreg:$0x5] =	wrdreg $0x9  }
0xb2: {  	_ =	task.clear_ibuf [dreg:s7], $0x6FFFF;
	_ =	strace $0x90000049  }
0xb3: {  	s29 =	simm.s32 $0x9;
	_ =	strace $0x8000004B  }
0xb4: {  	_ =	swait.ge [sflag:s29], $0x1  }
0xb5: {  	[sflag:s29] =	ssyncadd.s32 $0xFFFFFFFF  }
0xb6: {  	_ =	strace $0x9000004B  }
0xb7: {  	_ =	sfence  }
0xb8: {  	s30 =	sld [smem:$0x0];
	_ =	sdelay $0x2  }
0xb9: {  	s31 =	sshll.u32 s1, $0xD;
	s1 =	sshrl.u32 s1, $0x2  }
0xba: {  	s3 =	sand.u32 $0x4000, s31;
	s1 =	sadd.s32 s1, s30  }
0xbb: {  	s0 =	sor.u32 s3, s0;
	s1 =	sshll.u32 s1, $0x11  }
0xbc: {  	s0 =	sor.u32 s1, s0  }
0xbd: {  	s0 =	sadd.s32 $0x8F2B, s0  }
0xbe: {  	[sflag:s0] =	ssyncadd.remote.s32 $0x1  }
0xbf: {  	_ =	sfence.sel $0xFFFF  }
0xc0: {  	[dreg:$0x0] =	wrdreg $0xFFFFFFFF;
	(pc) =	sbr.abs _section_cstart, $3  }
0xc1: {  	[dreg:$0x1] =	wrdreg $0xFFFFFFFF  }
0xc2: {  	_ =	task.clear_ibuf [dreg:s7], $0x2FFFF;
	_ =	strace $0x9FFFFFFF  }
0xc3: {  	(tm) =	ssettm $0x7FFFFFFF  }
tec
execute0_lowered:
.L_overlay_start_1:
0x0: {  	(tag) =	ssettag $0x1  }
0x1: {  	s2 =	rddreg [dreg:$0x0]  }
0x2: {  	s0 =	rddreg [dreg:$0x1]  }
0x3: {  	s3 =	rddreg [dreg:$0x2]  }
0x4: {  	s19 =	stileid.u32;
	s4 =	simm.s32 $0x0;
	s24 =	srdreg.scid  }
0x5: {  	s17 =	simm.s32 $0x400;
	s18 =	simm.s32 $0x3;
	s6 =	smul.u32 $0x1480, s19  }
0x6: {  	s20 =	simm.s32 $0x1;
	s21 =	simm.s32 $0xA000;
	s9 =	smul.u32 $0x29000, s19  }
0x7: {  	s22 =	simm.s32 $0xE000;
	s23 =	simm.s32 $0x2;
	s28 =	smul.u32 $0xA000, s19  }
0x8: {  	s1 =	sshrl.u32 s19, $0x3;
	s5 =	sshll.u32 s19, $0x7;
	s30 =	smul.u32 $0x28000, s19  }
0x9: {  	[smem:$0x7FF] =	sst s4;
	s12 =	sadd.s32 $0x96000, s3;
	s1 =	smul.u32 $0x13C00, s1  }
0xa: {  	p0 =	seq.s32 s19, $0xF;
	s5 =	sand.u32 $0x380, s5;
	_ =	strace $0x8000004A  }
0xb: {  	s26 =	sshrl.u32 s9, $0x2;
	s1 =	sor.u32 s5, s1;
	s5 =	sand.u32 $0x1, s24  }
0xc: {  	s6 =	sadd.s32 s6, s0;
	s29 =	sadd.s32 s26, s3;
	s15 =	smul.u32 $0x2710, s5  }
0xd: {  	s1 =	sshrl.u32 s1, $0x3;
	s7 =	ssub.s32 $0x2, s5;
	s5 =	smul.u32 $0x13C000, s5  }
0xe: {  	[dreg:$0x6] =	wrdreg s29;
	s1 =	sadd.s32 s1, s0;
	s8 =	sshrl.u32 s7, $0x1  }
0xf: {  	s0 =	sadd.s32 $0x76600, s0;
	s16 =	ssub.s32 s7, s8;
	s25 =	sadd.s32 $0x57E00, s1  }
0x10: {  	s1 =	sadd.s32 $0x5CE00, s1;
	s8 =	sadd.s32 $0x61E00, s6;
	s31 =	sadd.s32 s28, s5  }
.Ltmp0:
0x11: {  	s5 =	sshrl.u32 s5, $0x3;
	[dreg:$0x4] =	wrdreg s25;
	(pc) =	sbr.rel .LBB2_1-.Ltmp0, $4  }
0x12: {  	v9 =	vlaneseq.u32;
	v1 =	vimm.s32 $0x0;
	[dreg:$0x5] =	wrdreg s1;
	s6 =	sshrl.u32 s31, $0x3;
	s1 =	sshrl.u32 s30, $0x2  }
0x13: {  	v2 =	vor.u32 $0x13C0, v9;
	v3 =	vor.u32 $0x13D0, v9;
	v0 =	vmov s15;
	s5 =	sadd.s32 s0, s5;
	s15 =	smax.u32 s16, $0x1;
	s16 =	simm.s32 $0x80  }
0x14: {  	v4 =	vor.u32 $0x13E0, v9;
	v5 =	vor.u32 $0x13F0, v9;
	v6 =	vor.u32 $0x1400, v9;
	s25 =	simm.s32 $0x0;
	s9 =	sadd.s32 s0, s6;
	s10 =	sadd.s32 s1, s3  }
0x15: {  	v7 =	vor.u32 $0x1410, v9;
	v8 =	vor.u32 $0x1420, v9;
	v9 =	vor.u32 $0x1430, v9;
	s11 =	sadd.s32 $0x12C00, s5;
	s14 =	sadd.s32 $0x26800, s5;
	s13 =	sadd.s32 $0x13C00, s9  }
.LBB2_15:
0x16: {  	s5 =	simm.s32 $0x7800  }
.LBB2_19:
0x17: {  	s6 =	sadd.s32 $0xFFFFFF80, s1;
	[sflag:s18] =	ssyncadd.s32 @p1 $0xFFFFC000  }
0x18: {  	[tilespmem:s22], [sflag:$0x2] =	stream.indirect.gather [hbm4b:s2+s16], $0x80, s6, s16, $0xb8;
	[tilespmem:$0x1C400] =	vst v63  }
0x19: {  	_ =	swait.ge [sflag:s20], $0x4000  }
0x1a: {  	s5 =	sadd.s32 @p1 $0x100, s5;
	[sflag:s20] =	ssyncset.done $0x0  }
0x1b: {  	s19 =	smov.u32 @p1 s5;
	[sflag:s20] =	ssyncadd.s32 $0xFFFFC000  }
0x1c: {  	[spmem:s3] =	stream.indirect.scatter.add.f32 [tilespmem:s21], [sflag:$0x3], $0x80, s19, s16, $0xb8;
	[tilespmem:$0x1C400] =	vst v63  }
0x1d: {  	_ =	swait.ge [sflag:s18], $0x4000  }
0x1e: {  	[sflag:s18] =	ssyncset.done $0x0  }
0x1f: {  	[sflag:s18] =	ssyncadd.s32 $0xFFFFC000  }
0x20: {  	[tilespmem:s21], [sflag:$0x1] =	stream.indirect.gather [hbm4b:s2+s16], $0x80, s1, s16, $0xb8;
	[tilespmem:$0x1C400] =	vst v63  }
0x21: {  	_ =	swait.ge [sflag:s23], $0x4000  }
0x22: {  	[sflag:s23] =	ssyncset.done $0x0  }
0x23: {  	s19 =	sadd.s32 $0x80, s19;
	[sflag:s23] =	ssyncadd.s32 $0xFFFFC000  }
0x24: {  	[spmem:s3] =	stream.indirect.scatter.add.f32 [tilespmem:s22], [sflag:$0x3], $0x80, s19, s16, $0xb8;
	[tilespmem:$0x1C400] =	vst v63  }
0x25: {  	_ =	swait.ge [sflag:s18], $0x4000  }
0x26: {  	[sflag:s18] =	ssyncset.done $0x0  }
0x27: {  	[sflag:s18] =	ssyncadd.s32 $0xFFFFC000  }
.LBB2_20:
0x28: {  	s1 =	sand.u32 $0x1, s30  }
0x29: {  	p1 =	seq.s32 s1, $0x0  }
0x2a: {  	s1 =	sshll.u32 @p1 s28, $0x7  }
0x2b: {  	s6 =	simm.s32 @p1 $0x80;
	s7 =	simm.s32 @p1 $0xE000;
	s5 =	sadd.s32 @p1 $0x5000, s1  }
0x2c: {  	[tilespmem:s7], [sflag:$0x2] =	stream.indirect.gather @p1 [hbm4b:s2+s6], $0x80, s5, s6, $0xb8;
	[tilespmem:$0x1C400] =	vst v63  }
0x2d: {  	s5 =	simm.s32 @p1 $0x1  }
0x2e: {  	s19 =	sshll.u32 @p1 s30, $0x9;
	_ =	swait.ge @p1 [sflag:s5], $0x4000  }
0x2f: {  	s19 =	sshra.s32 @p1 s19, $0x2;
	[sflag:s5] =	ssyncset.done @p1 $0x0  }
0x30: {  	[sflag:s5] =	ssyncadd.s32 @p1 $0xFFFFC000;
	s5 =	sadd.s32 @p1 $0x7700, s19;
	s19 =	simm.s32 @p1 $0xA000  }
0x31: {  	[spmem:s3] =	stream.indirect.scatter.add.f32 @p1 [tilespmem:s19], [sflag:$0x3], $0x80, s5, s6, $0xb8;
	[tilespmem:$0x1C400] =	vst v63  }
0x32: {  	s5 =	simm.s32 @p1 $0x3  }
0x33: {  	_ =	swait.ge @p1 [sflag:s5], $0x4000  }
0x34: {  	[sflag:s5] =	ssyncset.done @p1 $0x0  }
0x35: {  	[sflag:s5] =	ssyncadd.s32 @p1 $0xFFFFC000;
	s5 =	simm.s32 @p1 $0x2  }
0x36: {  	_ =	swait.ge @p1 [sflag:s5], $0x4000  }
0x37: {  	[sflag:s5] =	ssyncset.done @p1 $0x0  }
0x38: {  	s1 =	sadd.s32 @p1 $0x7800, s1;
	[sflag:s5] =	ssyncadd.s32 @p1 $0xFFFFC000  }
0x39: {  	[spmem:s3] =	stream.indirect.scatter.add.f32 @p1 [tilespmem:s7], [sflag:$0x3], $0x80, s1, s6, $0xb8;
	[tilespmem:$0x1C400] =	vst v63  }
0x3a: {  	s1 =	simm.s32 @!p1 $0x1  }
0x3b: {  	_ =	swait.ge @!p1 [sflag:s1], $0x4000  }
0x3c: {  	s5 =	sshll.u32 @!p1 s28, $0x9;
	[sflag:s1] =	ssyncset.done @!p1 $0x0  }
0x3d: {  	[sflag:s1] =	ssyncadd.s32 @!p1 $0xFFFFC000;
	s1 =	sshra.s32 @!p1 s5, $0x2  }
0x3e: {  	s6 =	simm.s32 @!p1 $0xA000;
	s5 =	simm.s32 @!p1 $0x80;
	s1 =	sadd.s32 @!p1 $0x7800, s1  }
0x3f: {  	[spmem:s3] =	stream.indirect.scatter.add.f32 @!p1 [tilespmem:s6], [sflag:$0x3], $0x80, s1, s5, $0xb8;
	[tilespmem:$0x1C400] =	vst v63  }
0x40: {  	_ =	swait.ge [sflag:s18], $0x4000  }
0x41: {  	[sflag:s18] =	ssyncset.done $0x0  }
0x42: {  	[sflag:s18] =	ssyncadd.s32 $0xFFFFC000  }
.LBB2_21:
0x43: {  	[bflag:$0x0] =	sbarrier.arrive $0xFFFF  }
0x44: {  	[hbm:s14], [sflag:s26] =	dma.local @p0 [spmem:s0], $0x1000  }
0x45: {  	_ =	swait.ge @p0 [sflag:s29], $0x1000  }
0x46: {  	s25 =	sadd.s32 $0x1, s25;
	[sflag:s29] =	ssyncset.done @p0 $0x0  }
0x47: {  	p1 =	sne.s32 s25, s15;
	[sflag:s29] =	ssyncadd.s32 @p0 $0xFFFFF000  }
0x48: {  	[hbm:s13], [sflag:s26] =	dma.local @!p0 [spmem:s24], $0x1400  }
.Ltmp1:
0x49: {  	_ =	swait.ge @!p0 [sflag:s31], $0x1400;
	(pc) =	sbr.rel @!p1 .LBB2_22-.Ltmp1, $3  }
0x4a: {  	[sflag:s31] =	ssyncset.done @!p0 $0x0  }
0x4b: {  	[sflag:s31] =	ssyncadd.s32 @!p0 $0xFFFFEC00  }
0x4c: {  	[bflag:$0x0] =	sbarrier.arrive $0xFFFF;
	_ =	sdelay $0x1  }
.LBB2_1:
0x4d: {  	s0 =	rddreg [dreg:$0x4]  }
0x4e: {  	[tilespmem:s4], [sflag:$0x3] =	stream.strided.gather [hbm4b:s0+s16], $0x2780, s17, s16, $0x38;
	[tilespmem:$0x1C400] =	vst v63  }
0x4f: {  	_ =	swait.ge [sflag:s18], $0x2780  }
0x50: {  	[sflag:s18] =	ssyncset.done $0x0  }
0x51: {  	s1 =	simm.s32 $0x2800;
	s28 =	rddreg [dreg:$0x5];
	[sflag:s18] =	ssyncadd.s32 $0xFFFFD880  }
0x52: {  	[tilespmem:s1], [sflag:$0x3] =	stream.strided.gather [hbm4b:s28+s16], $0x2780, s17, s16, $0x38;
	[tilespmem:$0x1C400] =	vst v63  }
0x53: {  	_ =	swait.ge [sflag:s18], $0x2780  }
0x54: {  	[sflag:s18] =	ssyncset.done $0x0  }
0x55: {  	s29 =	simm.s32 $0x0;
	[sflag:s18] =	ssyncadd.s32 $0xFFFFD880  }
0x56: {  	v10 =	vld [tilespmem:s29+$0x2800];
	_ =	sdelay $0x4  }
0x57: {  	vm0 =	vlt.s32 v10, $0x13C0;
	v11 =	vadd.s32 $0xFFFFEC40, v10  }
0x58: {  	vm1 =	vlt.u32 v11, $0x1350;
	v12 =	vmpcnt.ones.xlane vm0  }
0x59: {  	v13 =	vmpcnt.ones.xlane vm1  }
0x5a: {  	v12 =	vxor.u32 $0x80000000, v12  }
0x5b: {  	v13 =	vxor.u32 $0x80000000, v13;
	(xrf0) =	vmax.scan.msk.u32 $0xffff, v12  }
0x5c: {  	v12 =	vld [tilespmem:s29+$0x0];
	(xrf0) =	vmax.scan.msk.u32 $0xffff, v13;
	_ =	sdelay $0x4  }
0x5d: {  	v12 =	vadd.s32 v0, v12;
	v13, _, _ =	vpop (xrf0)  }
0x5e: {  	[tilespmem:s4+$0x0] =	vst.msk vm0, v12;
	(v2sf) =	vpush v13, $0xF;
	v13, _, _ =	vpop (xrf0)  }
0x5f: {  	[tilespmem:s4+$0x2800] =	vst.msk vm0, v10;
	(v2sf) =	vpush v13, $0xF  }
0x60: {  	[tilespmem:s4+$0x5000] =	vst.msk vm1, v12  }
0x61: {  	s30 =	simm.s32 $0x10;
	[tilespmem:s4+$0x7800] =	vst.msk vm1, v11  }
0x62: {  	v11 =	vld [tilespmem:s30+$0x2800];
	_ =	sdelay $0x4  }
0x63: {  	vm1 =	vlt.s32 v11, $0x13C0;
	v10 =	vadd.s32 $0xFFFFEC40, v11  }
0x64: {  	vm0 =	vlt.u32 v10, $0x1350;
	v13 =	vmpcnt.ones.xlane vm1  }
0x65: {  	v14 =	vmpcnt.ones.xlane vm0  }
0x66: {  	v12 =	vld [tilespmem:s30+$0x0];
	v13 =	vxor.u32 $0x80000000, v13  }
0x67: {  	v14 =	vxor.u32 $0x80000000, v14;
	(xrf0) =	vmax.scan.msk.u32 $0xffff, v13  }
0x68: {  	(xrf0) =	vmax.scan.msk.u32 $0xffff, v14  }
0x69: {  	s31 =	spop (v2sf)  }
0x6a: {  	s0 =	sadd.s32 $0x0, s31;
	s5 =	spop (v2sf)  }
0x6b: {  	s1 =	simm.s32 $0x80;
	v12 =	vadd.s32 v0, v12;
	s0 =	sadd.s32 $0x80000000, s0;
	s5 =	sadd.s32 $0x0, s5  }
.LBB2_2:
0x6c: {  	p1 =	sne.s32 s1, $0x9DC0  }
0x6d: {  	[tilespmem:s0+$0x0] =	vst.msk vm1, v12;
	v13, _, _ =	vpop (xrf0);
	s5 =	sadd.s32 $0x80000000, s5;
	s6 =	smov.u32 s1;
	s1 =	sadd.s32 $0x40, s1  }
0x6e: {  	[tilespmem:s0+$0x2800] =	vst.msk vm1, v11;
	(v2sf) =	vpush v13, $0xF;
	v11, _, _ =	vpop (xrf0)  }
0x6f: {  	[tilespmem:s5+$0x5000] =	vst.msk vm0, v12;
	(v2sf) =	vpush v11, $0xF  }
0x70: {  	s6 =	sshra.s32 s6, $0x2;
	[tilespmem:s5+$0x7800] =	vst.msk vm0, v10  }
0x71: {  	v11 =	vld [tilespmem:s6+$0x2800];
	_ =	sdelay $0x4  }
0x72: {  	vm1 =	vlt.s32 v11, $0x13C0;
	v10 =	vadd.s32 $0xFFFFEC40, v11  }
0x73: {  	vm0 =	vlt.u32 v10, $0x1350;
	v12 =	vmpcnt.ones.xlane vm1  }
0x74: {  	v13 =	vmpcnt.ones.xlane vm0  }
0x75: {  	v12 =	vxor.u32 $0x80000000, v12  }
0x76: {  	v14 =	vld [tilespmem:s6+$0x0];
	v13 =	vxor.u32 $0x80000000, v13;
	(xrf0) =	vmax.scan.msk.u32 $0xffff, v12  }
.Ltmp2:
0x77: {  	(xrf0) =	vmax.scan.msk.u32 $0xffff, v13;
	(pc) =	sbr.rel @p1 .LBB2_2-.Ltmp2, $4  }
0x78: {  	_ = 	snop  }
0x79: {  	s6 =	spop (v2sf)  }
0x7a: {  	s0 =	sadd.s32 s6, s0;
	s6 =	spop (v2sf)  }
0x7b: {  	v12 =	vadd.s32 v0, v14;
	s0 =	sadd.s32 $0x80000000, s0;
	s5 =	sadd.s32 s6, s5  }
0x7c: {  	v13, _, _ =	vpop (xrf0)  }
0x7d: {  	(v2sf) =	vpush v13, $0xF  }
0x7e: {  	v63, _, _ =	vpop (xrf0)  }
0x7f: {  	(v2sf) =	vpush v63, $0xF;
	_ =	sdelay $0xb  }
0x80: {  	[tilespmem:s0+$0x0] =	vst.msk vm1, v12  }
0x81: {  	s1 =	sadd.s32 $0x80000000, s5;
	[tilespmem:s0+$0x2800] =	vst.msk vm1, v11;
	s31 =	spop (v2sf)  }
0x82: {  	[tilespmem:s1+$0x5000] =	vst.msk vm0, v12;
	s6 =	sadd.s32 s31, s0  }
0x83: {  	[tilespmem:s1+$0x7800] =	vst.msk vm0, v10;
	s7 =	spop (v2sf);
	s0 =	sadd.s32 $0x80000000, s6  }
0x84: {  	s1 =	sadd.s32 s7, s1;
	[tilespmem:s0+$0x0] =	vst v1  }
0x85: {  	s28 =	sadd.s32 $0x80000000, s1;
	[tilespmem:s0+$0x2800] =	vst v2  }
0x86: {  	[tilespmem:s28+$0x5000] =	vst v1  }
0x87: {  	[tilespmem:s28+$0x7800] =	vst v2  }
0x88: {  	[tilespmem:s0+$0x10] =	vst v1  }
0x89: {  	[tilespmem:s0+$0x2810] =	vst v3  }
0x8a: {  	[tilespmem:s28+$0x5010] =	vst v1  }
0x8b: {  	[tilespmem:s28+$0x7810] =	vst v3  }
0x8c: {  	[tilespmem:s0+$0x20] =	vst v1  }
0x8d: {  	[tilespmem:s0+$0x2820] =	vst v4  }
0x8e: {  	[tilespmem:s28+$0x5020] =	vst v1  }
0x8f: {  	[tilespmem:s28+$0x7820] =	vst v4  }
0x90: {  	[tilespmem:s0+$0x30] =	vst v1  }
0x91: {  	[tilespmem:s0+$0x2830] =	vst v5  }
0x92: {  	[tilespmem:s28+$0x5030] =	vst v1  }
0x93: {  	[tilespmem:s28+$0x7830] =	vst v5  }
0x94: {  	[tilespmem:s0+$0x40] =	vst v1  }
0x95: {  	[tilespmem:s0+$0x2840] =	vst v6  }
0x96: {  	[tilespmem:s28+$0x5040] =	vst v1  }
0x97: {  	[tilespmem:s28+$0x7840] =	vst v6  }
0x98: {  	[tilespmem:s0+$0x50] =	vst v1  }
0x99: {  	[tilespmem:s0+$0x2850] =	vst v7  }
0x9a: {  	[tilespmem:s28+$0x5050] =	vst v1  }
0x9b: {  	[tilespmem:s28+$0x7850] =	vst v7  }
0x9c: {  	[tilespmem:s0+$0x60] =	vst v1  }
0x9d: {  	[tilespmem:s0+$0x2860] =	vst v8  }
0x9e: {  	[tilespmem:s28+$0x5060] =	vst v1  }
0x9f: {  	[tilespmem:s28+$0x7860] =	vst v8  }
0xa0: {  	[tilespmem:s0+$0x70] =	vst v1  }
0xa1: {  	s19 =	stileid.u32;
	[tilespmem:s0+$0x2870] =	vst v9  }
0xa2: {  	s24 =	rddreg [dreg:$0x6];
	s1 =	sshll.u32 s19, $0x6;
	s0 =	sadd.s32 $0x7F, s0;
	[tilespmem:s28+$0x5070] =	vst v1  }
0xa3: {  	s30 =	sshrl.u32 s24, $0x3;
	s26 =	sor.u32 $0x1C03, s1;
	[tilespmem:s28+$0x7870] =	vst v9;
	s29 =	sand.u32 $0x7F, s0  }
0xa4: {  	[spmem:s30], [sflag:s26] =	dma.local [hbm:s8], $0x1480  }
0xa5: {  	s31 =	sshra.s32 s0, $0x1F;
	p2 =	slt.s32 s0, $0x1;
	p1 =	sne.s32 s29, $0x0  }
0xa6: {  	s1 =	sshrl.u32 s31, $0x19;
	p1 =	por !p2, !p1  }
0xa7: {  	s0 =	sadd.s32 s1, s0;
	s1 =	simm.s32 $0x1;
	p1 =	por !p1, !p1  }
0xa8: {  	s0 =	sshra.s32 s0, $0x7;
	s1 =	simm.s32 @!p1 $0x0  }
0xa9: {  	s24 =	ssub.s32 s0, s1  }
0xaa: {  	p1 =	slt.s32 s24, $0x1  }
.Ltmp3:
0xab: {  	_ =	swait.ge [sflag:s18], $0x1480;
	(pc) =	sbr.rel @p1 .LBB2_12-.Ltmp3, $3  }
0xac: {  	[sflag:s18] =	ssyncset.done $0x0  }
0xad: {  	[sflag:s18] =	ssyncadd.s32 $0xFFFFEB80  }
0xae: {  	[bflag:$0x0] =	sbarrier.arrive $0xFFFF;
	_ =	sdelay $0x1  }
0xaf: {  	s0 =	sadd.s32 $0xFFFFFFFF, s24  }
0xb0: {  	s1 =	sshrl.u32 s0, $0x1  }
0xb1: {  	p1 =	seq.s32 s1, $0x0  }
.Ltmp4:
0xb2: {  	_ = 	snop;
	(pc) =	sbr.rel @p1 .LBB2_11-.Ltmp4, $2  }
0xb3: {  	_ =	sdelay $0x2  }
0xb4: {  	[tilespmem:s21], [sflag:$0x1] =	stream.indirect.gather [hbm4b:s2+s16], $0x80, s4, s16, $0xb8;
	[tilespmem:$0x1C400] =	vst v63  }
0xb5: {  	p2 =	sne.s32 s1, $0x1  }
.Ltmp5:
0xb6: {  	_ = 	snop;
	(pc) =	sbr.rel @!p2 .LBB2_6-.Ltmp5, $3  }
0xb7: {  	_ =	sdelay $0x1  }
0xb8: {  	s19 =	simm.s32 $0x100  }
0xb9: {  	s29 =	simm.s32 $0x2800;
	s1 =	sadd.s32 $0xFFFFFFFF, s1;
	p1 =	por $0x0, $0x0  }
0xba: {  	s5 =	simm.s32 $0x80  }
0xbb: {  	[tilespmem:s22], [sflag:$0x2] =	stream.indirect.gather [hbm4b:s2+s16], $0x80, s5, s16, $0xb8;
	[tilespmem:$0x1C400] =	vst v63  }
0xbc: {  	_ =	swait.ge [sflag:s20], $0x4000  }
0xbd: {  	[sflag:s20] =	ssyncset.done $0x0  }
0xbe: {  	[sflag:s20] =	ssyncadd.s32 $0xFFFFC000  }
0xbf: {  	[spmem:s3] =	stream.indirect.scatter.add.f32 [tilespmem:s21], [sflag:$0x3], $0x80, s29, s16, $0xb8;
	[tilespmem:$0x1C400] =	vst v63  }
0xc0: {  	_ =	swait.ge [sflag:s18], $0x4000  }
0xc1: {  	[sflag:s18] =	ssyncset.done $0x0  }
0xc2: {  	[sflag:s18] =	ssyncadd.s32 $0xFFFFC000  }
0xc3: {  	[tilespmem:s21], [sflag:$0x1] =	stream.indirect.gather [hbm4b:s2+s16], $0x80, s19, s16, $0xb8;
	[tilespmem:$0x1C400] =	vst v63  }
0xc4: {  	p2 =	sne.s32 s1, $0x1;
	_ =	swait.ge [sflag:s23], $0x4000  }
.Ltmp6:
0xc5: {  	[sflag:s23] =	ssyncset.done $0x0;
	(pc) =	sbr.rel @!p2 .LBB2_8-.Ltmp6, $4  }
0xc6: {  	s31 =	simm.s32 $0x2880;
	[sflag:s23] =	ssyncadd.s32 $0xFFFFC000  }
0xc7: {  	[spmem:s3] =	stream.indirect.scatter.add.f32 [tilespmem:s22], [sflag:$0x3], $0x80, s31, s16, $0xb8;
	[tilespmem:$0x1C400] =	vst v63  }
0xc8: {  	p1 =	por $0x1, $0x1;
	s5 =	sadd.s32 $0xFFFFFFFF, s1;
	_ =	swait.ge [sflag:s18], $0x4000  }
0xc9: {  	s1 =	simm.s32 $0x2800;
	s19 =	simm.s32 $0x200;
	[sflag:s18] =	ssyncset.done $0x0  }
.LBB2_9:
0xca: {  	s6 =	sadd.s32 $0xFFFFFF80, s19;
	[sflag:s18] =	ssyncadd.s32 $0xFFFFC000;
	s1 =	sadd.s32 $0x100, s1  }
0xcb: {  	[tilespmem:s22], [sflag:$0x2] =	stream.indirect.gather [hbm4b:s2+s16], $0x80, s6, s16, $0xb8;
	[tilespmem:$0x1C400] =	vst v63  }
0xcc: {  	p2 =	sne.s32 s5, $0x1;
	s5 =	sadd.s32 $0xFFFFFFFF, s5;
	_ =	swait.ge [sflag:s20], $0x4000  }
0xcd: {  	[sflag:s20] =	ssyncset.done $0x0  }
0xce: {  	[sflag:s20] =	ssyncadd.s32 $0xFFFFC000  }
0xcf: {  	[spmem:s3] =	stream.indirect.scatter.add.f32 [tilespmem:s21], [sflag:$0x3], $0x80, s1, s16, $0xb8;
	[tilespmem:$0x1C400] =	vst v63  }
0xd0: {  	_ =	swait.ge [sflag:s18], $0x4000  }
0xd1: {  	[sflag:s18] =	ssyncset.done $0x0  }
0xd2: {  	[sflag:s18] =	ssyncadd.s32 $0xFFFFC000  }
0xd3: {  	[tilespmem:s21], [sflag:$0x1] =	stream.indirect.gather [hbm4b:s2+s16], $0x80, s19, s16, $0xb8;
	[tilespmem:$0x1C400] =	vst v63  }
0xd4: {  	_ =	swait.ge [sflag:s23], $0x4000  }
.Ltmp7:
0xd5: {  	[sflag:s23] =	ssyncset.done $0x0;
	(pc) =	sbr.rel @p2 .LBB2_9-.Ltmp7, $4  }
0xd6: {  	s6 =	sadd.s32 $0x80, s1;
	[sflag:s23] =	ssyncadd.s32 $0xFFFFC000  }
0xd7: {  	[spmem:s3] =	stream.indirect.scatter.add.f32 [tilespmem:s22], [sflag:$0x3], $0x80, s6, s16, $0xb8;
	[tilespmem:$0x1C400] =	vst v63  }
0xd8: {  	_ =	swait.ge [sflag:s18], $0x4000  }
0xd9: {  	s19 =	sadd.s32 $0x100, s19;
	[sflag:s18] =	ssyncset.done $0x0  }
.LBB2_10:
0xda: {  	s5 =	sadd.s32 $0xFFFFFF80, s19;
	[sflag:s18] =	ssyncadd.s32 @p1 $0xFFFFC000  }
0xdb: {  	[tilespmem:s22], [sflag:$0x2] =	stream.indirect.gather [hbm4b:s2+s16], $0x80, s5, s16, $0xb8;
	[tilespmem:$0x1C400] =	vst v63  }
0xdc: {  	_ =	swait.ge [sflag:s20], $0x4000  }
0xdd: {  	s1 =	sadd.s32 @p1 $0x100, s1;
	[sflag:s20] =	ssyncset.done $0x0  }
0xde: {  	s29 =	smov.u32 @p1 s1;
	[sflag:s20] =	ssyncadd.s32 $0xFFFFC000  }
0xdf: {  	[spmem:s3] =	stream.indirect.scatter.add.f32 [tilespmem:s21], [sflag:$0x3], $0x80, s29, s16, $0xb8;
	[tilespmem:$0x1C400] =	vst v63  }
0xe0: {  	_ =	swait.ge [sflag:s18], $0x4000  }
0xe1: {  	[sflag:s18] =	ssyncset.done $0x0  }
0xe2: {  	[sflag:s18] =	ssyncadd.s32 $0xFFFFC000  }
0xe3: {  	[tilespmem:s21], [sflag:$0x1] =	stream.indirect.gather [hbm4b:s2+s16], $0x80, s19, s16, $0xb8;
	[tilespmem:$0x1C400] =	vst v63  }
0xe4: {  	_ =	swait.ge [sflag:s23], $0x4000  }
0xe5: {  	[sflag:s23] =	ssyncset.done $0x0  }
0xe6: {  	s1 =	sadd.s32 $0x80, s29;
	[sflag:s23] =	ssyncadd.s32 $0xFFFFC000  }
0xe7: {  	[spmem:s3] =	stream.indirect.scatter.add.f32 [tilespmem:s22], [sflag:$0x3], $0x80, s1, s16, $0xb8;
	[tilespmem:$0x1C400] =	vst v63  }
0xe8: {  	_ =	swait.ge [sflag:s18], $0x4000  }
0xe9: {  	[sflag:s18] =	ssyncset.done $0x0  }
0xea: {  	[sflag:s18] =	ssyncadd.s32 $0xFFFFC000  }
.LBB2_11:
0xeb: {  	s1 =	sand.u32 $0x1, s24  }
0xec: {  	p1 =	seq.s32 s1, $0x0  }
0xed: {  	s1 =	sshll.u32 @p1 s0, $0x7  }
0xee: {  	s5 =	simm.s32 @p1 $0x80;
	s6 =	simm.s32 @p1 $0xE000;
	s19 =	simm.s32 @p1 $0x1  }
0xef: {  	[tilespmem:s6], [sflag:$0x2] =	stream.indirect.gather @p1 [hbm4b:s2+s5], $0x80, s1, s5, $0xb8;
	[tilespmem:$0x1C400] =	vst v63  }
0xf0: {  	s24 =	sshll.u32 @p1 s24, $0x9;
	_ =	swait.ge @p1 [sflag:s19], $0x4000  }
0xf1: {  	s24 =	sshra.s32 @p1 s24, $0x2;
	[sflag:s19] =	ssyncset.done @p1 $0x0  }
0xf2: {  	[sflag:s19] =	ssyncadd.s32 @p1 $0xFFFFC000;
	s19 =	sadd.s32 @p1 $0x2700, s24;
	s24 =	simm.s32 @p1 $0xA000  }
0xf3: {  	[spmem:s3] =	stream.indirect.scatter.add.f32 @p1 [tilespmem:s24], [sflag:$0x3], $0x80, s19, s5, $0xb8;
	[tilespmem:$0x1C400] =	vst v63  }
0xf4: {  	s19 =	simm.s32 @p1 $0x3  }
0xf5: {  	_ =	swait.ge @p1 [sflag:s19], $0x4000  }
0xf6: {  	[sflag:s19] =	ssyncset.done @p1 $0x0  }
0xf7: {  	[sflag:s19] =	ssyncadd.s32 @p1 $0xFFFFC000;
	s19 =	simm.s32 @p1 $0x2  }
0xf8: {  	_ =	swait.ge @p1 [sflag:s19], $0x4000  }
0xf9: {  	[sflag:s19] =	ssyncset.done @p1 $0x0  }
0xfa: {  	s1 =	sadd.s32 @p1 $0x2800, s1;
	[sflag:s19] =	ssyncadd.s32 @p1 $0xFFFFC000  }
0xfb: {  	[spmem:s3] =	stream.indirect.scatter.add.f32 @p1 [tilespmem:s6], [sflag:$0x3], $0x80, s1, s5, $0xb8;
	[tilespmem:$0x1C400] =	vst v63  }
0xfc: {  	s0 =	sshll.u32 @!p1 s0, $0x9;
	s1 =	simm.s32 @!p1 $0x1  }
0xfd: {  	s0 =	sshra.s32 @!p1 s0, $0x2;
	_ =	swait.ge @!p1 [sflag:s1], $0x4000  }
0xfe: {  	s0 =	sadd.s32 @!p1 $0x2800, s0;
	[sflag:s1] =	ssyncset.done @!p1 $0x0  }
0xff: {  	s5 =	simm.s32 @!p1 $0xA000;
	[sflag:s1] =	ssyncadd.s32 @!p1 $0xFFFFC000;
	s1 =	simm.s32 @!p1 $0x80  }
0x100: {  	[spmem:s3] =	stream.indirect.scatter.add.f32 @!p1 [tilespmem:s5], [sflag:$0x3], $0x80, s0, s1, $0xb8;
	[tilespmem:$0x1C400] =	vst v63  }
0x101: {  	_ =	swait.ge [sflag:s18], $0x4000  }
0x102: {  	[sflag:s18] =	ssyncset.done $0x0  }
0x103: {  	[sflag:s18] =	ssyncadd.s32 $0xFFFFC000  }
.LBB2_12:
0x104: {  	[bflag:$0x0] =	sbarrier.arrive $0xFFFF;
	s0 =	sshrl.u32 @p0 s12, $0x3;
	s29 =	simm.s32 @p0 $0x3  }
0x105: {  	[hbm:s11], [sflag:s26] =	dma.local @p0 [spmem:s0], $0x1000  }
0x106: {  	s24 =	sshrl.u32 @!p0 s10, $0x3;
	s1 =	sadd.s32 $0x7F, s28;
	_ =	swait.ge @p0 [sflag:s29], $0x1000  }
0x107: {  	s31 =	simm.s32 @!p0 $0x3;
	s5 =	sand.u32 $0x7F, s1;
	[sflag:s29] =	ssyncset.done @p0 $0x0  }
0x108: {  	s28 =	sshra.s32 s1, $0x1F;
	p2 =	slt.s32 s1, $0x1;
	[sflag:s29] =	ssyncadd.s32 @p0 $0xFFFFF000  }
0x109: {  	[hbm:s9], [sflag:s26] =	dma.local @!p0 [spmem:s24], $0x1400  }
0x10a: {  	p1 =	sne.s32 s5, $0x0;
	s5 =	sshrl.u32 s28, $0x19;
	_ =	swait.ge @!p0 [sflag:s31], $0x1400  }
0x10b: {  	p1 =	por !p2, !p1;
	s1 =	sadd.s32 s5, s1;
	[sflag:s31] =	ssyncset.done @!p0 $0x0  }
0x10c: {  	s5 =	simm.s32 $0x1;
	p1 =	por !p1, !p1;
	[sflag:s31] =	ssyncadd.s32 @!p0 $0xFFFFEC00  }
0x10d: {  	s1 =	sshra.s32 s1, $0x7;
	s5 =	simm.s32 @!p1 $0x0;
	[bflag:$0x0] =	sbarrier.arrive $0xFFFF  }
0x10e: {  	[spmem:s30], [sflag:s26] =	dma.local [hbm:s8], $0x1480  }
0x10f: {  	s30 =	ssub.s32 s1, s5  }
0x110: {  	p1 =	slt.s32 s30, $0x1  }
.Ltmp8:
0x111: {  	_ =	swait.ge [sflag:s18], $0x1480;
	(pc) =	sbr.rel @p1 .LBB2_21-.Ltmp8, $3  }
0x112: {  	[sflag:s18] =	ssyncset.done $0x0  }
0x113: {  	[sflag:s18] =	ssyncadd.s32 $0xFFFFEB80  }
0x114: {  	[bflag:$0x0] =	sbarrier.arrive $0xFFFF;
	_ =	sdelay $0x1  }
0x115: {  	s28 =	sadd.s32 $0xFFFFFFFF, s30  }
0x116: {  	s5 =	sshrl.u32 s28, $0x1  }
0x117: {  	p1 =	seq.s32 s5, $0x0  }
.Ltmp9:
0x118: {  	_ = 	snop;
	(pc) =	sbr.rel @p1 .LBB2_20-.Ltmp9, $3  }
0x119: {  	_ =	sdelay $0x1  }
0x11a: {  	s1 =	simm.s32 $0x5000  }
0x11b: {  	[tilespmem:s21], [sflag:$0x1] =	stream.indirect.gather [hbm4b:s2+s16], $0x80, s1, s16, $0xb8;
	[tilespmem:$0x1C400] =	vst v63  }
0x11c: {  	p2 =	sne.s32 s5, $0x1  }
.Ltmp10:
0x11d: {  	_ = 	snop;
	(pc) =	sbr.rel @!p2 .LBB2_15-.Ltmp10, $3  }
0x11e: {  	_ =	sdelay $0x1  }
0x11f: {  	s1 =	simm.s32 $0x5100  }
0x120: {  	s19 =	simm.s32 $0x7800;
	s5 =	sadd.s32 $0xFFFFFFFF, s5;
	p1 =	por $0x0, $0x0  }
0x121: {  	s6 =	simm.s32 $0x5080  }
0x122: {  	[tilespmem:s22], [sflag:$0x2] =	stream.indirect.gather [hbm4b:s2+s16], $0x80, s6, s16, $0xb8;
	[tilespmem:$0x1C400] =	vst v63  }
0x123: {  	_ =	swait.ge [sflag:s20], $0x4000  }
0x124: {  	[sflag:s20] =	ssyncset.done $0x0  }
0x125: {  	[sflag:s20] =	ssyncadd.s32 $0xFFFFC000  }
0x126: {  	[spmem:s3] =	stream.indirect.scatter.add.f32 [tilespmem:s21], [sflag:$0x3], $0x80, s19, s16, $0xb8;
	[tilespmem:$0x1C400] =	vst v63  }
0x127: {  	_ =	swait.ge [sflag:s18], $0x4000  }
0x128: {  	[sflag:s18] =	ssyncset.done $0x0  }
0x129: {  	[sflag:s18] =	ssyncadd.s32 $0xFFFFC000  }
0x12a: {  	[tilespmem:s21], [sflag:$0x1] =	stream.indirect.gather [hbm4b:s2+s16], $0x80, s1, s16, $0xb8;
	[tilespmem:$0x1C400] =	vst v63  }
0x12b: {  	p2 =	sne.s32 s5, $0x1;
	_ =	swait.ge [sflag:s23], $0x4000  }
.Ltmp11:
0x12c: {  	[sflag:s23] =	ssyncset.done $0x0;
	(pc) =	sbr.rel @!p2 .LBB2_17-.Ltmp11, $4  }
0x12d: {  	s7 =	simm.s32 $0x7880;
	[sflag:s23] =	ssyncadd.s32 $0xFFFFC000  }
0x12e: {  	[spmem:s3] =	stream.indirect.scatter.add.f32 [tilespmem:s22], [sflag:$0x3], $0x80, s7, s16, $0xb8;
	[tilespmem:$0x1C400] =	vst v63  }
0x12f: {  	p1 =	por $0x1, $0x1;
	s6 =	sadd.s32 $0xFFFFFFFF, s5;
	_ =	swait.ge [sflag:s18], $0x4000  }
0x130: {  	s5 =	simm.s32 $0x7800;
	s1 =	simm.s32 $0x5200;
	[sflag:s18] =	ssyncset.done $0x0  }
.LBB2_18:
0x131: {  	s7 =	sadd.s32 $0xFFFFFF80, s1;
	[sflag:s18] =	ssyncadd.s32 $0xFFFFC000;
	s5 =	sadd.s32 $0x100, s5  }
0x132: {  	[tilespmem:s22], [sflag:$0x2] =	stream.indirect.gather [hbm4b:s2+s16], $0x80, s7, s16, $0xb8;
	[tilespmem:$0x1C400] =	vst v63  }
0x133: {  	p2 =	sne.s32 s6, $0x1;
	s6 =	sadd.s32 $0xFFFFFFFF, s6;
	_ =	swait.ge [sflag:s20], $0x4000  }
0x134: {  	[sflag:s20] =	ssyncset.done $0x0  }
0x135: {  	[sflag:s20] =	ssyncadd.s32 $0xFFFFC000  }
0x136: {  	[spmem:s3] =	stream.indirect.scatter.add.f32 [tilespmem:s21], [sflag:$0x3], $0x80, s5, s16, $0xb8;
	[tilespmem:$0x1C400] =	vst v63  }
0x137: {  	_ =	swait.ge [sflag:s18], $0x4000  }
0x138: {  	[sflag:s18] =	ssyncset.done $0x0  }
0x139: {  	[sflag:s18] =	ssyncadd.s32 $0xFFFFC000  }
0x13a: {  	[tilespmem:s21], [sflag:$0x1] =	stream.indirect.gather [hbm4b:s2+s16], $0x80, s1, s16, $0xb8;
	[tilespmem:$0x1C400] =	vst v63  }
0x13b: {  	_ =	swait.ge [sflag:s23], $0x4000  }
.Ltmp12:
0x13c: {  	[sflag:s23] =	ssyncset.done $0x0;
	(pc) =	sbr.rel @p2 .LBB2_18-.Ltmp12, $4  }
0x13d: {  	s7 =	sadd.s32 $0x80, s5;
	[sflag:s23] =	ssyncadd.s32 $0xFFFFC000  }
0x13e: {  	[spmem:s3] =	stream.indirect.scatter.add.f32 [tilespmem:s22], [sflag:$0x3], $0x80, s7, s16, $0xb8;
	[tilespmem:$0x1C400] =	vst v63  }
0x13f: {  	_ =	swait.ge [sflag:s18], $0x4000  }
0x140: {  	s1 =	sadd.s32 $0x100, s1;
	[sflag:s18] =	ssyncset.done $0x0  }
.Ltmp13:
0x141: {  	_ = 	snop;
	(pc) =	sbr.rel .LBB2_19-.Ltmp13, $1  }
0x142: {  	_ =	sdelay $0x3  }
.LBB2_6:
.Ltmp14:
0x143: {  	(pc) =	sbr.rel .LBB2_10-.Ltmp14, $2  }
0x144: {  	_ =	sdelay $0x2  }
0x145: {  	s1 =	simm.s32 $0x2800  }
.LBB2_8:
.Ltmp15:
0x146: {  	(pc) =	sbr.rel .LBB2_10-.Ltmp15, $2  }
0x147: {  	_ =	sdelay $0x2  }
0x148: {  	s1 =	simm.s32 $0x2800  }
.LBB2_17:
.Ltmp16:
0x149: {  	(pc) =	sbr.rel .LBB2_19-.Ltmp16, $2  }
0x14a: {  	_ =	sdelay $0x2  }
0x14b: {  	s5 =	simm.s32 $0x7800  }
.LBB2_22:
0x14c: {  	_ =	sfence.sel $0x180000  }
0x14d: {  	[bflag:$0x0] =	sbarrier.arrive $0xFFFF  }
0x14e: {  	_ =	strace $0x9000004A  }
0x14f: {  	s0 =	stileid.u32;
	[bflag:$0x2] =	sbarrier.arrive $0xFFFF  }
0x150: {  	p0 =	sne.s32 s0, $0x0;
	s0 =	rddreg [dreg:$0x3]  }
0x151: {  	s0 =	sadd.s32 @!p0 $0x100000, s0  }
0x152: {  	[sflag:s0] =	ssyncadd.tile.s32 @!p0 $0x1;
	_ =	shalt  }
.Lfunc_end2:
_tile_overlayer_lowered:
.L_overlay_start_2:
0x153: {  	(tag) =	ssettag $0x2  }
0x154: {  	s0 =	rddreg [dreg:$0x0];
	s2 =	stileid.u32  }
0x155: {  	s1 =	rddreg [dreg:$0x1];
	p0 =	sne.s32 s2, $0x0  }
0x156: {  	s3 =	rddreg [dreg:$0x2];
	[bflag:$0x3] =	sbarrier.arrive $0xFFFF;
	s2 =	simm.s32 @!p0 $0x1C03  }
0x157: {  	[timem:s3], [sflag:s2] =	dma.local @!p0 [hbm:s0], s1  }
0x158: {  	s0 =	simm.s32 @!p0 $0x3  }
0x159: {  	_ =	swait.ge @!p0 [sflag:s0], s1  }
0x15a: {  	s1 =	ssub.s32 @!p0 $0x0, s1;
	[sflag:s0] =	ssyncset.done @!p0 $0x0  }
0x15b: {  	[sflag:s0] =	ssyncadd.s32 @!p0 s1  }
0x15c: {  	[bflag:$0x3] =	sbarrier.arrive $0xFFFF  }
0x15d: {  	_ =	shalt  }

// kernel: kernel.14.cloned.1.call-start
scs
__scs_entry_jumppad:
0x0: {  	(pc) =	sbr.rel $0x88, $3  }
0x1: {  	(tag) =	ssettag $0x0;
	lr =	simm.s32 $0x1  }
0x2: {  	[smem:$0x3F9B] =	sst lr;
	_ =	strace $0xD0000000  }
0x3: {  	_ = 	snop  }
0x4: {  	_ = 	snop  }
0x5: {  	_ = 	snop  }
0x6: {  	_ = 	snop  }
0x7: {  	_ = 	snop  }
__scs_overlays_trampoline_lowered:
0x8: {  	[smem:$0x3FAA] =	sst s0  }
0x9: {  	[smem:$0x3FAB] =	sst s1  }
0xa: {  	[smem:$0x3FAC] =	sst s2  }
0xb: {  	[smem:$0x3FAD] =	sst s3  }
0xc: {  	[smem:$0x3FAE] =	sst s4  }
0xd: {  	[smem:$0x3FAF] =	sst s5  }
0xe: {  	[smem:$0x3FB0] =	sst s6  }
0xf: {  	[smem:$0x3FB1] =	sst s7  }
0x10: {  	[smem:$0x3FB2] =	sst s8  }
0x11: {  	[smem:$0x3FB3] =	sst s9;
	s0 =	simm.s32 @!p0 $0x0  }
0x12: {  	s1 =	sld [smem:$0x3F99];
	s0 =	simm.s32 @p0 $0x1  }
0x13: {  	[smem:$0x3FB4] =	sst s0;
	s0 =	simm.s32 @!p1 $0x0  }
0x14: {  	s2 =	sld [smem:$0x3F98];
	s0 =	simm.s32 @p1 $0x1  }
0x15: {  	[smem:$0x3FB5] =	sst s0;
	s0 =	simm.s32 @!p2 $0x0  }
0x16: {  	s3 =	sld [smem:$0x3FDB];
	s0 =	simm.s32 @p2 $0x1  }
0x17: {  	s4 =	simm.s32 $0x1BF5;
	[smem:$0x3FB7] =	sst s0  }
0x18: {  	s0 =	sld [smem:$0x3F9A];
	_ =	swait.ge [sflag:s4], $0x0  }
0x19: {  	s7 =	sld [smem:$0x3F9B]  }
0x1a: {  	s8 =	sadd.s32 $0xFFFFE003, lr  }
0x1b: {  	s9 =	sadd.s32 $0xFFFFFEF7, lr;
	s5 =	simm.s32 $0xFFFFFFFF;
	p2 =	slt.u32 s8, $0xFFFFF086  }
0x1c: {  	p1 =	slt.u32 s9, $0xF7A;
	s5 =	simm.s32 @!p2 $0x0  }
0x1d: {  	s5 =	simm.s32 @p1 $0x1;
	p0 =	seq.s32 s7, s2  }
0x1e: {  	s7 =	smul.u32 @!p0 $0xF7A, s2;
	p2 =	seq.s32 @!p0 s5, $0x0  }
0x1f: {  	s9 =	smul.u32 $0xF7A, s1;
	s8 =	simm.s32 @!p0 $0x1BF5;
	p2 =	por !p2, p0  }
0x20: {  	[sflag:s8] =	ssyncset.s32 @!p0 $0xFFFFF086;
	s6 =	sadd.s32 @!p0 s3, s7;
	s7 =	simm.s32 @!p0 $0x108  }
0x21: {  	s3 =	sadd.s32 s3, s9;
	s6 =	sadd.s32 @!p0 $0x88, s6;
	s7 =	simm.s32 @p2 $0x1082  }
0x22: {  	[simem:s7], [sflag:s8] =	dma.local @!p0 [hbm:s6], $0xF7A  }
0x23: {  	s9 =	sor.u32 $0xD0000000, s2;
	s6 =	simm.s32 $0x108;
	_ =	swait.ge @!p0 [sflag:s8], $0x0  }
0x24: {  	s3 =	sadd.s32 $0x88, s3;
	s6 =	simm.s32 @!p1 $0x1082;
	[sflag:s4] =	ssyncset.s32 $0xFFFFF086  }
0x25: {  	[simem:s6], [sflag:s4] =	dma.local [hbm:s3], $0xF7A  }
0x26: {  	[smem:$0x3F9B] =	sst s1;
	(tag) =	ssettag s2;
	_ =	strace s9  }
0x27: {  	s1 =	sld [smem:$0x3FAB]  }
0x28: {  	s2 =	sld [smem:$0x3FAC]  }
0x29: {  	s4 =	sld [smem:$0x3FAE]  }
0x2a: {  	p0 =	seq.s32 s5, $0x0;
	s5 =	sld [smem:$0x3FAF]  }
0x2b: {  	s6 =	sld [smem:$0x3FB0]  }
0x2c: {  	s7 =	sld [smem:$0x3FB1]  }
0x2d: {  	s3 =	simm.s32 $0x108;
	s8 =	sld [smem:$0x3FB2]  }
0x2e: {  	s3 =	simm.s32 @!p0 $0x1082;
	s9 =	sld [smem:$0x3FB3]  }
0x2f: {  	lr =	sadd.s32 s0, s3;
	s0 =	sld [smem:$0x3FAA]  }
0x30: {  	s3 =	sld [smem:$0x3FAD]  }
0x31: {  	[smem:$0x3FB6] =	sst s10  }
0x32: {  	s10 =	sld [smem:$0x3FB4];
	_ =	sdelay $0x3  }
0x33: {  	p0 =	seq.s32 s10, $0x1;
	s10 =	sld [smem:$0x3FB6];
	_ =	sdelay $0x3  }
0x34: {  	[smem:$0x3FB6] =	sst s10  }
0x35: {  	s10 =	sld [smem:$0x3FB5];
	_ =	sdelay $0x3  }
0x36: {  	p1 =	seq.s32 s10, $0x1;
	s10 =	sld [smem:$0x3FB6];
	_ =	sdelay $0x3  }
0x37: {  	[smem:$0x3FB6] =	sst s10  }
0x38: {  	s10 =	sld [smem:$0x3FB7]  }
0x39: {  	_ = 	snop;
	(pc) =	sbr.ind lr, $3  }
0x3a: {  	_ = 	snop  }
0x3b: {  	_ = 	snop  }
0x3c: {  	p2 =	seq.s32 s10, $0x1;
	s10 =	sld [smem:$0x3FB6]  }
0x3d: {  	_ =	shalt  }
0x3e: {  	_ =	shalt  }
0x3f: {  	_ =	shalt  }
0x40: {  	_ =	shalt  }
0x41: {  	_ =	shalt  }
0x42: {  	_ =	shalt  }
0x43: {  	_ =	shalt  }
0x44: {  	_ =	shalt  }
0x45: {  	_ =	shalt  }
0x46: {  	_ =	shalt  }
0x47: {  	_ =	shalt  }
0x48: {  	_ =	shalt  }
0x49: {  	_ =	shalt  }
0x4a: {  	_ =	shalt  }
0x4b: {  	_ =	shalt  }
0x4c: {  	_ =	shalt  }
0x4d: {  	_ =	shalt  }
0x4e: {  	_ =	shalt  }
0x4f: {  	_ =	shalt  }
0x50: {  	_ =	shalt  }
0x51: {  	_ =	shalt  }
0x52: {  	_ =	shalt  }
0x53: {  	_ =	shalt  }
0x54: {  	_ =	shalt  }
0x55: {  	_ =	shalt  }
0x56: {  	_ =	shalt  }
0x57: {  	_ =	shalt  }
0x58: {  	_ =	shalt  }
0x59: {  	_ =	shalt  }
0x5a: {  	_ =	shalt  }
0x5b: {  	_ =	shalt  }
0x5c: {  	_ =	shalt  }
0x5d: {  	_ =	shalt  }
0x5e: {  	_ =	shalt  }
0x5f: {  	_ =	shalt  }
0x60: {  	_ =	shalt  }
0x61: {  	_ =	shalt  }
0x62: {  	_ =	shalt  }
0x63: {  	_ =	shalt  }
0x64: {  	_ =	shalt  }
0x65: {  	_ =	shalt  }
0x66: {  	_ =	shalt  }
0x67: {  	_ =	shalt  }
0x68: {  	_ =	shalt  }
0x69: {  	_ =	shalt  }
0x6a: {  	_ =	shalt  }
0x6b: {  	_ =	shalt  }
0x6c: {  	_ =	shalt  }
0x6d: {  	_ =	shalt  }
0x6e: {  	_ =	shalt  }
0x6f: {  	_ =	shalt  }
0x70: {  	_ =	shalt  }
0x71: {  	_ =	shalt  }
0x72: {  	_ =	shalt  }
0x73: {  	_ =	shalt  }
0x74: {  	_ =	shalt  }
0x75: {  	_ =	shalt  }
0x76: {  	_ =	shalt  }
0x77: {  	_ =	shalt  }
0x78: {  	_ =	shalt  }
0x79: {  	_ =	shalt  }
0x7a: {  	_ =	shalt  }
0x7b: {  	_ =	shalt  }
0x7c: {  	_ =	shalt  }
0x7d: {  	_ =	shalt  }
0x7e: {  	_ =	shalt  }
0x7f: {  	_ =	shalt  }
0x80: {  	_ =	shalt  }
0x81: {  	_ =	shalt  }
0x82: {  	_ =	shalt  }
0x83: {  	_ =	shalt  }
0x84: {  	_ =	shalt  }
0x85: {  	_ =	shalt  }
0x86: {  	_ =	shalt  }
0x87: {  	_ =	shalt  }
.Lfunc_end0:
.L_simem_size_0:
called_computation.2_lowered:
.L_overlay_start_0:
0x88: {  	s2 =	sld [smem:$0x3FD9]  }
0x89: {  	s3 =	sld [smem:$0x3FFE];
	_ =	sdelay $0x1  }
0x8a: {  	s1 =	srdreg.scid  }
0x8b: {  	s0 =	sand.u32 $0x1, s1  }
0x8c: {  	s17 =	sshll.u32 s0, $0xA;
	s2 =	sadd.s32 s3, s2  }
0x8d: {  	s2 =	sadd.s32 s2, s17  }
0x8e: {  	[smem:$0x3FC2] =	sst s2  }
0x8f: {  	_ = 	snop  }
0x90: {  	s2 =	sld [smem:$0x3FD0];
	(tm) =	ssettm $0x1  }
0x91: {  	s18 =	sld [smem:$0x3FFB];
	_ =	sdelay $0x3  }
0x92: {  	_ =	strace s18  }
0x93: {  	s3 =	sld [smem:$0x3FFC];
	_ =	sdelay $0x3  }
0x94: {  	_ =	strace s3  }
0x95: {  	s3 =	sld [smem:$0x3FFD];
	_ =	sdelay $0x3  }
0x96: {  	_ =	strace s3  }
0x97: {  	_ =	strace $0x8FFFFFFF  }
0x98: {  	s19 =	sld [smem:$0x3FDB];
	_ =	sdelay $0x1  }
0x99: {  	s4 =	simm.s32 $_scs_section_size  }
0x9a: {  	s5 =	simm.s32 $_size__tile_overlayer_lowered;
	s6 =	simm.s32 $_tile_overlayer_lowered  }
0x9b: {  	s22 =	simm.s32 $0x1BFF;
	s21 =	sshll.u32 s6, $0x1;
	s3 =	sadd.s32 s4, s19  }
0x9c: {  	s7 =	simm.s32 $0x0;
	s20 =	sshll.u32 s5, $0x1;
	s5 =	sadd.s32 s21, s3  }
0x9d: {  	[timem:s7], [sflag:s22] =	dma.local [hbm:s5], s20  }
0x9e: {  	_ =	swait.ge [sflag:s22], s20  }
0x9f: {  	s4 =	ssub.s32 $0x0, s20;
	[sflag:s22] =	ssyncset.done $0x0  }
0xa0: {  	[sflag:s22] =	ssyncadd.s32 s4;
	_ =	sdelay $0x1  }
0xa1: {  	s23 =	simm.s32 $0x1B8B  }
0xa2: {  	_ =	swait.ge [sflag:s23], $0x1  }
0xa3: {  	[sflag:s23] =	ssyncset.done $0x0  }
0xa4: {  	s25 =	simm.s32 $0x1B8E;
	s24 =	sld [smem:$0x3FFE];
	[sflag:s23] =	ssyncadd.s32 $0xFFFFFFFF  }
0xa5: {  	s26 =	simm.s32 $execute0_lowered;
	[smem:$0x3FD2] =	sst s25  }
0xa6: {  	s5 =	sshll.u32 s26, $0x1;
	_ =	strace $0x8000004C;
	[dreg:$0x1] =	wrdreg $0xFFFFFFFF  }
0xa7: {  	s28 =	simm.s32 $_size_execute0_lowered;
	s3 =	sadd.s32 s3, s5;
	[dreg:$0x0] =	wrdreg $0x0  }
0xa8: {  	s5 =	sshll.u32 s28, $0x1;
	[dreg:$0x2] =	wrdreg s3  }
0xa9: {  	[dreg:$0x3] =	wrdreg s5  }
0xaa: {  	[dreg:$0x4] =	wrdreg $0xC0  }
0xab: {  	_ =	task [dreg:s7], $0x5FFFF  }
0xac: {  	[dreg:$0x1] =	wrdreg $0xFFFFFFFF  }
0xad: {  	[dreg:$0x0] =	wrdreg $0x60  }
0xae: {  	[dreg:$0x2] =	wrdreg s2  }
0xaf: {  	[dreg:$0x3] =	wrdreg s24  }
0xb0: {  	[dreg:$0x4] =	wrdreg $0x120000  }
0xb1: {  	[dreg:$0x5] =	wrdreg $0x9  }
0xb2: {  	_ =	task.clear_ibuf [dreg:s7], $0x6FFFF;
	_ =	strace $0x9000004C  }
0xb3: {  	s29 =	simm.s32 $0x9;
	_ =	strace $0x8000004E  }
0xb4: {  	_ =	swait.ge [sflag:s29], $0x1  }
0xb5: {  	[sflag:s29] =	ssyncadd.s32 $0xFFFFFFFF  }
0xb6: {  	_ =	strace $0x9000004E  }
0xb7: {  	_ =	sfence  }
0xb8: {  	s30 =	sld [smem:$0x0];
	_ =	sdelay $0x2  }
0xb9: {  	s31 =	sshll.u32 s1, $0xD;
	s1 =	sshrl.u32 s1, $0x2  }
0xba: {  	s3 =	sand.u32 $0x4000, s31;
	s1 =	sadd.s32 s1, s30  }
0xbb: {  	s0 =	sor.u32 s3, s0;
	s1 =	sshll.u32 s1, $0x11  }
0xbc: {  	s0 =	sor.u32 s1, s0  }
0xbd: {  	s0 =	sadd.s32 $0x8F2B, s0  }
0xbe: {  	[sflag:s0] =	ssyncadd.remote.s32 $0x1  }
0xbf: {  	_ =	sfence.sel $0xFFFF  }
0xc0: {  	[dreg:$0x0] =	wrdreg $0xFFFFFFFF;
	(pc) =	sbr.abs _section_cstart, $3  }
0xc1: {  	[dreg:$0x1] =	wrdreg $0xFFFFFFFF  }
0xc2: {  	_ =	task.clear_ibuf [dreg:s7], $0x2FFFF;
	_ =	strace $0x9FFFFFFF  }
0xc3: {  	(tm) =	ssettm $0x7FFFFFFF  }
tec
execute0_lowered:
.L_overlay_start_1:
0x0: {  	(tag) =	ssettag $0x1  }
0x1: {  	s2 =	rddreg [dreg:$0x0]  }
0x2: {  	s0 =	rddreg [dreg:$0x1]  }
0x3: {  	s3 =	rddreg [dreg:$0x2]  }
0x4: {  	s19 =	stileid.u32;
	s4 =	simm.s32 $0x0;
	s24 =	srdreg.scid  }
0x5: {  	s17 =	simm.s32 $0x400;
	s18 =	simm.s32 $0x3;
	s6 =	smul.u32 $0x1480, s19  }
0x6: {  	s20 =	simm.s32 $0x1;
	s21 =	simm.s32 $0xA000;
	s9 =	smul.u32 $0x29000, s19  }
0x7: {  	s22 =	simm.s32 $0xE000;
	s23 =	simm.s32 $0x2;
	s28 =	smul.u32 $0xA000, s19  }
0x8: {  	s1 =	sshrl.u32 s19, $0x3;
	s5 =	sshll.u32 s19, $0x7;
	s30 =	smul.u32 $0x28000, s19  }
0x9: {  	[smem:$0x7FF] =	sst s4;
	s12 =	sadd.s32 $0x96000, s3;
	s1 =	smul.u32 $0x13C00, s1  }
0xa: {  	p0 =	seq.s32 s19, $0xF;
	s5 =	sand.u32 $0x380, s5;
	_ =	strace $0x8000004D  }
0xb: {  	s26 =	sshrl.u32 s9, $0x2;
	s1 =	sor.u32 s5, s1;
	s5 =	sand.u32 $0x1, s24  }
0xc: {  	s6 =	sadd.s32 s6, s0;
	s29 =	sadd.s32 s26, s3;
	s15 =	smul.u32 $0x2710, s5  }
0xd: {  	s1 =	sshrl.u32 s1, $0x3;
	s7 =	ssub.s32 $0x2, s5;
	s5 =	smul.u32 $0x13C000, s5  }
0xe: {  	[dreg:$0x6] =	wrdreg s29;
	s1 =	sadd.s32 s1, s0;
	s8 =	sshrl.u32 s7, $0x1  }
0xf: {  	s0 =	sadd.s32 $0x76600, s0;
	s16 =	ssub.s32 s7, s8;
	s25 =	sadd.s32 $0x57E00, s1  }
0x10: {  	s1 =	sadd.s32 $0x5CE00, s1;
	s8 =	sadd.s32 $0x61E00, s6;
	s31 =	sadd.s32 s28, s5  }
.Ltmp0:
0x11: {  	s5 =	sshrl.u32 s5, $0x3;
	[dreg:$0x4] =	wrdreg s25;
	(pc) =	sbr.rel .LBB2_1-.Ltmp0, $4  }
0x12: {  	v9 =	vlaneseq.u32;
	v1 =	vimm.s32 $0x0;
	[dreg:$0x5] =	wrdreg s1;
	s6 =	sshrl.u32 s31, $0x3;
	s1 =	sshrl.u32 s30, $0x2  }
0x13: {  	v2 =	vor.u32 $0x13C0, v9;
	v3 =	vor.u32 $0x13D0, v9;
	v0 =	vmov s15;
	s5 =	sadd.s32 s0, s5;
	s15 =	smax.u32 s16, $0x1;
	s16 =	simm.s32 $0x80  }
0x14: {  	v4 =	vor.u32 $0x13E0, v9;
	v5 =	vor.u32 $0x13F0, v9;
	v6 =	vor.u32 $0x1400, v9;
	s25 =	simm.s32 $0x0;
	s9 =	sadd.s32 s0, s6;
	s10 =	sadd.s32 s1, s3  }
0x15: {  	v7 =	vor.u32 $0x1410, v9;
	v8 =	vor.u32 $0x1420, v9;
	v9 =	vor.u32 $0x1430, v9;
	s11 =	sadd.s32 $0x12C00, s5;
	s14 =	sadd.s32 $0x26800, s5;
	s13 =	sadd.s32 $0x13C00, s9  }
.LBB2_15:
0x16: {  	s5 =	simm.s32 $0x7800  }
.LBB2_19:
0x17: {  	s6 =	sadd.s32 $0xFFFFFF80, s1;
	[sflag:s18] =	ssyncadd.s32 @p1 $0xFFFFC000  }
0x18: {  	[tilespmem:s22], [sflag:$0x2] =	stream.indirect.gather [hbm4b:s2+s16], $0x80, s6, s16, $0xb8;
	[tilespmem:$0x1C400] =	vst v63  }
0x19: {  	_ =	swait.ge [sflag:s20], $0x4000  }
0x1a: {  	s5 =	sadd.s32 @p1 $0x100, s5;
	[sflag:s20] =	ssyncset.done $0x0  }
0x1b: {  	s19 =	smov.u32 @p1 s5;
	[sflag:s20] =	ssyncadd.s32 $0xFFFFC000  }
0x1c: {  	[spmem:s3] =	stream.indirect.scatter.add.f32 [tilespmem:s21], [sflag:$0x3], $0x80, s19, s16, $0xb8;
	[tilespmem:$0x1C400] =	vst v63  }
0x1d: {  	_ =	swait.ge [sflag:s18], $0x4000  }
0x1e: {  	[sflag:s18] =	ssyncset.done $0x0  }
0x1f: {  	[sflag:s18] =	ssyncadd.s32 $0xFFFFC000  }
0x20: {  	[tilespmem:s21], [sflag:$0x1] =	stream.indirect.gather [hbm4b:s2+s16], $0x80, s1, s16, $0xb8;
	[tilespmem:$0x1C400] =	vst v63  }
0x21: {  	_ =	swait.ge [sflag:s23], $0x4000  }
0x22: {  	[sflag:s23] =	ssyncset.done $0x0  }
0x23: {  	s19 =	sadd.s32 $0x80, s19;
	[sflag:s23] =	ssyncadd.s32 $0xFFFFC000  }
0x24: {  	[spmem:s3] =	stream.indirect.scatter.add.f32 [tilespmem:s22], [sflag:$0x3], $0x80, s19, s16, $0xb8;
	[tilespmem:$0x1C400] =	vst v63  }
0x25: {  	_ =	swait.ge [sflag:s18], $0x4000  }
0x26: {  	[sflag:s18] =	ssyncset.done $0x0  }
0x27: {  	[sflag:s18] =	ssyncadd.s32 $0xFFFFC000  }
.LBB2_20:
0x28: {  	s1 =	sand.u32 $0x1, s30  }
0x29: {  	p1 =	seq.s32 s1, $0x0  }
0x2a: {  	s1 =	sshll.u32 @p1 s28, $0x7  }
0x2b: {  	s6 =	simm.s32 @p1 $0x80;
	s7 =	simm.s32 @p1 $0xE000;
	s5 =	sadd.s32 @p1 $0x5000, s1  }
0x2c: {  	[tilespmem:s7], [sflag:$0x2] =	stream.indirect.gather @p1 [hbm4b:s2+s6], $0x80, s5, s6, $0xb8;
	[tilespmem:$0x1C400] =	vst v63  }
0x2d: {  	s5 =	simm.s32 @p1 $0x1  }
0x2e: {  	s19 =	sshll.u32 @p1 s30, $0x9;
	_ =	swait.ge @p1 [sflag:s5], $0x4000  }
0x2f: {  	s19 =	sshra.s32 @p1 s19, $0x2;
	[sflag:s5] =	ssyncset.done @p1 $0x0  }
0x30: {  	[sflag:s5] =	ssyncadd.s32 @p1 $0xFFFFC000;
	s5 =	sadd.s32 @p1 $0x7700, s19;
	s19 =	simm.s32 @p1 $0xA000  }
0x31: {  	[spmem:s3] =	stream.indirect.scatter.add.f32 @p1 [tilespmem:s19], [sflag:$0x3], $0x80, s5, s6, $0xb8;
	[tilespmem:$0x1C400] =	vst v63  }
0x32: {  	s5 =	simm.s32 @p1 $0x3  }
0x33: {  	_ =	swait.ge @p1 [sflag:s5], $0x4000  }
0x34: {  	[sflag:s5] =	ssyncset.done @p1 $0x0  }
0x35: {  	[sflag:s5] =	ssyncadd.s32 @p1 $0xFFFFC000;
	s5 =	simm.s32 @p1 $0x2  }
0x36: {  	_ =	swait.ge @p1 [sflag:s5], $0x4000  }
0x37: {  	[sflag:s5] =	ssyncset.done @p1 $0x0  }
0x38: {  	s1 =	sadd.s32 @p1 $0x7800, s1;
	[sflag:s5] =	ssyncadd.s32 @p1 $0xFFFFC000  }
0x39: {  	[spmem:s3] =	stream.indirect.scatter.add.f32 @p1 [tilespmem:s7], [sflag:$0x3], $0x80, s1, s6, $0xb8;
	[tilespmem:$0x1C400] =	vst v63  }
0x3a: {  	s1 =	simm.s32 @!p1 $0x1  }
0x3b: {  	_ =	swait.ge @!p1 [sflag:s1], $0x4000  }
0x3c: {  	s5 =	sshll.u32 @!p1 s28, $0x9;
	[sflag:s1] =	ssyncset.done @!p1 $0x0  }
0x3d: {  	[sflag:s1] =	ssyncadd.s32 @!p1 $0xFFFFC000;
	s1 =	sshra.s32 @!p1 s5, $0x2  }
0x3e: {  	s6 =	simm.s32 @!p1 $0xA000;
	s5 =	simm.s32 @!p1 $0x80;
	s1 =	sadd.s32 @!p1 $0x7800, s1  }
0x3f: {  	[spmem:s3] =	stream.indirect.scatter.add.f32 @!p1 [tilespmem:s6], [sflag:$0x3], $0x80, s1, s5, $0xb8;
	[tilespmem:$0x1C400] =	vst v63  }
0x40: {  	_ =	swait.ge [sflag:s18], $0x4000  }
0x41: {  	[sflag:s18] =	ssyncset.done $0x0  }
0x42: {  	[sflag:s18] =	ssyncadd.s32 $0xFFFFC000  }
.LBB2_21:
0x43: {  	[bflag:$0x0] =	sbarrier.arrive $0xFFFF  }
0x44: {  	[hbm:s14], [sflag:s26] =	dma.local @p0 [spmem:s0], $0x1000  }
0x45: {  	_ =	swait.ge @p0 [sflag:s29], $0x1000  }
0x46: {  	s25 =	sadd.s32 $0x1, s25;
	[sflag:s29] =	ssyncset.done @p0 $0x0  }
0x47: {  	p1 =	sne.s32 s25, s15;
	[sflag:s29] =	ssyncadd.s32 @p0 $0xFFFFF000  }
0x48: {  	[hbm:s13], [sflag:s26] =	dma.local @!p0 [spmem:s24], $0x1400  }
.Ltmp1:
0x49: {  	_ =	swait.ge @!p0 [sflag:s31], $0x1400;
	(pc) =	sbr.rel @!p1 .LBB2_22-.Ltmp1, $3  }
0x4a: {  	[sflag:s31] =	ssyncset.done @!p0 $0x0  }
0x4b: {  	[sflag:s31] =	ssyncadd.s32 @!p0 $0xFFFFEC00  }
0x4c: {  	[bflag:$0x0] =	sbarrier.arrive $0xFFFF;
	_ =	sdelay $0x1  }
.LBB2_1:
0x4d: {  	s0 =	rddreg [dreg:$0x4]  }
0x4e: {  	[tilespmem:s4], [sflag:$0x3] =	stream.strided.gather [hbm4b:s0+s16], $0x2780, s17, s16, $0x38;
	[tilespmem:$0x1C400] =	vst v63  }
0x4f: {  	_ =	swait.ge [sflag:s18], $0x2780  }
0x50: {  	[sflag:s18] =	ssyncset.done $0x0  }
0x51: {  	s1 =	simm.s32 $0x2800;
	s28 =	rddreg [dreg:$0x5];
	[sflag:s18] =	ssyncadd.s32 $0xFFFFD880  }
0x52: {  	[tilespmem:s1], [sflag:$0x3] =	stream.strided.gather [hbm4b:s28+s16], $0x2780, s17, s16, $0x38;
	[tilespmem:$0x1C400] =	vst v63  }
0x53: {  	_ =	swait.ge [sflag:s18], $0x2780  }
0x54: {  	[sflag:s18] =	ssyncset.done $0x0  }
0x55: {  	s29 =	simm.s32 $0x0;
	[sflag:s18] =	ssyncadd.s32 $0xFFFFD880  }
0x56: {  	v10 =	vld [tilespmem:s29+$0x2800];
	_ =	sdelay $0x4  }
0x57: {  	vm0 =	vlt.s32 v10, $0x13C0;
	v11 =	vadd.s32 $0xFFFFEC40, v10  }
0x58: {  	vm1 =	vlt.u32 v11, $0x1350;
	v12 =	vmpcnt.ones.xlane vm0  }
0x59: {  	v13 =	vmpcnt.ones.xlane vm1  }
0x5a: {  	v12 =	vxor.u32 $0x80000000, v12  }
0x5b: {  	v13 =	vxor.u32 $0x80000000, v13;
	(xrf0) =	vmax.scan.msk.u32 $0xffff, v12  }
0x5c: {  	v12 =	vld [tilespmem:s29+$0x0];
	(xrf0) =	vmax.scan.msk.u32 $0xffff, v13;
	_ =	sdelay $0x4  }
0x5d: {  	v12 =	vadd.s32 v0, v12;
	v13, _, _ =	vpop (xrf0)  }
0x5e: {  	[tilespmem:s4+$0x0] =	vst.msk vm0, v12;
	(v2sf) =	vpush v13, $0xF;
	v13, _, _ =	vpop (xrf0)  }
0x5f: {  	[tilespmem:s4+$0x2800] =	vst.msk vm0, v10;
	(v2sf) =	vpush v13, $0xF  }
0x60: {  	[tilespmem:s4+$0x5000] =	vst.msk vm1, v12  }
0x61: {  	s30 =	simm.s32 $0x10;
	[tilespmem:s4+$0x7800] =	vst.msk vm1, v11  }
0x62: {  	v11 =	vld [tilespmem:s30+$0x2800];
	_ =	sdelay $0x4  }
0x63: {  	vm1 =	vlt.s32 v11, $0x13C0;
	v10 =	vadd.s32 $0xFFFFEC40, v11  }
0x64: {  	vm0 =	vlt.u32 v10, $0x1350;
	v13 =	vmpcnt.ones.xlane vm1  }
0x65: {  	v14 =	vmpcnt.ones.xlane vm0  }
0x66: {  	v12 =	vld [tilespmem:s30+$0x0];
	v13 =	vxor.u32 $0x80000000, v13  }
0x67: {  	v14 =	vxor.u32 $0x80000000, v14;
	(xrf0) =	vmax.scan.msk.u32 $0xffff, v13  }
0x68: {  	(xrf0) =	vmax.scan.msk.u32 $0xffff, v14  }
0x69: {  	s31 =	spop (v2sf)  }
0x6a: {  	s0 =	sadd.s32 $0x0, s31;
	s5 =	spop (v2sf)  }
0x6b: {  	s1 =	simm.s32 $0x80;
	v12 =	vadd.s32 v0, v12;
	s0 =	sadd.s32 $0x80000000, s0;
	s5 =	sadd.s32 $0x0, s5  }
.LBB2_2:
0x6c: {  	p1 =	sne.s32 s1, $0x9DC0  }
0x6d: {  	[tilespmem:s0+$0x0] =	vst.msk vm1, v12;
	v13, _, _ =	vpop (xrf0);
	s5 =	sadd.s32 $0x80000000, s5;
	s6 =	smov.u32 s1;
	s1 =	sadd.s32 $0x40, s1  }
0x6e: {  	[tilespmem:s0+$0x2800] =	vst.msk vm1, v11;
	(v2sf) =	vpush v13, $0xF;
	v11, _, _ =	vpop (xrf0)  }
0x6f: {  	[tilespmem:s5+$0x5000] =	vst.msk vm0, v12;
	(v2sf) =	vpush v11, $0xF  }
0x70: {  	s6 =	sshra.s32 s6, $0x2;
	[tilespmem:s5+$0x7800] =	vst.msk vm0, v10  }
0x71: {  	v11 =	vld [tilespmem:s6+$0x2800];
	_ =	sdelay $0x4  }
0x72: {  	vm1 =	vlt.s32 v11, $0x13C0;
	v10 =	vadd.s32 $0xFFFFEC40, v11  }
0x73: {  	vm0 =	vlt.u32 v10, $0x1350;
	v12 =	vmpcnt.ones.xlane vm1  }
0x74: {  	v13 =	vmpcnt.ones.xlane vm0  }
0x75: {  	v12 =	vxor.u32 $0x80000000, v12  }
0x76: {  	v14 =	vld [tilespmem:s6+$0x0];
	v13 =	vxor.u32 $0x80000000, v13;
	(xrf0) =	vmax.scan.msk.u32 $0xffff, v12  }
.Ltmp2:
0x77: {  	(xrf0) =	vmax.scan.msk.u32 $0xffff, v13;
	(pc) =	sbr.rel @p1 .LBB2_2-.Ltmp2, $4  }
0x78: {  	_ = 	snop  }
0x79: {  	s6 =	spop (v2sf)  }
0x7a: {  	s0 =	sadd.s32 s6, s0;
	s6 =	spop (v2sf)  }
0x7b: {  	v12 =	vadd.s32 v0, v14;
	s0 =	sadd.s32 $0x80000000, s0;
	s5 =	sadd.s32 s6, s5  }
0x7c: {  	v13, _, _ =	vpop (xrf0)  }
0x7d: {  	(v2sf) =	vpush v13, $0xF  }
0x7e: {  	v63, _, _ =	vpop (xrf0)  }
0x7f: {  	(v2sf) =	vpush v63, $0xF;
	_ =	sdelay $0xb  }
0x80: {  	[tilespmem:s0+$0x0] =	vst.msk vm1, v12  }
0x81: {  	s1 =	sadd.s32 $0x80000000, s5;
	[tilespmem:s0+$0x2800] =	vst.msk vm1, v11;
	s31 =	spop (v2sf)  }
0x82: {  	[tilespmem:s1+$0x5000] =	vst.msk vm0, v12;
	s6 =	sadd.s32 s31, s0  }
0x83: {  	[tilespmem:s1+$0x7800] =	vst.msk vm0, v10;
	s7 =	spop (v2sf);
	s0 =	sadd.s32 $0x80000000, s6  }
0x84: {  	s1 =	sadd.s32 s7, s1;
	[tilespmem:s0+$0x0] =	vst v1  }
0x85: {  	s28 =	sadd.s32 $0x80000000, s1;
	[tilespmem:s0+$0x2800] =	vst v2  }
0x86: {  	[tilespmem:s28+$0x5000] =	vst v1  }
0x87: {  	[tilespmem:s28+$0x7800] =	vst v2  }
0x88: {  	[tilespmem:s0+$0x10] =	vst v1  }
0x89: {  	[tilespmem:s0+$0x2810] =	vst v3  }
0x8a: {  	[tilespmem:s28+$0x5010] =	vst v1  }
0x8b: {  	[tilespmem:s28+$0x7810] =	vst v3  }
0x8c: {  	[tilespmem:s0+$0x20] =	vst v1  }
0x8d: {  	[tilespmem:s0+$0x2820] =	vst v4  }
0x8e: {  	[tilespmem:s28+$0x5020] =	vst v1  }
0x8f: {  	[tilespmem:s28+$0x7820] =	vst v4  }
0x90: {  	[tilespmem:s0+$0x30] =	vst v1  }
0x91: {  	[tilespmem:s0+$0x2830] =	vst v5  }
0x92: {  	[tilespmem:s28+$0x5030] =	vst v1  }
0x93: {  	[tilespmem:s28+$0x7830] =	vst v5  }
0x94: {  	[tilespmem:s0+$0x40] =	vst v1  }
0x95: {  	[tilespmem:s0+$0x2840] =	vst v6  }
0x96: {  	[tilespmem:s28+$0x5040] =	vst v1  }
0x97: {  	[tilespmem:s28+$0x7840] =	vst v6  }
0x98: {  	[tilespmem:s0+$0x50] =	vst v1  }
0x99: {  	[tilespmem:s0+$0x2850] =	vst v7  }
0x9a: {  	[tilespmem:s28+$0x5050] =	vst v1  }
0x9b: {  	[tilespmem:s28+$0x7850] =	vst v7  }
0x9c: {  	[tilespmem:s0+$0x60] =	vst v1  }
0x9d: {  	[tilespmem:s0+$0x2860] =	vst v8  }
0x9e: {  	[tilespmem:s28+$0x5060] =	vst v1  }
0x9f: {  	[tilespmem:s28+$0x7860] =	vst v8  }
0xa0: {  	[tilespmem:s0+$0x70] =	vst v1  }
0xa1: {  	s19 =	stileid.u32;
	[tilespmem:s0+$0x2870] =	vst v9  }
0xa2: {  	s24 =	rddreg [dreg:$0x6];
	s1 =	sshll.u32 s19, $0x6;
	s0 =	sadd.s32 $0x7F, s0;
	[tilespmem:s28+$0x5070] =	vst v1  }
0xa3: {  	s30 =	sshrl.u32 s24, $0x3;
	s26 =	sor.u32 $0x1C03, s1;
	[tilespmem:s28+$0x7870] =	vst v9;
	s29 =	sand.u32 $0x7F, s0  }
0xa4: {  	[spmem:s30], [sflag:s26] =	dma.local [hbm:s8], $0x1480  }
0xa5: {  	s31 =	sshra.s32 s0, $0x1F;
	p2 =	slt.s32 s0, $0x1;
	p1 =	sne.s32 s29, $0x0  }
0xa6: {  	s1 =	sshrl.u32 s31, $0x19;
	p1 =	por !p2, !p1  }
0xa7: {  	s0 =	sadd.s32 s1, s0;
	s1 =	simm.s32 $0x1;
	p1 =	por !p1, !p1  }
0xa8: {  	s0 =	sshra.s32 s0, $0x7;
	s1 =	simm.s32 @!p1 $0x0  }
0xa9: {  	s24 =	ssub.s32 s0, s1  }
0xaa: {  	p1 =	slt.s32 s24, $0x1  }
.Ltmp3:
0xab: {  	_ =	swait.ge [sflag:s18], $0x1480;
	(pc) =	sbr.rel @p1 .LBB2_12-.Ltmp3, $3  }
0xac: {  	[sflag:s18] =	ssyncset.done $0x0  }
0xad: {  	[sflag:s18] =	ssyncadd.s32 $0xFFFFEB80  }
0xae: {  	[bflag:$0x0] =	sbarrier.arrive $0xFFFF;
	_ =	sdelay $0x1  }
0xaf: {  	s0 =	sadd.s32 $0xFFFFFFFF, s24  }
0xb0: {  	s1 =	sshrl.u32 s0, $0x1  }
0xb1: {  	p1 =	seq.s32 s1, $0x0  }
.Ltmp4:
0xb2: {  	_ = 	snop;
	(pc) =	sbr.rel @p1 .LBB2_11-.Ltmp4, $2  }
0xb3: {  	_ =	sdelay $0x2  }
0xb4: {  	[tilespmem:s21], [sflag:$0x1] =	stream.indirect.gather [hbm4b:s2+s16], $0x80, s4, s16, $0xb8;
	[tilespmem:$0x1C400] =	vst v63  }
0xb5: {  	p2 =	sne.s32 s1, $0x1  }
.Ltmp5:
0xb6: {  	_ = 	snop;
	(pc) =	sbr.rel @!p2 .LBB2_6-.Ltmp5, $3  }
0xb7: {  	_ =	sdelay $0x1  }
0xb8: {  	s19 =	simm.s32 $0x100  }
0xb9: {  	s29 =	simm.s32 $0x2800;
	s1 =	sadd.s32 $0xFFFFFFFF, s1;
	p1 =	por $0x0, $0x0  }
0xba: {  	s5 =	simm.s32 $0x80  }
0xbb: {  	[tilespmem:s22], [sflag:$0x2] =	stream.indirect.gather [hbm4b:s2+s16], $0x80, s5, s16, $0xb8;
	[tilespmem:$0x1C400] =	vst v63  }
0xbc: {  	_ =	swait.ge [sflag:s20], $0x4000  }
0xbd: {  	[sflag:s20] =	ssyncset.done $0x0  }
0xbe: {  	[sflag:s20] =	ssyncadd.s32 $0xFFFFC000  }
0xbf: {  	[spmem:s3] =	stream.indirect.scatter.add.f32 [tilespmem:s21], [sflag:$0x3], $0x80, s29, s16, $0xb8;
	[tilespmem:$0x1C400] =	vst v63  }
0xc0: {  	_ =	swait.ge [sflag:s18], $0x4000  }
0xc1: {  	[sflag:s18] =	ssyncset.done $0x0  }
0xc2: {  	[sflag:s18] =	ssyncadd.s32 $0xFFFFC000  }
0xc3: {  	[tilespmem:s21], [sflag:$0x1] =	stream.indirect.gather [hbm4b:s2+s16], $0x80, s19, s16, $0xb8;
	[tilespmem:$0x1C400] =	vst v63  }
0xc4: {  	p2 =	sne.s32 s1, $0x1;
	_ =	swait.ge [sflag:s23], $0x4000  }
.Ltmp6:
0xc5: {  	[sflag:s23] =	ssyncset.done $0x0;
	(pc) =	sbr.rel @!p2 .LBB2_8-.Ltmp6, $4  }
0xc6: {  	s31 =	simm.s32 $0x2880;
	[sflag:s23] =	ssyncadd.s32 $0xFFFFC000  }
0xc7: {  	[spmem:s3] =	stream.indirect.scatter.add.f32 [tilespmem:s22], [sflag:$0x3], $0x80, s31, s16, $0xb8;
	[tilespmem:$0x1C400] =	vst v63  }
0xc8: {  	p1 =	por $0x1, $0x1;
	s5 =	sadd.s32 $0xFFFFFFFF, s1;
	_ =	swait.ge [sflag:s18], $0x4000  }
0xc9: {  	s1 =	simm.s32 $0x2800;
	s19 =	simm.s32 $0x200;
	[sflag:s18] =	ssyncset.done $0x0  }
.LBB2_9:
0xca: {  	s6 =	sadd.s32 $0xFFFFFF80, s19;
	[sflag:s18] =	ssyncadd.s32 $0xFFFFC000;
	s1 =	sadd.s32 $0x100, s1  }
0xcb: {  	[tilespmem:s22], [sflag:$0x2] =	stream.indirect.gather [hbm4b:s2+s16], $0x80, s6, s16, $0xb8;
	[tilespmem:$0x1C400] =	vst v63  }
0xcc: {  	p2 =	sne.s32 s5, $0x1;
	s5 =	sadd.s32 $0xFFFFFFFF, s5;
	_ =	swait.ge [sflag:s20], $0x4000  }
0xcd: {  	[sflag:s20] =	ssyncset.done $0x0  }
0xce: {  	[sflag:s20] =	ssyncadd.s32 $0xFFFFC000  }
0xcf: {  	[spmem:s3] =	stream.indirect.scatter.add.f32 [tilespmem:s21], [sflag:$0x3], $0x80, s1, s16, $0xb8;
	[tilespmem:$0x1C400] =	vst v63  }
0xd0: {  	_ =	swait.ge [sflag:s18], $0x4000  }
0xd1: {  	[sflag:s18] =	ssyncset.done $0x0  }
0xd2: {  	[sflag:s18] =	ssyncadd.s32 $0xFFFFC000  }
0xd3: {  	[tilespmem:s21], [sflag:$0x1] =	stream.indirect.gather [hbm4b:s2+s16], $0x80, s19, s16, $0xb8;
	[tilespmem:$0x1C400] =	vst v63  }
0xd4: {  	_ =	swait.ge [sflag:s23], $0x4000  }
.Ltmp7:
0xd5: {  	[sflag:s23] =	ssyncset.done $0x0;
	(pc) =	sbr.rel @p2 .LBB2_9-.Ltmp7, $4  }
0xd6: {  	s6 =	sadd.s32 $0x80, s1;
	[sflag:s23] =	ssyncadd.s32 $0xFFFFC000  }
0xd7: {  	[spmem:s3] =	stream.indirect.scatter.add.f32 [tilespmem:s22], [sflag:$0x3], $0x80, s6, s16, $0xb8;
	[tilespmem:$0x1C400] =	vst v63  }
0xd8: {  	_ =	swait.ge [sflag:s18], $0x4000  }
0xd9: {  	s19 =	sadd.s32 $0x100, s19;
	[sflag:s18] =	ssyncset.done $0x0  }
.LBB2_10:
0xda: {  	s5 =	sadd.s32 $0xFFFFFF80, s19;
	[sflag:s18] =	ssyncadd.s32 @p1 $0xFFFFC000  }
0xdb: {  	[tilespmem:s22], [sflag:$0x2] =	stream.indirect.gather [hbm4b:s2+s16], $0x80, s5, s16, $0xb8;
	[tilespmem:$0x1C400] =	vst v63  }
0xdc: {  	_ =	swait.ge [sflag:s20], $0x4000  }
0xdd: {  	s1 =	sadd.s32 @p1 $0x100, s1;
	[sflag:s20] =	ssyncset.done $0x0  }
0xde: {  	s29 =	smov.u32 @p1 s1;
	[sflag:s20] =	ssyncadd.s32 $0xFFFFC000  }
0xdf: {  	[spmem:s3] =	stream.indirect.scatter.add.f32 [tilespmem:s21], [sflag:$0x3], $0x80, s29, s16, $0xb8;
	[tilespmem:$0x1C400] =	vst v63  }
0xe0: {  	_ =	swait.ge [sflag:s18], $0x4000  }
0xe1: {  	[sflag:s18] =	ssyncset.done $0x0  }
0xe2: {  	[sflag:s18] =	ssyncadd.s32 $0xFFFFC000  }
0xe3: {  	[tilespmem:s21], [sflag:$0x1] =	stream.indirect.gather [hbm4b:s2+s16], $0x80, s19, s16, $0xb8;
	[tilespmem:$0x1C400] =	vst v63  }
0xe4: {  	_ =	swait.ge [sflag:s23], $0x4000  }
0xe5: {  	[sflag:s23] =	ssyncset.done $0x0  }
0xe6: {  	s1 =	sadd.s32 $0x80, s29;
	[sflag:s23] =	ssyncadd.s32 $0xFFFFC000  }
0xe7: {  	[spmem:s3] =	stream.indirect.scatter.add.f32 [tilespmem:s22], [sflag:$0x3], $0x80, s1, s16, $0xb8;
	[tilespmem:$0x1C400] =	vst v63  }
0xe8: {  	_ =	swait.ge [sflag:s18], $0x4000  }
0xe9: {  	[sflag:s18] =	ssyncset.done $0x0  }
0xea: {  	[sflag:s18] =	ssyncadd.s32 $0xFFFFC000  }
.LBB2_11:
0xeb: {  	s1 =	sand.u32 $0x1, s24  }
0xec: {  	p1 =	seq.s32 s1, $0x0  }
0xed: {  	s1 =	sshll.u32 @p1 s0, $0x7  }
0xee: {  	s5 =	simm.s32 @p1 $0x80;
	s6 =	simm.s32 @p1 $0xE000;
	s19 =	simm.s32 @p1 $0x1  }
0xef: {  	[tilespmem:s6], [sflag:$0x2] =	stream.indirect.gather @p1 [hbm4b:s2+s5], $0x80, s1, s5, $0xb8;
	[tilespmem:$0x1C400] =	vst v63  }
0xf0: {  	s24 =	sshll.u32 @p1 s24, $0x9;
	_ =	swait.ge @p1 [sflag:s19], $0x4000  }
0xf1: {  	s24 =	sshra.s32 @p1 s24, $0x2;
	[sflag:s19] =	ssyncset.done @p1 $0x0  }
0xf2: {  	[sflag:s19] =	ssyncadd.s32 @p1 $0xFFFFC000;
	s19 =	sadd.s32 @p1 $0x2700, s24;
	s24 =	simm.s32 @p1 $0xA000  }
0xf3: {  	[spmem:s3] =	stream.indirect.scatter.add.f32 @p1 [tilespmem:s24], [sflag:$0x3], $0x80, s19, s5, $0xb8;
	[tilespmem:$0x1C400] =	vst v63  }
0xf4: {  	s19 =	simm.s32 @p1 $0x3  }
0xf5: {  	_ =	swait.ge @p1 [sflag:s19], $0x4000  }
0xf6: {  	[sflag:s19] =	ssyncset.done @p1 $0x0  }
0xf7: {  	[sflag:s19] =	ssyncadd.s32 @p1 $0xFFFFC000;
	s19 =	simm.s32 @p1 $0x2  }
0xf8: {  	_ =	swait.ge @p1 [sflag:s19], $0x4000  }
0xf9: {  	[sflag:s19] =	ssyncset.done @p1 $0x0  }
0xfa: {  	s1 =	sadd.s32 @p1 $0x2800, s1;
	[sflag:s19] =	ssyncadd.s32 @p1 $0xFFFFC000  }
0xfb: {  	[spmem:s3] =	stream.indirect.scatter.add.f32 @p1 [tilespmem:s6], [sflag:$0x3], $0x80, s1, s5, $0xb8;
	[tilespmem:$0x1C400] =	vst v63  }
0xfc: {  	s0 =	sshll.u32 @!p1 s0, $0x9;
	s1 =	simm.s32 @!p1 $0x1  }
0xfd: {  	s0 =	sshra.s32 @!p1 s0, $0x2;
	_ =	swait.ge @!p1 [sflag:s1], $0x4000  }
0xfe: {  	s0 =	sadd.s32 @!p1 $0x2800, s0;
	[sflag:s1] =	ssyncset.done @!p1 $0x0  }
0xff: {  	s5 =	simm.s32 @!p1 $0xA000;
	[sflag:s1] =	ssyncadd.s32 @!p1 $0xFFFFC000;
	s1 =	simm.s32 @!p1 $0x80  }
0x100: {  	[spmem:s3] =	stream.indirect.scatter.add.f32 @!p1 [tilespmem:s5], [sflag:$0x3], $0x80, s0, s1, $0xb8;
	[tilespmem:$0x1C400] =	vst v63  }
0x101: {  	_ =	swait.ge [sflag:s18], $0x4000  }
0x102: {  	[sflag:s18] =	ssyncset.done $0x0  }
0x103: {  	[sflag:s18] =	ssyncadd.s32 $0xFFFFC000  }
.LBB2_12:
0x104: {  	[bflag:$0x0] =	sbarrier.arrive $0xFFFF;
	s0 =	sshrl.u32 @p0 s12, $0x3;
	s29 =	simm.s32 @p0 $0x3  }
0x105: {  	[hbm:s11], [sflag:s26] =	dma.local @p0 [spmem:s0], $0x1000  }
0x106: {  	s24 =	sshrl.u32 @!p0 s10, $0x3;
	s1 =	sadd.s32 $0x7F, s28;
	_ =	swait.ge @p0 [sflag:s29], $0x1000  }
0x107: {  	s31 =	simm.s32 @!p0 $0x3;
	s5 =	sand.u32 $0x7F, s1;
	[sflag:s29] =	ssyncset.done @p0 $0x0  }
0x108: {  	s28 =	sshra.s32 s1, $0x1F;
	p2 =	slt.s32 s1, $0x1;
	[sflag:s29] =	ssyncadd.s32 @p0 $0xFFFFF000  }
0x109: {  	[hbm:s9], [sflag:s26] =	dma.local @!p0 [spmem:s24], $0x1400  }
0x10a: {  	p1 =	sne.s32 s5, $0x0;
	s5 =	sshrl.u32 s28, $0x19;
	_ =	swait.ge @!p0 [sflag:s31], $0x1400  }
0x10b: {  	p1 =	por !p2, !p1;
	s1 =	sadd.s32 s5, s1;
	[sflag:s31] =	ssyncset.done @!p0 $0x0  }
0x10c: {  	s5 =	simm.s32 $0x1;
	p1 =	por !p1, !p1;
	[sflag:s31] =	ssyncadd.s32 @!p0 $0xFFFFEC00  }
0x10d: {  	s1 =	sshra.s32 s1, $0x7;
	s5 =	simm.s32 @!p1 $0x0;
	[bflag:$0x0] =	sbarrier.arrive $0xFFFF  }
0x10e: {  	[spmem:s30], [sflag:s26] =	dma.local [hbm:s8], $0x1480  }
0x10f: {  	s30 =	ssub.s32 s1, s5  }
0x110: {  	p1 =	slt.s32 s30, $0x1  }
.Ltmp8:
0x111: {  	_ =	swait.ge [sflag:s18], $0x1480;
	(pc) =	sbr.rel @p1 .LBB2_21-.Ltmp8, $3  }
0x112: {  	[sflag:s18] =	ssyncset.done $0x0  }
0x113: {  	[sflag:s18] =	ssyncadd.s32 $0xFFFFEB80  }
0x114: {  	[bflag:$0x0] =	sbarrier.arrive $0xFFFF;
	_ =	sdelay $0x1  }
0x115: {  	s28 =	sadd.s32 $0xFFFFFFFF, s30  }
0x116: {  	s5 =	sshrl.u32 s28, $0x1  }
0x117: {  	p1 =	seq.s32 s5, $0x0  }
.Ltmp9:
0x118: {  	_ = 	snop;
	(pc) =	sbr.rel @p1 .LBB2_20-.Ltmp9, $3  }
0x119: {  	_ =	sdelay $0x1  }
0x11a: {  	s1 =	simm.s32 $0x5000  }
0x11b: {  	[tilespmem:s21], [sflag:$0x1] =	stream.indirect.gather [hbm4b:s2+s16], $0x80, s1, s16, $0xb8;
	[tilespmem:$0x1C400] =	vst v63  }
0x11c: {  	p2 =	sne.s32 s5, $0x1  }
.Ltmp10:
0x11d: {  	_ = 	snop;
	(pc) =	sbr.rel @!p2 .LBB2_15-.Ltmp10, $3  }
0x11e: {  	_ =	sdelay $0x1  }
0x11f: {  	s1 =	simm.s32 $0x5100  }
0x120: {  	s19 =	simm.s32 $0x7800;
	s5 =	sadd.s32 $0xFFFFFFFF, s5;
	p1 =	por $0x0, $0x0  }
0x121: {  	s6 =	simm.s32 $0x5080  }
0x122: {  	[tilespmem:s22], [sflag:$0x2] =	stream.indirect.gather [hbm4b:s2+s16], $0x80, s6, s16, $0xb8;
	[tilespmem:$0x1C400] =	vst v63  }
0x123: {  	_ =	swait.ge [sflag:s20], $0x4000  }
0x124: {  	[sflag:s20] =	ssyncset.done $0x0  }
0x125: {  	[sflag:s20] =	ssyncadd.s32 $0xFFFFC000  }
0x126: {  	[spmem:s3] =	stream.indirect.scatter.add.f32 [tilespmem:s21], [sflag:$0x3], $0x80, s19, s16, $0xb8;
	[tilespmem:$0x1C400] =	vst v63  }
0x127: {  	_ =	swait.ge [sflag:s18], $0x4000  }
0x128: {  	[sflag:s18] =	ssyncset.done $0x0  }
0x129: {  	[sflag:s18] =	ssyncadd.s32 $0xFFFFC000  }
0x12a: {  	[tilespmem:s21], [sflag:$0x1] =	stream.indirect.gather [hbm4b:s2+s16], $0x80, s1, s16, $0xb8;
	[tilespmem:$0x1C400] =	vst v63  }
0x12b: {  	p2 =	sne.s32 s5, $0x1;
	_ =	swait.ge [sflag:s23], $0x4000  }
.Ltmp11:
0x12c: {  	[sflag:s23] =	ssyncset.done $0x0;
	(pc) =	sbr.rel @!p2 .LBB2_17-.Ltmp11, $4  }
0x12d: {  	s7 =	simm.s32 $0x7880;
	[sflag:s23] =	ssyncadd.s32 $0xFFFFC000  }
0x12e: {  	[spmem:s3] =	stream.indirect.scatter.add.f32 [tilespmem:s22], [sflag:$0x3], $0x80, s7, s16, $0xb8;
	[tilespmem:$0x1C400] =	vst v63  }
0x12f: {  	p1 =	por $0x1, $0x1;
	s6 =	sadd.s32 $0xFFFFFFFF, s5;
	_ =	swait.ge [sflag:s18], $0x4000  }
0x130: {  	s5 =	simm.s32 $0x7800;
	s1 =	simm.s32 $0x5200;
	[sflag:s18] =	ssyncset.done $0x0  }
.LBB2_18:
0x131: {  	s7 =	sadd.s32 $0xFFFFFF80, s1;
	[sflag:s18] =	ssyncadd.s32 $0xFFFFC000;
	s5 =	sadd.s32 $0x100, s5  }
0x132: {  	[tilespmem:s22], [sflag:$0x2] =	stream.indirect.gather [hbm4b:s2+s16], $0x80, s7, s16, $0xb8;
	[tilespmem:$0x1C400] =	vst v63  }
0x133: {  	p2 =	sne.s32 s6, $0x1;
	s6 =	sadd.s32 $0xFFFFFFFF, s6;
	_ =	swait.ge [sflag:s20], $0x4000  }
0x134: {  	[sflag:s20] =	ssyncset.done $0x0  }
0x135: {  	[sflag:s20] =	ssyncadd.s32 $0xFFFFC000  }
0x136: {  	[spmem:s3] =	stream.indirect.scatter.add.f32 [tilespmem:s21], [sflag:$0x3], $0x80, s5, s16, $0xb8;
	[tilespmem:$0x1C400] =	vst v63  }
0x137: {  	_ =	swait.ge [sflag:s18], $0x4000  }
0x138: {  	[sflag:s18] =	ssyncset.done $0x0  }
0x139: {  	[sflag:s18] =	ssyncadd.s32 $0xFFFFC000  }
0x13a: {  	[tilespmem:s21], [sflag:$0x1] =	stream.indirect.gather [hbm4b:s2+s16], $0x80, s1, s16, $0xb8;
	[tilespmem:$0x1C400] =	vst v63  }
0x13b: {  	_ =	swait.ge [sflag:s23], $0x4000  }
.Ltmp12:
0x13c: {  	[sflag:s23] =	ssyncset.done $0x0;
	(pc) =	sbr.rel @p2 .LBB2_18-.Ltmp12, $4  }
0x13d: {  	s7 =	sadd.s32 $0x80, s5;
	[sflag:s23] =	ssyncadd.s32 $0xFFFFC000  }
0x13e: {  	[spmem:s3] =	stream.indirect.scatter.add.f32 [tilespmem:s22], [sflag:$0x3], $0x80, s7, s16, $0xb8;
	[tilespmem:$0x1C400] =	vst v63  }
0x13f: {  	_ =	swait.ge [sflag:s18], $0x4000  }
0x140: {  	s1 =	sadd.s32 $0x100, s1;
	[sflag:s18] =	ssyncset.done $0x0  }
.Ltmp13:
0x141: {  	_ = 	snop;
	(pc) =	sbr.rel .LBB2_19-.Ltmp13, $1  }
0x142: {  	_ =	sdelay $0x3  }
.LBB2_6:
.Ltmp14:
0x143: {  	(pc) =	sbr.rel .LBB2_10-.Ltmp14, $2  }
0x144: {  	_ =	sdelay $0x2  }
0x145: {  	s1 =	simm.s32 $0x2800  }
.LBB2_8:
.Ltmp15:
0x146: {  	(pc) =	sbr.rel .LBB2_10-.Ltmp15, $2  }
0x147: {  	_ =	sdelay $0x2  }
0x148: {  	s1 =	simm.s32 $0x2800  }
.LBB2_17:
.Ltmp16:
0x149: {  	(pc) =	sbr.rel .LBB2_19-.Ltmp16, $2  }
0x14a: {  	_ =	sdelay $0x2  }
0x14b: {  	s5 =	simm.s32 $0x7800  }
.LBB2_22:
0x14c: {  	_ =	sfence.sel $0x180000  }
0x14d: {  	[bflag:$0x0] =	sbarrier.arrive $0xFFFF  }
0x14e: {  	_ =	strace $0x9000004D  }
0x14f: {  	s0 =	stileid.u32;
	[bflag:$0x2] =	sbarrier.arrive $0xFFFF  }
0x150: {  	p0 =	sne.s32 s0, $0x0;
	s0 =	rddreg [dreg:$0x3]  }
0x151: {  	s0 =	sadd.s32 @!p0 $0x100000, s0  }
0x152: {  	[sflag:s0] =	ssyncadd.tile.s32 @!p0 $0x1;
	_ =	shalt  }
.Lfunc_end2:
_tile_overlayer_lowered:
.L_overlay_start_2:
0x153: {  	(tag) =	ssettag $0x2  }
0x154: {  	s0 =	rddreg [dreg:$0x0];
	s2 =	stileid.u32  }
0x155: {  	s1 =	rddreg [dreg:$0x1];
	p0 =	sne.s32 s2, $0x0  }
0x156: {  	s3 =	rddreg [dreg:$0x2];
	[bflag:$0x3] =	sbarrier.arrive $0xFFFF;
	s2 =	simm.s32 @!p0 $0x1C03  }
0x157: {  	[timem:s3], [sflag:s2] =	dma.local @!p0 [hbm:s0], s1  }
0x158: {  	s0 =	simm.s32 @!p0 $0x3  }
0x159: {  	_ =	swait.ge @!p0 [sflag:s0], s1  }
0x15a: {  	s1 =	ssub.s32 @!p0 $0x0, s1;
	[sflag:s0] =	ssyncset.done @!p0 $0x0  }
0x15b: {  	[sflag:s0] =	ssyncadd.s32 @!p0 s1  }
0x15c: {  	[bflag:$0x3] =	sbarrier.arrive $0xFFFF  }
0x15d: {  	_ =	shalt  }

// kernel: kernel.8.cloned.1.call-start
scs
__scs_entry_jumppad:
0x0: {  	(pc) =	sbr.rel $0x88, $3  }
0x1: {  	(tag) =	ssettag $0x0;
	lr =	simm.s32 $0x1  }
0x2: {  	[smem:$0x3F9B] =	sst lr;
	_ =	strace $0xD0000000  }
0x3: {  	_ = 	snop  }
0x4: {  	_ = 	snop  }
0x5: {  	_ = 	snop  }
0x6: {  	_ = 	snop  }
0x7: {  	_ = 	snop  }
__scs_overlays_trampoline_lowered:
0x8: {  	[smem:$0x3FAA] =	sst s0  }
0x9: {  	[smem:$0x3FAB] =	sst s1  }
0xa: {  	[smem:$0x3FAC] =	sst s2  }
0xb: {  	[smem:$0x3FAD] =	sst s3  }
0xc: {  	[smem:$0x3FAE] =	sst s4  }
0xd: {  	[smem:$0x3FAF] =	sst s5  }
0xe: {  	[smem:$0x3FB0] =	sst s6  }
0xf: {  	[smem:$0x3FB1] =	sst s7  }
0x10: {  	[smem:$0x3FB2] =	sst s8  }
0x11: {  	[smem:$0x3FB3] =	sst s9;
	s0 =	simm.s32 @!p0 $0x0  }
0x12: {  	s1 =	sld [smem:$0x3F99];
	s0 =	simm.s32 @p0 $0x1  }
0x13: {  	[smem:$0x3FB4] =	sst s0;
	s0 =	simm.s32 @!p1 $0x0  }
0x14: {  	s2 =	sld [smem:$0x3F98];
	s0 =	simm.s32 @p1 $0x1  }
0x15: {  	[smem:$0x3FB5] =	sst s0;
	s0 =	simm.s32 @!p2 $0x0  }
0x16: {  	s3 =	sld [smem:$0x3FDB];
	s0 =	simm.s32 @p2 $0x1  }
0x17: {  	s4 =	simm.s32 $0x1BF5;
	[smem:$0x3FB7] =	sst s0  }
0x18: {  	s0 =	sld [smem:$0x3F9A];
	_ =	swait.ge [sflag:s4], $0x0  }
0x19: {  	s7 =	sld [smem:$0x3F9B]  }
0x1a: {  	s8 =	sadd.s32 $0xFFFFE003, lr  }
0x1b: {  	s9 =	sadd.s32 $0xFFFFFEF7, lr;
	s5 =	simm.s32 $0xFFFFFFFF;
	p2 =	slt.u32 s8, $0xFFFFF086  }
0x1c: {  	p1 =	slt.u32 s9, $0xF7A;
	s5 =	simm.s32 @!p2 $0x0  }
0x1d: {  	s5 =	simm.s32 @p1 $0x1;
	p0 =	seq.s32 s7, s2  }
0x1e: {  	s7 =	smul.u32 @!p0 $0xF7A, s2;
	p2 =	seq.s32 @!p0 s5, $0x0  }
0x1f: {  	s9 =	smul.u32 $0xF7A, s1;
	s8 =	simm.s32 @!p0 $0x1BF5;
	p2 =	por !p2, p0  }
0x20: {  	[sflag:s8] =	ssyncset.s32 @!p0 $0xFFFFF086;
	s6 =	sadd.s32 @!p0 s3, s7;
	s7 =	simm.s32 @!p0 $0x108  }
0x21: {  	s3 =	sadd.s32 s3, s9;
	s6 =	sadd.s32 @!p0 $0x88, s6;
	s7 =	simm.s32 @p2 $0x1082  }
0x22: {  	[simem:s7], [sflag:s8] =	dma.local @!p0 [hbm:s6], $0xF7A  }
0x23: {  	s9 =	sor.u32 $0xD0000000, s2;
	s6 =	simm.s32 $0x108;
	_ =	swait.ge @!p0 [sflag:s8], $0x0  }
0x24: {  	s3 =	sadd.s32 $0x88, s3;
	s6 =	simm.s32 @!p1 $0x1082;
	[sflag:s4] =	ssyncset.s32 $0xFFFFF086  }
0x25: {  	[simem:s6], [sflag:s4] =	dma.local [hbm:s3], $0xF7A  }
0x26: {  	[smem:$0x3F9B] =	sst s1;
	(tag) =	ssettag s2;
	_ =	strace s9  }
0x27: {  	s1 =	sld [smem:$0x3FAB]  }
0x28: {  	s2 =	sld [smem:$0x3FAC]  }
0x29: {  	s4 =	sld [smem:$0x3FAE]  }
0x2a: {  	p0 =	seq.s32 s5, $0x0;
	s5 =	sld [smem:$0x3FAF]  }
0x2b: {  	s6 =	sld [smem:$0x3FB0]  }
0x2c: {  	s7 =	sld [smem:$0x3FB1]  }
0x2d: {  	s3 =	simm.s32 $0x108;
	s8 =	sld [smem:$0x3FB2]  }
0x2e: {  	s3 =	simm.s32 @!p0 $0x1082;
	s9 =	sld [smem:$0x3FB3]  }
0x2f: {  	lr =	sadd.s32 s0, s3;
	s0 =	sld [smem:$0x3FAA]  }
0x30: {  	s3 =	sld [smem:$0x3FAD]  }
0x31: {  	[smem:$0x3FB6] =	sst s10  }
0x32: {  	s10 =	sld [smem:$0x3FB4];
	_ =	sdelay $0x3  }
0x33: {  	p0 =	seq.s32 s10, $0x1;
	s10 =	sld [smem:$0x3FB6];
	_ =	sdelay $0x3  }
0x34: {  	[smem:$0x3FB6] =	sst s10  }
0x35: {  	s10 =	sld [smem:$0x3FB5];
	_ =	sdelay $0x3  }
0x36: {  	p1 =	seq.s32 s10, $0x1;
	s10 =	sld [smem:$0x3FB6];
	_ =	sdelay $0x3  }
0x37: {  	[smem:$0x3FB6] =	sst s10  }
0x38: {  	s10 =	sld [smem:$0x3FB7]  }
0x39: {  	_ = 	snop;
	(pc) =	sbr.ind lr, $3  }
0x3a: {  	_ = 	snop  }
0x3b: {  	_ = 	snop  }
0x3c: {  	p2 =	seq.s32 s10, $0x1;
	s10 =	sld [smem:$0x3FB6]  }
0x3d: {  	_ =	shalt  }
0x3e: {  	_ =	shalt  }
0x3f: {  	_ =	shalt  }
0x40: {  	_ =	shalt  }
0x41: {  	_ =	shalt  }
0x42: {  	_ =	shalt  }
0x43: {  	_ =	shalt  }
0x44: {  	_ =	shalt  }
0x45: {  	_ =	shalt  }
0x46: {  	_ =	shalt  }
0x47: {  	_ =	shalt  }
0x48: {  	_ =	shalt  }
0x49: {  	_ =	shalt  }
0x4a: {  	_ =	shalt  }
0x4b: {  	_ =	shalt  }
0x4c: {  	_ =	shalt  }
0x4d: {  	_ =	shalt  }
0x4e: {  	_ =	shalt  }
0x4f: {  	_ =	shalt  }
0x50: {  	_ =	shalt  }
0x51: {  	_ =	shalt  }
0x52: {  	_ =	shalt  }
0x53: {  	_ =	shalt  }
0x54: {  	_ =	shalt  }
0x55: {  	_ =	shalt  }
0x56: {  	_ =	shalt  }
0x57: {  	_ =	shalt  }
0x58: {  	_ =	shalt  }
0x59: {  	_ =	shalt  }
0x5a: {  	_ =	shalt  }
0x5b: {  	_ =	shalt  }
0x5c: {  	_ =	shalt  }
0x5d: {  	_ =	shalt  }
0x5e: {  	_ =	shalt  }
0x5f: {  	_ =	shalt  }
0x60: {  	_ =	shalt  }
0x61: {  	_ =	shalt  }
0x62: {  	_ =	shalt  }
0x63: {  	_ =	shalt  }
0x64: {  	_ =	shalt  }
0x65: {  	_ =	shalt  }
0x66: {  	_ =	shalt  }
0x67: {  	_ =	shalt  }
0x68: {  	_ =	shalt  }
0x69: {  	_ =	shalt  }
0x6a: {  	_ =	shalt  }
0x6b: {  	_ =	shalt  }
0x6c: {  	_ =	shalt  }
0x6d: {  	_ =	shalt  }
0x6e: {  	_ =	shalt  }
0x6f: {  	_ =	shalt  }
0x70: {  	_ =	shalt  }
0x71: {  	_ =	shalt  }
0x72: {  	_ =	shalt  }
0x73: {  	_ =	shalt  }
0x74: {  	_ =	shalt  }
0x75: {  	_ =	shalt  }
0x76: {  	_ =	shalt  }
0x77: {  	_ =	shalt  }
0x78: {  	_ =	shalt  }
0x79: {  	_ =	shalt  }
0x7a: {  	_ =	shalt  }
0x7b: {  	_ =	shalt  }
0x7c: {  	_ =	shalt  }
0x7d: {  	_ =	shalt  }
0x7e: {  	_ =	shalt  }
0x7f: {  	_ =	shalt  }
0x80: {  	_ =	shalt  }
0x81: {  	_ =	shalt  }
0x82: {  	_ =	shalt  }
0x83: {  	_ =	shalt  }
0x84: {  	_ =	shalt  }
0x85: {  	_ =	shalt  }
0x86: {  	_ =	shalt  }
0x87: {  	_ =	shalt  }
.Lfunc_end0:
.L_simem_size_0:
called_computation_lowered:
.L_overlay_start_0:
0x88: {  	s2 =	sld [smem:$0x3FD9]  }
0x89: {  	s3 =	sld [smem:$0x3FFE];
	_ =	sdelay $0x1  }
0x8a: {  	s1 =	srdreg.scid  }
0x8b: {  	s0 =	sand.u32 $0x1, s1  }
0x8c: {  	s17 =	sshll.u32 s0, $0xA;
	s2 =	sadd.s32 s3, s2  }
0x8d: {  	s2 =	sadd.s32 s2, s17  }
0x8e: {  	[smem:$0x3FC2] =	sst s2  }
0x8f: {  	_ = 	snop  }
0x90: {  	s2 =	sld [smem:$0x3FD0];
	(tm) =	ssettm $0x1  }
0x91: {  	s18 =	sld [smem:$0x3FFB];
	_ =	sdelay $0x3  }
0x92: {  	_ =	strace s18  }
0x93: {  	s3 =	sld [smem:$0x3FFC];
	_ =	sdelay $0x3  }
0x94: {  	_ =	strace s3  }
0x95: {  	s3 =	sld [smem:$0x3FFD];
	_ =	sdelay $0x3  }
0x96: {  	_ =	strace s3  }
0x97: {  	_ =	strace $0x8FFFFFFF  }
0x98: {  	s19 =	sld [smem:$0x3FDB];
	_ =	sdelay $0x1  }
0x99: {  	s4 =	simm.s32 $_scs_section_size  }
0x9a: {  	s5 =	simm.s32 $_size__tile_overlayer_lowered;
	s6 =	simm.s32 $_tile_overlayer_lowered  }
0x9b: {  	s22 =	simm.s32 $0x1BFF;
	s21 =	sshll.u32 s6, $0x1;
	s3 =	sadd.s32 s4, s19  }
0x9c: {  	s7 =	simm.s32 $0x0;
	s20 =	sshll.u32 s5, $0x1;
	s5 =	sadd.s32 s21, s3  }
0x9d: {  	[timem:s7], [sflag:s22] =	dma.local [hbm:s5], s20  }
0x9e: {  	_ =	swait.ge [sflag:s22], s20  }
0x9f: {  	s4 =	ssub.s32 $0x0, s20;
	[sflag:s22] =	ssyncset.done $0x0  }
0xa0: {  	[sflag:s22] =	ssyncadd.s32 s4;
	_ =	sdelay $0x1  }
0xa1: {  	s23 =	simm.s32 $0x1B8B  }
0xa2: {  	_ =	swait.ge [sflag:s23], $0x1  }
0xa3: {  	[sflag:s23] =	ssyncset.done $0x0  }
0xa4: {  	s25 =	simm.s32 $0x1B8E;
	s24 =	sld [smem:$0x3FFE];
	[sflag:s23] =	ssyncadd.s32 $0xFFFFFFFF  }
0xa5: {  	s26 =	simm.s32 $execute0_lowered;
	[smem:$0x3FD2] =	sst s25  }
0xa6: {  	s5 =	sshll.u32 s26, $0x1;
	_ =	strace $0x80000046;
	[dreg:$0x1] =	wrdreg $0xFFFFFFFF  }
0xa7: {  	s28 =	simm.s32 $_size_execute0_lowered;
	s3 =	sadd.s32 s3, s5;
	[dreg:$0x0] =	wrdreg $0x0  }
0xa8: {  	s5 =	sshll.u32 s28, $0x1;
	[dreg:$0x2] =	wrdreg s3  }
0xa9: {  	[dreg:$0x3] =	wrdreg s5  }
0xaa: {  	[dreg:$0x4] =	wrdreg $0xC0  }
0xab: {  	_ =	task [dreg:s7], $0x5FFFF  }
0xac: {  	[dreg:$0x1] =	wrdreg $0xFFFFFFFF  }
0xad: {  	[dreg:$0x0] =	wrdreg $0x60  }
0xae: {  	[dreg:$0x2] =	wrdreg s24  }
0xaf: {  	[dreg:$0x3] =	wrdreg s2  }
0xb0: {  	[dreg:$0x4] =	wrdreg $0x54000  }
0xb1: {  	[dreg:$0x5] =	wrdreg $0x9  }
0xb2: {  	_ =	task.clear_ibuf [dreg:s7], $0x6FFFF;
	_ =	strace $0x90000046  }
0xb3: {  	s29 =	simm.s32 $0x9;
	_ =	strace $0x80000048  }
0xb4: {  	_ =	swait.ge [sflag:s29], $0x1  }
0xb5: {  	[sflag:s29] =	ssyncadd.s32 $0xFFFFFFFF  }
0xb6: {  	_ =	strace $0x90000048  }
0xb7: {  	_ =	sfence  }
0xb8: {  	s30 =	sld [smem:$0x0];
	_ =	sdelay $0x2  }
0xb9: {  	s31 =	sshll.u32 s1, $0xD;
	s1 =	sshrl.u32 s1, $0x2  }
0xba: {  	s3 =	sand.u32 $0x4000, s31;
	s1 =	sadd.s32 s1, s30  }
0xbb: {  	s0 =	sor.u32 s3, s0;
	s1 =	sshll.u32 s1, $0x11  }
0xbc: {  	s0 =	sor.u32 s1, s0  }
0xbd: {  	s0 =	sadd.s32 $0x8F2B, s0  }
0xbe: {  	[sflag:s0] =	ssyncadd.remote.s32 $0x1  }
0xbf: {  	_ =	sfence.sel $0xFFFF  }
0xc0: {  	[dreg:$0x0] =	wrdreg $0xFFFFFFFF;
	(pc) =	sbr.abs _section_cstart, $3  }
0xc1: {  	[dreg:$0x1] =	wrdreg $0xFFFFFFFF  }
0xc2: {  	_ =	task.clear_ibuf [dreg:s7], $0x2FFFF;
	_ =	strace $0x9FFFFFFF  }
0xc3: {  	(tm) =	ssettm $0x7FFFFFFF  }
tec
execute0_lowered:
.L_overlay_start_1:
0x0: {  	(tag) =	ssettag $0x1  }
0x1: {  	s5 =	rddreg [dreg:$0x0]  }
0x2: {  	s6 =	rddreg [dreg:$0x1]  }
0x3: {  	s0 =	srdreg.scid;
	s2 =	rddreg [dreg:$0x2]  }
0x4: {  	s1 =	rddreg [dreg:$0x3];
	s4 =	sand.u32 $0x1, s0  }
0x5: {  	s3 =	simm.s32 $0x0;
	s0 =	stileid.u32;
	s7 =	smul.u32 $0x14000, s4  }
0x6: {  	s12 =	simm.s32 $0x1400;
	s13 =	simm.s32 $0x80;
	s8 =	smul.u32 $0x1400, s0  }
0x7: {  	s14 =	simm.s32 $0x0;
	[smem:$0x7FF] =	sst s3;
	s9 =	smul.u32 $0x13C00, s0  }
0x8: {  	s28 =	smul.u32 $0x13C000, s4;
	_ =	strace $0x80000047;
	s10 =	ssub.s32 $0x2, s4  }
0x9: {  	s11 =	smul.u32 $0x4F000, s0;
	s4 =	sadd.s32 $0x8600, s5;
	s31 =	sshll.u32 s0, $0x6  }
0xa: {  	s29 =	sshrl.u32 s10, $0x1;
	s7 =	sadd.s32 s8, s7;
	s8 =	sadd.s32 s9, s28  }
0xb: {  	s10 =	ssub.s32 s10, s29;
	s30 =	sshrl.u32 s11, $0x2;
	s9 =	sshrl.u32 s9, $0x3  }
0xc: {  	s7 =	sshrl.u32 s7, $0x3;
	s8 =	sshrl.u32 s8, $0x3;
	s11 =	sadd.s32 s30, s2  }
0xd: {  	s7 =	sadd.s32 s7, s5;
	s8 =	sadd.s32 s8, s5;
	s5 =	sadd.s32 s6, s9  }
0xe: {  	s6 =	sor.u32 $0x1C01, s31;
	s9 =	smax.u32 s10, $0x1;
	s10 =	sshrl.u32 s11, $0x3  }
0xf: {  	s11 =	simm.s32 $0x1;
	s7 =	sadd.s32 $0x3600, s7;
	s8 =	sadd.s32 $0x8E00, s8  }
.LBB2_1:
0x10: {  	[spmem:s10], [sflag:s6] =	dma.local [hbm:s5], $0x2780  }
0x11: {  	_ =	swait.ge [sflag:s11], $0x2780  }
0x12: {  	[sflag:s11] =	ssyncset.done $0x0  }
0x13: {  	[sflag:s11] =	ssyncadd.s32 $0xFFFFD880  }
0x14: {  	[tilespmem:s12], [sflag:$0x1] =	stream.linear.gather [hbm4b:s4+s3], $0x4000, $0x38;
	[tilespmem:$0x67C0] =	vst v63  }
0x15: {  	_ =	swait.ge [sflag:s11], $0x4000  }
0x16: {  	[sflag:s11] =	ssyncset.done $0x0  }
0x17: {  	[sflag:s11] =	ssyncadd.s32 $0xFFFFC000  }
0x18: {  	[tilespmem:s3], [sflag:$0x1] =	stream.linear.gather [hbm4b:s7+s3], $0x1400, $0x38;
	[tilespmem:$0x67C0] =	vst v63  }
0x19: {  	_ =	swait.ge [sflag:s11], $0x1400  }
0x1a: {  	[sflag:s11] =	ssyncset.done $0x0  }
0x1b: {  	[sflag:s11] =	ssyncadd.s32 $0xFFFFEC00  }
0x1c: {  	s15 =	simm.s32 $0x0;
	[bflag:$0x0] =	sbarrier.arrive $0xFFFF  }
0x1d: {  	[spmem:s2] =	stream.indirect.scatter.add.f32 [tilespmem:s12], [sflag:$0x1], $0x8, s15, s13, $0xb8;
	[tilespmem:$0x67C0] =	vst v63  }
0x1e: {  	_ =	swait.ge [sflag:s11], $0x400  }
0x1f: {  	s15 =	simm.s32 $0x200;
	[sflag:s11] =	ssyncset.done $0x0  }
.LBB2_2:
0x20: {  	s16 =	sshra.s32 s15, $0x2;
	[sflag:s11] =	ssyncadd.s32 $0xFFFFFC00;
	p0 =	sne.s32 s15, $0x4E00  }
0x21: {  	[spmem:s2] =	stream.indirect.scatter.add.f32 [tilespmem:s12], [sflag:$0x1], $0x8, s16, s13, $0xb8;
	[tilespmem:$0x67C0] =	vst v63  }
.Ltmp0:
0x22: {  	_ = 	snop;
	(pc) =	sbr.rel @p0 .LBB2_2-.Ltmp0, $4  }
0x23: {  	_ = 	snop  }
0x24: {  	s15 =	sadd.s32 $0x200, s15  }
0x25: {  	_ =	swait.ge [sflag:s11], $0x400  }
0x26: {  	[sflag:s11] =	ssyncset.done $0x0  }
0x27: {  	s14 =	sadd.s32 $0x1, s14  }
0x28: {  	[sflag:s11] =	ssyncadd.s32 $0xFFFFFC00;
	p0 =	sne.s32 s14, s9  }
.Ltmp1:
0x29: {  	[bflag:$0x0] =	sbarrier.arrive $0xFFFF;
	(pc) =	sbr.rel @p0 .LBB2_1-.Ltmp1, $4  }
0x2a: {  	[hbm:s8], [sflag:s6] =	dma.local [spmem:s10], $0x2780  }
0x2b: {  	_ =	swait.ge [sflag:s11], $0x2780  }
0x2c: {  	[sflag:s11] =	ssyncset.done $0x0  }
0x2d: {  	[sflag:s11] =	ssyncadd.s32 $0xFFFFD880  }
0x2e: {  	_ =	sfence.sel $0x180000  }
0x2f: {  	[bflag:$0x0] =	sbarrier.arrive $0xFFFF  }
0x30: {  	p0 =	sne.s32 s0, $0x0;
	_ =	strace $0x90000047  }
0x31: {  	s0 =	sadd.s32 @!p0 $0x100000, s1;
	[bflag:$0x2] =	sbarrier.arrive $0xFFFF  }
0x32: {  	[sflag:s0] =	ssyncadd.tile.s32 @!p0 $0x1;
	_ =	shalt  }
.Lfunc_end2:
_tile_overlayer_lowered:
.L_overlay_start_2:
0x33: {  	(tag) =	ssettag $0x2  }
0x34: {  	s0 =	rddreg [dreg:$0x0];
	s2 =	stileid.u32  }
0x35: {  	s1 =	rddreg [dreg:$0x1];
	p0 =	sne.s32 s2, $0x0  }
0x36: {  	s3 =	rddreg [dreg:$0x2];
	[bflag:$0x3] =	sbarrier.arrive $0xFFFF;
	s2 =	simm.s32 @!p0 $0x1C01  }
0x37: {  	[timem:s3], [sflag:s2] =	dma.local @!p0 [hbm:s0], s1  }
0x38: {  	s0 =	simm.s32 @!p0 $0x1  }
0x39: {  	_ =	swait.ge @!p0 [sflag:s0], s1  }
0x3a: {  	s1 =	ssub.s32 @!p0 $0x0, s1;
	[sflag:s0] =	ssyncset.done @!p0 $0x0  }
0x3b: {  	[sflag:s0] =	ssyncadd.s32 @!p0 s1  }
0x3c: {  	[bflag:$0x3] =	sbarrier.arrive $0xFFFF  }
0x3d: {  	_ =	shalt  }

</sc_bundles>
